<compile_context>
chip_gen: v7x
topology: tpu7x:2x2x1
jax: 0.10.2.dev20260603
libtpu: 0.0.44.dev20260713+nightly
codegen_flags: <defaults>
</compile_context>

<pallas_src>
import functools

import numpy as np
import jax
import jax.numpy as jnp
from jax import lax
from jax.experimental import pallas as pl
from jax.experimental.pallas import tpu as pltpu
from jax.experimental.pallas import tpu_sc as plsc

_H, _W = 480, 640
_FX, _FY, _CX, _CY = 600.0, 600.0, 319.5, 239.5
_NF = 8
_N = 8192
_NSTRAT = 19
_NSURF = 8
_S = _NSTRAT + _NSURF
_MIN_DEPTH = 0.07
_DIST_BEHIND = 0.1
_SURF_OFF = 0.05

_RPW = _N // 32
_NGRP = _RPW // 16

_LIMS = np.linspace(0.0, 1.0, _NSTRAT + 1, dtype=np.float32)
_LOWER = [float(x) for x in _LIMS[:-1]]
_WIDTH = [float(b - a) for a, b in zip(_LIMS[:-1], _LIMS[1:])]

_SORT8 = [(0, 1), (2, 3), (4, 5), (6, 7),
          (0, 2), (1, 3), (4, 6), (5, 7),
          (1, 2), (5, 6),
          (0, 4), (1, 5), (2, 6), (3, 7),
          (2, 4), (3, 5),
          (1, 2), (3, 4), (5, 6)]


def _cmpx(v, i, j):
    a, b = v[i], v[j]
    if a is None and b is None:
        return
    if a is None:
        v[i], v[j] = b, None
        return
    if b is None:
        return
    v[i], v[j] = jnp.minimum(a, b), jnp.maximum(a, b)


def _sorted27(strat, surf):
    s = list(surf)
    for i, j in _SORT8:
        _cmpx(s, i, j)
    v = list(strat) + [None] * 5 + s[::-1]
    for d in (16, 8, 4, 2, 1):
        for i in range(32):
            if i % (2 * d) < d:
                _cmpx(v, i, i + d)
    out = v[:_S]
    assert all(x is not None for x in out)
    return out


def _body(depth_hbm, tbl_hbm, ib_hbm, ih_hbm, iw_hbm, sn_hbm, sf_hbm,
          oz_hbm, opc_hbm,
          ib_v, ih_v, iw_v, idx_a, idx_b, dep_v, tbl_v, sn_v, sf_v,
          oz_v, opc_v, sem, sem2):
    info = plsc.get_sparse_core_info()
    wid = lax.axis_index("s") * info.num_cores + lax.axis_index("c")
    base = wid * _RPW

    cps = [
        pltpu.async_copy(ib_hbm.at[pl.ds(base, _RPW)], ib_v, sem),
        pltpu.async_copy(ih_hbm.at[pl.ds(base, _RPW)], ih_v, sem),
        pltpu.async_copy(iw_hbm.at[pl.ds(base, _RPW)], iw_v, sem),
    ]
    cps2 = [
        pltpu.async_copy(sn_hbm.at[pl.ds(base * _NSTRAT, _RPW * _NSTRAT)],
                         sn_v, sem2),
        pltpu.async_copy(sf_hbm.at[pl.ds(base * _NSURF, _RPW * _NSURF)],
                         sf_v, sem2),
        pltpu.async_copy(tbl_hbm, tbl_v, sem2),
    ]
    for cp in cps:
        cp.wait()

    def _flat_idx(idx_ref, half):
        @plsc.parallel_loop(0, 8, unroll=2)
        def b2(g2):
            off = half * 128 + g2 * 16
            b = ib_v[pl.ds(off, 16)]
            h = ih_v[pl.ds(off, 16)]
            w = iw_v[pl.ds(off, 16)]
            idx_ref[pl.ds(g2 * 16, 16)] = (b * _H + h) * _W + w

    _flat_idx(idx_a, 0)
    _flat_idx(idx_b, 1)
    ga = pltpu.async_copy(depth_hbm.at[idx_a], dep_v.at[pl.ds(0, 128)], sem)
    gb = pltpu.async_copy(depth_hbm.at[idx_b], dep_v.at[pl.ds(128, 128)], sem)
    ga.wait()
    gb.wait()
    for cp in cps2:
        cp.wait()

    iota = lax.iota(jnp.int32, 16)

    def grp_range(glo, ghi):
        @plsc.parallel_loop(glo, ghi, unroll=2)
        def grp(g):
            _do_group(g)

    def _do_group(g):
        off = g * 16
        rows = off + iota
        b = ib_v[pl.ds(off, 16)]
        h = ih_v[pl.ds(off, 16)]
        w = iw_v[pl.ds(off, 16)]
        dx = (w.astype(jnp.float32) - _CX) * (1.0 / _FX)
        dy = (h.astype(jnp.float32) - _CY) * (1.0 / _FY)

        b16 = b * 16
        tk = [plsc.load_gather(tbl_v, [b16 + k]) for k in range(12)]
        dwx = tk[0] * dx + tk[1] * dy + tk[2]
        dwy = tk[4] * dx + tk[5] * dy + tk[6]
        dwz = tk[8] * dx + tk[9] * dy + tk[10]
        dirs = (dwx, dwy, dwz)
        orig = (tk[3], tk[7], tk[11])

        d = dep_v[pl.ds(off, 16)]
        maxd = d + jnp.sign(d + 1e-8) * _DIST_BEHIND
        rng = maxd - _MIN_DEPTH

        rsn = rows * _NSTRAT
        strat = []
        for s in range(_NSTRAT):
            nz = plsc.load_gather(sn_v, [rsn + s])
            t = _LOWER[s] + _WIDTH[s] * nz
            strat.append(_MIN_DEPTH + t * rng)
        rsf = rows * _NSURF
        surf = [d]
        for u in range(1, _NSURF):
            nz = plsc.load_gather(sf_v, [rsf + u])
            surf.append(d + nz * _SURF_OFF)

        zs = _sorted27(strat, surf)

        for s in range(_S):
            oz_v[s, pl.ds(off, 16)] = zs[s]
            for c in range(3):
                opc_v[c, s, pl.ds(off, 16)] = orig[c] + dirs[c] * zs[s]

    half = _RPW // 2
    grp_range(0, _NGRP // 2)
    o1 = pltpu.async_copy(oz_v.at[:, pl.ds(0, half)],
                          oz_hbm.at[:, pl.ds(base, half)], sem)
    o2 = pltpu.async_copy(opc_v.at[:, :, pl.ds(0, half)],
                          opc_hbm.at[:, :, pl.ds(base, half)], sem)
    grp_range(_NGRP // 2, _NGRP)
    o3 = pltpu.async_copy(oz_v.at[:, pl.ds(half, half)],
                          oz_hbm.at[:, pl.ds(base + half, half)], sem)
    o4 = pltpu.async_copy(opc_v.at[:, :, pl.ds(half, half)],
                          opc_hbm.at[:, :, pl.ds(base + half, half)], sem)
    o1.wait()
    o2.wait()
    o3.wait()
    o4.wait()


_sens = functools.partial(
    pl.kernel,
    mesh=plsc.VectorSubcoreMesh(core_axis_name="c", subcore_axis_name="s"),
    out_type=[
        jax.ShapeDtypeStruct((_S, _N), jnp.float32),
        jax.ShapeDtypeStruct((3, _S, _N), jnp.float32),
    ],
    scratch_types=[
        pltpu.VMEM((_RPW,), jnp.int32),
        pltpu.VMEM((_RPW,), jnp.int32),
        pltpu.VMEM((_RPW,), jnp.int32),
        pltpu.VMEM((128,), jnp.int32),
        pltpu.VMEM((128,), jnp.int32),
        pltpu.VMEM((_RPW,), jnp.float32),
        pltpu.VMEM((_NF * 16,), jnp.float32),
        pltpu.VMEM((_RPW * _NSTRAT,), jnp.float32),
        pltpu.VMEM((_RPW * _NSURF,), jnp.float32),
        pltpu.VMEM((_S, _RPW), jnp.float32),
        pltpu.VMEM((3, _S, _RPW), jnp.float32),
        pltpu.SemaphoreType.DMA,
        pltpu.SemaphoreType.DMA,
    ],
    compiler_params=pltpu.CompilerParams(
        needs_layout_passes=False,
        disable_bounds_checks=True,
        disable_semaphore_checks=True,
    ),
)(_body)


def kernel(depth_batch, T_WC_batch, indices_b, indices_h, indices_w,
           strat_noise, surf_noise):
    depth_flat = depth_batch.reshape(_NF * _H * _W)
    tbl = T_WC_batch.reshape(_NF * 16)
    zt, pct = _sens(depth_flat, tbl,
                    indices_b.astype(jnp.int32),
                    indices_h.astype(jnp.int32),
                    indices_w.astype(jnp.int32),
                    strat_noise.reshape(_N * _NSTRAT),
                    surf_noise.reshape(_N * _NSURF))
    return jnp.transpose(pct, (2, 1, 0)), zt.T

# --- scband reference (transcript-rebuilt; emitter-appended) ---
"""Pipeline reference for scband-sensor-9131100471564 (READ-ONLY COPY).

The authoritative reference and input builder live on the scoring server;
editing this copy changes nothing except your own understanding.
"""

import jax, jax.numpy as jnp
import numpy as np

H, W = 480, 640
FX, FY, CX, CY = 600.0, 600.0, 319.5, 239.5
N_FRAMES = 8
N_RAYS = 8192
N_STRAT = 19
N_SURF = 8
MIN_DEPTH = 0.07
DIST_BEHIND_SURF = 0.1
SURF_OFFSET = 0.05


def _ray_dirs_C():
    c, r = jnp.meshgrid(jnp.arange(W, dtype=jnp.float32), jnp.arange(H, dtype=jnp.float32))
    x = (c - CX) / FX
    y = (r - CY) / FY
    return jnp.stack([x, y, jnp.ones_like(x)], axis=-1)


def setup_inputs(seed: int = 0) -> dict:
    key = jax.random.key(seed)
    ks = jax.random.split(key, 6)
    return {
        "depth_batch": jax.random.uniform(ks[0], (N_FRAMES, H, W), dtype=jnp.float32),
        "T_WC_batch": jax.random.normal(ks[1], (N_FRAMES, 4, 4), dtype=jnp.float32),
        "indices_b": jax.random.randint(ks[2], (N_RAYS,), 0, N_FRAMES),
        "indices_h": jax.random.randint(ks[3], (N_RAYS,), 0, H),
        "indices_w": jax.random.randint(ks[4], (N_RAYS,), 0, W),
        "strat_noise": jax.random.uniform(ks[5], (N_RAYS, N_STRAT), dtype=jnp.float32),
        "surf_noise": jax.random.normal(jax.random.fold_in(key, 7), (N_RAYS, N_SURF), dtype=jnp.float32),
    }


def reference(depth_batch, T_WC_batch, indices_b, indices_h, indices_w, strat_noise, surf_noise):
    # --- sample.get_batch_data: gather dirs, depth, pose at sampled pixels ---
    dirs_C = _ray_dirs_C()                                  # [H, W, 3]
    dirs_C_sample = dirs_C[indices_h, indices_w]            # [N, 3] gather
    depth_sample = depth_batch[indices_b, indices_h, indices_w]  # [N] gather
    T_WC_sample = jnp.take(T_WC_batch, indices_b, axis=0)   # [N, 4, 4] gather
    # rotate camera-frame ray dirs to world frame
    dirs_W = jnp.einsum('nij,nj->ni', T_WC_sample[:, :3, :3], dirs_C_sample)
    origins = T_WC_sample[:, :3, 3]
    # --- sample.sample_along_rays: stratified + surface samples ---
    max_depth = depth_sample + jnp.sign(depth_sample + 1e-8) * DIST_BEHIND_SURF
    lims = jnp.linspace(0.0, 1.0, N_STRAT + 1)
    lower = lims[:-1][None, :]
    width = (lims[1:] - lims[:-1])[None, :]
    t = lower + width * strat_noise                          # stratified jitter
    z_strat = MIN_DEPTH + t * (max_depth[:, None] - MIN_DEPTH)   # [N, N_STRAT]
    offsets = (surf_noise * SURF_OFFSET).at[:, 0].set(0.0)
    z_surf = depth_sample[:, None] + offsets                 # [N, N_SURF]
    z_vals = jnp.sort(jnp.concatenate([z_strat, z_surf], axis=1), axis=1)  # [N, N_STRAT+N_SURF]
    pc = origins[:, None, :] + dirs_W[:, None, :] * z_vals[:, :, None]     # [N, S, 3]
    return pc, z_vals

if __name__ == "__main__":
    import jax
    _d = setup_inputs()
    print(jax.jit(kernel)(*tuple(_d.values())))

</pallas_src>

<mosaic_0001>
#map = affine_map<(d0, d1) -> (0)>
#map1 = affine_map<(d0, d1) -> (0, 0)>
#map2 = affine_map<(d0, d1) -> (0, 0, 0)>
module attributes {stable_mosaic.version = 14 : i64} {
  func.func @_body(%arg0: i32, %arg1: i32, %arg2: memref<2457600xf32, #tpu.memory_space<hbm>>, %arg3: memref<128xf32, #tpu.memory_space<hbm>>, %arg4: memref<8192xi32, #tpu.memory_space<hbm>>, %arg5: memref<8192xi32, #tpu.memory_space<hbm>>, %arg6: memref<8192xi32, #tpu.memory_space<hbm>>, %arg7: memref<155648xf32, #tpu.memory_space<hbm>>, %arg8: memref<65536xf32, #tpu.memory_space<hbm>>, %arg9: memref<27x8192xf32, #tpu.memory_space<hbm>>, %arg10: memref<3x27x8192xf32, #tpu.memory_space<hbm>>, %arg11: memref<256xi32, #tpu.memory_space<vmem>>, %arg12: memref<256xi32, #tpu.memory_space<vmem>>, %arg13: memref<256xi32, #tpu.memory_space<vmem>>, %arg14: memref<128xi32, #tpu.memory_space<vmem>>, %arg15: memref<128xi32, #tpu.memory_space<vmem>>, %arg16: memref<256xf32, #tpu.memory_space<vmem>>, %arg17: memref<128xf32, #tpu.memory_space<vmem>>, %arg18: memref<4864xf32, #tpu.memory_space<vmem>>, %arg19: memref<2048xf32, #tpu.memory_space<vmem>>, %arg20: memref<27x256xf32, #tpu.memory_space<vmem>>, %arg21: memref<3x27x256xf32, #tpu.memory_space<vmem>>, %arg22: memref<!tpu.dma_semaphore, #tpu.memory_space<semaphore_mem>>, %arg23: memref<!tpu.dma_semaphore, #tpu.memory_space<semaphore_mem>>) attributes {dimension_semantics = [#tpu.dimension_semantics<core_parallel>, #tpu.dimension_semantics<subcore_parallel>], iteration_bounds = array<i64: 2, 16>, scalar_prefetch = 0 : i64, scratch_operands = 13 : i64, tpu.core_type = #tpu.core_type<sc_vector_subcore>, window_params = [{transform_indices = #map}, {transform_indices = #map}, {transform_indices = #map}, {transform_indices = #map}, {transform_indices = #map}, {transform_indices = #map}, {transform_indices = #map}, {transform_indices = #map1}, {transform_indices = #map2}]} {
    %mul3A = arith.constant 2 : i32
    %mul3A_0 = arith.muli %arg1, %mul3A : i32
    %add3A = arith.addi %mul3A_0, %arg0 : i32
    %mul3A_1 = arith.constant 256 : i32
    %mul3A_2 = arith.muli %add3A, %mul3A_1 : i32
    %dma_start3A = tpu.memref_slice %arg4[%mul3A_2] : memref<8192xi32, #tpu.memory_space<hbm>> -> memref<256xi32, #tpu.memory_space<hbm>>
    %dma_start3A_3 = tpu.memref_slice %arg4[%mul3A_2] : memref<8192xi32, #tpu.memory_space<hbm>> -> memref<256xi32, #tpu.memory_space<hbm>>
    tpu.enqueue_dma source(%dma_start3A_3 : memref<256xi32, #tpu.memory_space<hbm>>) target(%arg11 : memref<256xi32, #tpu.memory_space<vmem>>) target_semaphore(%arg22 : memref<!tpu.dma_semaphore, #tpu.memory_space<semaphore_mem>>)
    %dma_start3A_4 = tpu.memref_slice %arg5[%mul3A_2] : memref<8192xi32, #tpu.memory_space<hbm>> -> memref<256xi32, #tpu.memory_space<hbm>>
    %dma_start3A_5 = tpu.memref_slice %arg5[%mul3A_2] : memref<8192xi32, #tpu.memory_space<hbm>> -> memref<256xi32, #tpu.memory_space<hbm>>
    tpu.enqueue_dma source(%dma_start3A_5 : memref<256xi32, #tpu.memory_space<hbm>>) target(%arg12 : memref<256xi32, #tpu.memory_space<vmem>>) target_semaphore(%arg22 : memref<!tpu.dma_semaphore, #tpu.memory_space<semaphore_mem>>)
    %dma_start3A_6 = tpu.memref_slice %arg6[%mul3A_2] : memref<8192xi32, #tpu.memory_space<hbm>> -> memref<256xi32, #tpu.memory_space<hbm>>
    %dma_start3A_7 = tpu.memref_slice %arg6[%mul3A_2] : memref<8192xi32, #tpu.memory_space<hbm>> -> memref<256xi32, #tpu.memory_space<hbm>>
    tpu.enqueue_dma source(%dma_start3A_7 : memref<256xi32, #tpu.memory_space<hbm>>) target(%arg13 : memref<256xi32, #tpu.memory_space<vmem>>) target_semaphore(%arg22 : memref<!tpu.dma_semaphore, #tpu.memory_space<semaphore_mem>>)
    %mul3A_8 = arith.constant 19 : i32
    %mul3A_9 = arith.muli %mul3A_2, %mul3A_8 : i32
    %dma_start3A_10 = tpu.memref_slice %arg7[%mul3A_9] : memref<155648xf32, #tpu.memory_space<hbm>> -> memref<4864xf32, #tpu.memory_space<hbm>>
    %dma_start3A_11 = tpu.memref_slice %arg7[%mul3A_9] : memref<155648xf32, #tpu.memory_space<hbm>> -> memref<4864xf32, #tpu.memory_space<hbm>>
    tpu.enqueue_dma source(%dma_start3A_11 : memref<4864xf32, #tpu.memory_space<hbm>>) target(%arg18 : memref<4864xf32, #tpu.memory_space<vmem>>) target_semaphore(%arg23 : memref<!tpu.dma_semaphore, #tpu.memory_space<semaphore_mem>>)
    %mul3A_12 = arith.constant 8 : i32
    %mul3A_13 = arith.muli %mul3A_2, %mul3A_12 : i32
    %dma_start3A_14 = tpu.memref_slice %arg8[%mul3A_13] : memref<65536xf32, #tpu.memory_space<hbm>> -> memref<2048xf32, #tpu.memory_space<hbm>>
    %dma_start3A_15 = tpu.memref_slice %arg8[%mul3A_13] : memref<65536xf32, #tpu.memory_space<hbm>> -> memref<2048xf32, #tpu.memory_space<hbm>>
    tpu.enqueue_dma source(%dma_start3A_15 : memref<2048xf32, #tpu.memory_space<hbm>>) target(%arg19 : memref<2048xf32, #tpu.memory_space<vmem>>) target_semaphore(%arg23 : memref<!tpu.dma_semaphore, #tpu.memory_space<semaphore_mem>>)
    tpu.enqueue_dma source(%arg3 : memref<128xf32, #tpu.memory_space<hbm>>) target(%arg17 : memref<128xf32, #tpu.memory_space<vmem>>) target_semaphore(%arg23 : memref<!tpu.dma_semaphore, #tpu.memory_space<semaphore_mem>>)
    %dma_wait3A = tpu.memref_slice %arg4[%mul3A_2] : memref<8192xi32, #tpu.memory_space<hbm>> -> memref<256xi32, #tpu.memory_space<hbm>>
    %dma_wait3A_16 = tpu.memref_slice %arg4[%mul3A_2] : memref<8192xi32, #tpu.memory_space<hbm>> -> memref<256xi32, #tpu.memory_space<hbm>>
    tpu.wait_dma2 semaphore(%arg22 : memref<!tpu.dma_semaphore, #tpu.memory_space<semaphore_mem>>) src(%dma_wait3A_16 : memref<256xi32, #tpu.memory_space<hbm>>) dst(%arg11 : memref<256xi32, #tpu.memory_space<vmem>>)
    %dma_wait3A_17 = tpu.memref_slice %arg5[%mul3A_2] : memref<8192xi32, #tpu.memory_space<hbm>> -> memref<256xi32, #tpu.memory_space<hbm>>
    %dma_wait3A_18 = tpu.memref_slice %arg5[%mul3A_2] : memref<8192xi32, #tpu.memory_space<hbm>> -> memref<256xi32, #tpu.memory_space<hbm>>
    tpu.wait_dma2 semaphore(%arg22 : memref<!tpu.dma_semaphore, #tpu.memory_space<semaphore_mem>>) src(%dma_wait3A_18 : memref<256xi32, #tpu.memory_space<hbm>>) dst(%arg12 : memref<256xi32, #tpu.memory_space<vmem>>)
    %dma_wait3A_19 = tpu.memref_slice %arg6[%mul3A_2] : memref<8192xi32, #tpu.memory_space<hbm>> -> memref<256xi32, #tpu.memory_space<hbm>>
    %dma_wait3A_20 = tpu.memref_slice %arg6[%mul3A_2] : memref<8192xi32, #tpu.memory_space<hbm>> -> memref<256xi32, #tpu.memory_space<hbm>>
    tpu.wait_dma2 semaphore(%arg22 : memref<!tpu.dma_semaphore, #tpu.memory_space<semaphore_mem>>) src(%dma_wait3A_20 : memref<256xi32, #tpu.memory_space<hbm>>) dst(%arg13 : memref<256xi32, #tpu.memory_space<vmem>>)
    %parallel_loop3A = arith.constant 0 : i32
    %parallel_loop3A_21 = arith.constant 8 : i32
    %parallel_loop3A_22 = arith.constant 1 : i32
    scf.for %parallel_loop3A_152 = %parallel_loop3A to %parallel_loop3A_21 step %parallel_loop3A_22  : i32 {
      %parallel_loop3A_153 = arith.constant 16 : i32
      %parallel_loop3A_154 = arith.muli %parallel_loop3A_152, %parallel_loop3A_153 : i32
      %parallel_loop3A_155 = arith.constant 0 : i32
      %parallel_loop3A_156 = arith.addi %parallel_loop3A_155, %parallel_loop3A_154 : i32
      %parallel_loop3A_157 = arith.index_cast %parallel_loop3A_156 : i32 to index
      %parallel_loop3A_158 = tpu.vector_load %arg11[%parallel_loop3A_157] {strides = array<i32>} : memref<256xi32, #tpu.memory_space<vmem>>, vector<16xi32>,
      %parallel_loop3A_159 = arith.index_cast %parallel_loop3A_156 : i32 to index
      %parallel_loop3A_160 = tpu.vector_load %arg12[%parallel_loop3A_159] {strides = array<i32>} : memref<256xi32, #tpu.memory_space<vmem>>, vector<16xi32>,
      %parallel_loop3A_161 = arith.index_cast %parallel_loop3A_156 : i32 to index
      %parallel_loop3A_162 = tpu.vector_load %arg13[%parallel_loop3A_161] {strides = array<i32>} : memref<256xi32, #tpu.memory_space<vmem>>, vector<16xi32>,
      %parallel_loop3A_163 = arith.constant 480 : i32
      %parallel_loop3A_164 = vector.broadcast %parallel_loop3A_163 : i32 to vector<16xi32>
      %parallel_loop3A_165 = arith.muli %parallel_loop3A_158, %parallel_loop3A_164 : vector<16xi32>
      %parallel_loop3A_166 = arith.addi %parallel_loop3A_165, %parallel_loop3A_160 : vector<16xi32>
      %parallel_loop3A_167 = arith.constant 640 : i32
      %parallel_loop3A_168 = vector.broadcast %parallel_loop3A_167 : i32 to vector<16xi32>
      %parallel_loop3A_169 = arith.muli %parallel_loop3A_166, %parallel_loop3A_168 : vector<16xi32>
      %parallel_loop3A_170 = arith.addi %parallel_loop3A_169, %parallel_loop3A_162 : vector<16xi32>
      %parallel_loop3A_171 = arith.constant 16 : i32
      %parallel_loop3A_172 = arith.muli %parallel_loop3A_152, %parallel_loop3A_171 : i32
      %parallel_loop3A_173 = arith.index_cast %parallel_loop3A_172 : i32 to index
      %parallel_loop3A_174 = tpu.vector_load %arg14[%parallel_loop3A_173] {strides = array<i32>} : memref<128xi32, #tpu.memory_space<vmem>>, vector<16xi32>,
      tpu.vector_store %arg14[%parallel_loop3A_173], %parallel_loop3A_170 {strides = array<i32>} : memref<128xi32, #tpu.memory_space<vmem>>, vector<16xi32>,
    } {sc.loop_unroll_factor = 2 : i64, sc.parallel_access}
    %parallel_loop3A_23 = arith.constant 0 : i32
    %parallel_loop3A_24 = arith.constant 8 : i32
    %parallel_loop3A_25 = arith.constant 1 : i32
    scf.for %parallel_loop3A_152 = %parallel_loop3A_23 to %parallel_loop3A_24 step %parallel_loop3A_25  : i32 {
      %parallel_loop3A_153 = arith.constant 16 : i32
      %parallel_loop3A_154 = arith.muli %parallel_loop3A_152, %parallel_loop3A_153 : i32
      %parallel_loop3A_155 = arith.constant 128 : i32
      %parallel_loop3A_156 = arith.addi %parallel_loop3A_155, %parallel_loop3A_154 : i32
      %parallel_loop3A_157 = arith.index_cast %parallel_loop3A_156 : i32 to index
      %parallel_loop3A_158 = tpu.vector_load %arg11[%parallel_loop3A_157] {strides = array<i32>} : memref<256xi32, #tpu.memory_space<vmem>>, vector<16xi32>,
      %parallel_loop3A_159 = arith.index_cast %parallel_loop3A_156 : i32 to index
      %parallel_loop3A_160 = tpu.vector_load %arg12[%parallel_loop3A_159] {strides = array<i32>} : memref<256xi32, #tpu.memory_space<vmem>>, vector<16xi32>,
      %parallel_loop3A_161 = arith.index_cast %parallel_loop3A_156 : i32 to index
      %parallel_loop3A_162 = tpu.vector_load %arg13[%parallel_loop3A_161] {strides = array<i32>} : memref<256xi32, #tpu.memory_space<vmem>>, vector<16xi32>,
      %parallel_loop3A_163 = arith.constant 480 : i32
      %parallel_loop3A_164 = vector.broadcast %parallel_loop3A_163 : i32 to vector<16xi32>
      %parallel_loop3A_165 = arith.muli %parallel_loop3A_158, %parallel_loop3A_164 : vector<16xi32>
      %parallel_loop3A_166 = arith.addi %parallel_loop3A_165, %parallel_loop3A_160 : vector<16xi32>
      %parallel_loop3A_167 = arith.constant 640 : i32
      %parallel_loop3A_168 = vector.broadcast %parallel_loop3A_167 : i32 to vector<16xi32>
      %parallel_loop3A_169 = arith.muli %parallel_loop3A_166, %parallel_loop3A_168 : vector<16xi32>
      %parallel_loop3A_170 = arith.addi %parallel_loop3A_169, %parallel_loop3A_162 : vector<16xi32>
      %parallel_loop3A_171 = arith.constant 16 : i32
      %parallel_loop3A_172 = arith.muli %parallel_loop3A_152, %parallel_loop3A_171 : i32
      %parallel_loop3A_173 = arith.index_cast %parallel_loop3A_172 : i32 to index
      %parallel_loop3A_174 = tpu.vector_load %arg15[%parallel_loop3A_173] {strides = array<i32>} : memref<128xi32, #tpu.memory_space<vmem>>, vector<16xi32>,
      tpu.vector_store %arg15[%parallel_loop3A_173], %parallel_loop3A_170 {strides = array<i32>} : memref<128xi32, #tpu.memory_space<vmem>>, vector<16xi32>,
    } {sc.loop_unroll_factor = 2 : i64, sc.parallel_access}
    %dma_start3A_26 = arith.constant 0 : i32
    %dma_start3A_27 = tpu.memref_slice %arg16[%dma_start3A_26] : memref<256xf32, #tpu.memory_space<vmem>> -> memref<128xf32, #tpu.memory_space<vmem>>
    %dma_start3A_28 = arith.constant 0 : i32
    %dma_start3A_29 = tpu.memref_slice %arg2[%dma_start3A_28] : memref<2457600xf32, #tpu.memory_space<hbm>> -> memref<2457600xf32, #tpu.memory_space<hbm>>
    tpu.enqueue_indirect_dma source(%dma_start3A_29 : memref<2457600xf32, #tpu.memory_space<hbm>>) target(%dma_start3A_27 : memref<128xf32, #tpu.memory_space<vmem>>) offsets(%arg14 : memref<128xi32, #tpu.memory_space<vmem>>) semaphore(%arg22 : memref<!tpu.dma_semaphore, #tpu.memory_space<semaphore_mem>>)
    %dma_start3A_30 = arith.constant 128 : i32
    %dma_start3A_31 = tpu.memref_slice %arg16[%dma_start3A_30] : memref<256xf32, #tpu.memory_space<vmem>> -> memref<128xf32, #tpu.memory_space<vmem>>
    %dma_start3A_32 = arith.constant 0 : i32
    %dma_start3A_33 = tpu.memref_slice %arg2[%dma_start3A_32] : memref<2457600xf32, #tpu.memory_space<hbm>> -> memref<2457600xf32, #tpu.memory_space<hbm>>
    tpu.enqueue_indirect_dma source(%dma_start3A_33 : memref<2457600xf32, #tpu.memory_space<hbm>>) target(%dma_start3A_31 : memref<128xf32, #tpu.memory_space<vmem>>) offsets(%arg15 : memref<128xi32, #tpu.memory_space<vmem>>) semaphore(%arg22 : memref<!tpu.dma_semaphore, #tpu.memory_space<semaphore_mem>>)
    %dma_wait3A_34 = arith.constant 0 : i32
    %dma_wait3A_35 = tpu.memref_slice %arg16[%dma_wait3A_34] : memref<256xf32, #tpu.memory_space<vmem>> -> memref<128xf32, #tpu.memory_space<vmem>>
    %dma_wait3A_36 = arith.constant 0 : i32
    %dma_wait3A_37 = tpu.memref_slice %arg2[%dma_wait3A_36] : memref<2457600xf32, #tpu.memory_space<hbm>> -> memref<2457600xf32, #tpu.memory_space<hbm>>
    tpu.wait_indirect_dma semaphore(%arg22 : memref<!tpu.dma_semaphore, #tpu.memory_space<semaphore_mem>>) src(%dma_wait3A_37 : memref<2457600xf32, #tpu.memory_space<hbm>>) dst(%dma_wait3A_35 : memref<128xf32, #tpu.memory_space<vmem>>)
    %dma_wait3A_38 = arith.constant 128 : i32
    %dma_wait3A_39 = tpu.memref_slice %arg16[%dma_wait3A_38] : memref<256xf32, #tpu.memory_space<vmem>> -> memref<128xf32, #tpu.memory_space<vmem>>
    %dma_wait3A_40 = arith.constant 0 : i32
    %dma_wait3A_41 = tpu.memref_slice %arg2[%dma_wait3A_40] : memref<2457600xf32, #tpu.memory_space<hbm>> -> memref<2457600xf32, #tpu.memory_space<hbm>>
    tpu.wait_indirect_dma semaphore(%arg22 : memref<!tpu.dma_semaphore, #tpu.memory_space<semaphore_mem>>) src(%dma_wait3A_41 : memref<2457600xf32, #tpu.memory_space<hbm>>) dst(%dma_wait3A_39 : memref<128xf32, #tpu.memory_space<vmem>>)
    %dma_wait3A_42 = tpu.memref_slice %arg7[%mul3A_9] : memref<155648xf32, #tpu.memory_space<hbm>> -> memref<4864xf32, #tpu.memory_space<hbm>>
    %dma_wait3A_43 = tpu.memref_slice %arg7[%mul3A_9] : memref<155648xf32, #tpu.memory_space<hbm>> -> memref<4864xf32, #tpu.memory_space<hbm>>
    tpu.wait_dma2 semaphore(%arg23 : memref<!tpu.dma_semaphore, #tpu.memory_space<semaphore_mem>>) src(%dma_wait3A_43 : memref<4864xf32, #tpu.memory_space<hbm>>) dst(%arg18 : memref<4864xf32, #tpu.memory_space<vmem>>)
    %dma_wait3A_44 = tpu.memref_slice %arg8[%mul3A_13] : memref<65536xf32, #tpu.memory_space<hbm>> -> memref<2048xf32, #tpu.memory_space<hbm>>
    %dma_wait3A_45 = tpu.memref_slice %arg8[%mul3A_13] : memref<65536xf32, #tpu.memory_space<hbm>> -> memref<2048xf32, #tpu.memory_space<hbm>>
    tpu.wait_dma2 semaphore(%arg23 : memref<!tpu.dma_semaphore, #tpu.memory_space<semaphore_mem>>) src(%dma_wait3A_45 : memref<2048xf32, #tpu.memory_space<hbm>>) dst(%arg19 : memref<2048xf32, #tpu.memory_space<vmem>>)
    tpu.wait_dma2 semaphore(%arg23 : memref<!tpu.dma_semaphore, #tpu.memory_space<semaphore_mem>>) src(%arg3 : memref<128xf32, #tpu.memory_space<hbm>>) dst(%arg17 : memref<128xf32, #tpu.memory_space<vmem>>)
    %iota3A = tpu.iota {dimensions = array<i32: 0>} : vector<16xi32>
    %parallel_loop3A_46 = arith.constant 0 : i32
    %parallel_loop3A_47 = arith.constant 8 : i32
    %parallel_loop3A_48 = arith.constant 1 : i32
    scf.for %parallel_loop3A_152 = %parallel_loop3A_46 to %parallel_loop3A_47 step %parallel_loop3A_48  : i32 {
      %parallel_loop3A_153 = arith.constant 16 : i32
      %parallel_loop3A_154 = arith.muli %parallel_loop3A_152, %parallel_loop3A_153 : i32
      %parallel_loop3A_155 = vector.broadcast %parallel_loop3A_154 : i32 to vector<16xi32>
      %parallel_loop3A_156 = arith.addi %parallel_loop3A_155, %iota3A : vector<16xi32>
      %parallel_loop3A_157 = arith.index_cast %parallel_loop3A_154 : i32 to index
      %parallel_loop3A_158 = tpu.vector_load %arg11[%parallel_loop3A_157] {strides = array<i32>} : memref<256xi32, #tpu.memory_space<vmem>>, vector<16xi32>,
      %parallel_loop3A_159 = arith.index_cast %parallel_loop3A_154 : i32 to index
      %parallel_loop3A_160 = tpu.vector_load %arg12[%parallel_loop3A_159] {strides = array<i32>} : memref<256xi32, #tpu.memory_space<vmem>>, vector<16xi32>,
      %parallel_loop3A_161 = arith.index_cast %parallel_loop3A_154 : i32 to index
      %parallel_loop3A_162 = tpu.vector_load %arg13[%parallel_loop3A_161] {strides = array<i32>} : memref<256xi32, #tpu.memory_space<vmem>>, vector<16xi32>,
      %parallel_loop3A_163 = arith.sitofp %parallel_loop3A_162 : vector<16xi32> to vector<16xf32>
      %parallel_loop3A_164 = arith.constant 3.195000e+02 : f32
      %parallel_loop3A_165 = vector.broadcast %parallel_loop3A_164 : f32 to vector<16xf32>
      %parallel_loop3A_166 = arith.subf %parallel_loop3A_163, %parallel_loop3A_165 : vector<16xf32>
      %parallel_loop3A_167 = arith.constant 0.00166666671 : f32
      %parallel_loop3A_168 = vector.broadcast %parallel_loop3A_167 : f32 to vector<16xf32>
      %parallel_loop3A_169 = arith.mulf %parallel_loop3A_166, %parallel_loop3A_168 : vector<16xf32>
      %parallel_loop3A_170 = arith.sitofp %parallel_loop3A_160 : vector<16xi32> to vector<16xf32>
      %parallel_loop3A_171 = arith.constant 2.395000e+02 : f32
      %parallel_loop3A_172 = vector.broadcast %parallel_loop3A_171 : f32 to vector<16xf32>
      %parallel_loop3A_173 = arith.subf %parallel_loop3A_170, %parallel_loop3A_172 : vector<16xf32>
      %parallel_loop3A_174 = arith.constant 0.00166666671 : f32
      %parallel_loop3A_175 = vector.broadcast %parallel_loop3A_174 : f32 to vector<16xf32>
      %parallel_loop3A_176 = arith.mulf %parallel_loop3A_173, %parallel_loop3A_175 : vector<16xf32>
      %parallel_loop3A_177 = arith.constant 16 : i32
      %parallel_loop3A_178 = vector.broadcast %parallel_loop3A_177 : i32 to vector<16xi32>
      %parallel_loop3A_179 = arith.muli %parallel_loop3A_158, %parallel_loop3A_178 : vector<16xi32>
      %parallel_loop3A_180 = arith.constant 0 : i32
      %parallel_loop3A_181 = vector.broadcast %parallel_loop3A_180 : i32 to vector<16xi32>
      %parallel_loop3A_182 = arith.addi %parallel_loop3A_179, %parallel_loop3A_181 : vector<16xi32>
      %parallel_loop3A_183 = tpu.vector_load_idx %arg17[%parallel_loop3A_182] : memref<128xf32, #tpu.memory_space<vmem>>[vector<16xi32>], vector<16xf32>,
      %parallel_loop3A_184 = arith.constant 1 : i32
      %parallel_loop3A_185 = vector.broadcast %parallel_loop3A_184 : i32 to vector<16xi32>
      %parallel_loop3A_186 = arith.addi %parallel_loop3A_179, %parallel_loop3A_185 : vector<16xi32>
      %parallel_loop3A_187 = tpu.vector_load_idx %arg17[%parallel_loop3A_186] : memref<128xf32, #tpu.memory_space<vmem>>[vector<16xi32>], vector<16xf32>,
      %parallel_loop3A_188 = arith.constant 2 : i32
      %parallel_loop3A_189 = vector.broadcast %parallel_loop3A_188 : i32 to vector<16xi32>
      %parallel_loop3A_190 = arith.addi %parallel_loop3A_179, %parallel_loop3A_189 : vector<16xi32>
      %parallel_loop3A_191 = tpu.vector_load_idx %arg17[%parallel_loop3A_190] : memref<128xf32, #tpu.memory_space<vmem>>[vector<16xi32>], vector<16xf32>,
      %parallel_loop3A_192 = arith.constant 3 : i32
      %parallel_loop3A_193 = vector.broadcast %parallel_loop3A_192 : i32 to vector<16xi32>
      %parallel_loop3A_194 = arith.addi %parallel_loop3A_179, %parallel_loop3A_193 : vector<16xi32>
      %parallel_loop3A_195 = tpu.vector_load_idx %arg17[%parallel_loop3A_194] : memref<128xf32, #tpu.memory_space<vmem>>[vector<16xi32>], vector<16xf32>,
      %parallel_loop3A_196 = arith.constant 4 : i32
      %parallel_loop3A_197 = vector.broadcast %parallel_loop3A_196 : i32 to vector<16xi32>
      %parallel_loop3A_198 = arith.addi %parallel_loop3A_179, %parallel_loop3A_197 : vector<16xi32>
      %parallel_loop3A_199 = tpu.vector_load_idx %arg17[%parallel_loop3A_198] : memref<128xf32, #tpu.memory_space<vmem>>[vector<16xi32>], vector<16xf32>,
      %parallel_loop3A_200 = arith.constant 5 : i32
      %parallel_loop3A_201 = vector.broadcast %parallel_loop3A_200 : i32 to vector<16xi32>
      %parallel_loop3A_202 = arith.addi %parallel_loop3A_179, %parallel_loop3A_201 : vector<16xi32>
      %parallel_loop3A_203 = tpu.vector_load_idx %arg17[%parallel_loop3A_202] : memref<128xf32, #tpu.memory_space<vmem>>[vector<16xi32>], vector<16xf32>,
      %parallel_loop3A_204 = arith.constant 6 : i32
      %parallel_loop3A_205 = vector.broadcast %parallel_loop3A_204 : i32 to vector<16xi32>
      %parallel_loop3A_206 = arith.addi %parallel_loop3A_179, %parallel_loop3A_205 : vector<16xi32>
      %parallel_loop3A_207 = tpu.vector_load_idx %arg17[%parallel_loop3A_206] : memref<128xf32, #tpu.memory_space<vmem>>[vector<16xi32>], vector<16xf32>,
      %parallel_loop3A_208 = arith.constant 7 : i32
      %parallel_loop3A_209 = vector.broadcast %parallel_loop3A_208 : i32 to vector<16xi32>
      %parallel_loop3A_210 = arith.addi %parallel_loop3A_179, %parallel_loop3A_209 : vector<16xi32>
      %parallel_loop3A_211 = tpu.vector_load_idx %arg17[%parallel_loop3A_210] : memref<128xf32, #tpu.memory_space<vmem>>[vector<16xi32>], vector<16xf32>,
      %parallel_loop3A_212 = arith.constant 8 : i32
      %parallel_loop3A_213 = vector.broadcast %parallel_loop3A_212 : i32 to vector<16xi32>
      %parallel_loop3A_214 = arith.addi %parallel_loop3A_179, %parallel_loop3A_213 : vector<16xi32>
      %parallel_loop3A_215 = tpu.vector_load_idx %arg17[%parallel_loop3A_214] : memref<128xf32, #tpu.memory_space<vmem>>[vector<16xi32>], vector<16xf32>,
      %parallel_loop3A_216 = arith.constant 9 : i32
      %parallel_loop3A_217 = vector.broadcast %parallel_loop3A_216 : i32 to vector<16xi32>
      %parallel_loop3A_218 = arith.addi %parallel_loop3A_179, %parallel_loop3A_217 : vector<16xi32>
      %parallel_loop3A_219 = tpu.vector_load_idx %arg17[%parallel_loop3A_218] : memref<128xf32, #tpu.memory_space<vmem>>[vector<16xi32>], vector<16xf32>,
      %parallel_loop3A_220 = arith.constant 10 : i32
      %parallel_loop3A_221 = vector.broadcast %parallel_loop3A_220 : i32 to vector<16xi32>
      %parallel_loop3A_222 = arith.addi %parallel_loop3A_179, %parallel_loop3A_221 : vector<16xi32>
      %parallel_loop3A_223 = tpu.vector_load_idx %arg17[%parallel_loop3A_222] : memref<128xf32, #tpu.memory_space<vmem>>[vector<16xi32>], vector<16xf32>,
      %parallel_loop3A_224 = arith.constant 11 : i32
      %parallel_loop3A_225 = vector.broadcast %parallel_loop3A_224 : i32 to vector<16xi32>
      %parallel_loop3A_226 = arith.addi %parallel_loop3A_179, %parallel_loop3A_225 : vector<16xi32>
      %parallel_loop3A_227 = tpu.vector_load_idx %arg17[%parallel_loop3A_226] : memref<128xf32, #tpu.memory_space<vmem>>[vector<16xi32>], vector<16xf32>,
      %parallel_loop3A_228 = arith.mulf %parallel_loop3A_183, %parallel_loop3A_169 : vector<16xf32>
      %parallel_loop3A_229 = arith.mulf %parallel_loop3A_187, %parallel_loop3A_176 : vector<16xf32>
      %parallel_loop3A_230 = arith.addf %parallel_loop3A_228, %parallel_loop3A_229 : vector<16xf32>
      %parallel_loop3A_231 = arith.addf %parallel_loop3A_230, %parallel_loop3A_191 : vector<16xf32>
      %parallel_loop3A_232 = arith.mulf %parallel_loop3A_199, %parallel_loop3A_169 : vector<16xf32>
      %parallel_loop3A_233 = arith.mulf %parallel_loop3A_203, %parallel_loop3A_176 : vector<16xf32>
      %parallel_loop3A_234 = arith.addf %parallel_loop3A_232, %parallel_loop3A_233 : vector<16xf32>
      %parallel_loop3A_235 = arith.addf %parallel_loop3A_234, %parallel_loop3A_207 : vector<16xf32>
      %parallel_loop3A_236 = arith.mulf %parallel_loop3A_215, %parallel_loop3A_169 : vector<16xf32>
      %parallel_loop3A_237 = arith.mulf %parallel_loop3A_219, %parallel_loop3A_176 : vector<16xf32>
      %parallel_loop3A_238 = arith.addf %parallel_loop3A_236, %parallel_loop3A_237 : vector<16xf32>
      %parallel_loop3A_239 = arith.addf %parallel_loop3A_238, %parallel_loop3A_223 : vector<16xf32>
      %parallel_loop3A_240 = arith.index_cast %parallel_loop3A_154 : i32 to index
      %parallel_loop3A_241 = tpu.vector_load %arg16[%parallel_loop3A_240] {strides = array<i32>} : memref<256xf32, #tpu.memory_space<vmem>>, vector<16xf32>,
      %parallel_loop3A_242 = arith.constant 9.99999993E-9 : f32
      %parallel_loop3A_243 = vector.broadcast %parallel_loop3A_242 : f32 to vector<16xf32>
      %parallel_loop3A_244 = arith.addf %parallel_loop3A_241, %parallel_loop3A_243 : vector<16xf32>
      %parallel_loop3A_245 = tpu.bitcast %parallel_loop3A_244 : vector<16xf32> -> vector<16xi32>
      %parallel_loop3A_246 = arith.constant -2147483648 : i32
      %parallel_loop3A_247 = vector.broadcast %parallel_loop3A_246 : i32 to vector<16xi32>
      %parallel_loop3A_248 = arith.andi %parallel_loop3A_245, %parallel_loop3A_247 : vector<16xi32>
      %parallel_loop3A_249 = arith.constant 1065353216 : i32
      %parallel_loop3A_250 = vector.broadcast %parallel_loop3A_249 : i32 to vector<16xi32>
      %parallel_loop3A_251 = arith.ori %parallel_loop3A_250, %parallel_loop3A_248 : vector<16xi32>
      %parallel_loop3A_252 = tpu.bitcast %parallel_loop3A_251 : vector<16xi32> -> vector<16xf32>
      %parallel_loop3A_253 = math.absf %parallel_loop3A_244 : vector<16xf32>
      %parallel_loop3A_254 = arith.constant 0.000000e+00 : f32
      %parallel_loop3A_255 = vector.broadcast %parallel_loop3A_254 : f32 to vector<16xf32>
      %parallel_loop3A_256 = arith.cmpf ogt, %parallel_loop3A_253, %parallel_loop3A_255 : vector<16xf32>
      %parallel_loop3A_257 = arith.select %parallel_loop3A_256, %parallel_loop3A_252, %parallel_loop3A_244 : vector<16xi1>, vector<16xf32>
      %parallel_loop3A_258 = arith.constant 1.000000e-01 : f32
      %parallel_loop3A_259 = vector.broadcast %parallel_loop3A_258 : f32 to vector<16xf32>
      %parallel_loop3A_260 = arith.mulf %parallel_loop3A_257, %parallel_loop3A_259 : vector<16xf32>
      %parallel_loop3A_261 = arith.addf %parallel_loop3A_241, %parallel_loop3A_260 : vector<16xf32>
      %parallel_loop3A_262 = arith.constant 7.000000e-02 : f32
      %parallel_loop3A_263 = vector.broadcast %parallel_loop3A_262 : f32 to vector<16xf32>
      %parallel_loop3A_264 = arith.subf %parallel_loop3A_261, %parallel_loop3A_263 : vector<16xf32>
      %parallel_loop3A_265 = arith.constant 19 : i32
      %parallel_loop3A_266 = vector.broadcast %parallel_loop3A_265 : i32 to vector<16xi32>
      %parallel_loop3A_267 = arith.muli %parallel_loop3A_156, %parallel_loop3A_266 : vector<16xi32>
      %parallel_loop3A_268 = arith.constant 0 : i32
      %parallel_loop3A_269 = vector.broadcast %parallel_loop3A_268 : i32 to vector<16xi32>
      %parallel_loop3A_270 = arith.addi %parallel_loop3A_267, %parallel_loop3A_269 : vector<16xi32>
      %parallel_loop3A_271 = tpu.vector_load_idx %arg18[%parallel_loop3A_270] : memref<4864xf32, #tpu.memory_space<vmem>>[vector<16xi32>], vector<16xf32>,
      %parallel_loop3A_272 = arith.constant 0.0526315793 : f32
      %parallel_loop3A_273 = vector.broadcast %parallel_loop3A_272 : f32 to vector<16xf32>
      %parallel_loop3A_274 = arith.mulf %parallel_loop3A_273, %parallel_loop3A_271 : vector<16xf32>
      %parallel_loop3A_275 = arith.constant 0.000000e+00 : f32
      %parallel_loop3A_276 = vector.broadcast %parallel_loop3A_275 : f32 to vector<16xf32>
      %parallel_loop3A_277 = arith.addf %parallel_loop3A_276, %parallel_loop3A_274 : vector<16xf32>
      %parallel_loop3A_278 = arith.mulf %parallel_loop3A_277, %parallel_loop3A_264 : vector<16xf32>
      %parallel_loop3A_279 = arith.constant 7.000000e-02 : f32
      %parallel_loop3A_280 = vector.broadcast %parallel_loop3A_279 : f32 to vector<16xf32>
      %parallel_loop3A_281 = arith.addf %parallel_loop3A_280, %parallel_loop3A_278 : vector<16xf32>
      %parallel_loop3A_282 = arith.constant 1 : i32
      %parallel_loop3A_283 = vector.broadcast %parallel_loop3A_282 : i32 to vector<16xi32>
      %parallel_loop3A_284 = arith.addi %parallel_loop3A_267, %parallel_loop3A_283 : vector<16xi32>
      %parallel_loop3A_285 = tpu.vector_load_idx %arg18[%parallel_loop3A_284] : memref<4864xf32, #tpu.memory_space<vmem>>[vector<16xi32>], vector<16xf32>,
      %parallel_loop3A_286 = arith.constant 0.0526315793 : f32
      %parallel_loop3A_287 = vector.broadcast %parallel_loop3A_286 : f32 to vector<16xf32>
      %parallel_loop3A_288 = arith.mulf %parallel_loop3A_287, %parallel_loop3A_285 : vector<16xf32>
      %parallel_loop3A_289 = arith.constant 0.0526315793 : f32
      %parallel_loop3A_290 = vector.broadcast %parallel_loop3A_289 : f32 to vector<16xf32>
      %parallel_loop3A_291 = arith.addf %parallel_loop3A_290, %parallel_loop3A_288 : vector<16xf32>
      %parallel_loop3A_292 = arith.mulf %parallel_loop3A_291, %parallel_loop3A_264 : vector<16xf32>
      %parallel_loop3A_293 = arith.constant 7.000000e-02 : f32
      %parallel_loop3A_294 = vector.broadcast %parallel_loop3A_293 : f32 to vector<16xf32>
      %parallel_loop3A_295 = arith.addf %parallel_loop3A_294, %parallel_loop3A_292 : vector<16xf32>
      %parallel_loop3A_296 = arith.constant 2 : i32
      %parallel_loop3A_297 = vector.broadcast %parallel_loop3A_296 : i32 to vector<16xi32>
      %parallel_loop3A_298 = arith.addi %parallel_loop3A_267, %parallel_loop3A_297 : vector<16xi32>
      %parallel_loop3A_299 = tpu.vector_load_idx %arg18[%parallel_loop3A_298] : memref<4864xf32, #tpu.memory_space<vmem>>[vector<16xi32>], vector<16xf32>,
      %parallel_loop3A_300 = arith.constant 0.0526315719 : f32
      %parallel_loop3A_301 = vector.broadcast %parallel_loop3A_300 : f32 to vector<16xf32>
      %parallel_loop3A_302 = arith.mulf %parallel_loop3A_301, %parallel_loop3A_299 : vector<16xf32>
      %parallel_loop3A_303 = arith.constant 0.105263159 : f32
      %parallel_loop3A_304 = vector.broadcast %parallel_loop3A_303 : f32 to vector<16xf32>
      %parallel_loop3A_305 = arith.addf %parallel_loop3A_304, %parallel_loop3A_302 : vector<16xf32>
      %parallel_loop3A_306 = arith.mulf %parallel_loop3A_305, %parallel_loop3A_264 : vector<16xf32>
      %parallel_loop3A_307 = arith.constant 7.000000e-02 : f32
      %parallel_loop3A_308 = vector.broadcast %parallel_loop3A_307 : f32 to vector<16xf32>
      %parallel_loop3A_309 = arith.addf %parallel_loop3A_308, %parallel_loop3A_306 : vector<16xf32>
      %parallel_loop3A_310 = arith.constant 3 : i32
      %parallel_loop3A_311 = vector.broadcast %parallel_loop3A_310 : i32 to vector<16xi32>
      %parallel_loop3A_312 = arith.addi %parallel_loop3A_267, %parallel_loop3A_311 : vector<16xi32>
      %parallel_loop3A_313 = tpu.vector_load_idx %arg18[%parallel_loop3A_312] : memref<4864xf32, #tpu.memory_space<vmem>>[vector<16xi32>], vector<16xf32>,
      %parallel_loop3A_314 = arith.constant 0.0526315868 : f32
      %parallel_loop3A_315 = vector.broadcast %parallel_loop3A_314 : f32 to vector<16xf32>
      %parallel_loop3A_316 = arith.mulf %parallel_loop3A_315, %parallel_loop3A_313 : vector<16xf32>
      %parallel_loop3A_317 = arith.constant 0.157894731 : f32
      %parallel_loop3A_318 = vector.broadcast %parallel_loop3A_317 : f32 to vector<16xf32>
      %parallel_loop3A_319 = arith.addf %parallel_loop3A_318, %parallel_loop3A_316 : vector<16xf32>
      %parallel_loop3A_320 = arith.mulf %parallel_loop3A_319, %parallel_loop3A_264 : vector<16xf32>
      %parallel_loop3A_321 = arith.constant 7.000000e-02 : f32
      %parallel_loop3A_322 = vector.broadcast %parallel_loop3A_321 : f32 to vector<16xf32>
      %parallel_loop3A_323 = arith.addf %parallel_loop3A_322, %parallel_loop3A_320 : vector<16xf32>
      %parallel_loop3A_324 = arith.constant 4 : i32
      %parallel_loop3A_325 = vector.broadcast %parallel_loop3A_324 : i32 to vector<16xi32>
      %parallel_loop3A_326 = arith.addi %parallel_loop3A_267, %parallel_loop3A_325 : vector<16xi32>
      %parallel_loop3A_327 = tpu.vector_load_idx %arg18[%parallel_loop3A_326] : memref<4864xf32, #tpu.memory_space<vmem>>[vector<16xi32>], vector<16xf32>,
      %parallel_loop3A_328 = arith.constant 0.0526315868 : f32
      %parallel_loop3A_329 = vector.broadcast %parallel_loop3A_328 : f32 to vector<16xf32>
      %parallel_loop3A_330 = arith.mulf %parallel_loop3A_329, %parallel_loop3A_327 : vector<16xf32>
      %parallel_loop3A_331 = arith.constant 0.210526317 : f32
      %parallel_loop3A_332 = vector.broadcast %parallel_loop3A_331 : f32 to vector<16xf32>
      %parallel_loop3A_333 = arith.addf %parallel_loop3A_332, %parallel_loop3A_330 : vector<16xf32>
      %parallel_loop3A_334 = arith.mulf %parallel_loop3A_333, %parallel_loop3A_264 : vector<16xf32>
      %parallel_loop3A_335 = arith.constant 7.000000e-02 : f32
      %parallel_loop3A_336 = vector.broadcast %parallel_loop3A_335 : f32 to vector<16xf32>
      %parallel_loop3A_337 = arith.addf %parallel_loop3A_336, %parallel_loop3A_334 : vector<16xf32>
      %parallel_loop3A_338 = arith.constant 5 : i32
      %parallel_loop3A_339 = vector.broadcast %parallel_loop3A_338 : i32 to vector<16xi32>
      %parallel_loop3A_340 = arith.addi %parallel_loop3A_267, %parallel_loop3A_339 : vector<16xi32>
      %parallel_loop3A_341 = tpu.vector_load_idx %arg18[%parallel_loop3A_340] : memref<4864xf32, #tpu.memory_space<vmem>>[vector<16xi32>], vector<16xf32>,
      %parallel_loop3A_342 = arith.constant 0.052631557 : f32
      %parallel_loop3A_343 = vector.broadcast %parallel_loop3A_342 : f32 to vector<16xf32>
      %parallel_loop3A_344 = arith.mulf %parallel_loop3A_343, %parallel_loop3A_341 : vector<16xf32>
      %parallel_loop3A_345 = arith.constant 0.263157904 : f32
      %parallel_loop3A_346 = vector.broadcast %parallel_loop3A_345 : f32 to vector<16xf32>
      %parallel_loop3A_347 = arith.addf %parallel_loop3A_346, %parallel_loop3A_344 : vector<16xf32>
      %parallel_loop3A_348 = arith.mulf %parallel_loop3A_347, %parallel_loop3A_264 : vector<16xf32>
      %parallel_loop3A_349 = arith.constant 7.000000e-02 : f32
      %parallel_loop3A_350 = vector.broadcast %parallel_loop3A_349 : f32 to vector<16xf32>
      %parallel_loop3A_351 = arith.addf %parallel_loop3A_350, %parallel_loop3A_348 : vector<16xf32>
      %parallel_loop3A_352 = arith.constant 6 : i32
      %parallel_loop3A_353 = vector.broadcast %parallel_loop3A_352 : i32 to vector<16xi32>
      %parallel_loop3A_354 = arith.addi %parallel_loop3A_267, %parallel_loop3A_353 : vector<16xi32>
      %parallel_loop3A_355 = tpu.vector_load_idx %arg18[%parallel_loop3A_354] : memref<4864xf32, #tpu.memory_space<vmem>>[vector<16xi32>], vector<16xf32>,
      %parallel_loop3A_356 = arith.constant 0.0526315868 : f32
      %parallel_loop3A_357 = vector.broadcast %parallel_loop3A_356 : f32 to vector<16xf32>
      %parallel_loop3A_358 = arith.mulf %parallel_loop3A_357, %parallel_loop3A_355 : vector<16xf32>
      %parallel_loop3A_359 = arith.constant 0.315789461 : f32
      %parallel_loop3A_360 = vector.broadcast %parallel_loop3A_359 : f32 to vector<16xf32>
      %parallel_loop3A_361 = arith.addf %parallel_loop3A_360, %parallel_loop3A_358 : vector<16xf32>
      %parallel_loop3A_362 = arith.mulf %parallel_loop3A_361, %parallel_loop3A_264 : vector<16xf32>
      %parallel_loop3A_363 = arith.constant 7.000000e-02 : f32
      %parallel_loop3A_364 = vector.broadcast %parallel_loop3A_363 : f32 to vector<16xf32>
      %parallel_loop3A_365 = arith.addf %parallel_loop3A_364, %parallel_loop3A_362 : vector<16xf32>
      %parallel_loop3A_366 = arith.constant 7 : i32
      %parallel_loop3A_367 = vector.broadcast %parallel_loop3A_366 : i32 to vector<16xi32>
      %parallel_loop3A_368 = arith.addi %parallel_loop3A_267, %parallel_loop3A_367 : vector<16xi32>
      %parallel_loop3A_369 = tpu.vector_load_idx %arg18[%parallel_loop3A_368] : memref<4864xf32, #tpu.memory_space<vmem>>[vector<16xi32>], vector<16xf32>,
      %parallel_loop3A_370 = arith.constant 0.0526315868 : f32
      %parallel_loop3A_371 = vector.broadcast %parallel_loop3A_370 : f32 to vector<16xf32>
      %parallel_loop3A_372 = arith.mulf %parallel_loop3A_371, %parallel_loop3A_369 : vector<16xf32>
      %parallel_loop3A_373 = arith.constant 0.368421048 : f32
      %parallel_loop3A_374 = vector.broadcast %parallel_loop3A_373 : f32 to vector<16xf32>
      %parallel_loop3A_375 = arith.addf %parallel_loop3A_374, %parallel_loop3A_372 : vector<16xf32>
      %parallel_loop3A_376 = arith.mulf %parallel_loop3A_375, %parallel_loop3A_264 : vector<16xf32>
      %parallel_loop3A_377 = arith.constant 7.000000e-02 : f32
      %parallel_loop3A_378 = vector.broadcast %parallel_loop3A_377 : f32 to vector<16xf32>
      %parallel_loop3A_379 = arith.addf %parallel_loop3A_378, %parallel_loop3A_376 : vector<16xf32>
      %parallel_loop3A_380 = arith.constant 8 : i32
      %parallel_loop3A_381 = vector.broadcast %parallel_loop3A_380 : i32 to vector<16xi32>
      %parallel_loop3A_382 = arith.addi %parallel_loop3A_267, %parallel_loop3A_381 : vector<16xi32>
      %parallel_loop3A_383 = tpu.vector_load_idx %arg18[%parallel_loop3A_382] : memref<4864xf32, #tpu.memory_space<vmem>>[vector<16xi32>], vector<16xf32>,
      %parallel_loop3A_384 = arith.constant 0.0526315868 : f32
      %parallel_loop3A_385 = vector.broadcast %parallel_loop3A_384 : f32 to vector<16xf32>
      %parallel_loop3A_386 = arith.mulf %parallel_loop3A_385, %parallel_loop3A_383 : vector<16xf32>
      %parallel_loop3A_387 = arith.constant 0.421052635 : f32
      %parallel_loop3A_388 = vector.broadcast %parallel_loop3A_387 : f32 to vector<16xf32>
      %parallel_loop3A_389 = arith.addf %parallel_loop3A_388, %parallel_loop3A_386 : vector<16xf32>
      %parallel_loop3A_390 = arith.mulf %parallel_loop3A_389, %parallel_loop3A_264 : vector<16xf32>
      %parallel_loop3A_391 = arith.constant 7.000000e-02 : f32
      %parallel_loop3A_392 = vector.broadcast %parallel_loop3A_391 : f32 to vector<16xf32>
      %parallel_loop3A_393 = arith.addf %parallel_loop3A_392, %parallel_loop3A_390 : vector<16xf32>
      %parallel_loop3A_394 = arith.constant 9 : i32
      %parallel_loop3A_395 = vector.broadcast %parallel_loop3A_394 : i32 to vector<16xi32>
      %parallel_loop3A_396 = arith.addi %parallel_loop3A_267, %parallel_loop3A_395 : vector<16xi32>
      %parallel_loop3A_397 = tpu.vector_load_idx %arg18[%parallel_loop3A_396] : memref<4864xf32, #tpu.memory_space<vmem>>[vector<16xi32>], vector<16xf32>,
      %parallel_loop3A_398 = arith.constant 0.0526315868 : f32
      %parallel_loop3A_399 = vector.broadcast %parallel_loop3A_398 : f32 to vector<16xf32>
      %parallel_loop3A_400 = arith.mulf %parallel_loop3A_399, %parallel_loop3A_397 : vector<16xf32>
      %parallel_loop3A_401 = arith.constant 0.473684222 : f32
      %parallel_loop3A_402 = vector.broadcast %parallel_loop3A_401 : f32 to vector<16xf32>
      %parallel_loop3A_403 = arith.addf %parallel_loop3A_402, %parallel_loop3A_400 : vector<16xf32>
      %parallel_loop3A_404 = arith.mulf %parallel_loop3A_403, %parallel_loop3A_264 : vector<16xf32>
      %parallel_loop3A_405 = arith.constant 7.000000e-02 : f32
      %parallel_loop3A_406 = vector.broadcast %parallel_loop3A_405 : f32 to vector<16xf32>
      %parallel_loop3A_407 = arith.addf %parallel_loop3A_406, %parallel_loop3A_404 : vector<16xf32>
      %parallel_loop3A_408 = arith.constant 10 : i32
      %parallel_loop3A_409 = vector.broadcast %parallel_loop3A_408 : i32 to vector<16xi32>
      %parallel_loop3A_410 = arith.addi %parallel_loop3A_267, %parallel_loop3A_409 : vector<16xi32>
      %parallel_loop3A_411 = tpu.vector_load_idx %arg18[%parallel_loop3A_410] : memref<4864xf32, #tpu.memory_space<vmem>>[vector<16xi32>], vector<16xf32>,
      %parallel_loop3A_412 = arith.constant 0.052631557 : f32
      %parallel_loop3A_413 = vector.broadcast %parallel_loop3A_412 : f32 to vector<16xf32>
      %parallel_loop3A_414 = arith.mulf %parallel_loop3A_413, %parallel_loop3A_411 : vector<16xf32>
      %parallel_loop3A_415 = arith.constant 0.526315808 : f32
      %parallel_loop3A_416 = vector.broadcast %parallel_loop3A_415 : f32 to vector<16xf32>
      %parallel_loop3A_417 = arith.addf %parallel_loop3A_416, %parallel_loop3A_414 : vector<16xf32>
      %parallel_loop3A_418 = arith.mulf %parallel_loop3A_417, %parallel_loop3A_264 : vector<16xf32>
      %parallel_loop3A_419 = arith.constant 7.000000e-02 : f32
      %parallel_loop3A_420 = vector.broadcast %parallel_loop3A_419 : f32 to vector<16xf32>
      %parallel_loop3A_421 = arith.addf %parallel_loop3A_420, %parallel_loop3A_418 : vector<16xf32>
      %parallel_loop3A_422 = arith.constant 11 : i32
      %parallel_loop3A_423 = vector.broadcast %parallel_loop3A_422 : i32 to vector<16xi32>
      %parallel_loop3A_424 = arith.addi %parallel_loop3A_267, %parallel_loop3A_423 : vector<16xi32>
      %parallel_loop3A_425 = tpu.vector_load_idx %arg18[%parallel_loop3A_424] : memref<4864xf32, #tpu.memory_space<vmem>>[vector<16xi32>], vector<16xf32>,
      %parallel_loop3A_426 = arith.constant 0.052631557 : f32
      %parallel_loop3A_427 = vector.broadcast %parallel_loop3A_426 : f32 to vector<16xf32>
      %parallel_loop3A_428 = arith.mulf %parallel_loop3A_427, %parallel_loop3A_425 : vector<16xf32>
      %parallel_loop3A_429 = arith.constant 0.578947365 : f32
      %parallel_loop3A_430 = vector.broadcast %parallel_loop3A_429 : f32 to vector<16xf32>
      %parallel_loop3A_431 = arith.addf %parallel_loop3A_430, %parallel_loop3A_428 : vector<16xf32>
      %parallel_loop3A_432 = arith.mulf %parallel_loop3A_431, %parallel_loop3A_264 : vector<16xf32>
      %parallel_loop3A_433 = arith.constant 7.000000e-02 : f32
      %parallel_loop3A_434 = vector.broadcast %parallel_loop3A_433 : f32 to vector<16xf32>
      %parallel_loop3A_435 = arith.addf %parallel_loop3A_434, %parallel_loop3A_432 : vector<16xf32>
      %parallel_loop3A_436 = arith.constant 12 : i32
      %parallel_loop3A_437 = vector.broadcast %parallel_loop3A_436 : i32 to vector<16xi32>
      %parallel_loop3A_438 = arith.addi %parallel_loop3A_267, %parallel_loop3A_437 : vector<16xi32>
      %parallel_loop3A_439 = tpu.vector_load_idx %arg18[%parallel_loop3A_438] : memref<4864xf32, #tpu.memory_space<vmem>>[vector<16xi32>], vector<16xf32>,
      %parallel_loop3A_440 = arith.constant 0.0526316166 : f32
      %parallel_loop3A_441 = vector.broadcast %parallel_loop3A_440 : f32 to vector<16xf32>
      %parallel_loop3A_442 = arith.mulf %parallel_loop3A_441, %parallel_loop3A_439 : vector<16xf32>
      %parallel_loop3A_443 = arith.constant 0.631578922 : f32
      %parallel_loop3A_444 = vector.broadcast %parallel_loop3A_443 : f32 to vector<16xf32>
      %parallel_loop3A_445 = arith.addf %parallel_loop3A_444, %parallel_loop3A_442 : vector<16xf32>
      %parallel_loop3A_446 = arith.mulf %parallel_loop3A_445, %parallel_loop3A_264 : vector<16xf32>
      %parallel_loop3A_447 = arith.constant 7.000000e-02 : f32
      %parallel_loop3A_448 = vector.broadcast %parallel_loop3A_447 : f32 to vector<16xf32>
      %parallel_loop3A_449 = arith.addf %parallel_loop3A_448, %parallel_loop3A_446 : vector<16xf32>
      %parallel_loop3A_450 = arith.constant 13 : i32
      %parallel_loop3A_451 = vector.broadcast %parallel_loop3A_450 : i32 to vector<16xi32>
      %parallel_loop3A_452 = arith.addi %parallel_loop3A_267, %parallel_loop3A_451 : vector<16xi32>
      %parallel_loop3A_453 = tpu.vector_load_idx %arg18[%parallel_loop3A_452] : memref<4864xf32, #tpu.memory_space<vmem>>[vector<16xi32>], vector<16xf32>,
      %parallel_loop3A_454 = arith.constant 0.052631557 : f32
      %parallel_loop3A_455 = vector.broadcast %parallel_loop3A_454 : f32 to vector<16xf32>
      %parallel_loop3A_456 = arith.mulf %parallel_loop3A_455, %parallel_loop3A_453 : vector<16xf32>
      %parallel_loop3A_457 = arith.constant 0.684210539 : f32
      %parallel_loop3A_458 = vector.broadcast %parallel_loop3A_457 : f32 to vector<16xf32>
      %parallel_loop3A_459 = arith.addf %parallel_loop3A_458, %parallel_loop3A_456 : vector<16xf32>
      %parallel_loop3A_460 = arith.mulf %parallel_loop3A_459, %parallel_loop3A_264 : vector<16xf32>
      %parallel_loop3A_461 = arith.constant 7.000000e-02 : f32
      %parallel_loop3A_462 = vector.broadcast %parallel_loop3A_461 : f32 to vector<16xf32>
      %parallel_loop3A_463 = arith.addf %parallel_loop3A_462, %parallel_loop3A_460 : vector<16xf32>
      %parallel_loop3A_464 = arith.constant 14 : i32
      %parallel_loop3A_465 = vector.broadcast %parallel_loop3A_464 : i32 to vector<16xi32>
      %parallel_loop3A_466 = arith.addi %parallel_loop3A_267, %parallel_loop3A_465 : vector<16xi32>
      %parallel_loop3A_467 = tpu.vector_load_idx %arg18[%parallel_loop3A_466] : memref<4864xf32, #tpu.memory_space<vmem>>[vector<16xi32>], vector<16xf32>,
      %parallel_loop3A_468 = arith.constant 0.0526316166 : f32
      %parallel_loop3A_469 = vector.broadcast %parallel_loop3A_468 : f32 to vector<16xf32>
      %parallel_loop3A_470 = arith.mulf %parallel_loop3A_469, %parallel_loop3A_467 : vector<16xf32>
      %parallel_loop3A_471 = arith.constant 0.736842095 : f32
      %parallel_loop3A_472 = vector.broadcast %parallel_loop3A_471 : f32 to vector<16xf32>
      %parallel_loop3A_473 = arith.addf %parallel_loop3A_472, %parallel_loop3A_470 : vector<16xf32>
      %parallel_loop3A_474 = arith.mulf %parallel_loop3A_473, %parallel_loop3A_264 : vector<16xf32>
      %parallel_loop3A_475 = arith.constant 7.000000e-02 : f32
      %parallel_loop3A_476 = vector.broadcast %parallel_loop3A_475 : f32 to vector<16xf32>
      %parallel_loop3A_477 = arith.addf %parallel_loop3A_476, %parallel_loop3A_474 : vector<16xf32>
      %parallel_loop3A_478 = arith.constant 15 : i32
      %parallel_loop3A_479 = vector.broadcast %parallel_loop3A_478 : i32 to vector<16xi32>
      %parallel_loop3A_480 = arith.addi %parallel_loop3A_267, %parallel_loop3A_479 : vector<16xi32>
      %parallel_loop3A_481 = tpu.vector_load_idx %arg18[%parallel_loop3A_480] : memref<4864xf32, #tpu.memory_space<vmem>>[vector<16xi32>], vector<16xf32>,
      %parallel_loop3A_482 = arith.constant 0.052631557 : f32
      %parallel_loop3A_483 = vector.broadcast %parallel_loop3A_482 : f32 to vector<16xf32>
      %parallel_loop3A_484 = arith.mulf %parallel_loop3A_483, %parallel_loop3A_481 : vector<16xf32>
      %parallel_loop3A_485 = arith.constant 0.789473712 : f32
      %parallel_loop3A_486 = vector.broadcast %parallel_loop3A_485 : f32 to vector<16xf32>
      %parallel_loop3A_487 = arith.addf %parallel_loop3A_486, %parallel_loop3A_484 : vector<16xf32>
      %parallel_loop3A_488 = arith.mulf %parallel_loop3A_487, %parallel_loop3A_264 : vector<16xf32>
      %parallel_loop3A_489 = arith.constant 7.000000e-02 : f32
      %parallel_loop3A_490 = vector.broadcast %parallel_loop3A_489 : f32 to vector<16xf32>
      %parallel_loop3A_491 = arith.addf %parallel_loop3A_490, %parallel_loop3A_488 : vector<16xf32>
      %parallel_loop3A_492 = arith.constant 16 : i32
      %parallel_loop3A_493 = vector.broadcast %parallel_loop3A_492 : i32 to vector<16xi32>
      %parallel_loop3A_494 = arith.addi %parallel_loop3A_267, %parallel_loop3A_493 : vector<16xi32>
      %parallel_loop3A_495 = tpu.vector_load_idx %arg18[%parallel_loop3A_494] : memref<4864xf32, #tpu.memory_space<vmem>>[vector<16xi32>], vector<16xf32>,
      %parallel_loop3A_496 = arith.constant 0.052631557 : f32
      %parallel_loop3A_497 = vector.broadcast %parallel_loop3A_496 : f32 to vector<16xf32>
      %parallel_loop3A_498 = arith.mulf %parallel_loop3A_497, %parallel_loop3A_495 : vector<16xf32>
      %parallel_loop3A_499 = arith.constant 0.842105269 : f32
      %parallel_loop3A_500 = vector.broadcast %parallel_loop3A_499 : f32 to vector<16xf32>
      %parallel_loop3A_501 = arith.addf %parallel_loop3A_500, %parallel_loop3A_498 : vector<16xf32>
      %parallel_loop3A_502 = arith.mulf %parallel_loop3A_501, %parallel_loop3A_264 : vector<16xf32>
      %parallel_loop3A_503 = arith.constant 7.000000e-02 : f32
      %parallel_loop3A_504 = vector.broadcast %parallel_loop3A_503 : f32 to vector<16xf32>
      %parallel_loop3A_505 = arith.addf %parallel_loop3A_504, %parallel_loop3A_502 : vector<16xf32>
      %parallel_loop3A_506 = arith.constant 17 : i32
      %parallel_loop3A_507 = vector.broadcast %parallel_loop3A_506 : i32 to vector<16xi32>
      %parallel_loop3A_508 = arith.addi %parallel_loop3A_267, %parallel_loop3A_507 : vector<16xi32>
      %parallel_loop3A_509 = tpu.vector_load_idx %arg18[%parallel_loop3A_508] : memref<4864xf32, #tpu.memory_space<vmem>>[vector<16xi32>], vector<16xf32>,
      %parallel_loop3A_510 = arith.constant 0.0526316166 : f32
      %parallel_loop3A_511 = vector.broadcast %parallel_loop3A_510 : f32 to vector<16xf32>
      %parallel_loop3A_512 = arith.mulf %parallel_loop3A_511, %parallel_loop3A_509 : vector<16xf32>
      %parallel_loop3A_513 = arith.constant 0.894736826 : f32
      %parallel_loop3A_514 = vector.broadcast %parallel_loop3A_513 : f32 to vector<16xf32>
      %parallel_loop3A_515 = arith.addf %parallel_loop3A_514, %parallel_loop3A_512 : vector<16xf32>
      %parallel_loop3A_516 = arith.mulf %parallel_loop3A_515, %parallel_loop3A_264 : vector<16xf32>
      %parallel_loop3A_517 = arith.constant 7.000000e-02 : f32
      %parallel_loop3A_518 = vector.broadcast %parallel_loop3A_517 : f32 to vector<16xf32>
      %parallel_loop3A_519 = arith.addf %parallel_loop3A_518, %parallel_loop3A_516 : vector<16xf32>
      %parallel_loop3A_520 = arith.constant 18 : i32
      %parallel_loop3A_521 = vector.broadcast %parallel_loop3A_520 : i32 to vector<16xi32>
      %parallel_loop3A_522 = arith.addi %parallel_loop3A_267, %parallel_loop3A_521 : vector<16xi32>
      %parallel_loop3A_523 = tpu.vector_load_idx %arg18[%parallel_loop3A_522] : memref<4864xf32, #tpu.memory_space<vmem>>[vector<16xi32>], vector<16xf32>,
      %parallel_loop3A_524 = arith.constant 0.052631557 : f32
      %parallel_loop3A_525 = vector.broadcast %parallel_loop3A_524 : f32 to vector<16xf32>
      %parallel_loop3A_526 = arith.mulf %parallel_loop3A_525, %parallel_loop3A_523 : vector<16xf32>
      %parallel_loop3A_527 = arith.constant 0.947368443 : f32
      %parallel_loop3A_528 = vector.broadcast %parallel_loop3A_527 : f32 to vector<16xf32>
      %parallel_loop3A_529 = arith.addf %parallel_loop3A_528, %parallel_loop3A_526 : vector<16xf32>
      %parallel_loop3A_530 = arith.mulf %parallel_loop3A_529, %parallel_loop3A_264 : vector<16xf32>
      %parallel_loop3A_531 = arith.constant 7.000000e-02 : f32
      %parallel_loop3A_532 = vector.broadcast %parallel_loop3A_531 : f32 to vector<16xf32>
      %parallel_loop3A_533 = arith.addf %parallel_loop3A_532, %parallel_loop3A_530 : vector<16xf32>
      %parallel_loop3A_534 = arith.constant 8 : i32
      %parallel_loop3A_535 = vector.broadcast %parallel_loop3A_534 : i32 to vector<16xi32>
      %parallel_loop3A_536 = arith.muli %parallel_loop3A_156, %parallel_loop3A_535 : vector<16xi32>
      %parallel_loop3A_537 = arith.constant 1 : i32
      %parallel_loop3A_538 = vector.broadcast %parallel_loop3A_537 : i32 to vector<16xi32>
      %parallel_loop3A_539 = arith.addi %parallel_loop3A_536, %parallel_loop3A_538 : vector<16xi32>
      %parallel_loop3A_540 = tpu.vector_load_idx %arg19[%parallel_loop3A_539] : memref<2048xf32, #tpu.memory_space<vmem>>[vector<16xi32>], vector<16xf32>,
      %parallel_loop3A_541 = arith.constant 5.000000e-02 : f32
      %parallel_loop3A_542 = vector.broadcast %parallel_loop3A_541 : f32 to vector<16xf32>
      %parallel_loop3A_543 = arith.mulf %parallel_loop3A_540, %parallel_loop3A_542 : vector<16xf32>
      %parallel_loop3A_544 = arith.addf %parallel_loop3A_241, %parallel_loop3A_543 : vector<16xf32>
      %parallel_loop3A_545 = arith.constant 2 : i32
      %parallel_loop3A_546 = vector.broadcast %parallel_loop3A_545 : i32 to vector<16xi32>
      %parallel_loop3A_547 = arith.addi %parallel_loop3A_536, %parallel_loop3A_546 : vector<16xi32>
      %parallel_loop3A_548 = tpu.vector_load_idx %arg19[%parallel_loop3A_547] : memref<2048xf32, #tpu.memory_space<vmem>>[vector<16xi32>], vector<16xf32>,
      %parallel_loop3A_549 = arith.constant 5.000000e-02 : f32
      %parallel_loop3A_550 = vector.broadcast %parallel_loop3A_549 : f32 to vector<16xf32>
      %parallel_loop3A_551 = arith.mulf %parallel_loop3A_548, %parallel_loop3A_550 : vector<16xf32>
      %parallel_loop3A_552 = arith.addf %parallel_loop3A_241, %parallel_loop3A_551 : vector<16xf32>
      %parallel_loop3A_553 = arith.constant 3 : i32
      %parallel_loop3A_554 = vector.broadcast %parallel_loop3A_553 : i32 to vector<16xi32>
      %parallel_loop3A_555 = arith.addi %parallel_loop3A_536, %parallel_loop3A_554 : vector<16xi32>
      %parallel_loop3A_556 = tpu.vector_load_idx %arg19[%parallel_loop3A_555] : memref<2048xf32, #tpu.memory_space<vmem>>[vector<16xi32>], vector<16xf32>,
      %parallel_loop3A_557 = arith.constant 5.000000e-02 : f32
      %parallel_loop3A_558 = vector.broadcast %parallel_loop3A_557 : f32 to vector<16xf32>
      %parallel_loop3A_559 = arith.mulf %parallel_loop3A_556, %parallel_loop3A_558 : vector<16xf32>
      %parallel_loop3A_560 = arith.addf %parallel_loop3A_241, %parallel_loop3A_559 : vector<16xf32>
      %parallel_loop3A_561 = arith.constant 4 : i32
      %parallel_loop3A_562 = vector.broadcast %parallel_loop3A_561 : i32 to vector<16xi32>
      %parallel_loop3A_563 = arith.addi %parallel_loop3A_536, %parallel_loop3A_562 : vector<16xi32>
      %parallel_loop3A_564 = tpu.vector_load_idx %arg19[%parallel_loop3A_563] : memref<2048xf32, #tpu.memory_space<vmem>>[vector<16xi32>], vector<16xf32>,
      %parallel_loop3A_565 = arith.constant 5.000000e-02 : f32
      %parallel_loop3A_566 = vector.broadcast %parallel_loop3A_565 : f32 to vector<16xf32>
      %parallel_loop3A_567 = arith.mulf %parallel_loop3A_564, %parallel_loop3A_566 : vector<16xf32>
      %parallel_loop3A_568 = arith.addf %parallel_loop3A_241, %parallel_loop3A_567 : vector<16xf32>
      %parallel_loop3A_569 = arith.constant 5 : i32
      %parallel_loop3A_570 = vector.broadcast %parallel_loop3A_569 : i32 to vector<16xi32>
      %parallel_loop3A_571 = arith.addi %parallel_loop3A_536, %parallel_loop3A_570 : vector<16xi32>
      %parallel_loop3A_572 = tpu.vector_load_idx %arg19[%parallel_loop3A_571] : memref<2048xf32, #tpu.memory_space<vmem>>[vector<16xi32>], vector<16xf32>,
      %parallel_loop3A_573 = arith.constant 5.000000e-02 : f32
      %parallel_loop3A_574 = vector.broadcast %parallel_loop3A_573 : f32 to vector<16xf32>
      %parallel_loop3A_575 = arith.mulf %parallel_loop3A_572, %parallel_loop3A_574 : vector<16xf32>
      %parallel_loop3A_576 = arith.addf %parallel_loop3A_241, %parallel_loop3A_575 : vector<16xf32>
      %parallel_loop3A_577 = arith.constant 6 : i32
      %parallel_loop3A_578 = vector.broadcast %parallel_loop3A_577 : i32 to vector<16xi32>
      %parallel_loop3A_579 = arith.addi %parallel_loop3A_536, %parallel_loop3A_578 : vector<16xi32>
      %parallel_loop3A_580 = tpu.vector_load_idx %arg19[%parallel_loop3A_579] : memref<2048xf32, #tpu.memory_space<vmem>>[vector<16xi32>], vector<16xf32>,
      %parallel_loop3A_581 = arith.constant 5.000000e-02 : f32
      %parallel_loop3A_582 = vector.broadcast %parallel_loop3A_581 : f32 to vector<16xf32>
      %parallel_loop3A_583 = arith.mulf %parallel_loop3A_580, %parallel_loop3A_582 : vector<16xf32>
      %parallel_loop3A_584 = arith.addf %parallel_loop3A_241, %parallel_loop3A_583 : vector<16xf32>
      %parallel_loop3A_585 = arith.constant 7 : i32
      %parallel_loop3A_586 = vector.broadcast %parallel_loop3A_585 : i32 to vector<16xi32>
      %parallel_loop3A_587 = arith.addi %parallel_loop3A_536, %parallel_loop3A_586 : vector<16xi32>
      %parallel_loop3A_588 = tpu.vector_load_idx %arg19[%parallel_loop3A_587] : memref<2048xf32, #tpu.memory_space<vmem>>[vector<16xi32>], vector<16xf32>,
      %parallel_loop3A_589 = arith.constant 5.000000e-02 : f32
      %parallel_loop3A_590 = vector.broadcast %parallel_loop3A_589 : f32 to vector<16xf32>
      %parallel_loop3A_591 = arith.mulf %parallel_loop3A_588, %parallel_loop3A_590 : vector<16xf32>
      %parallel_loop3A_592 = arith.addf %parallel_loop3A_241, %parallel_loop3A_591 : vector<16xf32>
      %parallel_loop3A_593 = arith.minimumf %parallel_loop3A_241, %parallel_loop3A_544 : vector<16xf32>
      %parallel_loop3A_594 = arith.maximumf %parallel_loop3A_241, %parallel_loop3A_544 : vector<16xf32>
      %parallel_loop3A_595 = arith.minimumf %parallel_loop3A_552, %parallel_loop3A_560 : vector<16xf32>
      %parallel_loop3A_596 = arith.maximumf %parallel_loop3A_552, %parallel_loop3A_560 : vector<16xf32>
      %parallel_loop3A_597 = arith.minimumf %parallel_loop3A_568, %parallel_loop3A_576 : vector<16xf32>
      %parallel_loop3A_598 = arith.maximumf %parallel_loop3A_568, %parallel_loop3A_576 : vector<16xf32>
      %parallel_loop3A_599 = arith.minimumf %parallel_loop3A_584, %parallel_loop3A_592 : vector<16xf32>
      %parallel_loop3A_600 = arith.maximumf %parallel_loop3A_584, %parallel_loop3A_592 : vector<16xf32>
      %parallel_loop3A_601 = arith.minimumf %parallel_loop3A_593, %parallel_loop3A_595 : vector<16xf32>
      %parallel_loop3A_602 = arith.maximumf %parallel_loop3A_593, %parallel_loop3A_595 : vector<16xf32>
      %parallel_loop3A_603 = arith.minimumf %parallel_loop3A_594, %parallel_loop3A_596 : vector<16xf32>
      %parallel_loop3A_604 = arith.maximumf %parallel_loop3A_594, %parallel_loop3A_596 : vector<16xf32>
      %parallel_loop3A_605 = arith.minimumf %parallel_loop3A_597, %parallel_loop3A_599 : vector<16xf32>
      %parallel_loop3A_606 = arith.maximumf %parallel_loop3A_597, %parallel_loop3A_599 : vector<16xf32>
      %parallel_loop3A_607 = arith.minimumf %parallel_loop3A_598, %parallel_loop3A_600 : vector<16xf32>
      %parallel_loop3A_608 = arith.maximumf %parallel_loop3A_598, %parallel_loop3A_600 : vector<16xf32>
      %parallel_loop3A_609 = arith.minimumf %parallel_loop3A_603, %parallel_loop3A_602 : vector<16xf32>
      %parallel_loop3A_610 = arith.maximumf %parallel_loop3A_603, %parallel_loop3A_602 : vector<16xf32>
      %parallel_loop3A_611 = arith.minimumf %parallel_loop3A_607, %parallel_loop3A_606 : vector<16xf32>
      %parallel_loop3A_612 = arith.maximumf %parallel_loop3A_607, %parallel_loop3A_606 : vector<16xf32>
      %parallel_loop3A_613 = arith.minimumf %parallel_loop3A_601, %parallel_loop3A_605 : vector<16xf32>
      %parallel_loop3A_614 = arith.maximumf %parallel_loop3A_601, %parallel_loop3A_605 : vector<16xf32>
      %parallel_loop3A_615 = arith.minimumf %parallel_loop3A_609, %parallel_loop3A_611 : vector<16xf32>
      %parallel_loop3A_616 = arith.maximumf %parallel_loop3A_609, %parallel_loop3A_611 : vector<16xf32>
      %parallel_loop3A_617 = arith.minimumf %parallel_loop3A_610, %parallel_loop3A_612 : vector<16xf32>
      %parallel_loop3A_618 = arith.maximumf %parallel_loop3A_610, %parallel_loop3A_612 : vector<16xf32>
      %parallel_loop3A_619 = arith.minimumf %parallel_loop3A_604, %parallel_loop3A_608 : vector<16xf32>
      %parallel_loop3A_620 = arith.maximumf %parallel_loop3A_604, %parallel_loop3A_608 : vector<16xf32>
      %parallel_loop3A_621 = arith.minimumf %parallel_loop3A_617, %parallel_loop3A_614 : vector<16xf32>
      %parallel_loop3A_622 = arith.maximumf %parallel_loop3A_617, %parallel_loop3A_614 : vector<16xf32>
      %parallel_loop3A_623 = arith.minimumf %parallel_loop3A_619, %parallel_loop3A_616 : vector<16xf32>
      %parallel_loop3A_624 = arith.maximumf %parallel_loop3A_619, %parallel_loop3A_616 : vector<16xf32>
      %parallel_loop3A_625 = arith.minimumf %parallel_loop3A_615, %parallel_loop3A_621 : vector<16xf32>
      %parallel_loop3A_626 = arith.maximumf %parallel_loop3A_615, %parallel_loop3A_621 : vector<16xf32>
      %parallel_loop3A_627 = arith.minimumf %parallel_loop3A_623, %parallel_loop3A_622 : vector<16xf32>
      %parallel_loop3A_628 = arith.maximumf %parallel_loop3A_623, %parallel_loop3A_622 : vector<16xf32>
      %parallel_loop3A_629 = arith.minimumf %parallel_loop3A_624, %parallel_loop3A_618 : vector<16xf32>
      %parallel_loop3A_630 = arith.maximumf %parallel_loop3A_624, %parallel_loop3A_618 : vector<16xf32>
      %parallel_loop3A_631 = arith.minimumf %parallel_loop3A_281, %parallel_loop3A_505 : vector<16xf32>
      %parallel_loop3A_632 = arith.maximumf %parallel_loop3A_281, %parallel_loop3A_505 : vector<16xf32>
      %parallel_loop3A_633 = arith.minimumf %parallel_loop3A_295, %parallel_loop3A_519 : vector<16xf32>
      %parallel_loop3A_634 = arith.maximumf %parallel_loop3A_295, %parallel_loop3A_519 : vector<16xf32>
      %parallel_loop3A_635 = arith.minimumf %parallel_loop3A_309, %parallel_loop3A_533 : vector<16xf32>
      %parallel_loop3A_636 = arith.maximumf %parallel_loop3A_309, %parallel_loop3A_533 : vector<16xf32>
      %parallel_loop3A_637 = arith.minimumf %parallel_loop3A_393, %parallel_loop3A_620 : vector<16xf32>
      %parallel_loop3A_638 = arith.maximumf %parallel_loop3A_393, %parallel_loop3A_620 : vector<16xf32>
      %parallel_loop3A_639 = arith.minimumf %parallel_loop3A_407, %parallel_loop3A_630 : vector<16xf32>
      %parallel_loop3A_640 = arith.maximumf %parallel_loop3A_407, %parallel_loop3A_630 : vector<16xf32>
      %parallel_loop3A_641 = arith.minimumf %parallel_loop3A_421, %parallel_loop3A_629 : vector<16xf32>
      %parallel_loop3A_642 = arith.maximumf %parallel_loop3A_421, %parallel_loop3A_629 : vector<16xf32>
      %parallel_loop3A_643 = arith.minimumf %parallel_loop3A_435, %parallel_loop3A_628 : vector<16xf32>
      %parallel_loop3A_644 = arith.maximumf %parallel_loop3A_435, %parallel_loop3A_628 : vector<16xf32>
      %parallel_loop3A_645 = arith.minimumf %parallel_loop3A_449, %parallel_loop3A_627 : vector<16xf32>
      %parallel_loop3A_646 = arith.maximumf %parallel_loop3A_449, %parallel_loop3A_627 : vector<16xf32>
      %parallel_loop3A_647 = arith.minimumf %parallel_loop3A_463, %parallel_loop3A_626 : vector<16xf32>
      %parallel_loop3A_648 = arith.maximumf %parallel_loop3A_463, %parallel_loop3A_626 : vector<16xf32>
      %parallel_loop3A_649 = arith.minimumf %parallel_loop3A_477, %parallel_loop3A_625 : vector<16xf32>
      %parallel_loop3A_650 = arith.maximumf %parallel_loop3A_477, %parallel_loop3A_625 : vector<16xf32>
      %parallel_loop3A_651 = arith.minimumf %parallel_loop3A_491, %parallel_loop3A_613 : vector<16xf32>
      %parallel_loop3A_652 = arith.maximumf %parallel_loop3A_491, %parallel_loop3A_613 : vector<16xf32>
      %parallel_loop3A_653 = arith.minimumf %parallel_loop3A_631, %parallel_loop3A_637 : vector<16xf32>
      %parallel_loop3A_654 = arith.maximumf %parallel_loop3A_631, %parallel_loop3A_637 : vector<16xf32>
      %parallel_loop3A_655 = arith.minimumf %parallel_loop3A_633, %parallel_loop3A_639 : vector<16xf32>
      %parallel_loop3A_656 = arith.maximumf %parallel_loop3A_633, %parallel_loop3A_639 : vector<16xf32>
      %parallel_loop3A_657 = arith.minimumf %parallel_loop3A_635, %parallel_loop3A_641 : vector<16xf32>
      %parallel_loop3A_658 = arith.maximumf %parallel_loop3A_635, %parallel_loop3A_641 : vector<16xf32>
      %parallel_loop3A_659 = arith.minimumf %parallel_loop3A_323, %parallel_loop3A_643 : vector<16xf32>
      %parallel_loop3A_660 = arith.maximumf %parallel_loop3A_323, %parallel_loop3A_643 : vector<16xf32>
      %parallel_loop3A_661 = arith.minimumf %parallel_loop3A_337, %parallel_loop3A_645 : vector<16xf32>
      %parallel_loop3A_662 = arith.maximumf %parallel_loop3A_337, %parallel_loop3A_645 : vector<16xf32>
      %parallel_loop3A_663 = arith.minimumf %parallel_loop3A_351, %parallel_loop3A_647 : vector<16xf32>
      %parallel_loop3A_664 = arith.maximumf %parallel_loop3A_351, %parallel_loop3A_647 : vector<16xf32>
      %parallel_loop3A_665 = arith.minimumf %parallel_loop3A_365, %parallel_loop3A_649 : vector<16xf32>
      %parallel_loop3A_666 = arith.maximumf %parallel_loop3A_365, %parallel_loop3A_649 : vector<16xf32>
      %parallel_loop3A_667 = arith.minimumf %parallel_loop3A_379, %parallel_loop3A_651 : vector<16xf32>
      %parallel_loop3A_668 = arith.maximumf %parallel_loop3A_379, %parallel_loop3A_651 : vector<16xf32>
      %parallel_loop3A_669 = arith.minimumf %parallel_loop3A_632, %parallel_loop3A_638 : vector<16xf32>
      %parallel_loop3A_670 = arith.maximumf %parallel_loop3A_632, %parallel_loop3A_638 : vector<16xf32>
      %parallel_loop3A_671 = arith.minimumf %parallel_loop3A_634, %parallel_loop3A_640 : vector<16xf32>
      %parallel_loop3A_672 = arith.maximumf %parallel_loop3A_634, %parallel_loop3A_640 : vector<16xf32>
      %parallel_loop3A_673 = arith.minimumf %parallel_loop3A_636, %parallel_loop3A_642 : vector<16xf32>
      %parallel_loop3A_674 = arith.maximumf %parallel_loop3A_636, %parallel_loop3A_642 : vector<16xf32>
      %parallel_loop3A_675 = arith.minimumf %parallel_loop3A_653, %parallel_loop3A_661 : vector<16xf32>
      %parallel_loop3A_676 = arith.maximumf %parallel_loop3A_653, %parallel_loop3A_661 : vector<16xf32>
      %parallel_loop3A_677 = arith.minimumf %parallel_loop3A_655, %parallel_loop3A_663 : vector<16xf32>
      %parallel_loop3A_678 = arith.maximumf %parallel_loop3A_655, %parallel_loop3A_663 : vector<16xf32>
      %parallel_loop3A_679 = arith.minimumf %parallel_loop3A_657, %parallel_loop3A_665 : vector<16xf32>
      %parallel_loop3A_680 = arith.maximumf %parallel_loop3A_657, %parallel_loop3A_665 : vector<16xf32>
      %parallel_loop3A_681 = arith.minimumf %parallel_loop3A_659, %parallel_loop3A_667 : vector<16xf32>
      %parallel_loop3A_682 = arith.maximumf %parallel_loop3A_659, %parallel_loop3A_667 : vector<16xf32>
      %parallel_loop3A_683 = arith.minimumf %parallel_loop3A_654, %parallel_loop3A_662 : vector<16xf32>
      %parallel_loop3A_684 = arith.maximumf %parallel_loop3A_654, %parallel_loop3A_662 : vector<16xf32>
      %parallel_loop3A_685 = arith.minimumf %parallel_loop3A_656, %parallel_loop3A_664 : vector<16xf32>
      %parallel_loop3A_686 = arith.maximumf %parallel_loop3A_656, %parallel_loop3A_664 : vector<16xf32>
      %parallel_loop3A_687 = arith.minimumf %parallel_loop3A_658, %parallel_loop3A_666 : vector<16xf32>
      %parallel_loop3A_688 = arith.maximumf %parallel_loop3A_658, %parallel_loop3A_666 : vector<16xf32>
      %parallel_loop3A_689 = arith.minimumf %parallel_loop3A_660, %parallel_loop3A_668 : vector<16xf32>
      %parallel_loop3A_690 = arith.maximumf %parallel_loop3A_660, %parallel_loop3A_668 : vector<16xf32>
      %parallel_loop3A_691 = arith.minimumf %parallel_loop3A_669, %parallel_loop3A_646 : vector<16xf32>
      %parallel_loop3A_692 = arith.maximumf %parallel_loop3A_669, %parallel_loop3A_646 : vector<16xf32>
      %parallel_loop3A_693 = arith.minimumf %parallel_loop3A_671, %parallel_loop3A_648 : vector<16xf32>
      %parallel_loop3A_694 = arith.maximumf %parallel_loop3A_671, %parallel_loop3A_648 : vector<16xf32>
      %parallel_loop3A_695 = arith.minimumf %parallel_loop3A_673, %parallel_loop3A_650 : vector<16xf32>
      %parallel_loop3A_696 = arith.maximumf %parallel_loop3A_673, %parallel_loop3A_650 : vector<16xf32>
      %parallel_loop3A_697 = arith.minimumf %parallel_loop3A_644, %parallel_loop3A_652 : vector<16xf32>
      %parallel_loop3A_698 = arith.maximumf %parallel_loop3A_644, %parallel_loop3A_652 : vector<16xf32>
      %parallel_loop3A_699 = arith.minimumf %parallel_loop3A_675, %parallel_loop3A_679 : vector<16xf32>
      %parallel_loop3A_700 = arith.maximumf %parallel_loop3A_675, %parallel_loop3A_679 : vector<16xf32>
      %parallel_loop3A_701 = arith.minimumf %parallel_loop3A_677, %parallel_loop3A_681 : vector<16xf32>
      %parallel_loop3A_702 = arith.maximumf %parallel_loop3A_677, %parallel_loop3A_681 : vector<16xf32>
      %parallel_loop3A_703 = arith.minimumf %parallel_loop3A_676, %parallel_loop3A_680 : vector<16xf32>
      %parallel_loop3A_704 = arith.maximumf %parallel_loop3A_676, %parallel_loop3A_680 : vector<16xf32>
      %parallel_loop3A_705 = arith.minimumf %parallel_loop3A_678, %parallel_loop3A_682 : vector<16xf32>
      %parallel_loop3A_706 = arith.maximumf %parallel_loop3A_678, %parallel_loop3A_682 : vector<16xf32>
      %parallel_loop3A_707 = arith.minimumf %parallel_loop3A_683, %parallel_loop3A_687 : vector<16xf32>
      %parallel_loop3A_708 = arith.maximumf %parallel_loop3A_683, %parallel_loop3A_687 : vector<16xf32>
      %parallel_loop3A_709 = arith.minimumf %parallel_loop3A_685, %parallel_loop3A_689 : vector<16xf32>
      %parallel_loop3A_710 = arith.maximumf %parallel_loop3A_685, %parallel_loop3A_689 : vector<16xf32>
      %parallel_loop3A_711 = arith.minimumf %parallel_loop3A_684, %parallel_loop3A_688 : vector<16xf32>
      %parallel_loop3A_712 = arith.maximumf %parallel_loop3A_684, %parallel_loop3A_688 : vector<16xf32>
      %parallel_loop3A_713 = arith.minimumf %parallel_loop3A_686, %parallel_loop3A_690 : vector<16xf32>
      %parallel_loop3A_714 = arith.maximumf %parallel_loop3A_686, %parallel_loop3A_690 : vector<16xf32>
      %parallel_loop3A_715 = arith.minimumf %parallel_loop3A_691, %parallel_loop3A_695 : vector<16xf32>
      %parallel_loop3A_716 = arith.maximumf %parallel_loop3A_691, %parallel_loop3A_695 : vector<16xf32>
      %parallel_loop3A_717 = arith.minimumf %parallel_loop3A_693, %parallel_loop3A_697 : vector<16xf32>
      %parallel_loop3A_718 = arith.maximumf %parallel_loop3A_693, %parallel_loop3A_697 : vector<16xf32>
      %parallel_loop3A_719 = arith.minimumf %parallel_loop3A_692, %parallel_loop3A_696 : vector<16xf32>
      %parallel_loop3A_720 = arith.maximumf %parallel_loop3A_692, %parallel_loop3A_696 : vector<16xf32>
      %parallel_loop3A_721 = arith.minimumf %parallel_loop3A_694, %parallel_loop3A_698 : vector<16xf32>
      %parallel_loop3A_722 = arith.maximumf %parallel_loop3A_694, %parallel_loop3A_698 : vector<16xf32>
      %parallel_loop3A_723 = arith.minimumf %parallel_loop3A_670, %parallel_loop3A_674 : vector<16xf32>
      %parallel_loop3A_724 = arith.maximumf %parallel_loop3A_670, %parallel_loop3A_674 : vector<16xf32>
      %parallel_loop3A_725 = arith.minimumf %parallel_loop3A_699, %parallel_loop3A_701 : vector<16xf32>
      %parallel_loop3A_726 = arith.maximumf %parallel_loop3A_699, %parallel_loop3A_701 : vector<16xf32>
      %parallel_loop3A_727 = arith.minimumf %parallel_loop3A_700, %parallel_loop3A_702 : vector<16xf32>
      %parallel_loop3A_728 = arith.maximumf %parallel_loop3A_700, %parallel_loop3A_702 : vector<16xf32>
      %parallel_loop3A_729 = arith.minimumf %parallel_loop3A_703, %parallel_loop3A_705 : vector<16xf32>
      %parallel_loop3A_730 = arith.maximumf %parallel_loop3A_703, %parallel_loop3A_705 : vector<16xf32>
      %parallel_loop3A_731 = arith.minimumf %parallel_loop3A_704, %parallel_loop3A_706 : vector<16xf32>
      %parallel_loop3A_732 = arith.maximumf %parallel_loop3A_704, %parallel_loop3A_706 : vector<16xf32>
      %parallel_loop3A_733 = arith.minimumf %parallel_loop3A_707, %parallel_loop3A_709 : vector<16xf32>
      %parallel_loop3A_734 = arith.maximumf %parallel_loop3A_707, %parallel_loop3A_709 : vector<16xf32>
      %parallel_loop3A_735 = arith.minimumf %parallel_loop3A_708, %parallel_loop3A_710 : vector<16xf32>
      %parallel_loop3A_736 = arith.maximumf %parallel_loop3A_708, %parallel_loop3A_710 : vector<16xf32>
      %parallel_loop3A_737 = arith.minimumf %parallel_loop3A_711, %parallel_loop3A_713 : vector<16xf32>
      %parallel_loop3A_738 = arith.maximumf %parallel_loop3A_711, %parallel_loop3A_713 : vector<16xf32>
      %parallel_loop3A_739 = arith.minimumf %parallel_loop3A_712, %parallel_loop3A_714 : vector<16xf32>
      %parallel_loop3A_740 = arith.maximumf %parallel_loop3A_712, %parallel_loop3A_714 : vector<16xf32>
      %parallel_loop3A_741 = arith.minimumf %parallel_loop3A_715, %parallel_loop3A_717 : vector<16xf32>
      %parallel_loop3A_742 = arith.maximumf %parallel_loop3A_715, %parallel_loop3A_717 : vector<16xf32>
      %parallel_loop3A_743 = arith.minimumf %parallel_loop3A_716, %parallel_loop3A_718 : vector<16xf32>
      %parallel_loop3A_744 = arith.maximumf %parallel_loop3A_716, %parallel_loop3A_718 : vector<16xf32>
      %parallel_loop3A_745 = arith.minimumf %parallel_loop3A_719, %parallel_loop3A_721 : vector<16xf32>
      %parallel_loop3A_746 = arith.maximumf %parallel_loop3A_719, %parallel_loop3A_721 : vector<16xf32>
      %parallel_loop3A_747 = arith.minimumf %parallel_loop3A_720, %parallel_loop3A_722 : vector<16xf32>
      %parallel_loop3A_748 = arith.maximumf %parallel_loop3A_720, %parallel_loop3A_722 : vector<16xf32>
      %parallel_loop3A_749 = arith.minimumf %parallel_loop3A_723, %parallel_loop3A_672 : vector<16xf32>
      %parallel_loop3A_750 = arith.maximumf %parallel_loop3A_723, %parallel_loop3A_672 : vector<16xf32>
      %parallel_loop3A_751 = arith.constant 0 : i32
      %parallel_loop3A_752 = arith.index_cast %parallel_loop3A_751 : i32 to index
      %parallel_loop3A_753 = arith.index_cast %parallel_loop3A_154 : i32 to index
      %parallel_loop3A_754 = tpu.vector_load %arg20[%parallel_loop3A_752, %parallel_loop3A_753] {strides = array<i32>} : memref<27x256xf32, #tpu.memory_space<vmem>>, vector<16xf32>,
      tpu.vector_store %arg20[%parallel_loop3A_752, %parallel_loop3A_753], %parallel_loop3A_725 {strides = array<i32>} : memref<27x256xf32, #tpu.memory_space<vmem>>, vector<16xf32>,
      %parallel_loop3A_755 = arith.mulf %parallel_loop3A_231, %parallel_loop3A_725 : vector<16xf32>
      %parallel_loop3A_756 = arith.addf %parallel_loop3A_195, %parallel_loop3A_755 : vector<16xf32>
      %parallel_loop3A_757 = arith.constant 0 : i32
      %parallel_loop3A_758 = arith.constant 0 : i32
      %parallel_loop3A_759 = arith.index_cast %parallel_loop3A_757 : i32 to index
      %parallel_loop3A_760 = arith.index_cast %parallel_loop3A_758 : i32 to index
      %parallel_loop3A_761 = arith.index_cast %parallel_loop3A_154 : i32 to index
      %parallel_loop3A_762 = tpu.vector_load %arg21[%parallel_loop3A_759, %parallel_loop3A_760, %parallel_loop3A_761] {strides = array<i32>} : memref<3x27x256xf32, #tpu.memory_space<vmem>>, vector<16xf32>,
      tpu.vector_store %arg21[%parallel_loop3A_759, %parallel_loop3A_760, %parallel_loop3A_761], %parallel_loop3A_756 {strides = array<i32>} : memref<3x27x256xf32, #tpu.memory_space<vmem>>, vector<16xf32>,
      %parallel_loop3A_763 = arith.mulf %parallel_loop3A_235, %parallel_loop3A_725 : vector<16xf32>
      %parallel_loop3A_764 = arith.addf %parallel_loop3A_211, %parallel_loop3A_763 : vector<16xf32>
      %parallel_loop3A_765 = arith.constant 1 : i32
      %parallel_loop3A_766 = arith.constant 0 : i32
      %parallel_loop3A_767 = arith.index_cast %parallel_loop3A_765 : i32 to index
      %parallel_loop3A_768 = arith.index_cast %parallel_loop3A_766 : i32 to index
      %parallel_loop3A_769 = arith.index_cast %parallel_loop3A_154 : i32 to index
      %parallel_loop3A_770 = tpu.vector_load %arg21[%parallel_loop3A_767, %parallel_loop3A_768, %parallel_loop3A_769] {strides = array<i32>} : memref<3x27x256xf32, #tpu.memory_space<vmem>>, vector<16xf32>,
      tpu.vector_store %arg21[%parallel_loop3A_767, %parallel_loop3A_768, %parallel_loop3A_769], %parallel_loop3A_764 {strides = array<i32>} : memref<3x27x256xf32, #tpu.memory_space<vmem>>, vector<16xf32>,
      %parallel_loop3A_771 = arith.mulf %parallel_loop3A_239, %parallel_loop3A_725 : vector<16xf32>
      %parallel_loop3A_772 = arith.addf %parallel_loop3A_227, %parallel_loop3A_771 : vector<16xf32>
      %parallel_loop3A_773 = arith.constant 2 : i32
      %parallel_loop3A_774 = arith.constant 0 : i32
      %parallel_loop3A_775 = arith.index_cast %parallel_loop3A_773 : i32 to index
      %parallel_loop3A_776 = arith.index_cast %parallel_loop3A_774 : i32 to index
      %parallel_loop3A_777 = arith.index_cast %parallel_loop3A_154 : i32 to index
      %parallel_loop3A_778 = tpu.vector_load %arg21[%parallel_loop3A_775, %parallel_loop3A_776, %parallel_loop3A_777] {strides = array<i32>} : memref<3x27x256xf32, #tpu.memory_space<vmem>>, vector<16xf32>,
      tpu.vector_store %arg21[%parallel_loop3A_775, %parallel_loop3A_776, %parallel_loop3A_777], %parallel_loop3A_772 {strides = array<i32>} : memref<3x27x256xf32, #tpu.memory_space<vmem>>, vector<16xf32>,
      %parallel_loop3A_779 = arith.constant 1 : i32
      %parallel_loop3A_780 = arith.index_cast %parallel_loop3A_779 : i32 to index
      %parallel_loop3A_781 = arith.index_cast %parallel_loop3A_154 : i32 to index
      %parallel_loop3A_782 = tpu.vector_load %arg20[%parallel_loop3A_780, %parallel_loop3A_781] {strides = array<i32>} : memref<27x256xf32, #tpu.memory_space<vmem>>, vector<16xf32>,
      tpu.vector_store %arg20[%parallel_loop3A_780, %parallel_loop3A_781], %parallel_loop3A_726 {strides = array<i32>} : memref<27x256xf32, #tpu.memory_space<vmem>>, vector<16xf32>,
      %parallel_loop3A_783 = arith.mulf %parallel_loop3A_231, %parallel_loop3A_726 : vector<16xf32>
      %parallel_loop3A_784 = arith.addf %parallel_loop3A_195, %parallel_loop3A_783 : vector<16xf32>
      %parallel_loop3A_785 = arith.constant 0 : i32
      %parallel_loop3A_786 = arith.constant 1 : i32
      %parallel_loop3A_787 = arith.index_cast %parallel_loop3A_785 : i32 to index
      %parallel_loop3A_788 = arith.index_cast %parallel_loop3A_786 : i32 to index
      %parallel_loop3A_789 = arith.index_cast %parallel_loop3A_154 : i32 to index
      %parallel_loop3A_790 = tpu.vector_load %arg21[%parallel_loop3A_787, %parallel_loop3A_788, %parallel_loop3A_789] {strides = array<i32>} : memref<3x27x256xf32, #tpu.memory_space<vmem>>, vector<16xf32>,
      tpu.vector_store %arg21[%parallel_loop3A_787, %parallel_loop3A_788, %parallel_loop3A_789], %parallel_loop3A_784 {strides = array<i32>} : memref<3x27x256xf32, #tpu.memory_space<vmem>>, vector<16xf32>,
      %parallel_loop3A_791 = arith.mulf %parallel_loop3A_235, %parallel_loop3A_726 : vector<16xf32>
      %parallel_loop3A_792 = arith.addf %parallel_loop3A_211, %parallel_loop3A_791 : vector<16xf32>
      %parallel_loop3A_793 = arith.constant 1 : i32
      %parallel_loop3A_794 = arith.constant 1 : i32
      %parallel_loop3A_795 = arith.index_cast %parallel_loop3A_793 : i32 to index
      %parallel_loop3A_796 = arith.index_cast %parallel_loop3A_794 : i32 to index
      %parallel_loop3A_797 = arith.index_cast %parallel_loop3A_154 : i32 to index
      %parallel_loop3A_798 = tpu.vector_load %arg21[%parallel_loop3A_795, %parallel_loop3A_796, %parallel_loop3A_797] {strides = array<i32>} : memref<3x27x256xf32, #tpu.memory_space<vmem>>, vector<16xf32>,
      tpu.vector_store %arg21[%parallel_loop3A_795, %parallel_loop3A_796, %parallel_loop3A_797], %parallel_loop3A_792 {strides = array<i32>} : memref<3x27x256xf32, #tpu.memory_space<vmem>>, vector<16xf32>,
      %parallel_loop3A_799 = arith.mulf %parallel_loop3A_239, %parallel_loop3A_726 : vector<16xf32>
      %parallel_loop3A_800 = arith.addf %parallel_loop3A_227, %parallel_loop3A_799 : vector<16xf32>
      %parallel_loop3A_801 = arith.constant 2 : i32
      %parallel_loop3A_802 = arith.constant 1 : i32
      %parallel_loop3A_803 = arith.index_cast %parallel_loop3A_801 : i32 to index
      %parallel_loop3A_804 = arith.index_cast %parallel_loop3A_802 : i32 to index
      %parallel_loop3A_805 = arith.index_cast %parallel_loop3A_154 : i32 to index
      %parallel_loop3A_806 = tpu.vector_load %arg21[%parallel_loop3A_803, %parallel_loop3A_804, %parallel_loop3A_805] {strides = array<i32>} : memref<3x27x256xf32, #tpu.memory_space<vmem>>, vector<16xf32>,
      tpu.vector_store %arg21[%parallel_loop3A_803, %parallel_loop3A_804, %parallel_loop3A_805], %parallel_loop3A_800 {strides = array<i32>} : memref<3x27x256xf32, #tpu.memory_space<vmem>>, vector<16xf32>,
      %parallel_loop3A_807 = arith.constant 2 : i32
      %parallel_loop3A_808 = arith.index_cast %parallel_loop3A_807 : i32 to index
      %parallel_loop3A_809 = arith.index_cast %parallel_loop3A_154 : i32 to index
      %parallel_loop3A_810 = tpu.vector_load %arg20[%parallel_loop3A_808, %parallel_loop3A_809] {strides = array<i32>} : memref<27x256xf32, #tpu.memory_space<vmem>>, vector<16xf32>,
      tpu.vector_store %arg20[%parallel_loop3A_808, %parallel_loop3A_809], %parallel_loop3A_727 {strides = array<i32>} : memref<27x256xf32, #tpu.memory_space<vmem>>, vector<16xf32>,
      %parallel_loop3A_811 = arith.mulf %parallel_loop3A_231, %parallel_loop3A_727 : vector<16xf32>
      %parallel_loop3A_812 = arith.addf %parallel_loop3A_195, %parallel_loop3A_811 : vector<16xf32>
      %parallel_loop3A_813 = arith.constant 0 : i32
      %parallel_loop3A_814 = arith.constant 2 : i32
      %parallel_loop3A_815 = arith.index_cast %parallel_loop3A_813 : i32 to index
      %parallel_loop3A_816 = arith.index_cast %parallel_loop3A_814 : i32 to index
      %parallel_loop3A_817 = arith.index_cast %parallel_loop3A_154 : i32 to index
      %parallel_loop3A_818 = tpu.vector_load %arg21[%parallel_loop3A_815, %parallel_loop3A_816, %parallel_loop3A_817] {strides = array<i32>} : memref<3x27x256xf32, #tpu.memory_space<vmem>>, vector<16xf32>,
      tpu.vector_store %arg21[%parallel_loop3A_815, %parallel_loop3A_816, %parallel_loop3A_817], %parallel_loop3A_812 {strides = array<i32>} : memref<3x27x256xf32, #tpu.memory_space<vmem>>, vector<16xf32>,
      %parallel_loop3A_819 = arith.mulf %parallel_loop3A_235, %parallel_loop3A_727 : vector<16xf32>
      %parallel_loop3A_820 = arith.addf %parallel_loop3A_211, %parallel_loop3A_819 : vector<16xf32>
      %parallel_loop3A_821 = arith.constant 1 : i32
      %parallel_loop3A_822 = arith.constant 2 : i32
      %parallel_loop3A_823 = arith.index_cast %parallel_loop3A_821 : i32 to index
      %parallel_loop3A_824 = arith.index_cast %parallel_loop3A_822 : i32 to index
      %parallel_loop3A_825 = arith.index_cast %parallel_loop3A_154 : i32 to index
      %parallel_loop3A_826 = tpu.vector_load %arg21[%parallel_loop3A_823, %parallel_loop3A_824, %parallel_loop3A_825] {strides = array<i32>} : memref<3x27x256xf32, #tpu.memory_space<vmem>>, vector<16xf32>,
      tpu.vector_store %arg21[%parallel_loop3A_823, %parallel_loop3A_824, %parallel_loop3A_825], %parallel_loop3A_820 {strides = array<i32>} : memref<3x27x256xf32, #tpu.memory_space<vmem>>, vector<16xf32>,
      %parallel_loop3A_827 = arith.mulf %parallel_loop3A_239, %parallel_loop3A_727 : vector<16xf32>
      %parallel_loop3A_828 = arith.addf %parallel_loop3A_227, %parallel_loop3A_827 : vector<16xf32>
      %parallel_loop3A_829 = arith.constant 2 : i32
      %parallel_loop3A_830 = arith.constant 2 : i32
      %parallel_loop3A_831 = arith.index_cast %parallel_loop3A_829 : i32 to index
      %parallel_loop3A_832 = arith.index_cast %parallel_loop3A_830 : i32 to index
      %parallel_loop3A_833 = arith.index_cast %parallel_loop3A_154 : i32 to index
      %parallel_loop3A_834 = tpu.vector_load %arg21[%parallel_loop3A_831, %parallel_loop3A_832, %parallel_loop3A_833] {strides = array<i32>} : memref<3x27x256xf32, #tpu.memory_space<vmem>>, vector<16xf32>,
      tpu.vector_store %arg21[%parallel_loop3A_831, %parallel_loop3A_832, %parallel_loop3A_833], %parallel_loop3A_828 {strides = array<i32>} : memref<3x27x256xf32, #tpu.memory_space<vmem>>, vector<16xf32>,
      %parallel_loop3A_835 = arith.constant 3 : i32
      %parallel_loop3A_836 = arith.index_cast %parallel_loop3A_835 : i32 to index
      %parallel_loop3A_837 = arith.index_cast %parallel_loop3A_154 : i32 to index
      %parallel_loop3A_838 = tpu.vector_load %arg20[%parallel_loop3A_836, %parallel_loop3A_837] {strides = array<i32>} : memref<27x256xf32, #tpu.memory_space<vmem>>, vector<16xf32>,
      tpu.vector_store %arg20[%parallel_loop3A_836, %parallel_loop3A_837], %parallel_loop3A_728 {strides = array<i32>} : memref<27x256xf32, #tpu.memory_space<vmem>>, vector<16xf32>,
      %parallel_loop3A_839 = arith.mulf %parallel_loop3A_231, %parallel_loop3A_728 : vector<16xf32>
      %parallel_loop3A_840 = arith.addf %parallel_loop3A_195, %parallel_loop3A_839 : vector<16xf32>
      %parallel_loop3A_841 = arith.constant 0 : i32
      %parallel_loop3A_842 = arith.constant 3 : i32
      %parallel_loop3A_843 = arith.index_cast %parallel_loop3A_841 : i32 to index
      %parallel_loop3A_844 = arith.index_cast %parallel_loop3A_842 : i32 to index
      %parallel_loop3A_845 = arith.index_cast %parallel_loop3A_154 : i32 to index
      %parallel_loop3A_846 = tpu.vector_load %arg21[%parallel_loop3A_843, %parallel_loop3A_844, %parallel_loop3A_845] {strides = array<i32>} : memref<3x27x256xf32, #tpu.memory_space<vmem>>, vector<16xf32>,
      tpu.vector_store %arg21[%parallel_loop3A_843, %parallel_loop3A_844, %parallel_loop3A_845], %parallel_loop3A_840 {strides = array<i32>} : memref<3x27x256xf32, #tpu.memory_space<vmem>>, vector<16xf32>,
      %parallel_loop3A_847 = arith.mulf %parallel_loop3A_235, %parallel_loop3A_728 : vector<16xf32>
      %parallel_loop3A_848 = arith.addf %parallel_loop3A_211, %parallel_loop3A_847 : vector<16xf32>
      %parallel_loop3A_849 = arith.constant 1 : i32
      %parallel_loop3A_850 = arith.constant 3 : i32
      %parallel_loop3A_851 = arith.index_cast %parallel_loop3A_849 : i32 to index
      %parallel_loop3A_852 = arith.index_cast %parallel_loop3A_850 : i32 to index
      %parallel_loop3A_853 = arith.index_cast %parallel_loop3A_154 : i32 to index
      %parallel_loop3A_854 = tpu.vector_load %arg21[%parallel_loop3A_851, %parallel_loop3A_852, %parallel_loop3A_853] {strides = array<i32>} : memref<3x27x256xf32, #tpu.memory_space<vmem>>, vector<16xf32>,
      tpu.vector_store %arg21[%parallel_loop3A_851, %parallel_loop3A_852, %parallel_loop3A_853], %parallel_loop3A_848 {strides = array<i32>} : memref<3x27x256xf32, #tpu.memory_space<vmem>>, vector<16xf32>,
      %parallel_loop3A_855 = arith.mulf %parallel_loop3A_239, %parallel_loop3A_728 : vector<16xf32>
      %parallel_loop3A_856 = arith.addf %parallel_loop3A_227, %parallel_loop3A_855 : vector<16xf32>
      %parallel_loop3A_857 = arith.constant 2 : i32
      %parallel_loop3A_858 = arith.constant 3 : i32
      %parallel_loop3A_859 = arith.index_cast %parallel_loop3A_857 : i32 to index
      %parallel_loop3A_860 = arith.index_cast %parallel_loop3A_858 : i32 to index
      %parallel_loop3A_861 = arith.index_cast %parallel_loop3A_154 : i32 to index
      %parallel_loop3A_862 = tpu.vector_load %arg21[%parallel_loop3A_859, %parallel_loop3A_860, %parallel_loop3A_861] {strides = array<i32>} : memref<3x27x256xf32, #tpu.memory_space<vmem>>, vector<16xf32>,
      tpu.vector_store %arg21[%parallel_loop3A_859, %parallel_loop3A_860, %parallel_loop3A_861], %parallel_loop3A_856 {strides = array<i32>} : memref<3x27x256xf32, #tpu.memory_space<vmem>>, vector<16xf32>,
      %parallel_loop3A_863 = arith.constant 4 : i32
      %parallel_loop3A_864 = arith.index_cast %parallel_loop3A_863 : i32 to index
      %parallel_loop3A_865 = arith.index_cast %parallel_loop3A_154 : i32 to index
      %parallel_loop3A_866 = tpu.vector_load %arg20[%parallel_loop3A_864, %parallel_loop3A_865] {strides = array<i32>} : memref<27x256xf32, #tpu.memory_space<vmem>>, vector<16xf32>,
      tpu.vector_store %arg20[%parallel_loop3A_864, %parallel_loop3A_865], %parallel_loop3A_729 {strides = array<i32>} : memref<27x256xf32, #tpu.memory_space<vmem>>, vector<16xf32>,
      %parallel_loop3A_867 = arith.mulf %parallel_loop3A_231, %parallel_loop3A_729 : vector<16xf32>
      %parallel_loop3A_868 = arith.addf %parallel_loop3A_195, %parallel_loop3A_867 : vector<16xf32>
      %parallel_loop3A_869 = arith.constant 0 : i32
      %parallel_loop3A_870 = arith.constant 4 : i32
      %parallel_loop3A_871 = arith.index_cast %parallel_loop3A_869 : i32 to index
      %parallel_loop3A_872 = arith.index_cast %parallel_loop3A_870 : i32 to index
      %parallel_loop3A_873 = arith.index_cast %parallel_loop3A_154 : i32 to index
      %parallel_loop3A_874 = tpu.vector_load %arg21[%parallel_loop3A_871, %parallel_loop3A_872, %parallel_loop3A_873] {strides = array<i32>} : memref<3x27x256xf32, #tpu.memory_space<vmem>>, vector<16xf32>,
      tpu.vector_store %arg21[%parallel_loop3A_871, %parallel_loop3A_872, %parallel_loop3A_873], %parallel_loop3A_868 {strides = array<i32>} : memref<3x27x256xf32, #tpu.memory_space<vmem>>, vector<16xf32>,
      %parallel_loop3A_875 = arith.mulf %parallel_loop3A_235, %parallel_loop3A_729 : vector<16xf32>
      %parallel_loop3A_876 = arith.addf %parallel_loop3A_211, %parallel_loop3A_875 : vector<16xf32>
      %parallel_loop3A_877 = arith.constant 1 : i32
      %parallel_loop3A_878 = arith.constant 4 : i32
      %parallel_loop3A_879 = arith.index_cast %parallel_loop3A_877 : i32 to index
      %parallel_loop3A_880 = arith.index_cast %parallel_loop3A_878 : i32 to index
      %parallel_loop3A_881 = arith.index_cast %parallel_loop3A_154 : i32 to index
      %parallel_loop3A_882 = tpu.vector_load %arg21[%parallel_loop3A_879, %parallel_loop3A_880, %parallel_loop3A_881] {strides = array<i32>} : memref<3x27x256xf32, #tpu.memory_space<vmem>>, vector<16xf32>,
      tpu.vector_store %arg21[%parallel_loop3A_879, %parallel_loop3A_880, %parallel_loop3A_881], %parallel_loop3A_876 {strides = array<i32>} : memref<3x27x256xf32, #tpu.memory_space<vmem>>, vector<16xf32>,
      %parallel_loop3A_883 = arith.mulf %parallel_loop3A_239, %parallel_loop3A_729 : vector<16xf32>
      %parallel_loop3A_884 = arith.addf %parallel_loop3A_227, %parallel_loop3A_883 : vector<16xf32>
      %parallel_loop3A_885 = arith.constant 2 : i32
      %parallel_loop3A_886 = arith.constant 4 : i32
      %parallel_loop3A_887 = arith.index_cast %parallel_loop3A_885 : i32 to index
      %parallel_loop3A_888 = arith.index_cast %parallel_loop3A_886 : i32 to index
      %parallel_loop3A_889 = arith.index_cast %parallel_loop3A_154 : i32 to index
      %parallel_loop3A_890 = tpu.vector_load %arg21[%parallel_loop3A_887, %parallel_loop3A_888, %parallel_loop3A_889] {strides = array<i32>} : memref<3x27x256xf32, #tpu.memory_space<vmem>>, vector<16xf32>,
      tpu.vector_store %arg21[%parallel_loop3A_887, %parallel_loop3A_888, %parallel_loop3A_889], %parallel_loop3A_884 {strides = array<i32>} : memref<3x27x256xf32, #tpu.memory_space<vmem>>, vector<16xf32>,
      %parallel_loop3A_891 = arith.constant 5 : i32
      %parallel_loop3A_892 = arith.index_cast %parallel_loop3A_891 : i32 to index
      %parallel_loop3A_893 = arith.index_cast %parallel_loop3A_154 : i32 to index
      %parallel_loop3A_894 = tpu.vector_load %arg20[%parallel_loop3A_892, %parallel_loop3A_893] {strides = array<i32>} : memref<27x256xf32, #tpu.memory_space<vmem>>, vector<16xf32>,
      tpu.vector_store %arg20[%parallel_loop3A_892, %parallel_loop3A_893], %parallel_loop3A_730 {strides = array<i32>} : memref<27x256xf32, #tpu.memory_space<vmem>>, vector<16xf32>,
      %parallel_loop3A_895 = arith.mulf %parallel_loop3A_231, %parallel_loop3A_730 : vector<16xf32>
      %parallel_loop3A_896 = arith.addf %parallel_loop3A_195, %parallel_loop3A_895 : vector<16xf32>
      %parallel_loop3A_897 = arith.constant 0 : i32
      %parallel_loop3A_898 = arith.constant 5 : i32
      %parallel_loop3A_899 = arith.index_cast %parallel_loop3A_897 : i32 to index
      %parallel_loop3A_900 = arith.index_cast %parallel_loop3A_898 : i32 to index
      %parallel_loop3A_901 = arith.index_cast %parallel_loop3A_154 : i32 to index
      %parallel_loop3A_902 = tpu.vector_load %arg21[%parallel_loop3A_899, %parallel_loop3A_900, %parallel_loop3A_901] {strides = array<i32>} : memref<3x27x256xf32, #tpu.memory_space<vmem>>, vector<16xf32>,
      tpu.vector_store %arg21[%parallel_loop3A_899, %parallel_loop3A_900, %parallel_loop3A_901], %parallel_loop3A_896 {strides = array<i32>} : memref<3x27x256xf32, #tpu.memory_space<vmem>>, vector<16xf32>,
      %parallel_loop3A_903 = arith.mulf %parallel_loop3A_235, %parallel_loop3A_730 : vector<16xf32>
      %parallel_loop3A_904 = arith.addf %parallel_loop3A_211, %parallel_loop3A_903 : vector<16xf32>
      %parallel_loop3A_905 = arith.constant 1 : i32
      %parallel_loop3A_906 = arith.constant 5 : i32
      %parallel_loop3A_907 = arith.index_cast %parallel_loop3A_905 : i32 to index
      %parallel_loop3A_908 = arith.index_cast %parallel_loop3A_906 : i32 to index
      %parallel_loop3A_909 = arith.index_cast %parallel_loop3A_154 : i32 to index
      %parallel_loop3A_910 = tpu.vector_load %arg21[%parallel_loop3A_907, %parallel_loop3A_908, %parallel_loop3A_909] {strides = array<i32>} : memref<3x27x256xf32, #tpu.memory_space<vmem>>, vector<16xf32>,
      tpu.vector_store %arg21[%parallel_loop3A_907, %parallel_loop3A_908, %parallel_loop3A_909], %parallel_loop3A_904 {strides = array<i32>} : memref<3x27x256xf32, #tpu.memory_space<vmem>>, vector<16xf32>,
      %parallel_loop3A_911 = arith.mulf %parallel_loop3A_239, %parallel_loop3A_730 : vector<16xf32>
      %parallel_loop3A_912 = arith.addf %parallel_loop3A_227, %parallel_loop3A_911 : vector<16xf32>
      %parallel_loop3A_913 = arith.constant 2 : i32
      %parallel_loop3A_914 = arith.constant 5 : i32
      %parallel_loop3A_915 = arith.index_cast %parallel_loop3A_913 : i32 to index
      %parallel_loop3A_916 = arith.index_cast %parallel_loop3A_914 : i32 to index
      %parallel_loop3A_917 = arith.index_cast %parallel_loop3A_154 : i32 to index
      %parallel_loop3A_918 = tpu.vector_load %arg21[%parallel_loop3A_915, %parallel_loop3A_916, %parallel_loop3A_917] {strides = array<i32>} : memref<3x27x256xf32, #tpu.memory_space<vmem>>, vector<16xf32>,
      tpu.vector_store %arg21[%parallel_loop3A_915, %parallel_loop3A_916, %parallel_loop3A_917], %parallel_loop3A_912 {strides = array<i32>} : memref<3x27x256xf32, #tpu.memory_space<vmem>>, vector<16xf32>,
      %parallel_loop3A_919 = arith.constant 6 : i32
      %parallel_loop3A_920 = arith.index_cast %parallel_loop3A_919 : i32 to index
      %parallel_loop3A_921 = arith.index_cast %parallel_loop3A_154 : i32 to index
      %parallel_loop3A_922 = tpu.vector_load %arg20[%parallel_loop3A_920, %parallel_loop3A_921] {strides = array<i32>} : memref<27x256xf32, #tpu.memory_space<vmem>>, vector<16xf32>,
      tpu.vector_store %arg20[%parallel_loop3A_920, %parallel_loop3A_921], %parallel_loop3A_731 {strides = array<i32>} : memref<27x256xf32, #tpu.memory_space<vmem>>, vector<16xf32>,
      %parallel_loop3A_923 = arith.mulf %parallel_loop3A_231, %parallel_loop3A_731 : vector<16xf32>
      %parallel_loop3A_924 = arith.addf %parallel_loop3A_195, %parallel_loop3A_923 : vector<16xf32>
      %parallel_loop3A_925 = arith.constant 0 : i32
      %parallel_loop3A_926 = arith.constant 6 : i32
      %parallel_loop3A_927 = arith.index_cast %parallel_loop3A_925 : i32 to index
      %parallel_loop3A_928 = arith.index_cast %parallel_loop3A_926 : i32 to index
      %parallel_loop3A_929 = arith.index_cast %parallel_loop3A_154 : i32 to index
      %parallel_loop3A_930 = tpu.vector_load %arg21[%parallel_loop3A_927, %parallel_loop3A_928, %parallel_loop3A_929] {strides = array<i32>} : memref<3x27x256xf32, #tpu.memory_space<vmem>>, vector<16xf32>,
      tpu.vector_store %arg21[%parallel_loop3A_927, %parallel_loop3A_928, %parallel_loop3A_929], %parallel_loop3A_924 {strides = array<i32>} : memref<3x27x256xf32, #tpu.memory_space<vmem>>, vector<16xf32>,
      %parallel_loop3A_931 = arith.mulf %parallel_loop3A_235, %parallel_loop3A_731 : vector<16xf32>
      %parallel_loop3A_932 = arith.addf %parallel_loop3A_211, %parallel_loop3A_931 : vector<16xf32>
      %parallel_loop3A_933 = arith.constant 1 : i32
      %parallel_loop3A_934 = arith.constant 6 : i32
      %parallel_loop3A_935 = arith.index_cast %parallel_loop3A_933 : i32 to index
      %parallel_loop3A_936 = arith.index_cast %parallel_loop3A_934 : i32 to index
      %parallel_loop3A_937 = arith.index_cast %parallel_loop3A_154 : i32 to index
      %parallel_loop3A_938 = tpu.vector_load %arg21[%parallel_loop3A_935, %parallel_loop3A_936, %parallel_loop3A_937] {strides = array<i32>} : memref<3x27x256xf32, #tpu.memory_space<vmem>>, vector<16xf32>,
      tpu.vector_store %arg21[%parallel_loop3A_935, %parallel_loop3A_936, %parallel_loop3A_937], %parallel_loop3A_932 {strides = array<i32>} : memref<3x27x256xf32, #tpu.memory_space<vmem>>, vector<16xf32>,
      %parallel_loop3A_939 = arith.mulf %parallel_loop3A_239, %parallel_loop3A_731 : vector<16xf32>
      %parallel_loop3A_940 = arith.addf %parallel_loop3A_227, %parallel_loop3A_939 : vector<16xf32>
      %parallel_loop3A_941 = arith.constant 2 : i32
      %parallel_loop3A_942 = arith.constant 6 : i32
      %parallel_loop3A_943 = arith.index_cast %parallel_loop3A_941 : i32 to index
      %parallel_loop3A_944 = arith.index_cast %parallel_loop3A_942 : i32 to index
      %parallel_loop3A_945 = arith.index_cast %parallel_loop3A_154 : i32 to index
      %parallel_loop3A_946 = tpu.vector_load %arg21[%parallel_loop3A_943, %parallel_loop3A_944, %parallel_loop3A_945] {strides = array<i32>} : memref<3x27x256xf32, #tpu.memory_space<vmem>>, vector<16xf32>,
      tpu.vector_store %arg21[%parallel_loop3A_943, %parallel_loop3A_944, %parallel_loop3A_945], %parallel_loop3A_940 {strides = array<i32>} : memref<3x27x256xf32, #tpu.memory_space<vmem>>, vector<16xf32>,
      %parallel_loop3A_947 = arith.constant 7 : i32
      %parallel_loop3A_948 = arith.index_cast %parallel_loop3A_947 : i32 to index
      %parallel_loop3A_949 = arith.index_cast %parallel_loop3A_154 : i32 to index
      %parallel_loop3A_950 = tpu.vector_load %arg20[%parallel_loop3A_948, %parallel_loop3A_949] {strides = array<i32>} : memref<27x256xf32, #tpu.memory_space<vmem>>, vector<16xf32>,
      tpu.vector_store %arg20[%parallel_loop3A_948, %parallel_loop3A_949], %parallel_loop3A_732 {strides = array<i32>} : memref<27x256xf32, #tpu.memory_space<vmem>>, vector<16xf32>,
      %parallel_loop3A_951 = arith.mulf %parallel_loop3A_231, %parallel_loop3A_732 : vector<16xf32>
      %parallel_loop3A_952 = arith.addf %parallel_loop3A_195, %parallel_loop3A_951 : vector<16xf32>
      %parallel_loop3A_953 = arith.constant 0 : i32
      %parallel_loop3A_954 = arith.constant 7 : i32
      %parallel_loop3A_955 = arith.index_cast %parallel_loop3A_953 : i32 to index
      %parallel_loop3A_956 = arith.index_cast %parallel_loop3A_954 : i32 to index
      %parallel_loop3A_957 = arith.index_cast %parallel_loop3A_154 : i32 to index
      %parallel_loop3A_958 = tpu.vector_load %arg21[%parallel_loop3A_955, %parallel_loop3A_956, %parallel_loop3A_957] {strides = array<i32>} : memref<3x27x256xf32, #tpu.memory_space<vmem>>, vector<16xf32>,
      tpu.vector_store %arg21[%parallel_loop3A_955, %parallel_loop3A_956, %parallel_loop3A_957], %parallel_loop3A_952 {strides = array<i32>} : memref<3x27x256xf32, #tpu.memory_space<vmem>>, vector<16xf32>,
      %parallel_loop3A_959 = arith.mulf %parallel_loop3A_235, %parallel_loop3A_732 : vector<16xf32>
      %parallel_loop3A_960 = arith.addf %parallel_loop3A_211, %parallel_loop3A_959 : vector<16xf32>
      %parallel_loop3A_961 = arith.constant 1 : i32
      %parallel_loop3A_962 = arith.constant 7 : i32
      %parallel_loop3A_963 = arith.index_cast %parallel_loop3A_961 : i32 to index
      %parallel_loop3A_964 = arith.index_cast %parallel_loop3A_962 : i32 to index
      %parallel_loop3A_965 = arith.index_cast %parallel_loop3A_154 : i32 to index
      %parallel_loop3A_966 = tpu.vector_load %arg21[%parallel_loop3A_963, %parallel_loop3A_964, %parallel_loop3A_965] {strides = array<i32>} : memref<3x27x256xf32, #tpu.memory_space<vmem>>, vector<16xf32>,
      tpu.vector_store %arg21[%parallel_loop3A_963, %parallel_loop3A_964, %parallel_loop3A_965], %parallel_loop3A_960 {strides = array<i32>} : memref<3x27x256xf32, #tpu.memory_space<vmem>>, vector<16xf32>,
      %parallel_loop3A_967 = arith.mulf %parallel_loop3A_239, %parallel_loop3A_732 : vector<16xf32>
      %parallel_loop3A_968 = arith.addf %parallel_loop3A_227, %parallel_loop3A_967 : vector<16xf32>
      %parallel_loop3A_969 = arith.constant 2 : i32
      %parallel_loop3A_970 = arith.constant 7 : i32
      %parallel_loop3A_971 = arith.index_cast %parallel_loop3A_969 : i32 to index
      %parallel_loop3A_972 = arith.index_cast %parallel_loop3A_970 : i32 to index
      %parallel_loop3A_973 = arith.index_cast %parallel_loop3A_154 : i32 to index
      %parallel_loop3A_974 = tpu.vector_load %arg21[%parallel_loop3A_971, %parallel_loop3A_972, %parallel_loop3A_973] {strides = array<i32>} : memref<3x27x256xf32, #tpu.memory_space<vmem>>, vector<16xf32>,
      tpu.vector_store %arg21[%parallel_loop3A_971, %parallel_loop3A_972, %parallel_loop3A_973], %parallel_loop3A_968 {strides = array<i32>} : memref<3x27x256xf32, #tpu.memory_space<vmem>>, vector<16xf32>,
      %parallel_loop3A_975 = arith.constant 8 : i32
      %parallel_loop3A_976 = arith.index_cast %parallel_loop3A_975 : i32 to index
      %parallel_loop3A_977 = arith.index_cast %parallel_loop3A_154 : i32 to index
      %parallel_loop3A_978 = tpu.vector_load %arg20[%parallel_loop3A_976, %parallel_loop3A_977] {strides = array<i32>} : memref<27x256xf32, #tpu.memory_space<vmem>>, vector<16xf32>,
      tpu.vector_store %arg20[%parallel_loop3A_976, %parallel_loop3A_977], %parallel_loop3A_733 {strides = array<i32>} : memref<27x256xf32, #tpu.memory_space<vmem>>, vector<16xf32>,
      %parallel_loop3A_979 = arith.mulf %parallel_loop3A_231, %parallel_loop3A_733 : vector<16xf32>
      %parallel_loop3A_980 = arith.addf %parallel_loop3A_195, %parallel_loop3A_979 : vector<16xf32>
      %parallel_loop3A_981 = arith.constant 0 : i32
      %parallel_loop3A_982 = arith.constant 8 : i32
      %parallel_loop3A_983 = arith.index_cast %parallel_loop3A_981 : i32 to index
      %parallel_loop3A_984 = arith.index_cast %parallel_loop3A_982 : i32 to index
      %parallel_loop3A_985 = arith.index_cast %parallel_loop3A_154 : i32 to index
      %parallel_loop3A_986 = tpu.vector_load %arg21[%parallel_loop3A_983, %parallel_loop3A_984, %parallel_loop3A_985] {strides = array<i32>} : memref<3x27x256xf32, #tpu.memory_space<vmem>>, vector<16xf32>,
      tpu.vector_store %arg21[%parallel_loop3A_983, %parallel_loop3A_984, %parallel_loop3A_985], %parallel_loop3A_980 {strides = array<i32>} : memref<3x27x256xf32, #tpu.memory_space<vmem>>, vector<16xf32>,
      %parallel_loop3A_987 = arith.mulf %parallel_loop3A_235, %parallel_loop3A_733 : vector<16xf32>
      %parallel_loop3A_988 = arith.addf %parallel_loop3A_211, %parallel_loop3A_987 : vector<16xf32>
      %parallel_loop3A_989 = arith.constant 1 : i32
      %parallel_loop3A_990 = arith.constant 8 : i32
      %parallel_loop3A_991 = arith.index_cast %parallel_loop3A_989 : i32 to index
      %parallel_loop3A_992 = arith.index_cast %parallel_loop3A_990 : i32 to index
      %parallel_loop3A_993 = arith.index_cast %parallel_loop3A_154 : i32 to index
      %parallel_loop3A_994 = tpu.vector_load %arg21[%parallel_loop3A_991, %parallel_loop3A_992, %parallel_loop3A_993] {strides = array<i32>} : memref<3x27x256xf32, #tpu.memory_space<vmem>>, vector<16xf32>,
      tpu.vector_store %arg21[%parallel_loop3A_991, %parallel_loop3A_992, %parallel_loop3A_993], %parallel_loop3A_988 {strides = array<i32>} : memref<3x27x256xf32, #tpu.memory_space<vmem>>, vector<16xf32>,
      %parallel_loop3A_995 = arith.mulf %parallel_loop3A_239, %parallel_loop3A_733 : vector<16xf32>
      %parallel_loop3A_996 = arith.addf %parallel_loop3A_227, %parallel_loop3A_995 : vector<16xf32>
      %parallel_loop3A_997 = arith.constant 2 : i32
      %parallel_loop3A_998 = arith.constant 8 : i32
      %parallel_loop3A_999 = arith.index_cast %parallel_loop3A_997 : i32 to index
      %parallel_loop3A_1000 = arith.index_cast %parallel_loop3A_998 : i32 to index
      %parallel_loop3A_1001 = arith.index_cast %parallel_loop3A_154 : i32 to index
      %parallel_loop3A_1002 = tpu.vector_load %arg21[%parallel_loop3A_999, %parallel_loop3A_1000, %parallel_loop3A_1001] {strides = array<i32>} : memref<3x27x256xf32, #tpu.memory_space<vmem>>, vector<16xf32>,
      tpu.vector_store %arg21[%parallel_loop3A_999, %parallel_loop3A_1000, %parallel_loop3A_1001], %parallel_loop3A_996 {strides = array<i32>} : memref<3x27x256xf32, #tpu.memory_space<vmem>>, vector<16xf32>,
      %parallel_loop3A_1003 = arith.constant 9 : i32
      %parallel_loop3A_1004 = arith.index_cast %parallel_loop3A_1003 : i32 to index
      %parallel_loop3A_1005 = arith.index_cast %parallel_loop3A_154 : i32 to index
      %parallel_loop3A_1006 = tpu.vector_load %arg20[%parallel_loop3A_1004, %parallel_loop3A_1005] {strides = array<i32>} : memref<27x256xf32, #tpu.memory_space<vmem>>, vector<16xf32>,
      tpu.vector_store %arg20[%parallel_loop3A_1004, %parallel_loop3A_1005], %parallel_loop3A_734 {strides = array<i32>} : memref<27x256xf32, #tpu.memory_space<vmem>>, vector<16xf32>,
      %parallel_loop3A_1007 = arith.mulf %parallel_loop3A_231, %parallel_loop3A_734 : vector<16xf32>
      %parallel_loop3A_1008 = arith.addf %parallel_loop3A_195, %parallel_loop3A_1007 : vector<16xf32>
      %parallel_loop3A_1009 = arith.constant 0 : i32
      %parallel_loop3A_1010 = arith.constant 9 : i32
      %parallel_loop3A_1011 = arith.index_cast %parallel_loop3A_1009 : i32 to index
      %parallel_loop3A_1012 = arith.index_cast %parallel_loop3A_1010 : i32 to index
      %parallel_loop3A_1013 = arith.index_cast %parallel_loop3A_154 : i32 to index
      %parallel_loop3A_1014 = tpu.vector_load %arg21[%parallel_loop3A_1011, %parallel_loop3A_1012, %parallel_loop3A_1013] {strides = array<i32>} : memref<3x27x256xf32, #tpu.memory_space<vmem>>, vector<16xf32>,
      tpu.vector_store %arg21[%parallel_loop3A_1011, %parallel_loop3A_1012, %parallel_loop3A_1013], %parallel_loop3A_1008 {strides = array<i32>} : memref<3x27x256xf32, #tpu.memory_space<vmem>>, vector<16xf32>,
      %parallel_loop3A_1015 = arith.mulf %parallel_loop3A_235, %parallel_loop3A_734 : vector<16xf32>
      %parallel_loop3A_1016 = arith.addf %parallel_loop3A_211, %parallel_loop3A_1015 : vector<16xf32>
      %parallel_loop3A_1017 = arith.constant 1 : i32
      %parallel_loop3A_1018 = arith.constant 9 : i32
      %parallel_loop3A_1019 = arith.index_cast %parallel_loop3A_1017 : i32 to index
      %parallel_loop3A_1020 = arith.index_cast %parallel_loop3A_1018 : i32 to index
      %parallel_loop3A_1021 = arith.index_cast %parallel_loop3A_154 : i32 to index
      %parallel_loop3A_1022 = tpu.vector_load %arg21[%parallel_loop3A_1019, %parallel_loop3A_1020, %parallel_loop3A_1021] {strides = array<i32>} : memref<3x27x256xf32, #tpu.memory_space<vmem>>, vector<16xf32>,
      tpu.vector_store %arg21[%parallel_loop3A_1019, %parallel_loop3A_1020, %parallel_loop3A_1021], %parallel_loop3A_1016 {strides = array<i32>} : memref<3x27x256xf32, #tpu.memory_space<vmem>>, vector<16xf32>,
      %parallel_loop3A_1023 = arith.mulf %parallel_loop3A_239, %parallel_loop3A_734 : vector<16xf32>
      %parallel_loop3A_1024 = arith.addf %parallel_loop3A_227, %parallel_loop3A_1023 : vector<16xf32>
      %parallel_loop3A_1025 = arith.constant 2 : i32
      %parallel_loop3A_1026 = arith.constant 9 : i32
      %parallel_loop3A_1027 = arith.index_cast %parallel_loop3A_1025 : i32 to index
      %parallel_loop3A_1028 = arith.index_cast %parallel_loop3A_1026 : i32 to index
      %parallel_loop3A_1029 = arith.index_cast %parallel_loop3A_154 : i32 to index
      %parallel_loop3A_1030 = tpu.vector_load %arg21[%parallel_loop3A_1027, %parallel_loop3A_1028, %parallel_loop3A_1029] {strides = array<i32>} : memref<3x27x256xf32, #tpu.memory_space<vmem>>, vector<16xf32>,
      tpu.vector_store %arg21[%parallel_loop3A_1027, %parallel_loop3A_1028, %parallel_loop3A_1029], %parallel_loop3A_1024 {strides = array<i32>} : memref<3x27x256xf32, #tpu.memory_space<vmem>>, vector<16xf32>,
      %parallel_loop3A_1031 = arith.constant 10 : i32
      %parallel_loop3A_1032 = arith.index_cast %parallel_loop3A_1031 : i32 to index
      %parallel_loop3A_1033 = arith.index_cast %parallel_loop3A_154 : i32 to index
      %parallel_loop3A_1034 = tpu.vector_load %arg20[%parallel_loop3A_1032, %parallel_loop3A_1033] {strides = array<i32>} : memref<27x256xf32, #tpu.memory_space<vmem>>, vector<16xf32>,
      tpu.vector_store %arg20[%parallel_loop3A_1032, %parallel_loop3A_1033], %parallel_loop3A_735 {strides = array<i32>} : memref<27x256xf32, #tpu.memory_space<vmem>>, vector<16xf32>,
      %parallel_loop3A_1035 = arith.mulf %parallel_loop3A_231, %parallel_loop3A_735 : vector<16xf32>
      %parallel_loop3A_1036 = arith.addf %parallel_loop3A_195, %parallel_loop3A_1035 : vector<16xf32>
      %parallel_loop3A_1037 = arith.constant 0 : i32
      %parallel_loop3A_1038 = arith.constant 10 : i32
      %parallel_loop3A_1039 = arith.index_cast %parallel_loop3A_1037 : i32 to index
      %parallel_loop3A_1040 = arith.index_cast %parallel_loop3A_1038 : i32 to index
      %parallel_loop3A_1041 = arith.index_cast %parallel_loop3A_154 : i32 to index
      %parallel_loop3A_1042 = tpu.vector_load %arg21[%parallel_loop3A_1039, %parallel_loop3A_1040, %parallel_loop3A_1041] {strides = array<i32>} : memref<3x27x256xf32, #tpu.memory_space<vmem>>, vector<16xf32>,
      tpu.vector_store %arg21[%parallel_loop3A_1039, %parallel_loop3A_1040, %parallel_loop3A_1041], %parallel_loop3A_1036 {strides = array<i32>} : memref<3x27x256xf32, #tpu.memory_space<vmem>>, vector<16xf32>,
      %parallel_loop3A_1043 = arith.mulf %parallel_loop3A_235, %parallel_loop3A_735 : vector<16xf32>
      %parallel_loop3A_1044 = arith.addf %parallel_loop3A_211, %parallel_loop3A_1043 : vector<16xf32>
      %parallel_loop3A_1045 = arith.constant 1 : i32
      %parallel_loop3A_1046 = arith.constant 10 : i32
      %parallel_loop3A_1047 = arith.index_cast %parallel_loop3A_1045 : i32 to index
      %parallel_loop3A_1048 = arith.index_cast %parallel_loop3A_1046 : i32 to index
      %parallel_loop3A_1049 = arith.index_cast %parallel_loop3A_154 : i32 to index
      %parallel_loop3A_1050 = tpu.vector_load %arg21[%parallel_loop3A_1047, %parallel_loop3A_1048, %parallel_loop3A_1049] {strides = array<i32>} : memref<3x27x256xf32, #tpu.memory_space<vmem>>, vector<16xf32>,
      tpu.vector_store %arg21[%parallel_loop3A_1047, %parallel_loop3A_1048, %parallel_loop3A_1049], %parallel_loop3A_1044 {strides = array<i32>} : memref<3x27x256xf32, #tpu.memory_space<vmem>>, vector<16xf32>,
      %parallel_loop3A_1051 = arith.mulf %parallel_loop3A_239, %parallel_loop3A_735 : vector<16xf32>
      %parallel_loop3A_1052 = arith.addf %parallel_loop3A_227, %parallel_loop3A_1051 : vector<16xf32>
      %parallel_loop3A_1053 = arith.constant 2 : i32
      %parallel_loop3A_1054 = arith.constant 10 : i32
      %parallel_loop3A_1055 = arith.index_cast %parallel_loop3A_1053 : i32 to index
      %parallel_loop3A_1056 = arith.index_cast %parallel_loop3A_1054 : i32 to index
      %parallel_loop3A_1057 = arith.index_cast %parallel_loop3A_154 : i32 to index
      %parallel_loop3A_1058 = tpu.vector_load %arg21[%parallel_loop3A_1055, %parallel_loop3A_1056, %parallel_loop3A_1057] {strides = array<i32>} : memref<3x27x256xf32, #tpu.memory_space<vmem>>, vector<16xf32>,
      tpu.vector_store %arg21[%parallel_loop3A_1055, %parallel_loop3A_1056, %parallel_loop3A_1057], %parallel_loop3A_1052 {strides = array<i32>} : memref<3x27x256xf32, #tpu.memory_space<vmem>>, vector<16xf32>,
      %parallel_loop3A_1059 = arith.constant 11 : i32
      %parallel_loop3A_1060 = arith.index_cast %parallel_loop3A_1059 : i32 to index
      %parallel_loop3A_1061 = arith.index_cast %parallel_loop3A_154 : i32 to index
      %parallel_loop3A_1062 = tpu.vector_load %arg20[%parallel_loop3A_1060, %parallel_loop3A_1061] {strides = array<i32>} : memref<27x256xf32, #tpu.memory_space<vmem>>, vector<16xf32>,
      tpu.vector_store %arg20[%parallel_loop3A_1060, %parallel_loop3A_1061], %parallel_loop3A_736 {strides = array<i32>} : memref<27x256xf32, #tpu.memory_space<vmem>>, vector<16xf32>,
      %parallel_loop3A_1063 = arith.mulf %parallel_loop3A_231, %parallel_loop3A_736 : vector<16xf32>
      %parallel_loop3A_1064 = arith.addf %parallel_loop3A_195, %parallel_loop3A_1063 : vector<16xf32>
      %parallel_loop3A_1065 = arith.constant 0 : i32
      %parallel_loop3A_1066 = arith.constant 11 : i32
      %parallel_loop3A_1067 = arith.index_cast %parallel_loop3A_1065 : i32 to index
      %parallel_loop3A_1068 = arith.index_cast %parallel_loop3A_1066 : i32 to index
      %parallel_loop3A_1069 = arith.index_cast %parallel_loop3A_154 : i32 to index
      %parallel_loop3A_1070 = tpu.vector_load %arg21[%parallel_loop3A_1067, %parallel_loop3A_1068, %parallel_loop3A_1069] {strides = array<i32>} : memref<3x27x256xf32, #tpu.memory_space<vmem>>, vector<16xf32>,
      tpu.vector_store %arg21[%parallel_loop3A_1067, %parallel_loop3A_1068, %parallel_loop3A_1069], %parallel_loop3A_1064 {strides = array<i32>} : memref<3x27x256xf32, #tpu.memory_space<vmem>>, vector<16xf32>,
      %parallel_loop3A_1071 = arith.mulf %parallel_loop3A_235, %parallel_loop3A_736 : vector<16xf32>
      %parallel_loop3A_1072 = arith.addf %parallel_loop3A_211, %parallel_loop3A_1071 : vector<16xf32>
      %parallel_loop3A_1073 = arith.constant 1 : i32
      %parallel_loop3A_1074 = arith.constant 11 : i32
      %parallel_loop3A_1075 = arith.index_cast %parallel_loop3A_1073 : i32 to index
      %parallel_loop3A_1076 = arith.index_cast %parallel_loop3A_1074 : i32 to index
      %parallel_loop3A_1077 = arith.index_cast %parallel_loop3A_154 : i32 to index
      %parallel_loop3A_1078 = tpu.vector_load %arg21[%parallel_loop3A_1075, %parallel_loop3A_1076, %parallel_loop3A_1077] {strides = array<i32>} : memref<3x27x256xf32, #tpu.memory_space<vmem>>, vector<16xf32>,
      tpu.vector_store %arg21[%parallel_loop3A_1075, %parallel_loop3A_1076, %parallel_loop3A_1077], %parallel_loop3A_1072 {strides = array<i32>} : memref<3x27x256xf32, #tpu.memory_space<vmem>>, vector<16xf32>,
      %parallel_loop3A_1079 = arith.mulf %parallel_loop3A_239, %parallel_loop3A_736 : vector<16xf32>
      %parallel_loop3A_1080 = arith.addf %parallel_loop3A_227, %parallel_loop3A_1079 : vector<16xf32>
      %parallel_loop3A_1081 = arith.constant 2 : i32
      %parallel_loop3A_1082 = arith.constant 11 : i32
      %parallel_loop3A_1083 = arith.index_cast %parallel_loop3A_1081 : i32 to index
      %parallel_loop3A_1084 = arith.index_cast %parallel_loop3A_1082 : i32 to index
      %parallel_loop3A_1085 = arith.index_cast %parallel_loop3A_154 : i32 to index
      %parallel_loop3A_1086 = tpu.vector_load %arg21[%parallel_loop3A_1083, %parallel_loop3A_1084, %parallel_loop3A_1085] {strides = array<i32>} : memref<3x27x256xf32, #tpu.memory_space<vmem>>, vector<16xf32>,
      tpu.vector_store %arg21[%parallel_loop3A_1083, %parallel_loop3A_1084, %parallel_loop3A_1085], %parallel_loop3A_1080 {strides = array<i32>} : memref<3x27x256xf32, #tpu.memory_space<vmem>>, vector<16xf32>,
      %parallel_loop3A_1087 = arith.constant 12 : i32
      %parallel_loop3A_1088 = arith.index_cast %parallel_loop3A_1087 : i32 to index
      %parallel_loop3A_1089 = arith.index_cast %parallel_loop3A_154 : i32 to index
      %parallel_loop3A_1090 = tpu.vector_load %arg20[%parallel_loop3A_1088, %parallel_loop3A_1089] {strides = array<i32>} : memref<27x256xf32, #tpu.memory_space<vmem>>, vector<16xf32>,
      tpu.vector_store %arg20[%parallel_loop3A_1088, %parallel_loop3A_1089], %parallel_loop3A_737 {strides = array<i32>} : memref<27x256xf32, #tpu.memory_space<vmem>>, vector<16xf32>,
      %parallel_loop3A_1091 = arith.mulf %parallel_loop3A_231, %parallel_loop3A_737 : vector<16xf32>
      %parallel_loop3A_1092 = arith.addf %parallel_loop3A_195, %parallel_loop3A_1091 : vector<16xf32>
      %parallel_loop3A_1093 = arith.constant 0 : i32
      %parallel_loop3A_1094 = arith.constant 12 : i32
      %parallel_loop3A_1095 = arith.index_cast %parallel_loop3A_1093 : i32 to index
      %parallel_loop3A_1096 = arith.index_cast %parallel_loop3A_1094 : i32 to index
      %parallel_loop3A_1097 = arith.index_cast %parallel_loop3A_154 : i32 to index
      %parallel_loop3A_1098 = tpu.vector_load %arg21[%parallel_loop3A_1095, %parallel_loop3A_1096, %parallel_loop3A_1097] {strides = array<i32>} : memref<3x27x256xf32, #tpu.memory_space<vmem>>, vector<16xf32>,
      tpu.vector_store %arg21[%parallel_loop3A_1095, %parallel_loop3A_1096, %parallel_loop3A_1097], %parallel_loop3A_1092 {strides = array<i32>} : memref<3x27x256xf32, #tpu.memory_space<vmem>>, vector<16xf32>,
      %parallel_loop3A_1099 = arith.mulf %parallel_loop3A_235, %parallel_loop3A_737 : vector<16xf32>
      %parallel_loop3A_1100 = arith.addf %parallel_loop3A_211, %parallel_loop3A_1099 : vector<16xf32>
      %parallel_loop3A_1101 = arith.constant 1 : i32
      %parallel_loop3A_1102 = arith.constant 12 : i32
      %parallel_loop3A_1103 = arith.index_cast %parallel_loop3A_1101 : i32 to index
      %parallel_loop3A_1104 = arith.index_cast %parallel_loop3A_1102 : i32 to index
      %parallel_loop3A_1105 = arith.index_cast %parallel_loop3A_154 : i32 to index
      %parallel_loop3A_1106 = tpu.vector_load %arg21[%parallel_loop3A_1103, %parallel_loop3A_1104, %parallel_loop3A_1105] {strides = array<i32>} : memref<3x27x256xf32, #tpu.memory_space<vmem>>, vector<16xf32>,
      tpu.vector_store %arg21[%parallel_loop3A_1103, %parallel_loop3A_1104, %parallel_loop3A_1105], %parallel_loop3A_1100 {strides = array<i32>} : memref<3x27x256xf32, #tpu.memory_space<vmem>>, vector<16xf32>,
      %parallel_loop3A_1107 = arith.mulf %parallel_loop3A_239, %parallel_loop3A_737 : vector<16xf32>
      %parallel_loop3A_1108 = arith.addf %parallel_loop3A_227, %parallel_loop3A_1107 : vector<16xf32>
      %parallel_loop3A_1109 = arith.constant 2 : i32
      %parallel_loop3A_1110 = arith.constant 12 : i32
      %parallel_loop3A_1111 = arith.index_cast %parallel_loop3A_1109 : i32 to index
      %parallel_loop3A_1112 = arith.index_cast %parallel_loop3A_1110 : i32 to index
      %parallel_loop3A_1113 = arith.index_cast %parallel_loop3A_154 : i32 to index
      %parallel_loop3A_1114 = tpu.vector_load %arg21[%parallel_loop3A_1111, %parallel_loop3A_1112, %parallel_loop3A_1113] {strides = array<i32>} : memref<3x27x256xf32, #tpu.memory_space<vmem>>, vector<16xf32>,
      tpu.vector_store %arg21[%parallel_loop3A_1111, %parallel_loop3A_1112, %parallel_loop3A_1113], %parallel_loop3A_1108 {strides = array<i32>} : memref<3x27x256xf32, #tpu.memory_space<vmem>>, vector<16xf32>,
      %parallel_loop3A_1115 = arith.constant 13 : i32
      %parallel_loop3A_1116 = arith.index_cast %parallel_loop3A_1115 : i32 to index
      %parallel_loop3A_1117 = arith.index_cast %parallel_loop3A_154 : i32 to index
      %parallel_loop3A_1118 = tpu.vector_load %arg20[%parallel_loop3A_1116, %parallel_loop3A_1117] {strides = array<i32>} : memref<27x256xf32, #tpu.memory_space<vmem>>, vector<16xf32>,
      tpu.vector_store %arg20[%parallel_loop3A_1116, %parallel_loop3A_1117], %parallel_loop3A_738 {strides = array<i32>} : memref<27x256xf32, #tpu.memory_space<vmem>>, vector<16xf32>,
      %parallel_loop3A_1119 = arith.mulf %parallel_loop3A_231, %parallel_loop3A_738 : vector<16xf32>
      %parallel_loop3A_1120 = arith.addf %parallel_loop3A_195, %parallel_loop3A_1119 : vector<16xf32>
      %parallel_loop3A_1121 = arith.constant 0 : i32
      %parallel_loop3A_1122 = arith.constant 13 : i32
      %parallel_loop3A_1123 = arith.index_cast %parallel_loop3A_1121 : i32 to index
      %parallel_loop3A_1124 = arith.index_cast %parallel_loop3A_1122 : i32 to index
      %parallel_loop3A_1125 = arith.index_cast %parallel_loop3A_154 : i32 to index
      %parallel_loop3A_1126 = tpu.vector_load %arg21[%parallel_loop3A_1123, %parallel_loop3A_1124, %parallel_loop3A_1125] {strides = array<i32>} : memref<3x27x256xf32, #tpu.memory_space<vmem>>, vector<16xf32>,
      tpu.vector_store %arg21[%parallel_loop3A_1123, %parallel_loop3A_1124, %parallel_loop3A_1125], %parallel_loop3A_1120 {strides = array<i32>} : memref<3x27x256xf32, #tpu.memory_space<vmem>>, vector<16xf32>,
      %parallel_loop3A_1127 = arith.mulf %parallel_loop3A_235, %parallel_loop3A_738 : vector<16xf32>
      %parallel_loop3A_1128 = arith.addf %parallel_loop3A_211, %parallel_loop3A_1127 : vector<16xf32>
      %parallel_loop3A_1129 = arith.constant 1 : i32
      %parallel_loop3A_1130 = arith.constant 13 : i32
      %parallel_loop3A_1131 = arith.index_cast %parallel_loop3A_1129 : i32 to index
      %parallel_loop3A_1132 = arith.index_cast %parallel_loop3A_1130 : i32 to index
      %parallel_loop3A_1133 = arith.index_cast %parallel_loop3A_154 : i32 to index
      %parallel_loop3A_1134 = tpu.vector_load %arg21[%parallel_loop3A_1131, %parallel_loop3A_1132, %parallel_loop3A_1133] {strides = array<i32>} : memref<3x27x256xf32, #tpu.memory_space<vmem>>, vector<16xf32>,
      tpu.vector_store %arg21[%parallel_loop3A_1131, %parallel_loop3A_1132, %parallel_loop3A_1133], %parallel_loop3A_1128 {strides = array<i32>} : memref<3x27x256xf32, #tpu.memory_space<vmem>>, vector<16xf32>,
      %parallel_loop3A_1135 = arith.mulf %parallel_loop3A_239, %parallel_loop3A_738 : vector<16xf32>
      %parallel_loop3A_1136 = arith.addf %parallel_loop3A_227, %parallel_loop3A_1135 : vector<16xf32>
      %parallel_loop3A_1137 = arith.constant 2 : i32
      %parallel_loop3A_1138 = arith.constant 13 : i32
      %parallel_loop3A_1139 = arith.index_cast %parallel_loop3A_1137 : i32 to index
      %parallel_loop3A_1140 = arith.index_cast %parallel_loop3A_1138 : i32 to index
      %parallel_loop3A_1141 = arith.index_cast %parallel_loop3A_154 : i32 to index
      %parallel_loop3A_1142 = tpu.vector_load %arg21[%parallel_loop3A_1139, %parallel_loop3A_1140, %parallel_loop3A_1141] {strides = array<i32>} : memref<3x27x256xf32, #tpu.memory_space<vmem>>, vector<16xf32>,
      tpu.vector_store %arg21[%parallel_loop3A_1139, %parallel_loop3A_1140, %parallel_loop3A_1141], %parallel_loop3A_1136 {strides = array<i32>} : memref<3x27x256xf32, #tpu.memory_space<vmem>>, vector<16xf32>,
      %parallel_loop3A_1143 = arith.constant 14 : i32
      %parallel_loop3A_1144 = arith.index_cast %parallel_loop3A_1143 : i32 to index
      %parallel_loop3A_1145 = arith.index_cast %parallel_loop3A_154 : i32 to index
      %parallel_loop3A_1146 = tpu.vector_load %arg20[%parallel_loop3A_1144, %parallel_loop3A_1145] {strides = array<i32>} : memref<27x256xf32, #tpu.memory_space<vmem>>, vector<16xf32>,
      tpu.vector_store %arg20[%parallel_loop3A_1144, %parallel_loop3A_1145], %parallel_loop3A_739 {strides = array<i32>} : memref<27x256xf32, #tpu.memory_space<vmem>>, vector<16xf32>,
      %parallel_loop3A_1147 = arith.mulf %parallel_loop3A_231, %parallel_loop3A_739 : vector<16xf32>
      %parallel_loop3A_1148 = arith.addf %parallel_loop3A_195, %parallel_loop3A_1147 : vector<16xf32>
      %parallel_loop3A_1149 = arith.constant 0 : i32
      %parallel_loop3A_1150 = arith.constant 14 : i32
      %parallel_loop3A_1151 = arith.index_cast %parallel_loop3A_1149 : i32 to index
      %parallel_loop3A_1152 = arith.index_cast %parallel_loop3A_1150 : i32 to index
      %parallel_loop3A_1153 = arith.index_cast %parallel_loop3A_154 : i32 to index
      %parallel_loop3A_1154 = tpu.vector_load %arg21[%parallel_loop3A_1151, %parallel_loop3A_1152, %parallel_loop3A_1153] {strides = array<i32>} : memref<3x27x256xf32, #tpu.memory_space<vmem>>, vector<16xf32>,
      tpu.vector_store %arg21[%parallel_loop3A_1151, %parallel_loop3A_1152, %parallel_loop3A_1153], %parallel_loop3A_1148 {strides = array<i32>} : memref<3x27x256xf32, #tpu.memory_space<vmem>>, vector<16xf32>,
      %parallel_loop3A_1155 = arith.mulf %parallel_loop3A_235, %parallel_loop3A_739 : vector<16xf32>
      %parallel_loop3A_1156 = arith.addf %parallel_loop3A_211, %parallel_loop3A_1155 : vector<16xf32>
      %parallel_loop3A_1157 = arith.constant 1 : i32
      %parallel_loop3A_1158 = arith.constant 14 : i32
      %parallel_loop3A_1159 = arith.index_cast %parallel_loop3A_1157 : i32 to index
      %parallel_loop3A_1160 = arith.index_cast %parallel_loop3A_1158 : i32 to index
      %parallel_loop3A_1161 = arith.index_cast %parallel_loop3A_154 : i32 to index
      %parallel_loop3A_1162 = tpu.vector_load %arg21[%parallel_loop3A_1159, %parallel_loop3A_1160, %parallel_loop3A_1161] {strides = array<i32>} : memref<3x27x256xf32, #tpu.memory_space<vmem>>, vector<16xf32>,
      tpu.vector_store %arg21[%parallel_loop3A_1159, %parallel_loop3A_1160, %parallel_loop3A_1161], %parallel_loop3A_1156 {strides = array<i32>} : memref<3x27x256xf32, #tpu.memory_space<vmem>>, vector<16xf32>,
      %parallel_loop3A_1163 = arith.mulf %parallel_loop3A_239, %parallel_loop3A_739 : vector<16xf32>
      %parallel_loop3A_1164 = arith.addf %parallel_loop3A_227, %parallel_loop3A_1163 : vector<16xf32>
      %parallel_loop3A_1165 = arith.constant 2 : i32
      %parallel_loop3A_1166 = arith.constant 14 : i32
      %parallel_loop3A_1167 = arith.index_cast %parallel_loop3A_1165 : i32 to index
      %parallel_loop3A_1168 = arith.index_cast %parallel_loop3A_1166 : i32 to index
      %parallel_loop3A_1169 = arith.index_cast %parallel_loop3A_154 : i32 to index
      %parallel_loop3A_1170 = tpu.vector_load %arg21[%parallel_loop3A_1167, %parallel_loop3A_1168, %parallel_loop3A_1169] {strides = array<i32>} : memref<3x27x256xf32, #tpu.memory_space<vmem>>, vector<16xf32>,
      tpu.vector_store %arg21[%parallel_loop3A_1167, %parallel_loop3A_1168, %parallel_loop3A_1169], %parallel_loop3A_1164 {strides = array<i32>} : memref<3x27x256xf32, #tpu.memory_space<vmem>>, vector<16xf32>,
      %parallel_loop3A_1171 = arith.constant 15 : i32
      %parallel_loop3A_1172 = arith.index_cast %parallel_loop3A_1171 : i32 to index
      %parallel_loop3A_1173 = arith.index_cast %parallel_loop3A_154 : i32 to index
      %parallel_loop3A_1174 = tpu.vector_load %arg20[%parallel_loop3A_1172, %parallel_loop3A_1173] {strides = array<i32>} : memref<27x256xf32, #tpu.memory_space<vmem>>, vector<16xf32>,
      tpu.vector_store %arg20[%parallel_loop3A_1172, %parallel_loop3A_1173], %parallel_loop3A_740 {strides = array<i32>} : memref<27x256xf32, #tpu.memory_space<vmem>>, vector<16xf32>,
      %parallel_loop3A_1175 = arith.mulf %parallel_loop3A_231, %parallel_loop3A_740 : vector<16xf32>
      %parallel_loop3A_1176 = arith.addf %parallel_loop3A_195, %parallel_loop3A_1175 : vector<16xf32>
      %parallel_loop3A_1177 = arith.constant 0 : i32
      %parallel_loop3A_1178 = arith.constant 15 : i32
      %parallel_loop3A_1179 = arith.index_cast %parallel_loop3A_1177 : i32 to index
      %parallel_loop3A_1180 = arith.index_cast %parallel_loop3A_1178 : i32 to index
      %parallel_loop3A_1181 = arith.index_cast %parallel_loop3A_154 : i32 to index
      %parallel_loop3A_1182 = tpu.vector_load %arg21[%parallel_loop3A_1179, %parallel_loop3A_1180, %parallel_loop3A_1181] {strides = array<i32>} : memref<3x27x256xf32, #tpu.memory_space<vmem>>, vector<16xf32>,
      tpu.vector_store %arg21[%parallel_loop3A_1179, %parallel_loop3A_1180, %parallel_loop3A_1181], %parallel_loop3A_1176 {strides = array<i32>} : memref<3x27x256xf32, #tpu.memory_space<vmem>>, vector<16xf32>,
      %parallel_loop3A_1183 = arith.mulf %parallel_loop3A_235, %parallel_loop3A_740 : vector<16xf32>
      %parallel_loop3A_1184 = arith.addf %parallel_loop3A_211, %parallel_loop3A_1183 : vector<16xf32>
      %parallel_loop3A_1185 = arith.constant 1 : i32
      %parallel_loop3A_1186 = arith.constant 15 : i32
      %parallel_loop3A_1187 = arith.index_cast %parallel_loop3A_1185 : i32 to index
      %parallel_loop3A_1188 = arith.index_cast %parallel_loop3A_1186 : i32 to index
      %parallel_loop3A_1189 = arith.index_cast %parallel_loop3A_154 : i32 to index
      %parallel_loop3A_1190 = tpu.vector_load %arg21[%parallel_loop3A_1187, %parallel_loop3A_1188, %parallel_loop3A_1189] {strides = array<i32>} : memref<3x27x256xf32, #tpu.memory_space<vmem>>, vector<16xf32>,
      tpu.vector_store %arg21[%parallel_loop3A_1187, %parallel_loop3A_1188, %parallel_loop3A_1189], %parallel_loop3A_1184 {strides = array<i32>} : memref<3x27x256xf32, #tpu.memory_space<vmem>>, vector<16xf32>,
      %parallel_loop3A_1191 = arith.mulf %parallel_loop3A_239, %parallel_loop3A_740 : vector<16xf32>
      %parallel_loop3A_1192 = arith.addf %parallel_loop3A_227, %parallel_loop3A_1191 : vector<16xf32>
      %parallel_loop3A_1193 = arith.constant 2 : i32
      %parallel_loop3A_1194 = arith.constant 15 : i32
      %parallel_loop3A_1195 = arith.index_cast %parallel_loop3A_1193 : i32 to index
      %parallel_loop3A_1196 = arith.index_cast %parallel_loop3A_1194 : i32 to index
      %parallel_loop3A_1197 = arith.index_cast %parallel_loop3A_154 : i32 to index
      %parallel_loop3A_1198 = tpu.vector_load %arg21[%parallel_loop3A_1195, %parallel_loop3A_1196, %parallel_loop3A_1197] {strides = array<i32>} : memref<3x27x256xf32, #tpu.memory_space<vmem>>, vector<16xf32>,
      tpu.vector_store %arg21[%parallel_loop3A_1195, %parallel_loop3A_1196, %parallel_loop3A_1197], %parallel_loop3A_1192 {strides = array<i32>} : memref<3x27x256xf32, #tpu.memory_space<vmem>>, vector<16xf32>,
      %parallel_loop3A_1199 = arith.constant 16 : i32
      %parallel_loop3A_1200 = arith.index_cast %parallel_loop3A_1199 : i32 to index
      %parallel_loop3A_1201 = arith.index_cast %parallel_loop3A_154 : i32 to index
      %parallel_loop3A_1202 = tpu.vector_load %arg20[%parallel_loop3A_1200, %parallel_loop3A_1201] {strides = array<i32>} : memref<27x256xf32, #tpu.memory_space<vmem>>, vector<16xf32>,
      tpu.vector_store %arg20[%parallel_loop3A_1200, %parallel_loop3A_1201], %parallel_loop3A_741 {strides = array<i32>} : memref<27x256xf32, #tpu.memory_space<vmem>>, vector<16xf32>,
      %parallel_loop3A_1203 = arith.mulf %parallel_loop3A_231, %parallel_loop3A_741 : vector<16xf32>
      %parallel_loop3A_1204 = arith.addf %parallel_loop3A_195, %parallel_loop3A_1203 : vector<16xf32>
      %parallel_loop3A_1205 = arith.constant 0 : i32
      %parallel_loop3A_1206 = arith.constant 16 : i32
      %parallel_loop3A_1207 = arith.index_cast %parallel_loop3A_1205 : i32 to index
      %parallel_loop3A_1208 = arith.index_cast %parallel_loop3A_1206 : i32 to index
      %parallel_loop3A_1209 = arith.index_cast %parallel_loop3A_154 : i32 to index
      %parallel_loop3A_1210 = tpu.vector_load %arg21[%parallel_loop3A_1207, %parallel_loop3A_1208, %parallel_loop3A_1209] {strides = array<i32>} : memref<3x27x256xf32, #tpu.memory_space<vmem>>, vector<16xf32>,
      tpu.vector_store %arg21[%parallel_loop3A_1207, %parallel_loop3A_1208, %parallel_loop3A_1209], %parallel_loop3A_1204 {strides = array<i32>} : memref<3x27x256xf32, #tpu.memory_space<vmem>>, vector<16xf32>,
      %parallel_loop3A_1211 = arith.mulf %parallel_loop3A_235, %parallel_loop3A_741 : vector<16xf32>
      %parallel_loop3A_1212 = arith.addf %parallel_loop3A_211, %parallel_loop3A_1211 : vector<16xf32>
      %parallel_loop3A_1213 = arith.constant 1 : i32
      %parallel_loop3A_1214 = arith.constant 16 : i32
      %parallel_loop3A_1215 = arith.index_cast %parallel_loop3A_1213 : i32 to index
      %parallel_loop3A_1216 = arith.index_cast %parallel_loop3A_1214 : i32 to index
      %parallel_loop3A_1217 = arith.index_cast %parallel_loop3A_154 : i32 to index
      %parallel_loop3A_1218 = tpu.vector_load %arg21[%parallel_loop3A_1215, %parallel_loop3A_1216, %parallel_loop3A_1217] {strides = array<i32>} : memref<3x27x256xf32, #tpu.memory_space<vmem>>, vector<16xf32>,
      tpu.vector_store %arg21[%parallel_loop3A_1215, %parallel_loop3A_1216, %parallel_loop3A_1217], %parallel_loop3A_1212 {strides = array<i32>} : memref<3x27x256xf32, #tpu.memory_space<vmem>>, vector<16xf32>,
      %parallel_loop3A_1219 = arith.mulf %parallel_loop3A_239, %parallel_loop3A_741 : vector<16xf32>
      %parallel_loop3A_1220 = arith.addf %parallel_loop3A_227, %parallel_loop3A_1219 : vector<16xf32>
      %parallel_loop3A_1221 = arith.constant 2 : i32
      %parallel_loop3A_1222 = arith.constant 16 : i32
      %parallel_loop3A_1223 = arith.index_cast %parallel_loop3A_1221 : i32 to index
      %parallel_loop3A_1224 = arith.index_cast %parallel_loop3A_1222 : i32 to index
      %parallel_loop3A_1225 = arith.index_cast %parallel_loop3A_154 : i32 to index
      %parallel_loop3A_1226 = tpu.vector_load %arg21[%parallel_loop3A_1223, %parallel_loop3A_1224, %parallel_loop3A_1225] {strides = array<i32>} : memref<3x27x256xf32, #tpu.memory_space<vmem>>, vector<16xf32>,
      tpu.vector_store %arg21[%parallel_loop3A_1223, %parallel_loop3A_1224, %parallel_loop3A_1225], %parallel_loop3A_1220 {strides = array<i32>} : memref<3x27x256xf32, #tpu.memory_space<vmem>>, vector<16xf32>,
      %parallel_loop3A_1227 = arith.constant 17 : i32
      %parallel_loop3A_1228 = arith.index_cast %parallel_loop3A_1227 : i32 to index
      %parallel_loop3A_1229 = arith.index_cast %parallel_loop3A_154 : i32 to index
      %parallel_loop3A_1230 = tpu.vector_load %arg20[%parallel_loop3A_1228, %parallel_loop3A_1229] {strides = array<i32>} : memref<27x256xf32, #tpu.memory_space<vmem>>, vector<16xf32>,
      tpu.vector_store %arg20[%parallel_loop3A_1228, %parallel_loop3A_1229], %parallel_loop3A_742 {strides = array<i32>} : memref<27x256xf32, #tpu.memory_space<vmem>>, vector<16xf32>,
      %parallel_loop3A_1231 = arith.mulf %parallel_loop3A_231, %parallel_loop3A_742 : vector<16xf32>
      %parallel_loop3A_1232 = arith.addf %parallel_loop3A_195, %parallel_loop3A_1231 : vector<16xf32>
      %parallel_loop3A_1233 = arith.constant 0 : i32
      %parallel_loop3A_1234 = arith.constant 17 : i32
      %parallel_loop3A_1235 = arith.index_cast %parallel_loop3A_1233 : i32 to index
      %parallel_loop3A_1236 = arith.index_cast %parallel_loop3A_1234 : i32 to index
      %parallel_loop3A_1237 = arith.index_cast %parallel_loop3A_154 : i32 to index
      %parallel_loop3A_1238 = tpu.vector_load %arg21[%parallel_loop3A_1235, %parallel_loop3A_1236, %parallel_loop3A_1237] {strides = array<i32>} : memref<3x27x256xf32, #tpu.memory_space<vmem>>, vector<16xf32>,
      tpu.vector_store %arg21[%parallel_loop3A_1235, %parallel_loop3A_1236, %parallel_loop3A_1237], %parallel_loop3A_1232 {strides = array<i32>} : memref<3x27x256xf32, #tpu.memory_space<vmem>>, vector<16xf32>,
      %parallel_loop3A_1239 = arith.mulf %parallel_loop3A_235, %parallel_loop3A_742 : vector<16xf32>
      %parallel_loop3A_1240 = arith.addf %parallel_loop3A_211, %parallel_loop3A_1239 : vector<16xf32>
      %parallel_loop3A_1241 = arith.constant 1 : i32
      %parallel_loop3A_1242 = arith.constant 17 : i32
      %parallel_loop3A_1243 = arith.index_cast %parallel_loop3A_1241 : i32 to index
      %parallel_loop3A_1244 = arith.index_cast %parallel_loop3A_1242 : i32 to index
      %parallel_loop3A_1245 = arith.index_cast %parallel_loop3A_154 : i32 to index
      %parallel_loop3A_1246 = tpu.vector_load %arg21[%parallel_loop3A_1243, %parallel_loop3A_1244, %parallel_loop3A_1245] {strides = array<i32>} : memref<3x27x256xf32, #tpu.memory_space<vmem>>, vector<16xf32>,
      tpu.vector_store %arg21[%parallel_loop3A_1243, %parallel_loop3A_1244, %parallel_loop3A_1245], %parallel_loop3A_1240 {strides = array<i32>} : memref<3x27x256xf32, #tpu.memory_space<vmem>>, vector<16xf32>,
      %parallel_loop3A_1247 = arith.mulf %parallel_loop3A_239, %parallel_loop3A_742 : vector<16xf32>
      %parallel_loop3A_1248 = arith.addf %parallel_loop3A_227, %parallel_loop3A_1247 : vector<16xf32>
      %parallel_loop3A_1249 = arith.constant 2 : i32
      %parallel_loop3A_1250 = arith.constant 17 : i32
      %parallel_loop3A_1251 = arith.index_cast %parallel_loop3A_1249 : i32 to index
      %parallel_loop3A_1252 = arith.index_cast %parallel_loop3A_1250 : i32 to index
      %parallel_loop3A_1253 = arith.index_cast %parallel_loop3A_154 : i32 to index
      %parallel_loop3A_1254 = tpu.vector_load %arg21[%parallel_loop3A_1251, %parallel_loop3A_1252, %parallel_loop3A_1253] {strides = array<i32>} : memref<3x27x256xf32, #tpu.memory_space<vmem>>, vector<16xf32>,
      tpu.vector_store %arg21[%parallel_loop3A_1251, %parallel_loop3A_1252, %parallel_loop3A_1253], %parallel_loop3A_1248 {strides = array<i32>} : memref<3x27x256xf32, #tpu.memory_space<vmem>>, vector<16xf32>,
      %parallel_loop3A_1255 = arith.constant 18 : i32
      %parallel_loop3A_1256 = arith.index_cast %parallel_loop3A_1255 : i32 to index
      %parallel_loop3A_1257 = arith.index_cast %parallel_loop3A_154 : i32 to index
      %parallel_loop3A_1258 = tpu.vector_load %arg20[%parallel_loop3A_1256, %parallel_loop3A_1257] {strides = array<i32>} : memref<27x256xf32, #tpu.memory_space<vmem>>, vector<16xf32>,
      tpu.vector_store %arg20[%parallel_loop3A_1256, %parallel_loop3A_1257], %parallel_loop3A_743 {strides = array<i32>} : memref<27x256xf32, #tpu.memory_space<vmem>>, vector<16xf32>,
      %parallel_loop3A_1259 = arith.mulf %parallel_loop3A_231, %parallel_loop3A_743 : vector<16xf32>
      %parallel_loop3A_1260 = arith.addf %parallel_loop3A_195, %parallel_loop3A_1259 : vector<16xf32>
      %parallel_loop3A_1261 = arith.constant 0 : i32
      %parallel_loop3A_1262 = arith.constant 18 : i32
      %parallel_loop3A_1263 = arith.index_cast %parallel_loop3A_1261 : i32 to index
      %parallel_loop3A_1264 = arith.index_cast %parallel_loop3A_1262 : i32 to index
      %parallel_loop3A_1265 = arith.index_cast %parallel_loop3A_154 : i32 to index
      %parallel_loop3A_1266 = tpu.vector_load %arg21[%parallel_loop3A_1263, %parallel_loop3A_1264, %parallel_loop3A_1265] {strides = array<i32>} : memref<3x27x256xf32, #tpu.memory_space<vmem>>, vector<16xf32>,
      tpu.vector_store %arg21[%parallel_loop3A_1263, %parallel_loop3A_1264, %parallel_loop3A_1265], %parallel_loop3A_1260 {strides = array<i32>} : memref<3x27x256xf32, #tpu.memory_space<vmem>>, vector<16xf32>,
      %parallel_loop3A_1267 = arith.mulf %parallel_loop3A_235, %parallel_loop3A_743 : vector<16xf32>
      %parallel_loop3A_1268 = arith.addf %parallel_loop3A_211, %parallel_loop3A_1267 : vector<16xf32>
      %parallel_loop3A_1269 = arith.constant 1 : i32
      %parallel_loop3A_1270 = arith.constant 18 : i32
      %parallel_loop3A_1271 = arith.index_cast %parallel_loop3A_1269 : i32 to index
      %parallel_loop3A_1272 = arith.index_cast %parallel_loop3A_1270 : i32 to index
      %parallel_loop3A_1273 = arith.index_cast %parallel_loop3A_154 : i32 to index
      %parallel_loop3A_1274 = tpu.vector_load %arg21[%parallel_loop3A_1271, %parallel_loop3A_1272, %parallel_loop3A_1273] {strides = array<i32>} : memref<3x27x256xf32, #tpu.memory_space<vmem>>, vector<16xf32>,
      tpu.vector_store %arg21[%parallel_loop3A_1271, %parallel_loop3A_1272, %parallel_loop3A_1273], %parallel_loop3A_1268 {strides = array<i32>} : memref<3x27x256xf32, #tpu.memory_space<vmem>>, vector<16xf32>,
      %parallel_loop3A_1275 = arith.mulf %parallel_loop3A_239, %parallel_loop3A_743 : vector<16xf32>
      %parallel_loop3A_1276 = arith.addf %parallel_loop3A_227, %parallel_loop3A_1275 : vector<16xf32>
      %parallel_loop3A_1277 = arith.constant 2 : i32
      %parallel_loop3A_1278 = arith.constant 18 : i32
      %parallel_loop3A_1279 = arith.index_cast %parallel_loop3A_1277 : i32 to index
      %parallel_loop3A_1280 = arith.index_cast %parallel_loop3A_1278 : i32 to index
      %parallel_loop3A_1281 = arith.index_cast %parallel_loop3A_154 : i32 to index
      %parallel_loop3A_1282 = tpu.vector_load %arg21[%parallel_loop3A_1279, %parallel_loop3A_1280, %parallel_loop3A_1281] {strides = array<i32>} : memref<3x27x256xf32, #tpu.memory_space<vmem>>, vector<16xf32>,
      tpu.vector_store %arg21[%parallel_loop3A_1279, %parallel_loop3A_1280, %parallel_loop3A_1281], %parallel_loop3A_1276 {strides = array<i32>} : memref<3x27x256xf32, #tpu.memory_space<vmem>>, vector<16xf32>,
      %parallel_loop3A_1283 = arith.constant 19 : i32
      %parallel_loop3A_1284 = arith.index_cast %parallel_loop3A_1283 : i32 to index
      %parallel_loop3A_1285 = arith.index_cast %parallel_loop3A_154 : i32 to index
      %parallel_loop3A_1286 = tpu.vector_load %arg20[%parallel_loop3A_1284, %parallel_loop3A_1285] {strides = array<i32>} : memref<27x256xf32, #tpu.memory_space<vmem>>, vector<16xf32>,
      tpu.vector_store %arg20[%parallel_loop3A_1284, %parallel_loop3A_1285], %parallel_loop3A_744 {strides = array<i32>} : memref<27x256xf32, #tpu.memory_space<vmem>>, vector<16xf32>,
      %parallel_loop3A_1287 = arith.mulf %parallel_loop3A_231, %parallel_loop3A_744 : vector<16xf32>
      %parallel_loop3A_1288 = arith.addf %parallel_loop3A_195, %parallel_loop3A_1287 : vector<16xf32>
      %parallel_loop3A_1289 = arith.constant 0 : i32
      %parallel_loop3A_1290 = arith.constant 19 : i32
      %parallel_loop3A_1291 = arith.index_cast %parallel_loop3A_1289 : i32 to index
      %parallel_loop3A_1292 = arith.index_cast %parallel_loop3A_1290 : i32 to index
      %parallel_loop3A_1293 = arith.index_cast %parallel_loop3A_154 : i32 to index
      %parallel_loop3A_1294 = tpu.vector_load %arg21[%parallel_loop3A_1291, %parallel_loop3A_1292, %parallel_loop3A_1293] {strides = array<i32>} : memref<3x27x256xf32, #tpu.memory_space<vmem>>, vector<16xf32>,
      tpu.vector_store %arg21[%parallel_loop3A_1291, %parallel_loop3A_1292, %parallel_loop3A_1293], %parallel_loop3A_1288 {strides = array<i32>} : memref<3x27x256xf32, #tpu.memory_space<vmem>>, vector<16xf32>,
      %parallel_loop3A_1295 = arith.mulf %parallel_loop3A_235, %parallel_loop3A_744 : vector<16xf32>
      %parallel_loop3A_1296 = arith.addf %parallel_loop3A_211, %parallel_loop3A_1295 : vector<16xf32>
      %parallel_loop3A_1297 = arith.constant 1 : i32
      %parallel_loop3A_1298 = arith.constant 19 : i32
      %parallel_loop3A_1299 = arith.index_cast %parallel_loop3A_1297 : i32 to index
      %parallel_loop3A_1300 = arith.index_cast %parallel_loop3A_1298 : i32 to index
      %parallel_loop3A_1301 = arith.index_cast %parallel_loop3A_154 : i32 to index
      %parallel_loop3A_1302 = tpu.vector_load %arg21[%parallel_loop3A_1299, %parallel_loop3A_1300, %parallel_loop3A_1301] {strides = array<i32>} : memref<3x27x256xf32, #tpu.memory_space<vmem>>, vector<16xf32>,
      tpu.vector_store %arg21[%parallel_loop3A_1299, %parallel_loop3A_1300, %parallel_loop3A_1301], %parallel_loop3A_1296 {strides = array<i32>} : memref<3x27x256xf32, #tpu.memory_space<vmem>>, vector<16xf32>,
      %parallel_loop3A_1303 = arith.mulf %parallel_loop3A_239, %parallel_loop3A_744 : vector<16xf32>
      %parallel_loop3A_1304 = arith.addf %parallel_loop3A_227, %parallel_loop3A_1303 : vector<16xf32>
      %parallel_loop3A_1305 = arith.constant 2 : i32
      %parallel_loop3A_1306 = arith.constant 19 : i32
      %parallel_loop3A_1307 = arith.index_cast %parallel_loop3A_1305 : i32 to index
      %parallel_loop3A_1308 = arith.index_cast %parallel_loop3A_1306 : i32 to index
      %parallel_loop3A_1309 = arith.index_cast %parallel_loop3A_154 : i32 to index
      %parallel_loop3A_1310 = tpu.vector_load %arg21[%parallel_loop3A_1307, %parallel_loop3A_1308, %parallel_loop3A_1309] {strides = array<i32>} : memref<3x27x256xf32, #tpu.memory_space<vmem>>, vector<16xf32>,
      tpu.vector_store %arg21[%parallel_loop3A_1307, %parallel_loop3A_1308, %parallel_loop3A_1309], %parallel_loop3A_1304 {strides = array<i32>} : memref<3x27x256xf32, #tpu.memory_space<vmem>>, vector<16xf32>,
      %parallel_loop3A_1311 = arith.constant 20 : i32
      %parallel_loop3A_1312 = arith.index_cast %parallel_loop3A_1311 : i32 to index
      %parallel_loop3A_1313 = arith.index_cast %parallel_loop3A_154 : i32 to index
      %parallel_loop3A_1314 = tpu.vector_load %arg20[%parallel_loop3A_1312, %parallel_loop3A_1313] {strides = array<i32>} : memref<27x256xf32, #tpu.memory_space<vmem>>, vector<16xf32>,
      tpu.vector_store %arg20[%parallel_loop3A_1312, %parallel_loop3A_1313], %parallel_loop3A_745 {strides = array<i32>} : memref<27x256xf32, #tpu.memory_space<vmem>>, vector<16xf32>,
      %parallel_loop3A_1315 = arith.mulf %parallel_loop3A_231, %parallel_loop3A_745 : vector<16xf32>
      %parallel_loop3A_1316 = arith.addf %parallel_loop3A_195, %parallel_loop3A_1315 : vector<16xf32>
      %parallel_loop3A_1317 = arith.constant 0 : i32
      %parallel_loop3A_1318 = arith.constant 20 : i32
      %parallel_loop3A_1319 = arith.index_cast %parallel_loop3A_1317 : i32 to index
      %parallel_loop3A_1320 = arith.index_cast %parallel_loop3A_1318 : i32 to index
      %parallel_loop3A_1321 = arith.index_cast %parallel_loop3A_154 : i32 to index
      %parallel_loop3A_1322 = tpu.vector_load %arg21[%parallel_loop3A_1319, %parallel_loop3A_1320, %parallel_loop3A_1321] {strides = array<i32>} : memref<3x27x256xf32, #tpu.memory_space<vmem>>, vector<16xf32>,
      tpu.vector_store %arg21[%parallel_loop3A_1319, %parallel_loop3A_1320, %parallel_loop3A_1321], %parallel_loop3A_1316 {strides = array<i32>} : memref<3x27x256xf32, #tpu.memory_space<vmem>>, vector<16xf32>,
      %parallel_loop3A_1323 = arith.mulf %parallel_loop3A_235, %parallel_loop3A_745 : vector<16xf32>
      %parallel_loop3A_1324 = arith.addf %parallel_loop3A_211, %parallel_loop3A_1323 : vector<16xf32>
      %parallel_loop3A_1325 = arith.constant 1 : i32
      %parallel_loop3A_1326 = arith.constant 20 : i32
      %parallel_loop3A_1327 = arith.index_cast %parallel_loop3A_1325 : i32 to index
      %parallel_loop3A_1328 = arith.index_cast %parallel_loop3A_1326 : i32 to index
      %parallel_loop3A_1329 = arith.index_cast %parallel_loop3A_154 : i32 to index
      %parallel_loop3A_1330 = tpu.vector_load %arg21[%parallel_loop3A_1327, %parallel_loop3A_1328, %parallel_loop3A_1329] {strides = array<i32>} : memref<3x27x256xf32, #tpu.memory_space<vmem>>, vector<16xf32>,
      tpu.vector_store %arg21[%parallel_loop3A_1327, %parallel_loop3A_1328, %parallel_loop3A_1329], %parallel_loop3A_1324 {strides = array<i32>} : memref<3x27x256xf32, #tpu.memory_space<vmem>>, vector<16xf32>,
      %parallel_loop3A_1331 = arith.mulf %parallel_loop3A_239, %parallel_loop3A_745 : vector<16xf32>
      %parallel_loop3A_1332 = arith.addf %parallel_loop3A_227, %parallel_loop3A_1331 : vector<16xf32>
      %parallel_loop3A_1333 = arith.constant 2 : i32
      %parallel_loop3A_1334 = arith.constant 20 : i32
      %parallel_loop3A_1335 = arith.index_cast %parallel_loop3A_1333 : i32 to index
      %parallel_loop3A_1336 = arith.index_cast %parallel_loop3A_1334 : i32 to index
      %parallel_loop3A_1337 = arith.index_cast %parallel_loop3A_154 : i32 to index
      %parallel_loop3A_1338 = tpu.vector_load %arg21[%parallel_loop3A_1335, %parallel_loop3A_1336, %parallel_loop3A_1337] {strides = array<i32>} : memref<3x27x256xf32, #tpu.memory_space<vmem>>, vector<16xf32>,
      tpu.vector_store %arg21[%parallel_loop3A_1335, %parallel_loop3A_1336, %parallel_loop3A_1337], %parallel_loop3A_1332 {strides = array<i32>} : memref<3x27x256xf32, #tpu.memory_space<vmem>>, vector<16xf32>,
      %parallel_loop3A_1339 = arith.constant 21 : i32
      %parallel_loop3A_1340 = arith.index_cast %parallel_loop3A_1339 : i32 to index
      %parallel_loop3A_1341 = arith.index_cast %parallel_loop3A_154 : i32 to index
      %parallel_loop3A_1342 = tpu.vector_load %arg20[%parallel_loop3A_1340, %parallel_loop3A_1341] {strides = array<i32>} : memref<27x256xf32, #tpu.memory_space<vmem>>, vector<16xf32>,
      tpu.vector_store %arg20[%parallel_loop3A_1340, %parallel_loop3A_1341], %parallel_loop3A_746 {strides = array<i32>} : memref<27x256xf32, #tpu.memory_space<vmem>>, vector<16xf32>,
      %parallel_loop3A_1343 = arith.mulf %parallel_loop3A_231, %parallel_loop3A_746 : vector<16xf32>
      %parallel_loop3A_1344 = arith.addf %parallel_loop3A_195, %parallel_loop3A_1343 : vector<16xf32>
      %parallel_loop3A_1345 = arith.constant 0 : i32
      %parallel_loop3A_1346 = arith.constant 21 : i32
      %parallel_loop3A_1347 = arith.index_cast %parallel_loop3A_1345 : i32 to index
      %parallel_loop3A_1348 = arith.index_cast %parallel_loop3A_1346 : i32 to index
      %parallel_loop3A_1349 = arith.index_cast %parallel_loop3A_154 : i32 to index
      %parallel_loop3A_1350 = tpu.vector_load %arg21[%parallel_loop3A_1347, %parallel_loop3A_1348, %parallel_loop3A_1349] {strides = array<i32>} : memref<3x27x256xf32, #tpu.memory_space<vmem>>, vector<16xf32>,
      tpu.vector_store %arg21[%parallel_loop3A_1347, %parallel_loop3A_1348, %parallel_loop3A_1349], %parallel_loop3A_1344 {strides = array<i32>} : memref<3x27x256xf32, #tpu.memory_space<vmem>>, vector<16xf32>,
      %parallel_loop3A_1351 = arith.mulf %parallel_loop3A_235, %parallel_loop3A_746 : vector<16xf32>
      %parallel_loop3A_1352 = arith.addf %parallel_loop3A_211, %parallel_loop3A_1351 : vector<16xf32>
      %parallel_loop3A_1353 = arith.constant 1 : i32
      %parallel_loop3A_1354 = arith.constant 21 : i32
      %parallel_loop3A_1355 = arith.index_cast %parallel_loop3A_1353 : i32 to index
      %parallel_loop3A_1356 = arith.index_cast %parallel_loop3A_1354 : i32 to index
      %parallel_loop3A_1357 = arith.index_cast %parallel_loop3A_154 : i32 to index
      %parallel_loop3A_1358 = tpu.vector_load %arg21[%parallel_loop3A_1355, %parallel_loop3A_1356, %parallel_loop3A_1357] {strides = array<i32>} : memref<3x27x256xf32, #tpu.memory_space<vmem>>, vector<16xf32>,
      tpu.vector_store %arg21[%parallel_loop3A_1355, %parallel_loop3A_1356, %parallel_loop3A_1357], %parallel_loop3A_1352 {strides = array<i32>} : memref<3x27x256xf32, #tpu.memory_space<vmem>>, vector<16xf32>,
      %parallel_loop3A_1359 = arith.mulf %parallel_loop3A_239, %parallel_loop3A_746 : vector<16xf32>
      %parallel_loop3A_1360 = arith.addf %parallel_loop3A_227, %parallel_loop3A_1359 : vector<16xf32>
      %parallel_loop3A_1361 = arith.constant 2 : i32
      %parallel_loop3A_1362 = arith.constant 21 : i32
      %parallel_loop3A_1363 = arith.index_cast %parallel_loop3A_1361 : i32 to index
      %parallel_loop3A_1364 = arith.index_cast %parallel_loop3A_1362 : i32 to index
      %parallel_loop3A_1365 = arith.index_cast %parallel_loop3A_154 : i32 to index
      %parallel_loop3A_1366 = tpu.vector_load %arg21[%parallel_loop3A_1363, %parallel_loop3A_1364, %parallel_loop3A_1365] {strides = array<i32>} : memref<3x27x256xf32, #tpu.memory_space<vmem>>, vector<16xf32>,
      tpu.vector_store %arg21[%parallel_loop3A_1363, %parallel_loop3A_1364, %parallel_loop3A_1365], %parallel_loop3A_1360 {strides = array<i32>} : memref<3x27x256xf32, #tpu.memory_space<vmem>>, vector<16xf32>,
      %parallel_loop3A_1367 = arith.constant 22 : i32
      %parallel_loop3A_1368 = arith.index_cast %parallel_loop3A_1367 : i32 to index
      %parallel_loop3A_1369 = arith.index_cast %parallel_loop3A_154 : i32 to index
      %parallel_loop3A_1370 = tpu.vector_load %arg20[%parallel_loop3A_1368, %parallel_loop3A_1369] {strides = array<i32>} : memref<27x256xf32, #tpu.memory_space<vmem>>, vector<16xf32>,
      tpu.vector_store %arg20[%parallel_loop3A_1368, %parallel_loop3A_1369], %parallel_loop3A_747 {strides = array<i32>} : memref<27x256xf32, #tpu.memory_space<vmem>>, vector<16xf32>,
      %parallel_loop3A_1371 = arith.mulf %parallel_loop3A_231, %parallel_loop3A_747 : vector<16xf32>
      %parallel_loop3A_1372 = arith.addf %parallel_loop3A_195, %parallel_loop3A_1371 : vector<16xf32>
      %parallel_loop3A_1373 = arith.constant 0 : i32
      %parallel_loop3A_1374 = arith.constant 22 : i32
      %parallel_loop3A_1375 = arith.index_cast %parallel_loop3A_1373 : i32 to index
      %parallel_loop3A_1376 = arith.index_cast %parallel_loop3A_1374 : i32 to index
      %parallel_loop3A_1377 = arith.index_cast %parallel_loop3A_154 : i32 to index
      %parallel_loop3A_1378 = tpu.vector_load %arg21[%parallel_loop3A_1375, %parallel_loop3A_1376, %parallel_loop3A_1377] {strides = array<i32>} : memref<3x27x256xf32, #tpu.memory_space<vmem>>, vector<16xf32>,
      tpu.vector_store %arg21[%parallel_loop3A_1375, %parallel_loop3A_1376, %parallel_loop3A_1377], %parallel_loop3A_1372 {strides = array<i32>} : memref<3x27x256xf32, #tpu.memory_space<vmem>>, vector<16xf32>,
      %parallel_loop3A_1379 = arith.mulf %parallel_loop3A_235, %parallel_loop3A_747 : vector<16xf32>
      %parallel_loop3A_1380 = arith.addf %parallel_loop3A_211, %parallel_loop3A_1379 : vector<16xf32>
      %parallel_loop3A_1381 = arith.constant 1 : i32
      %parallel_loop3A_1382 = arith.constant 22 : i32
      %parallel_loop3A_1383 = arith.index_cast %parallel_loop3A_1381 : i32 to index
      %parallel_loop3A_1384 = arith.index_cast %parallel_loop3A_1382 : i32 to index
      %parallel_loop3A_1385 = arith.index_cast %parallel_loop3A_154 : i32 to index
      %parallel_loop3A_1386 = tpu.vector_load %arg21[%parallel_loop3A_1383, %parallel_loop3A_1384, %parallel_loop3A_1385] {strides = array<i32>} : memref<3x27x256xf32, #tpu.memory_space<vmem>>, vector<16xf32>,
      tpu.vector_store %arg21[%parallel_loop3A_1383, %parallel_loop3A_1384, %parallel_loop3A_1385], %parallel_loop3A_1380 {strides = array<i32>} : memref<3x27x256xf32, #tpu.memory_space<vmem>>, vector<16xf32>,
      %parallel_loop3A_1387 = arith.mulf %parallel_loop3A_239, %parallel_loop3A_747 : vector<16xf32>
      %parallel_loop3A_1388 = arith.addf %parallel_loop3A_227, %parallel_loop3A_1387 : vector<16xf32>
      %parallel_loop3A_1389 = arith.constant 2 : i32
      %parallel_loop3A_1390 = arith.constant 22 : i32
      %parallel_loop3A_1391 = arith.index_cast %parallel_loop3A_1389 : i32 to index
      %parallel_loop3A_1392 = arith.index_cast %parallel_loop3A_1390 : i32 to index
      %parallel_loop3A_1393 = arith.index_cast %parallel_loop3A_154 : i32 to index
      %parallel_loop3A_1394 = tpu.vector_load %arg21[%parallel_loop3A_1391, %parallel_loop3A_1392, %parallel_loop3A_1393] {strides = array<i32>} : memref<3x27x256xf32, #tpu.memory_space<vmem>>, vector<16xf32>,
      tpu.vector_store %arg21[%parallel_loop3A_1391, %parallel_loop3A_1392, %parallel_loop3A_1393], %parallel_loop3A_1388 {strides = array<i32>} : memref<3x27x256xf32, #tpu.memory_space<vmem>>, vector<16xf32>,
      %parallel_loop3A_1395 = arith.constant 23 : i32
      %parallel_loop3A_1396 = arith.index_cast %parallel_loop3A_1395 : i32 to index
      %parallel_loop3A_1397 = arith.index_cast %parallel_loop3A_154 : i32 to index
      %parallel_loop3A_1398 = tpu.vector_load %arg20[%parallel_loop3A_1396, %parallel_loop3A_1397] {strides = array<i32>} : memref<27x256xf32, #tpu.memory_space<vmem>>, vector<16xf32>,
      tpu.vector_store %arg20[%parallel_loop3A_1396, %parallel_loop3A_1397], %parallel_loop3A_748 {strides = array<i32>} : memref<27x256xf32, #tpu.memory_space<vmem>>, vector<16xf32>,
      %parallel_loop3A_1399 = arith.mulf %parallel_loop3A_231, %parallel_loop3A_748 : vector<16xf32>
      %parallel_loop3A_1400 = arith.addf %parallel_loop3A_195, %parallel_loop3A_1399 : vector<16xf32>
      %parallel_loop3A_1401 = arith.constant 0 : i32
      %parallel_loop3A_1402 = arith.constant 23 : i32
      %parallel_loop3A_1403 = arith.index_cast %parallel_loop3A_1401 : i32 to index
      %parallel_loop3A_1404 = arith.index_cast %parallel_loop3A_1402 : i32 to index
      %parallel_loop3A_1405 = arith.index_cast %parallel_loop3A_154 : i32 to index
      %parallel_loop3A_1406 = tpu.vector_load %arg21[%parallel_loop3A_1403, %parallel_loop3A_1404, %parallel_loop3A_1405] {strides = array<i32>} : memref<3x27x256xf32, #tpu.memory_space<vmem>>, vector<16xf32>,
      tpu.vector_store %arg21[%parallel_loop3A_1403, %parallel_loop3A_1404, %parallel_loop3A_1405], %parallel_loop3A_1400 {strides = array<i32>} : memref<3x27x256xf32, #tpu.memory_space<vmem>>, vector<16xf32>,
      %parallel_loop3A_1407 = arith.mulf %parallel_loop3A_235, %parallel_loop3A_748 : vector<16xf32>
      %parallel_loop3A_1408 = arith.addf %parallel_loop3A_211, %parallel_loop3A_1407 : vector<16xf32>
      %parallel_loop3A_1409 = arith.constant 1 : i32
      %parallel_loop3A_1410 = arith.constant 23 : i32
      %parallel_loop3A_1411 = arith.index_cast %parallel_loop3A_1409 : i32 to index
      %parallel_loop3A_1412 = arith.index_cast %parallel_loop3A_1410 : i32 to index
      %parallel_loop3A_1413 = arith.index_cast %parallel_loop3A_154 : i32 to index
      %parallel_loop3A_1414 = tpu.vector_load %arg21[%parallel_loop3A_1411, %parallel_loop3A_1412, %parallel_loop3A_1413] {strides = array<i32>} : memref<3x27x256xf32, #tpu.memory_space<vmem>>, vector<16xf32>,
      tpu.vector_store %arg21[%parallel_loop3A_1411, %parallel_loop3A_1412, %parallel_loop3A_1413], %parallel_loop3A_1408 {strides = array<i32>} : memref<3x27x256xf32, #tpu.memory_space<vmem>>, vector<16xf32>,
      %parallel_loop3A_1415 = arith.mulf %parallel_loop3A_239, %parallel_loop3A_748 : vector<16xf32>
      %parallel_loop3A_1416 = arith.addf %parallel_loop3A_227, %parallel_loop3A_1415 : vector<16xf32>
      %parallel_loop3A_1417 = arith.constant 2 : i32
      %parallel_loop3A_1418 = arith.constant 23 : i32
      %parallel_loop3A_1419 = arith.index_cast %parallel_loop3A_1417 : i32 to index
      %parallel_loop3A_1420 = arith.index_cast %parallel_loop3A_1418 : i32 to index
      %parallel_loop3A_1421 = arith.index_cast %parallel_loop3A_154 : i32 to index
      %parallel_loop3A_1422 = tpu.vector_load %arg21[%parallel_loop3A_1419, %parallel_loop3A_1420, %parallel_loop3A_1421] {strides = array<i32>} : memref<3x27x256xf32, #tpu.memory_space<vmem>>, vector<16xf32>,
      tpu.vector_store %arg21[%parallel_loop3A_1419, %parallel_loop3A_1420, %parallel_loop3A_1421], %parallel_loop3A_1416 {strides = array<i32>} : memref<3x27x256xf32, #tpu.memory_space<vmem>>, vector<16xf32>,
      %parallel_loop3A_1423 = arith.constant 24 : i32
      %parallel_loop3A_1424 = arith.index_cast %parallel_loop3A_1423 : i32 to index
      %parallel_loop3A_1425 = arith.index_cast %parallel_loop3A_154 : i32 to index
      %parallel_loop3A_1426 = tpu.vector_load %arg20[%parallel_loop3A_1424, %parallel_loop3A_1425] {strides = array<i32>} : memref<27x256xf32, #tpu.memory_space<vmem>>, vector<16xf32>,
      tpu.vector_store %arg20[%parallel_loop3A_1424, %parallel_loop3A_1425], %parallel_loop3A_749 {strides = array<i32>} : memref<27x256xf32, #tpu.memory_space<vmem>>, vector<16xf32>,
      %parallel_loop3A_1427 = arith.mulf %parallel_loop3A_231, %parallel_loop3A_749 : vector<16xf32>
      %parallel_loop3A_1428 = arith.addf %parallel_loop3A_195, %parallel_loop3A_1427 : vector<16xf32>
      %parallel_loop3A_1429 = arith.constant 0 : i32
      %parallel_loop3A_1430 = arith.constant 24 : i32
      %parallel_loop3A_1431 = arith.index_cast %parallel_loop3A_1429 : i32 to index
      %parallel_loop3A_1432 = arith.index_cast %parallel_loop3A_1430 : i32 to index
      %parallel_loop3A_1433 = arith.index_cast %parallel_loop3A_154 : i32 to index
      %parallel_loop3A_1434 = tpu.vector_load %arg21[%parallel_loop3A_1431, %parallel_loop3A_1432, %parallel_loop3A_1433] {strides = array<i32>} : memref<3x27x256xf32, #tpu.memory_space<vmem>>, vector<16xf32>,
      tpu.vector_store %arg21[%parallel_loop3A_1431, %parallel_loop3A_1432, %parallel_loop3A_1433], %parallel_loop3A_1428 {strides = array<i32>} : memref<3x27x256xf32, #tpu.memory_space<vmem>>, vector<16xf32>,
      %parallel_loop3A_1435 = arith.mulf %parallel_loop3A_235, %parallel_loop3A_749 : vector<16xf32>
      %parallel_loop3A_1436 = arith.addf %parallel_loop3A_211, %parallel_loop3A_1435 : vector<16xf32>
      %parallel_loop3A_1437 = arith.constant 1 : i32
      %parallel_loop3A_1438 = arith.constant 24 : i32
      %parallel_loop3A_1439 = arith.index_cast %parallel_loop3A_1437 : i32 to index
      %parallel_loop3A_1440 = arith.index_cast %parallel_loop3A_1438 : i32 to index
      %parallel_loop3A_1441 = arith.index_cast %parallel_loop3A_154 : i32 to index
      %parallel_loop3A_1442 = tpu.vector_load %arg21[%parallel_loop3A_1439, %parallel_loop3A_1440, %parallel_loop3A_1441] {strides = array<i32>} : memref<3x27x256xf32, #tpu.memory_space<vmem>>, vector<16xf32>,
      tpu.vector_store %arg21[%parallel_loop3A_1439, %parallel_loop3A_1440, %parallel_loop3A_1441], %parallel_loop3A_1436 {strides = array<i32>} : memref<3x27x256xf32, #tpu.memory_space<vmem>>, vector<16xf32>,
      %parallel_loop3A_1443 = arith.mulf %parallel_loop3A_239, %parallel_loop3A_749 : vector<16xf32>
      %parallel_loop3A_1444 = arith.addf %parallel_loop3A_227, %parallel_loop3A_1443 : vector<16xf32>
      %parallel_loop3A_1445 = arith.constant 2 : i32
      %parallel_loop3A_1446 = arith.constant 24 : i32
      %parallel_loop3A_1447 = arith.index_cast %parallel_loop3A_1445 : i32 to index
      %parallel_loop3A_1448 = arith.index_cast %parallel_loop3A_1446 : i32 to index
      %parallel_loop3A_1449 = arith.index_cast %parallel_loop3A_154 : i32 to index
      %parallel_loop3A_1450 = tpu.vector_load %arg21[%parallel_loop3A_1447, %parallel_loop3A_1448, %parallel_loop3A_1449] {strides = array<i32>} : memref<3x27x256xf32, #tpu.memory_space<vmem>>, vector<16xf32>,
      tpu.vector_store %arg21[%parallel_loop3A_1447, %parallel_loop3A_1448, %parallel_loop3A_1449], %parallel_loop3A_1444 {strides = array<i32>} : memref<3x27x256xf32, #tpu.memory_space<vmem>>, vector<16xf32>,
      %parallel_loop3A_1451 = arith.constant 25 : i32
      %parallel_loop3A_1452 = arith.index_cast %parallel_loop3A_1451 : i32 to index
      %parallel_loop3A_1453 = arith.index_cast %parallel_loop3A_154 : i32 to index
      %parallel_loop3A_1454 = tpu.vector_load %arg20[%parallel_loop3A_1452, %parallel_loop3A_1453] {strides = array<i32>} : memref<27x256xf32, #tpu.memory_space<vmem>>, vector<16xf32>,
      tpu.vector_store %arg20[%parallel_loop3A_1452, %parallel_loop3A_1453], %parallel_loop3A_750 {strides = array<i32>} : memref<27x256xf32, #tpu.memory_space<vmem>>, vector<16xf32>,
      %parallel_loop3A_1455 = arith.mulf %parallel_loop3A_231, %parallel_loop3A_750 : vector<16xf32>
      %parallel_loop3A_1456 = arith.addf %parallel_loop3A_195, %parallel_loop3A_1455 : vector<16xf32>
      %parallel_loop3A_1457 = arith.constant 0 : i32
      %parallel_loop3A_1458 = arith.constant 25 : i32
      %parallel_loop3A_1459 = arith.index_cast %parallel_loop3A_1457 : i32 to index
      %parallel_loop3A_1460 = arith.index_cast %parallel_loop3A_1458 : i32 to index
      %parallel_loop3A_1461 = arith.index_cast %parallel_loop3A_154 : i32 to index
      %parallel_loop3A_1462 = tpu.vector_load %arg21[%parallel_loop3A_1459, %parallel_loop3A_1460, %parallel_loop3A_1461] {strides = array<i32>} : memref<3x27x256xf32, #tpu.memory_space<vmem>>, vector<16xf32>,
      tpu.vector_store %arg21[%parallel_loop3A_1459, %parallel_loop3A_1460, %parallel_loop3A_1461], %parallel_loop3A_1456 {strides = array<i32>} : memref<3x27x256xf32, #tpu.memory_space<vmem>>, vector<16xf32>,
      %parallel_loop3A_1463 = arith.mulf %parallel_loop3A_235, %parallel_loop3A_750 : vector<16xf32>
      %parallel_loop3A_1464 = arith.addf %parallel_loop3A_211, %parallel_loop3A_1463 : vector<16xf32>
      %parallel_loop3A_1465 = arith.constant 1 : i32
      %parallel_loop3A_1466 = arith.constant 25 : i32
      %parallel_loop3A_1467 = arith.index_cast %parallel_loop3A_1465 : i32 to index
      %parallel_loop3A_1468 = arith.index_cast %parallel_loop3A_1466 : i32 to index
      %parallel_loop3A_1469 = arith.index_cast %parallel_loop3A_154 : i32 to index
      %parallel_loop3A_1470 = tpu.vector_load %arg21[%parallel_loop3A_1467, %parallel_loop3A_1468, %parallel_loop3A_1469] {strides = array<i32>} : memref<3x27x256xf32, #tpu.memory_space<vmem>>, vector<16xf32>,
      tpu.vector_store %arg21[%parallel_loop3A_1467, %parallel_loop3A_1468, %parallel_loop3A_1469], %parallel_loop3A_1464 {strides = array<i32>} : memref<3x27x256xf32, #tpu.memory_space<vmem>>, vector<16xf32>,
      %parallel_loop3A_1471 = arith.mulf %parallel_loop3A_239, %parallel_loop3A_750 : vector<16xf32>
      %parallel_loop3A_1472 = arith.addf %parallel_loop3A_227, %parallel_loop3A_1471 : vector<16xf32>
      %parallel_loop3A_1473 = arith.constant 2 : i32
      %parallel_loop3A_1474 = arith.constant 25 : i32
      %parallel_loop3A_1475 = arith.index_cast %parallel_loop3A_1473 : i32 to index
      %parallel_loop3A_1476 = arith.index_cast %parallel_loop3A_1474 : i32 to index
      %parallel_loop3A_1477 = arith.index_cast %parallel_loop3A_154 : i32 to index
      %parallel_loop3A_1478 = tpu.vector_load %arg21[%parallel_loop3A_1475, %parallel_loop3A_1476, %parallel_loop3A_1477] {strides = array<i32>} : memref<3x27x256xf32, #tpu.memory_space<vmem>>, vector<16xf32>,
      tpu.vector_store %arg21[%parallel_loop3A_1475, %parallel_loop3A_1476, %parallel_loop3A_1477], %parallel_loop3A_1472 {strides = array<i32>} : memref<3x27x256xf32, #tpu.memory_space<vmem>>, vector<16xf32>,
      %parallel_loop3A_1479 = arith.constant 26 : i32
      %parallel_loop3A_1480 = arith.index_cast %parallel_loop3A_1479 : i32 to index
      %parallel_loop3A_1481 = arith.index_cast %parallel_loop3A_154 : i32 to index
      %parallel_loop3A_1482 = tpu.vector_load %arg20[%parallel_loop3A_1480, %parallel_loop3A_1481] {strides = array<i32>} : memref<27x256xf32, #tpu.memory_space<vmem>>, vector<16xf32>,
      tpu.vector_store %arg20[%parallel_loop3A_1480, %parallel_loop3A_1481], %parallel_loop3A_724 {strides = array<i32>} : memref<27x256xf32, #tpu.memory_space<vmem>>, vector<16xf32>,
      %parallel_loop3A_1483 = arith.mulf %parallel_loop3A_231, %parallel_loop3A_724 : vector<16xf32>
      %parallel_loop3A_1484 = arith.addf %parallel_loop3A_195, %parallel_loop3A_1483 : vector<16xf32>
      %parallel_loop3A_1485 = arith.constant 0 : i32
      %parallel_loop3A_1486 = arith.constant 26 : i32
      %parallel_loop3A_1487 = arith.index_cast %parallel_loop3A_1485 : i32 to index
      %parallel_loop3A_1488 = arith.index_cast %parallel_loop3A_1486 : i32 to index
      %parallel_loop3A_1489 = arith.index_cast %parallel_loop3A_154 : i32 to index
      %parallel_loop3A_1490 = tpu.vector_load %arg21[%parallel_loop3A_1487, %parallel_loop3A_1488, %parallel_loop3A_1489] {strides = array<i32>} : memref<3x27x256xf32, #tpu.memory_space<vmem>>, vector<16xf32>,
      tpu.vector_store %arg21[%parallel_loop3A_1487, %parallel_loop3A_1488, %parallel_loop3A_1489], %parallel_loop3A_1484 {strides = array<i32>} : memref<3x27x256xf32, #tpu.memory_space<vmem>>, vector<16xf32>,
      %parallel_loop3A_1491 = arith.mulf %parallel_loop3A_235, %parallel_loop3A_724 : vector<16xf32>
      %parallel_loop3A_1492 = arith.addf %parallel_loop3A_211, %parallel_loop3A_1491 : vector<16xf32>
      %parallel_loop3A_1493 = arith.constant 1 : i32
      %parallel_loop3A_1494 = arith.constant 26 : i32
      %parallel_loop3A_1495 = arith.index_cast %parallel_loop3A_1493 : i32 to index
      %parallel_loop3A_1496 = arith.index_cast %parallel_loop3A_1494 : i32 to index
      %parallel_loop3A_1497 = arith.index_cast %parallel_loop3A_154 : i32 to index
      %parallel_loop3A_1498 = tpu.vector_load %arg21[%parallel_loop3A_1495, %parallel_loop3A_1496, %parallel_loop3A_1497] {strides = array<i32>} : memref<3x27x256xf32, #tpu.memory_space<vmem>>, vector<16xf32>,
      tpu.vector_store %arg21[%parallel_loop3A_1495, %parallel_loop3A_1496, %parallel_loop3A_1497], %parallel_loop3A_1492 {strides = array<i32>} : memref<3x27x256xf32, #tpu.memory_space<vmem>>, vector<16xf32>,
      %parallel_loop3A_1499 = arith.mulf %parallel_loop3A_239, %parallel_loop3A_724 : vector<16xf32>
      %parallel_loop3A_1500 = arith.addf %parallel_loop3A_227, %parallel_loop3A_1499 : vector<16xf32>
      %parallel_loop3A_1501 = arith.constant 2 : i32
      %parallel_loop3A_1502 = arith.constant 26 : i32
      %parallel_loop3A_1503 = arith.index_cast %parallel_loop3A_1501 : i32 to index
      %parallel_loop3A_1504 = arith.index_cast %parallel_loop3A_1502 : i32 to index
      %parallel_loop3A_1505 = arith.index_cast %parallel_loop3A_154 : i32 to index
      %parallel_loop3A_1506 = tpu.vector_load %arg21[%parallel_loop3A_1503, %parallel_loop3A_1504, %parallel_loop3A_1505] {strides = array<i32>} : memref<3x27x256xf32, #tpu.memory_space<vmem>>, vector<16xf32>,
      tpu.vector_store %arg21[%parallel_loop3A_1503, %parallel_loop3A_1504, %parallel_loop3A_1505], %parallel_loop3A_1500 {strides = array<i32>} : memref<3x27x256xf32, #tpu.memory_space<vmem>>, vector<16xf32>,
    } {sc.loop_unroll_factor = 2 : i64, sc.parallel_access}
    %dma_start3A_49 = arith.constant 0 : i32
    %dma_start3A_50 = arith.constant 0 : i32
    %dma_start3A_51 = tpu.memref_slice %arg20[%dma_start3A_49, %dma_start3A_50] : memref<27x256xf32, #tpu.memory_space<vmem>> -> memref<27x128xf32, #tpu.memory_space<vmem>>
    %dma_start3A_52 = arith.constant 0 : i32
    %dma_start3A_53 = tpu.memref_slice %arg9[%dma_start3A_52, %mul3A_2] : memref<27x8192xf32, #tpu.memory_space<hbm>> -> memref<27x128xf32, #tpu.memory_space<hbm>>
    %dma_start3A_54 = arith.constant 0 : i32
    %dma_start3A_55 = tpu.memref_slice %arg9[%dma_start3A_54, %mul3A_2] : memref<27x8192xf32, #tpu.memory_space<hbm>> -> memref<27x128xf32, #tpu.memory_space<hbm>>
    %dma_start3A_56 = arith.constant 0 : i32
    %dma_start3A_57 = arith.constant 0 : i32
    %dma_start3A_58 = tpu.memref_slice %arg20[%dma_start3A_56, %dma_start3A_57] : memref<27x256xf32, #tpu.memory_space<vmem>> -> memref<27x128xf32, #tpu.memory_space<vmem>>
    tpu.enqueue_dma source(%dma_start3A_58 : memref<27x128xf32, #tpu.memory_space<vmem>>) target(%dma_start3A_55 : memref<27x128xf32, #tpu.memory_space<hbm>>) target_semaphore(%arg22 : memref<!tpu.dma_semaphore, #tpu.memory_space<semaphore_mem>>)
    %dma_start3A_59 = arith.constant 0 : i32
    %dma_start3A_60 = arith.constant 0 : i32
    %dma_start3A_61 = arith.constant 0 : i32
    %dma_start3A_62 = tpu.memref_slice %arg21[%dma_start3A_59, %dma_start3A_60, %dma_start3A_61] : memref<3x27x256xf32, #tpu.memory_space<vmem>> -> memref<3x27x128xf32, #tpu.memory_space<vmem>>
    %dma_start3A_63 = arith.constant 0 : i32
    %dma_start3A_64 = arith.constant 0 : i32
    %dma_start3A_65 = tpu.memref_slice %arg10[%dma_start3A_63, %dma_start3A_64, %mul3A_2] : memref<3x27x8192xf32, #tpu.memory_space<hbm>> -> memref<3x27x128xf32, #tpu.memory_space<hbm>>
    %dma_start3A_66 = arith.constant 0 : i32
    %dma_start3A_67 = arith.constant 0 : i32
    %dma_start3A_68 = tpu.memref_slice %arg10[%dma_start3A_66, %dma_start3A_67, %mul3A_2] : memref<3x27x8192xf32, #tpu.memory_space<hbm>> -> memref<3x27x128xf32, #tpu.memory_space<hbm>>
    %dma_start3A_69 = arith.constant 0 : i32
    %dma_start3A_70 = arith.constant 0 : i32
    %dma_start3A_71 = arith.constant 0 : i32
    %dma_start3A_72 = tpu.memref_slice %arg21[%dma_start3A_69, %dma_start3A_70, %dma_start3A_71] : memref<3x27x256xf32, #tpu.memory_space<vmem>> -> memref<3x27x128xf32, #tpu.memory_space<vmem>>
    tpu.enqueue_dma source(%dma_start3A_72 : memref<3x27x128xf32, #tpu.memory_space<vmem>>) target(%dma_start3A_68 : memref<3x27x128xf32, #tpu.memory_space<hbm>>) target_semaphore(%arg22 : memref<!tpu.dma_semaphore, #tpu.memory_space<semaphore_mem>>)
    %parallel_loop3A_73 = arith.constant 8 : i32
    %parallel_loop3A_74 = arith.constant 16 : i32
    %parallel_loop3A_75 = arith.constant 1 : i32
    scf.for %parallel_loop3A_152 = %parallel_loop3A_73 to %parallel_loop3A_74 step %parallel_loop3A_75  : i32 {
      %parallel_loop3A_153 = arith.constant 16 : i32
      %parallel_loop3A_154 = arith.muli %parallel_loop3A_152, %parallel_loop3A_153 : i32
      %parallel_loop3A_155 = vector.broadcast %parallel_loop3A_154 : i32 to vector<16xi32>
      %parallel_loop3A_156 = arith.addi %parallel_loop3A_155, %iota3A : vector<16xi32>
      %parallel_loop3A_157 = arith.index_cast %parallel_loop3A_154 : i32 to index
      %parallel_loop3A_158 = tpu.vector_load %arg11[%parallel_loop3A_157] {strides = array<i32>} : memref<256xi32, #tpu.memory_space<vmem>>, vector<16xi32>,
      %parallel_loop3A_159 = arith.index_cast %parallel_loop3A_154 : i32 to index
      %parallel_loop3A_160 = tpu.vector_load %arg12[%parallel_loop3A_159] {strides = array<i32>} : memref<256xi32, #tpu.memory_space<vmem>>, vector<16xi32>,
      %parallel_loop3A_161 = arith.index_cast %parallel_loop3A_154 : i32 to index
      %parallel_loop3A_162 = tpu.vector_load %arg13[%parallel_loop3A_161] {strides = array<i32>} : memref<256xi32, #tpu.memory_space<vmem>>, vector<16xi32>,
      %parallel_loop3A_163 = arith.sitofp %parallel_loop3A_162 : vector<16xi32> to vector<16xf32>
      %parallel_loop3A_164 = arith.constant 3.195000e+02 : f32
      %parallel_loop3A_165 = vector.broadcast %parallel_loop3A_164 : f32 to vector<16xf32>
      %parallel_loop3A_166 = arith.subf %parallel_loop3A_163, %parallel_loop3A_165 : vector<16xf32>
      %parallel_loop3A_167 = arith.constant 0.00166666671 : f32
      %parallel_loop3A_168 = vector.broadcast %parallel_loop3A_167 : f32 to vector<16xf32>
      %parallel_loop3A_169 = arith.mulf %parallel_loop3A_166, %parallel_loop3A_168 : vector<16xf32>
      %parallel_loop3A_170 = arith.sitofp %parallel_loop3A_160 : vector<16xi32> to vector<16xf32>
      %parallel_loop3A_171 = arith.constant 2.395000e+02 : f32
      %parallel_loop3A_172 = vector.broadcast %parallel_loop3A_171 : f32 to vector<16xf32>
      %parallel_loop3A_173 = arith.subf %parallel_loop3A_170, %parallel_loop3A_172 : vector<16xf32>
      %parallel_loop3A_174 = arith.constant 0.00166666671 : f32
      %parallel_loop3A_175 = vector.broadcast %parallel_loop3A_174 : f32 to vector<16xf32>
      %parallel_loop3A_176 = arith.mulf %parallel_loop3A_173, %parallel_loop3A_175 : vector<16xf32>
      %parallel_loop3A_177 = arith.constant 16 : i32
      %parallel_loop3A_178 = vector.broadcast %parallel_loop3A_177 : i32 to vector<16xi32>
      %parallel_loop3A_179 = arith.muli %parallel_loop3A_158, %parallel_loop3A_178 : vector<16xi32>
      %parallel_loop3A_180 = arith.constant 0 : i32
      %parallel_loop3A_181 = vector.broadcast %parallel_loop3A_180 : i32 to vector<16xi32>
      %parallel_loop3A_182 = arith.addi %parallel_loop3A_179, %parallel_loop3A_181 : vector<16xi32>
      %parallel_loop3A_183 = tpu.vector_load_idx %arg17[%parallel_loop3A_182] : memref<128xf32, #tpu.memory_space<vmem>>[vector<16xi32>], vector<16xf32>,
      %parallel_loop3A_184 = arith.constant 1 : i32
      %parallel_loop3A_185 = vector.broadcast %parallel_loop3A_184 : i32 to vector<16xi32>
      %parallel_loop3A_186 = arith.addi %parallel_loop3A_179, %parallel_loop3A_185 : vector<16xi32>
      %parallel_loop3A_187 = tpu.vector_load_idx %arg17[%parallel_loop3A_186] : memref<128xf32, #tpu.memory_space<vmem>>[vector<16xi32>], vector<16xf32>,
      %parallel_loop3A_188 = arith.constant 2 : i32
      %parallel_loop3A_189 = vector.broadcast %parallel_loop3A_188 : i32 to vector<16xi32>
      %parallel_loop3A_190 = arith.addi %parallel_loop3A_179, %parallel_loop3A_189 : vector<16xi32>
      %parallel_loop3A_191 = tpu.vector_load_idx %arg17[%parallel_loop3A_190] : memref<128xf32, #tpu.memory_space<vmem>>[vector<16xi32>], vector<16xf32>,
      %parallel_loop3A_192 = arith.constant 3 : i32
      %parallel_loop3A_193 = vector.broadcast %parallel_loop3A_192 : i32 to vector<16xi32>
      %parallel_loop3A_194 = arith.addi %parallel_loop3A_179, %parallel_loop3A_193 : vector<16xi32>
      %parallel_loop3A_195 = tpu.vector_load_idx %arg17[%parallel_loop3A_194] : memref<128xf32, #tpu.memory_space<vmem>>[vector<16xi32>], vector<16xf32>,
      %parallel_loop3A_196 = arith.constant 4 : i32
      %parallel_loop3A_197 = vector.broadcast %parallel_loop3A_196 : i32 to vector<16xi32>
      %parallel_loop3A_198 = arith.addi %parallel_loop3A_179, %parallel_loop3A_197 : vector<16xi32>
      %parallel_loop3A_199 = tpu.vector_load_idx %arg17[%parallel_loop3A_198] : memref<128xf32, #tpu.memory_space<vmem>>[vector<16xi32>], vector<16xf32>,
      %parallel_loop3A_200 = arith.constant 5 : i32
      %parallel_loop3A_201 = vector.broadcast %parallel_loop3A_200 : i32 to vector<16xi32>
      %parallel_loop3A_202 = arith.addi %parallel_loop3A_179, %parallel_loop3A_201 : vector<16xi32>
      %parallel_loop3A_203 = tpu.vector_load_idx %arg17[%parallel_loop3A_202] : memref<128xf32, #tpu.memory_space<vmem>>[vector<16xi32>], vector<16xf32>,
      %parallel_loop3A_204 = arith.constant 6 : i32
      %parallel_loop3A_205 = vector.broadcast %parallel_loop3A_204 : i32 to vector<16xi32>
      %parallel_loop3A_206 = arith.addi %parallel_loop3A_179, %parallel_loop3A_205 : vector<16xi32>
      %parallel_loop3A_207 = tpu.vector_load_idx %arg17[%parallel_loop3A_206] : memref<128xf32, #tpu.memory_space<vmem>>[vector<16xi32>], vector<16xf32>,
      %parallel_loop3A_208 = arith.constant 7 : i32
      %parallel_loop3A_209 = vector.broadcast %parallel_loop3A_208 : i32 to vector<16xi32>
      %parallel_loop3A_210 = arith.addi %parallel_loop3A_179, %parallel_loop3A_209 : vector<16xi32>
      %parallel_loop3A_211 = tpu.vector_load_idx %arg17[%parallel_loop3A_210] : memref<128xf32, #tpu.memory_space<vmem>>[vector<16xi32>], vector<16xf32>,
      %parallel_loop3A_212 = arith.constant 8 : i32
      %parallel_loop3A_213 = vector.broadcast %parallel_loop3A_212 : i32 to vector<16xi32>
      %parallel_loop3A_214 = arith.addi %parallel_loop3A_179, %parallel_loop3A_213 : vector<16xi32>
      %parallel_loop3A_215 = tpu.vector_load_idx %arg17[%parallel_loop3A_214] : memref<128xf32, #tpu.memory_space<vmem>>[vector<16xi32>], vector<16xf32>,
      %parallel_loop3A_216 = arith.constant 9 : i32
      %parallel_loop3A_217 = vector.broadcast %parallel_loop3A_216 : i32 to vector<16xi32>
      %parallel_loop3A_218 = arith.addi %parallel_loop3A_179, %parallel_loop3A_217 : vector<16xi32>
      %parallel_loop3A_219 = tpu.vector_load_idx %arg17[%parallel_loop3A_218] : memref<128xf32, #tpu.memory_space<vmem>>[vector<16xi32>], vector<16xf32>,
      %parallel_loop3A_220 = arith.constant 10 : i32
      %parallel_loop3A_221 = vector.broadcast %parallel_loop3A_220 : i32 to vector<16xi32>
      %parallel_loop3A_222 = arith.addi %parallel_loop3A_179, %parallel_loop3A_221 : vector<16xi32>
      %parallel_loop3A_223 = tpu.vector_load_idx %arg17[%parallel_loop3A_222] : memref<128xf32, #tpu.memory_space<vmem>>[vector<16xi32>], vector<16xf32>,
      %parallel_loop3A_224 = arith.constant 11 : i32
      %parallel_loop3A_225 = vector.broadcast %parallel_loop3A_224 : i32 to vector<16xi32>
      %parallel_loop3A_226 = arith.addi %parallel_loop3A_179, %parallel_loop3A_225 : vector<16xi32>
      %parallel_loop3A_227 = tpu.vector_load_idx %arg17[%parallel_loop3A_226] : memref<128xf32, #tpu.memory_space<vmem>>[vector<16xi32>], vector<16xf32>,
      %parallel_loop3A_228 = arith.mulf %parallel_loop3A_183, %parallel_loop3A_169 : vector<16xf32>
      %parallel_loop3A_229 = arith.mulf %parallel_loop3A_187, %parallel_loop3A_176 : vector<16xf32>
      %parallel_loop3A_230 = arith.addf %parallel_loop3A_228, %parallel_loop3A_229 : vector<16xf32>
      %parallel_loop3A_231 = arith.addf %parallel_loop3A_230, %parallel_loop3A_191 : vector<16xf32>
      %parallel_loop3A_232 = arith.mulf %parallel_loop3A_199, %parallel_loop3A_169 : vector<16xf32>
      %parallel_loop3A_233 = arith.mulf %parallel_loop3A_203, %parallel_loop3A_176 : vector<16xf32>
      %parallel_loop3A_234 = arith.addf %parallel_loop3A_232, %parallel_loop3A_233 : vector<16xf32>
      %parallel_loop3A_235 = arith.addf %parallel_loop3A_234, %parallel_loop3A_207 : vector<16xf32>
      %parallel_loop3A_236 = arith.mulf %parallel_loop3A_215, %parallel_loop3A_169 : vector<16xf32>
      %parallel_loop3A_237 = arith.mulf %parallel_loop3A_219, %parallel_loop3A_176 : vector<16xf32>
      %parallel_loop3A_238 = arith.addf %parallel_loop3A_236, %parallel_loop3A_237 : vector<16xf32>
      %parallel_loop3A_239 = arith.addf %parallel_loop3A_238, %parallel_loop3A_223 : vector<16xf32>
      %parallel_loop3A_240 = arith.index_cast %parallel_loop3A_154 : i32 to index
      %parallel_loop3A_241 = tpu.vector_load %arg16[%parallel_loop3A_240] {strides = array<i32>} : memref<256xf32, #tpu.memory_space<vmem>>, vector<16xf32>,
      %parallel_loop3A_242 = arith.constant 9.99999993E-9 : f32
      %parallel_loop3A_243 = vector.broadcast %parallel_loop3A_242 : f32 to vector<16xf32>
      %parallel_loop3A_244 = arith.addf %parallel_loop3A_241, %parallel_loop3A_243 : vector<16xf32>
      %parallel_loop3A_245 = tpu.bitcast %parallel_loop3A_244 : vector<16xf32> -> vector<16xi32>
      %parallel_loop3A_246 = arith.constant -2147483648 : i32
      %parallel_loop3A_247 = vector.broadcast %parallel_loop3A_246 : i32 to vector<16xi32>
      %parallel_loop3A_248 = arith.andi %parallel_loop3A_245, %parallel_loop3A_247 : vector<16xi32>
      %parallel_loop3A_249 = arith.constant 1065353216 : i32
      %parallel_loop3A_250 = vector.broadcast %parallel_loop3A_249 : i32 to vector<16xi32>
      %parallel_loop3A_251 = arith.ori %parallel_loop3A_250, %parallel_loop3A_248 : vector<16xi32>
      %parallel_loop3A_252 = tpu.bitcast %parallel_loop3A_251 : vector<16xi32> -> vector<16xf32>
      %parallel_loop3A_253 = math.absf %parallel_loop3A_244 : vector<16xf32>
      %parallel_loop3A_254 = arith.constant 0.000000e+00 : f32
      %parallel_loop3A_255 = vector.broadcast %parallel_loop3A_254 : f32 to vector<16xf32>
      %parallel_loop3A_256 = arith.cmpf ogt, %parallel_loop3A_253, %parallel_loop3A_255 : vector<16xf32>
      %parallel_loop3A_257 = arith.select %parallel_loop3A_256, %parallel_loop3A_252, %parallel_loop3A_244 : vector<16xi1>, vector<16xf32>
      %parallel_loop3A_258 = arith.constant 1.000000e-01 : f32
      %parallel_loop3A_259 = vector.broadcast %parallel_loop3A_258 : f32 to vector<16xf32>
      %parallel_loop3A_260 = arith.mulf %parallel_loop3A_257, %parallel_loop3A_259 : vector<16xf32>
      %parallel_loop3A_261 = arith.addf %parallel_loop3A_241, %parallel_loop3A_260 : vector<16xf32>
      %parallel_loop3A_262 = arith.constant 7.000000e-02 : f32
      %parallel_loop3A_263 = vector.broadcast %parallel_loop3A_262 : f32 to vector<16xf32>
      %parallel_loop3A_264 = arith.subf %parallel_loop3A_261, %parallel_loop3A_263 : vector<16xf32>
      %parallel_loop3A_265 = arith.constant 19 : i32
      %parallel_loop3A_266 = vector.broadcast %parallel_loop3A_265 : i32 to vector<16xi32>
      %parallel_loop3A_267 = arith.muli %parallel_loop3A_156, %parallel_loop3A_266 : vector<16xi32>
      %parallel_loop3A_268 = arith.constant 0 : i32
      %parallel_loop3A_269 = vector.broadcast %parallel_loop3A_268 : i32 to vector<16xi32>
      %parallel_loop3A_270 = arith.addi %parallel_loop3A_267, %parallel_loop3A_269 : vector<16xi32>
      %parallel_loop3A_271 = tpu.vector_load_idx %arg18[%parallel_loop3A_270] : memref<4864xf32, #tpu.memory_space<vmem>>[vector<16xi32>], vector<16xf32>,
      %parallel_loop3A_272 = arith.constant 0.0526315793 : f32
      %parallel_loop3A_273 = vector.broadcast %parallel_loop3A_272 : f32 to vector<16xf32>
      %parallel_loop3A_274 = arith.mulf %parallel_loop3A_273, %parallel_loop3A_271 : vector<16xf32>
      %parallel_loop3A_275 = arith.constant 0.000000e+00 : f32
      %parallel_loop3A_276 = vector.broadcast %parallel_loop3A_275 : f32 to vector<16xf32>
      %parallel_loop3A_277 = arith.addf %parallel_loop3A_276, %parallel_loop3A_274 : vector<16xf32>
      %parallel_loop3A_278 = arith.mulf %parallel_loop3A_277, %parallel_loop3A_264 : vector<16xf32>
      %parallel_loop3A_279 = arith.constant 7.000000e-02 : f32
      %parallel_loop3A_280 = vector.broadcast %parallel_loop3A_279 : f32 to vector<16xf32>
      %parallel_loop3A_281 = arith.addf %parallel_loop3A_280, %parallel_loop3A_278 : vector<16xf32>
      %parallel_loop3A_282 = arith.constant 1 : i32
      %parallel_loop3A_283 = vector.broadcast %parallel_loop3A_282 : i32 to vector<16xi32>
      %parallel_loop3A_284 = arith.addi %parallel_loop3A_267, %parallel_loop3A_283 : vector<16xi32>
      %parallel_loop3A_285 = tpu.vector_load_idx %arg18[%parallel_loop3A_284] : memref<4864xf32, #tpu.memory_space<vmem>>[vector<16xi32>], vector<16xf32>,
      %parallel_loop3A_286 = arith.constant 0.0526315793 : f32
      %parallel_loop3A_287 = vector.broadcast %parallel_loop3A_286 : f32 to vector<16xf32>
      %parallel_loop3A_288 = arith.mulf %parallel_loop3A_287, %parallel_loop3A_285 : vector<16xf32>
      %parallel_loop3A_289 = arith.constant 0.0526315793 : f32
      %parallel_loop3A_290 = vector.broadcast %parallel_loop3A_289 : f32 to vector<16xf32>
      %parallel_loop3A_291 = arith.addf %parallel_loop3A_290, %parallel_loop3A_288 : vector<16xf32>
      %parallel_loop3A_292 = arith.mulf %parallel_loop3A_291, %parallel_loop3A_264 : vector<16xf32>
      %parallel_loop3A_293 = arith.constant 7.000000e-02 : f32
      %parallel_loop3A_294 = vector.broadcast %parallel_loop3A_293 : f32 to vector<16xf32>
      %parallel_loop3A_295 = arith.addf %parallel_loop3A_294, %parallel_loop3A_292 : vector<16xf32>
      %parallel_loop3A_296 = arith.constant 2 : i32
      %parallel_loop3A_297 = vector.broadcast %parallel_loop3A_296 : i32 to vector<16xi32>
      %parallel_loop3A_298 = arith.addi %parallel_loop3A_267, %parallel_loop3A_297 : vector<16xi32>
      %parallel_loop3A_299 = tpu.vector_load_idx %arg18[%parallel_loop3A_298] : memref<4864xf32, #tpu.memory_space<vmem>>[vector<16xi32>], vector<16xf32>,
      %parallel_loop3A_300 = arith.constant 0.0526315719 : f32
      %parallel_loop3A_301 = vector.broadcast %parallel_loop3A_300 : f32 to vector<16xf32>
      %parallel_loop3A_302 = arith.mulf %parallel_loop3A_301, %parallel_loop3A_299 : vector<16xf32>
      %parallel_loop3A_303 = arith.constant 0.105263159 : f32
      %parallel_loop3A_304 = vector.broadcast %parallel_loop3A_303 : f32 to vector<16xf32>
      %parallel_loop3A_305 = arith.addf %parallel_loop3A_304, %parallel_loop3A_302 : vector<16xf32>
      %parallel_loop3A_306 = arith.mulf %parallel_loop3A_305, %parallel_loop3A_264 : vector<16xf32>
      %parallel_loop3A_307 = arith.constant 7.000000e-02 : f32
      %parallel_loop3A_308 = vector.broadcast %parallel_loop3A_307 : f32 to vector<16xf32>
      %parallel_loop3A_309 = arith.addf %parallel_loop3A_308, %parallel_loop3A_306 : vector<16xf32>
      %parallel_loop3A_310 = arith.constant 3 : i32
      %parallel_loop3A_311 = vector.broadcast %parallel_loop3A_310 : i32 to vector<16xi32>
      %parallel_loop3A_312 = arith.addi %parallel_loop3A_267, %parallel_loop3A_311 : vector<16xi32>
      %parallel_loop3A_313 = tpu.vector_load_idx %arg18[%parallel_loop3A_312] : memref<4864xf32, #tpu.memory_space<vmem>>[vector<16xi32>], vector<16xf32>,
      %parallel_loop3A_314 = arith.constant 0.0526315868 : f32
      %parallel_loop3A_315 = vector.broadcast %parallel_loop3A_314 : f32 to vector<16xf32>
      %parallel_loop3A_316 = arith.mulf %parallel_loop3A_315, %parallel_loop3A_313 : vector<16xf32>
      %parallel_loop3A_317 = arith.constant 0.157894731 : f32
      %parallel_loop3A_318 = vector.broadcast %parallel_loop3A_317 : f32 to vector<16xf32>
      %parallel_loop3A_319 = arith.addf %parallel_loop3A_318, %parallel_loop3A_316 : vector<16xf32>
      %parallel_loop3A_320 = arith.mulf %parallel_loop3A_319, %parallel_loop3A_264 : vector<16xf32>
      %parallel_loop3A_321 = arith.constant 7.000000e-02 : f32
      %parallel_loop3A_322 = vector.broadcast %parallel_loop3A_321 : f32 to vector<16xf32>
      %parallel_loop3A_323 = arith.addf %parallel_loop3A_322, %parallel_loop3A_320 : vector<16xf32>
      %parallel_loop3A_324 = arith.constant 4 : i32
      %parallel_loop3A_325 = vector.broadcast %parallel_loop3A_324 : i32 to vector<16xi32>
      %parallel_loop3A_326 = arith.addi %parallel_loop3A_267, %parallel_loop3A_325 : vector<16xi32>
      %parallel_loop3A_327 = tpu.vector_load_idx %arg18[%parallel_loop3A_326] : memref<4864xf32, #tpu.memory_space<vmem>>[vector<16xi32>], vector<16xf32>,
      %parallel_loop3A_328 = arith.constant 0.0526315868 : f32
      %parallel_loop3A_329 = vector.broadcast %parallel_loop3A_328 : f32 to vector<16xf32>
      %parallel_loop3A_330 = arith.mulf %parallel_loop3A_329, %parallel_loop3A_327 : vector<16xf32>
      %parallel_loop3A_331 = arith.constant 0.210526317 : f32
      %parallel_loop3A_332 = vector.broadcast %parallel_loop3A_331 : f32 to vector<16xf32>
      %parallel_loop3A_333 = arith.addf %parallel_loop3A_332, %parallel_loop3A_330 : vector<16xf32>
      %parallel_loop3A_334 = arith.mulf %parallel_loop3A_333, %parallel_loop3A_264 : vector<16xf32>
      %parallel_loop3A_335 = arith.constant 7.000000e-02 : f32
      %parallel_loop3A_336 = vector.broadcast %parallel_loop3A_335 : f32 to vector<16xf32>
      %parallel_loop3A_337 = arith.addf %parallel_loop3A_336, %parallel_loop3A_334 : vector<16xf32>
      %parallel_loop3A_338 = arith.constant 5 : i32
      %parallel_loop3A_339 = vector.broadcast %parallel_loop3A_338 : i32 to vector<16xi32>
      %parallel_loop3A_340 = arith.addi %parallel_loop3A_267, %parallel_loop3A_339 : vector<16xi32>
      %parallel_loop3A_341 = tpu.vector_load_idx %arg18[%parallel_loop3A_340] : memref<4864xf32, #tpu.memory_space<vmem>>[vector<16xi32>], vector<16xf32>,
      %parallel_loop3A_342 = arith.constant 0.052631557 : f32
      %parallel_loop3A_343 = vector.broadcast %parallel_loop3A_342 : f32 to vector<16xf32>
      %parallel_loop3A_344 = arith.mulf %parallel_loop3A_343, %parallel_loop3A_341 : vector<16xf32>
      %parallel_loop3A_345 = arith.constant 0.263157904 : f32
      %parallel_loop3A_346 = vector.broadcast %parallel_loop3A_345 : f32 to vector<16xf32>
      %parallel_loop3A_347 = arith.addf %parallel_loop3A_346, %parallel_loop3A_344 : vector<16xf32>
      %parallel_loop3A_348 = arith.mulf %parallel_loop3A_347, %parallel_loop3A_264 : vector<16xf32>
      %parallel_loop3A_349 = arith.constant 7.000000e-02 : f32
      %parallel_loop3A_350 = vector.broadcast %parallel_loop3A_349 : f32 to vector<16xf32>
      %parallel_loop3A_351 = arith.addf %parallel_loop3A_350, %parallel_loop3A_348 : vector<16xf32>
      %parallel_loop3A_352 = arith.constant 6 : i32
      %parallel_loop3A_353 = vector.broadcast %parallel_loop3A_352 : i32 to vector<16xi32>
      %parallel_loop3A_354 = arith.addi %parallel_loop3A_267, %parallel_loop3A_353 : vector<16xi32>
      %parallel_loop3A_355 = tpu.vector_load_idx %arg18[%parallel_loop3A_354] : memref<4864xf32, #tpu.memory_space<vmem>>[vector<16xi32>], vector<16xf32>,
      %parallel_loop3A_356 = arith.constant 0.0526315868 : f32
      %parallel_loop3A_357 = vector.broadcast %parallel_loop3A_356 : f32 to vector<16xf32>
      %parallel_loop3A_358 = arith.mulf %parallel_loop3A_357, %parallel_loop3A_355 : vector<16xf32>
      %parallel_loop3A_359 = arith.constant 0.315789461 : f32
      %parallel_loop3A_360 = vector.broadcast %parallel_loop3A_359 : f32 to vector<16xf32>
      %parallel_loop3A_361 = arith.addf %parallel_loop3A_360, %parallel_loop3A_358 : vector<16xf32>
      %parallel_loop3A_362 = arith.mulf %parallel_loop3A_361, %parallel_loop3A_264 : vector<16xf32>
      %parallel_loop3A_363 = arith.constant 7.000000e-02 : f32
      %parallel_loop3A_364 = vector.broadcast %parallel_loop3A_363 : f32 to vector<16xf32>
      %parallel_loop3A_365 = arith.addf %parallel_loop3A_364, %parallel_loop3A_362 : vector<16xf32>
      %parallel_loop3A_366 = arith.constant 7 : i32
      %parallel_loop3A_367 = vector.broadcast %parallel_loop3A_366 : i32 to vector<16xi32>
      %parallel_loop3A_368 = arith.addi %parallel_loop3A_267, %parallel_loop3A_367 : vector<16xi32>
      %parallel_loop3A_369 = tpu.vector_load_idx %arg18[%parallel_loop3A_368] : memref<4864xf32, #tpu.memory_space<vmem>>[vector<16xi32>], vector<16xf32>,
      %parallel_loop3A_370 = arith.constant 0.0526315868 : f32
      %parallel_loop3A_371 = vector.broadcast %parallel_loop3A_370 : f32 to vector<16xf32>
      %parallel_loop3A_372 = arith.mulf %parallel_loop3A_371, %parallel_loop3A_369 : vector<16xf32>
      %parallel_loop3A_373 = arith.constant 0.368421048 : f32
      %parallel_loop3A_374 = vector.broadcast %parallel_loop3A_373 : f32 to vector<16xf32>
      %parallel_loop3A_375 = arith.addf %parallel_loop3A_374, %parallel_loop3A_372 : vector<16xf32>
      %parallel_loop3A_376 = arith.mulf %parallel_loop3A_375, %parallel_loop3A_264 : vector<16xf32>
      %parallel_loop3A_377 = arith.constant 7.000000e-02 : f32
      %parallel_loop3A_378 = vector.broadcast %parallel_loop3A_377 : f32 to vector<16xf32>
      %parallel_loop3A_379 = arith.addf %parallel_loop3A_378, %parallel_loop3A_376 : vector<16xf32>
      %parallel_loop3A_380 = arith.constant 8 : i32
      %parallel_loop3A_381 = vector.broadcast %parallel_loop3A_380 : i32 to vector<16xi32>
      %parallel_loop3A_382 = arith.addi %parallel_loop3A_267, %parallel_loop3A_381 : vector<16xi32>
      %parallel_loop3A_383 = tpu.vector_load_idx %arg18[%parallel_loop3A_382] : memref<4864xf32, #tpu.memory_space<vmem>>[vector<16xi32>], vector<16xf32>,
      %parallel_loop3A_384 = arith.constant 0.0526315868 : f32
      %parallel_loop3A_385 = vector.broadcast %parallel_loop3A_384 : f32 to vector<16xf32>
      %parallel_loop3A_386 = arith.mulf %parallel_loop3A_385, %parallel_loop3A_383 : vector<16xf32>
      %parallel_loop3A_387 = arith.constant 0.421052635 : f32
      %parallel_loop3A_388 = vector.broadcast %parallel_loop3A_387 : f32 to vector<16xf32>
      %parallel_loop3A_389 = arith.addf %parallel_loop3A_388, %parallel_loop3A_386 : vector<16xf32>
      %parallel_loop3A_390 = arith.mulf %parallel_loop3A_389, %parallel_loop3A_264 : vector<16xf32>
      %parallel_loop3A_391 = arith.constant 7.000000e-02 : f32
      %parallel_loop3A_392 = vector.broadcast %parallel_loop3A_391 : f32 to vector<16xf32>
      %parallel_loop3A_393 = arith.addf %parallel_loop3A_392, %parallel_loop3A_390 : vector<16xf32>
      %parallel_loop3A_394 = arith.constant 9 : i32
      %parallel_loop3A_395 = vector.broadcast %parallel_loop3A_394 : i32 to vector<16xi32>
      %parallel_loop3A_396 = arith.addi %parallel_loop3A_267, %parallel_loop3A_395 : vector<16xi32>
      %parallel_loop3A_397 = tpu.vector_load_idx %arg18[%parallel_loop3A_396] : memref<4864xf32, #tpu.memory_space<vmem>>[vector<16xi32>], vector<16xf32>,
      %parallel_loop3A_398 = arith.constant 0.0526315868 : f32
      %parallel_loop3A_399 = vector.broadcast %parallel_loop3A_398 : f32 to vector<16xf32>
      %parallel_loop3A_400 = arith.mulf %parallel_loop3A_399, %parallel_loop3A_397 : vector<16xf32>
      %parallel_loop3A_401 = arith.constant 0.473684222 : f32
      %parallel_loop3A_402 = vector.broadcast %parallel_loop3A_401 : f32 to vector<16xf32>
      %parallel_loop3A_403 = arith.addf %parallel_loop3A_402, %parallel_loop3A_400 : vector<16xf32>
      %parallel_loop3A_404 = arith.mulf %parallel_loop3A_403, %parallel_loop3A_264 : vector<16xf32>
      %parallel_loop3A_405 = arith.constant 7.000000e-02 : f32
      %parallel_loop3A_406 = vector.broadcast %parallel_loop3A_405 : f32 to vector<16xf32>
      %parallel_loop3A_407 = arith.addf %parallel_loop3A_406, %parallel_loop3A_404 : vector<16xf32>
      %parallel_loop3A_408 = arith.constant 10 : i32
      %parallel_loop3A_409 = vector.broadcast %parallel_loop3A_408 : i32 to vector<16xi32>
      %parallel_loop3A_410 = arith.addi %parallel_loop3A_267, %parallel_loop3A_409 : vector<16xi32>
      %parallel_loop3A_411 = tpu.vector_load_idx %arg18[%parallel_loop3A_410] : memref<4864xf32, #tpu.memory_space<vmem>>[vector<16xi32>], vector<16xf32>,
      %parallel_loop3A_412 = arith.constant 0.052631557 : f32
      %parallel_loop3A_413 = vector.broadcast %parallel_loop3A_412 : f32 to vector<16xf32>
      %parallel_loop3A_414 = arith.mulf %parallel_loop3A_413, %parallel_loop3A_411 : vector<16xf32>
      %parallel_loop3A_415 = arith.constant 0.526315808 : f32
      %parallel_loop3A_416 = vector.broadcast %parallel_loop3A_415 : f32 to vector<16xf32>
      %parallel_loop3A_417 = arith.addf %parallel_loop3A_416, %parallel_loop3A_414 : vector<16xf32>
      %parallel_loop3A_418 = arith.mulf %parallel_loop3A_417, %parallel_loop3A_264 : vector<16xf32>
      %parallel_loop3A_419 = arith.constant 7.000000e-02 : f32
      %parallel_loop3A_420 = vector.broadcast %parallel_loop3A_419 : f32 to vector<16xf32>
      %parallel_loop3A_421 = arith.addf %parallel_loop3A_420, %parallel_loop3A_418 : vector<16xf32>
      %parallel_loop3A_422 = arith.constant 11 : i32
      %parallel_loop3A_423 = vector.broadcast %parallel_loop3A_422 : i32 to vector<16xi32>
      %parallel_loop3A_424 = arith.addi %parallel_loop3A_267, %parallel_loop3A_423 : vector<16xi32>
      %parallel_loop3A_425 = tpu.vector_load_idx %arg18[%parallel_loop3A_424] : memref<4864xf32, #tpu.memory_space<vmem>>[vector<16xi32>], vector<16xf32>,
      %parallel_loop3A_426 = arith.constant 0.052631557 : f32
      %parallel_loop3A_427 = vector.broadcast %parallel_loop3A_426 : f32 to vector<16xf32>
      %parallel_loop3A_428 = arith.mulf %parallel_loop3A_427, %parallel_loop3A_425 : vector<16xf32>
      %parallel_loop3A_429 = arith.constant 0.578947365 : f32
      %parallel_loop3A_430 = vector.broadcast %parallel_loop3A_429 : f32 to vector<16xf32>
      %parallel_loop3A_431 = arith.addf %parallel_loop3A_430, %parallel_loop3A_428 : vector<16xf32>
      %parallel_loop3A_432 = arith.mulf %parallel_loop3A_431, %parallel_loop3A_264 : vector<16xf32>
      %parallel_loop3A_433 = arith.constant 7.000000e-02 : f32
      %parallel_loop3A_434 = vector.broadcast %parallel_loop3A_433 : f32 to vector<16xf32>
      %parallel_loop3A_435 = arith.addf %parallel_loop3A_434, %parallel_loop3A_432 : vector<16xf32>
      %parallel_loop3A_436 = arith.constant 12 : i32
      %parallel_loop3A_437 = vector.broadcast %parallel_loop3A_436 : i32 to vector<16xi32>
      %parallel_loop3A_438 = arith.addi %parallel_loop3A_267, %parallel_loop3A_437 : vector<16xi32>
      %parallel_loop3A_439 = tpu.vector_load_idx %arg18[%parallel_loop3A_438] : memref<4864xf32, #tpu.memory_space<vmem>>[vector<16xi32>], vector<16xf32>,
      %parallel_loop3A_440 = arith.constant 0.0526316166 : f32
      %parallel_loop3A_441 = vector.broadcast %parallel_loop3A_440 : f32 to vector<16xf32>
      %parallel_loop3A_442 = arith.mulf %parallel_loop3A_441, %parallel_loop3A_439 : vector<16xf32>
      %parallel_loop3A_443 = arith.constant 0.631578922 : f32
      %parallel_loop3A_444 = vector.broadcast %parallel_loop3A_443 : f32 to vector<16xf32>
      %parallel_loop3A_445 = arith.addf %parallel_loop3A_444, %parallel_loop3A_442 : vector<16xf32>
      %parallel_loop3A_446 = arith.mulf %parallel_loop3A_445, %parallel_loop3A_264 : vector<16xf32>
      %parallel_loop3A_447 = arith.constant 7.000000e-02 : f32
      %parallel_loop3A_448 = vector.broadcast %parallel_loop3A_447 : f32 to vector<16xf32>
      %parallel_loop3A_449 = arith.addf %parallel_loop3A_448, %parallel_loop3A_446 : vector<16xf32>
      %parallel_loop3A_450 = arith.constant 13 : i32
      %parallel_loop3A_451 = vector.broadcast %parallel_loop3A_450 : i32 to vector<16xi32>
      %parallel_loop3A_452 = arith.addi %parallel_loop3A_267, %parallel_loop3A_451 : vector<16xi32>
      %parallel_loop3A_453 = tpu.vector_load_idx %arg18[%parallel_loop3A_452] : memref<4864xf32, #tpu.memory_space<vmem>>[vector<16xi32>], vector<16xf32>,
      %parallel_loop3A_454 = arith.constant 0.052631557 : f32
      %parallel_loop3A_455 = vector.broadcast %parallel_loop3A_454 : f32 to vector<16xf32>
      %parallel_loop3A_456 = arith.mulf %parallel_loop3A_455, %parallel_loop3A_453 : vector<16xf32>
      %parallel_loop3A_457 = arith.constant 0.684210539 : f32
      %parallel_loop3A_458 = vector.broadcast %parallel_loop3A_457 : f32 to vector<16xf32>
      %parallel_loop3A_459 = arith.addf %parallel_loop3A_458, %parallel_loop3A_456 : vector<16xf32>
      %parallel_loop3A_460 = arith.mulf %parallel_loop3A_459, %parallel_loop3A_264 : vector<16xf32>
      %parallel_loop3A_461 = arith.constant 7.000000e-02 : f32
      %parallel_loop3A_462 = vector.broadcast %parallel_loop3A_461 : f32 to vector<16xf32>
      %parallel_loop3A_463 = arith.addf %parallel_loop3A_462, %parallel_loop3A_460 : vector<16xf32>
      %parallel_loop3A_464 = arith.constant 14 : i32
      %parallel_loop3A_465 = vector.broadcast %parallel_loop3A_464 : i32 to vector<16xi32>
      %parallel_loop3A_466 = arith.addi %parallel_loop3A_267, %parallel_loop3A_465 : vector<16xi32>
      %parallel_loop3A_467 = tpu.vector_load_idx %arg18[%parallel_loop3A_466] : memref<4864xf32, #tpu.memory_space<vmem>>[vector<16xi32>], vector<16xf32>,
      %parallel_loop3A_468 = arith.constant 0.0526316166 : f32
      %parallel_loop3A_469 = vector.broadcast %parallel_loop3A_468 : f32 to vector<16xf32>
      %parallel_loop3A_470 = arith.mulf %parallel_loop3A_469, %parallel_loop3A_467 : vector<16xf32>
      %parallel_loop3A_471 = arith.constant 0.736842095 : f32
      %parallel_loop3A_472 = vector.broadcast %parallel_loop3A_471 : f32 to vector<16xf32>
      %parallel_loop3A_473 = arith.addf %parallel_loop3A_472, %parallel_loop3A_470 : vector<16xf32>
      %parallel_loop3A_474 = arith.mulf %parallel_loop3A_473, %parallel_loop3A_264 : vector<16xf32>
      %parallel_loop3A_475 = arith.constant 7.000000e-02 : f32
      %parallel_loop3A_476 = vector.broadcast %parallel_loop3A_475 : f32 to vector<16xf32>
      %parallel_loop3A_477 = arith.addf %parallel_loop3A_476, %parallel_loop3A_474 : vector<16xf32>
      %parallel_loop3A_478 = arith.constant 15 : i32
      %parallel_loop3A_479 = vector.broadcast %parallel_loop3A_478 : i32 to vector<16xi32>
      %parallel_loop3A_480 = arith.addi %parallel_loop3A_267, %parallel_loop3A_479 : vector<16xi32>
      %parallel_loop3A_481 = tpu.vector_load_idx %arg18[%parallel_loop3A_480] : memref<4864xf32, #tpu.memory_space<vmem>>[vector<16xi32>], vector<16xf32>,
      %parallel_loop3A_482 = arith.constant 0.052631557 : f32
      %parallel_loop3A_483 = vector.broadcast %parallel_loop3A_482 : f32 to vector<16xf32>
      %parallel_loop3A_484 = arith.mulf %parallel_loop3A_483, %parallel_loop3A_481 : vector<16xf32>
      %parallel_loop3A_485 = arith.constant 0.789473712 : f32
      %parallel_loop3A_486 = vector.broadcast %parallel_loop3A_485 : f32 to vector<16xf32>
      %parallel_loop3A_487 = arith.addf %parallel_loop3A_486, %parallel_loop3A_484 : vector<16xf32>
      %parallel_loop3A_488 = arith.mulf %parallel_loop3A_487, %parallel_loop3A_264 : vector<16xf32>
      %parallel_loop3A_489 = arith.constant 7.000000e-02 : f32
      %parallel_loop3A_490 = vector.broadcast %parallel_loop3A_489 : f32 to vector<16xf32>
      %parallel_loop3A_491 = arith.addf %parallel_loop3A_490, %parallel_loop3A_488 : vector<16xf32>
      %parallel_loop3A_492 = arith.constant 16 : i32
      %parallel_loop3A_493 = vector.broadcast %parallel_loop3A_492 : i32 to vector<16xi32>
      %parallel_loop3A_494 = arith.addi %parallel_loop3A_267, %parallel_loop3A_493 : vector<16xi32>
      %parallel_loop3A_495 = tpu.vector_load_idx %arg18[%parallel_loop3A_494] : memref<4864xf32, #tpu.memory_space<vmem>>[vector<16xi32>], vector<16xf32>,
      %parallel_loop3A_496 = arith.constant 0.052631557 : f32
      %parallel_loop3A_497 = vector.broadcast %parallel_loop3A_496 : f32 to vector<16xf32>
      %parallel_loop3A_498 = arith.mulf %parallel_loop3A_497, %parallel_loop3A_495 : vector<16xf32>
      %parallel_loop3A_499 = arith.constant 0.842105269 : f32
      %parallel_loop3A_500 = vector.broadcast %parallel_loop3A_499 : f32 to vector<16xf32>
      %parallel_loop3A_501 = arith.addf %parallel_loop3A_500, %parallel_loop3A_498 : vector<16xf32>
      %parallel_loop3A_502 = arith.mulf %parallel_loop3A_501, %parallel_loop3A_264 : vector<16xf32>
      %parallel_loop3A_503 = arith.constant 7.000000e-02 : f32
      %parallel_loop3A_504 = vector.broadcast %parallel_loop3A_503 : f32 to vector<16xf32>
      %parallel_loop3A_505 = arith.addf %parallel_loop3A_504, %parallel_loop3A_502 : vector<16xf32>
      %parallel_loop3A_506 = arith.constant 17 : i32
      %parallel_loop3A_507 = vector.broadcast %parallel_loop3A_506 : i32 to vector<16xi32>
      %parallel_loop3A_508 = arith.addi %parallel_loop3A_267, %parallel_loop3A_507 : vector<16xi32>
      %parallel_loop3A_509 = tpu.vector_load_idx %arg18[%parallel_loop3A_508] : memref<4864xf32, #tpu.memory_space<vmem>>[vector<16xi32>], vector<16xf32>,
      %parallel_loop3A_510 = arith.constant 0.0526316166 : f32
      %parallel_loop3A_511 = vector.broadcast %parallel_loop3A_510 : f32 to vector<16xf32>
      %parallel_loop3A_512 = arith.mulf %parallel_loop3A_511, %parallel_loop3A_509 : vector<16xf32>
      %parallel_loop3A_513 = arith.constant 0.894736826 : f32
      %parallel_loop3A_514 = vector.broadcast %parallel_loop3A_513 : f32 to vector<16xf32>
      %parallel_loop3A_515 = arith.addf %parallel_loop3A_514, %parallel_loop3A_512 : vector<16xf32>
      %parallel_loop3A_516 = arith.mulf %parallel_loop3A_515, %parallel_loop3A_264 : vector<16xf32>
      %parallel_loop3A_517 = arith.constant 7.000000e-02 : f32
      %parallel_loop3A_518 = vector.broadcast %parallel_loop3A_517 : f32 to vector<16xf32>
      %parallel_loop3A_519 = arith.addf %parallel_loop3A_518, %parallel_loop3A_516 : vector<16xf32>
      %parallel_loop3A_520 = arith.constant 18 : i32
      %parallel_loop3A_521 = vector.broadcast %parallel_loop3A_520 : i32 to vector<16xi32>
      %parallel_loop3A_522 = arith.addi %parallel_loop3A_267, %parallel_loop3A_521 : vector<16xi32>
      %parallel_loop3A_523 = tpu.vector_load_idx %arg18[%parallel_loop3A_522] : memref<4864xf32, #tpu.memory_space<vmem>>[vector<16xi32>], vector<16xf32>,
      %parallel_loop3A_524 = arith.constant 0.052631557 : f32
      %parallel_loop3A_525 = vector.broadcast %parallel_loop3A_524 : f32 to vector<16xf32>
      %parallel_loop3A_526 = arith.mulf %parallel_loop3A_525, %parallel_loop3A_523 : vector<16xf32>
      %parallel_loop3A_527 = arith.constant 0.947368443 : f32
      %parallel_loop3A_528 = vector.broadcast %parallel_loop3A_527 : f32 to vector<16xf32>
      %parallel_loop3A_529 = arith.addf %parallel_loop3A_528, %parallel_loop3A_526 : vector<16xf32>
      %parallel_loop3A_530 = arith.mulf %parallel_loop3A_529, %parallel_loop3A_264 : vector<16xf32>
      %parallel_loop3A_531 = arith.constant 7.000000e-02 : f32
      %parallel_loop3A_532 = vector.broadcast %parallel_loop3A_531 : f32 to vector<16xf32>
      %parallel_loop3A_533 = arith.addf %parallel_loop3A_532, %parallel_loop3A_530 : vector<16xf32>
      %parallel_loop3A_534 = arith.constant 8 : i32
      %parallel_loop3A_535 = vector.broadcast %parallel_loop3A_534 : i32 to vector<16xi32>
      %parallel_loop3A_536 = arith.muli %parallel_loop3A_156, %parallel_loop3A_535 : vector<16xi32>
      %parallel_loop3A_537 = arith.constant 1 : i32
      %parallel_loop3A_538 = vector.broadcast %parallel_loop3A_537 : i32 to vector<16xi32>
      %parallel_loop3A_539 = arith.addi %parallel_loop3A_536, %parallel_loop3A_538 : vector<16xi32>
      %parallel_loop3A_540 = tpu.vector_load_idx %arg19[%parallel_loop3A_539] : memref<2048xf32, #tpu.memory_space<vmem>>[vector<16xi32>], vector<16xf32>,
      %parallel_loop3A_541 = arith.constant 5.000000e-02 : f32
      %parallel_loop3A_542 = vector.broadcast %parallel_loop3A_541 : f32 to vector<16xf32>
      %parallel_loop3A_543 = arith.mulf %parallel_loop3A_540, %parallel_loop3A_542 : vector<16xf32>
      %parallel_loop3A_544 = arith.addf %parallel_loop3A_241, %parallel_loop3A_543 : vector<16xf32>
      %parallel_loop3A_545 = arith.constant 2 : i32
      %parallel_loop3A_546 = vector.broadcast %parallel_loop3A_545 : i32 to vector<16xi32>
      %parallel_loop3A_547 = arith.addi %parallel_loop3A_536, %parallel_loop3A_546 : vector<16xi32>
      %parallel_loop3A_548 = tpu.vector_load_idx %arg19[%parallel_loop3A_547] : memref<2048xf32, #tpu.memory_space<vmem>>[vector<16xi32>], vector<16xf32>,
      %parallel_loop3A_549 = arith.constant 5.000000e-02 : f32
      %parallel_loop3A_550 = vector.broadcast %parallel_loop3A_549 : f32 to vector<16xf32>
      %parallel_loop3A_551 = arith.mulf %parallel_loop3A_548, %parallel_loop3A_550 : vector<16xf32>
      %parallel_loop3A_552 = arith.addf %parallel_loop3A_241, %parallel_loop3A_551 : vector<16xf32>
      %parallel_loop3A_553 = arith.constant 3 : i32
      %parallel_loop3A_554 = vector.broadcast %parallel_loop3A_553 : i32 to vector<16xi32>
      %parallel_loop3A_555 = arith.addi %parallel_loop3A_536, %parallel_loop3A_554 : vector<16xi32>
      %parallel_loop3A_556 = tpu.vector_load_idx %arg19[%parallel_loop3A_555] : memref<2048xf32, #tpu.memory_space<vmem>>[vector<16xi32>], vector<16xf32>,
      %parallel_loop3A_557 = arith.constant 5.000000e-02 : f32
      %parallel_loop3A_558 = vector.broadcast %parallel_loop3A_557 : f32 to vector<16xf32>
      %parallel_loop3A_559 = arith.mulf %parallel_loop3A_556, %parallel_loop3A_558 : vector<16xf32>
      %parallel_loop3A_560 = arith.addf %parallel_loop3A_241, %parallel_loop3A_559 : vector<16xf32>
      %parallel_loop3A_561 = arith.constant 4 : i32
      %parallel_loop3A_562 = vector.broadcast %parallel_loop3A_561 : i32 to vector<16xi32>
      %parallel_loop3A_563 = arith.addi %parallel_loop3A_536, %parallel_loop3A_562 : vector<16xi32>
      %parallel_loop3A_564 = tpu.vector_load_idx %arg19[%parallel_loop3A_563] : memref<2048xf32, #tpu.memory_space<vmem>>[vector<16xi32>], vector<16xf32>,
      %parallel_loop3A_565 = arith.constant 5.000000e-02 : f32
      %parallel_loop3A_566 = vector.broadcast %parallel_loop3A_565 : f32 to vector<16xf32>
      %parallel_loop3A_567 = arith.mulf %parallel_loop3A_564, %parallel_loop3A_566 : vector<16xf32>
      %parallel_loop3A_568 = arith.addf %parallel_loop3A_241, %parallel_loop3A_567 : vector<16xf32>
      %parallel_loop3A_569 = arith.constant 5 : i32
      %parallel_loop3A_570 = vector.broadcast %parallel_loop3A_569 : i32 to vector<16xi32>
      %parallel_loop3A_571 = arith.addi %parallel_loop3A_536, %parallel_loop3A_570 : vector<16xi32>
      %parallel_loop3A_572 = tpu.vector_load_idx %arg19[%parallel_loop3A_571] : memref<2048xf32, #tpu.memory_space<vmem>>[vector<16xi32>], vector<16xf32>,
      %parallel_loop3A_573 = arith.constant 5.000000e-02 : f32
      %parallel_loop3A_574 = vector.broadcast %parallel_loop3A_573 : f32 to vector<16xf32>
      %parallel_loop3A_575 = arith.mulf %parallel_loop3A_572, %parallel_loop3A_574 : vector<16xf32>
      %parallel_loop3A_576 = arith.addf %parallel_loop3A_241, %parallel_loop3A_575 : vector<16xf32>
      %parallel_loop3A_577 = arith.constant 6 : i32
      %parallel_loop3A_578 = vector.broadcast %parallel_loop3A_577 : i32 to vector<16xi32>
      %parallel_loop3A_579 = arith.addi %parallel_loop3A_536, %parallel_loop3A_578 : vector<16xi32>
      %parallel_loop3A_580 = tpu.vector_load_idx %arg19[%parallel_loop3A_579] : memref<2048xf32, #tpu.memory_space<vmem>>[vector<16xi32>], vector<16xf32>,
      %parallel_loop3A_581 = arith.constant 5.000000e-02 : f32
      %parallel_loop3A_582 = vector.broadcast %parallel_loop3A_581 : f32 to vector<16xf32>
      %parallel_loop3A_583 = arith.mulf %parallel_loop3A_580, %parallel_loop3A_582 : vector<16xf32>
      %parallel_loop3A_584 = arith.addf %parallel_loop3A_241, %parallel_loop3A_583 : vector<16xf32>
      %parallel_loop3A_585 = arith.constant 7 : i32
      %parallel_loop3A_586 = vector.broadcast %parallel_loop3A_585 : i32 to vector<16xi32>
      %parallel_loop3A_587 = arith.addi %parallel_loop3A_536, %parallel_loop3A_586 : vector<16xi32>
      %parallel_loop3A_588 = tpu.vector_load_idx %arg19[%parallel_loop3A_587] : memref<2048xf32, #tpu.memory_space<vmem>>[vector<16xi32>], vector<16xf32>,
      %parallel_loop3A_589 = arith.constant 5.000000e-02 : f32
      %parallel_loop3A_590 = vector.broadcast %parallel_loop3A_589 : f32 to vector<16xf32>
      %parallel_loop3A_591 = arith.mulf %parallel_loop3A_588, %parallel_loop3A_590 : vector<16xf32>
      %parallel_loop3A_592 = arith.addf %parallel_loop3A_241, %parallel_loop3A_591 : vector<16xf32>
      %parallel_loop3A_593 = arith.minimumf %parallel_loop3A_241, %parallel_loop3A_544 : vector<16xf32>
      %parallel_loop3A_594 = arith.maximumf %parallel_loop3A_241, %parallel_loop3A_544 : vector<16xf32>
      %parallel_loop3A_595 = arith.minimumf %parallel_loop3A_552, %parallel_loop3A_560 : vector<16xf32>
      %parallel_loop3A_596 = arith.maximumf %parallel_loop3A_552, %parallel_loop3A_560 : vector<16xf32>
      %parallel_loop3A_597 = arith.minimumf %parallel_loop3A_568, %parallel_loop3A_576 : vector<16xf32>
      %parallel_loop3A_598 = arith.maximumf %parallel_loop3A_568, %parallel_loop3A_576 : vector<16xf32>
      %parallel_loop3A_599 = arith.minimumf %parallel_loop3A_584, %parallel_loop3A_592 : vector<16xf32>
      %parallel_loop3A_600 = arith.maximumf %parallel_loop3A_584, %parallel_loop3A_592 : vector<16xf32>
      %parallel_loop3A_601 = arith.minimumf %parallel_loop3A_593, %parallel_loop3A_595 : vector<16xf32>
      %parallel_loop3A_602 = arith.maximumf %parallel_loop3A_593, %parallel_loop3A_595 : vector<16xf32>
      %parallel_loop3A_603 = arith.minimumf %parallel_loop3A_594, %parallel_loop3A_596 : vector<16xf32>
      %parallel_loop3A_604 = arith.maximumf %parallel_loop3A_594, %parallel_loop3A_596 : vector<16xf32>
      %parallel_loop3A_605 = arith.minimumf %parallel_loop3A_597, %parallel_loop3A_599 : vector<16xf32>
      %parallel_loop3A_606 = arith.maximumf %parallel_loop3A_597, %parallel_loop3A_599 : vector<16xf32>
      %parallel_loop3A_607 = arith.minimumf %parallel_loop3A_598, %parallel_loop3A_600 : vector<16xf32>
      %parallel_loop3A_608 = arith.maximumf %parallel_loop3A_598, %parallel_loop3A_600 : vector<16xf32>
      %parallel_loop3A_609 = arith.minimumf %parallel_loop3A_603, %parallel_loop3A_602 : vector<16xf32>
      %parallel_loop3A_610 = arith.maximumf %parallel_loop3A_603, %parallel_loop3A_602 : vector<16xf32>
      %parallel_loop3A_611 = arith.minimumf %parallel_loop3A_607, %parallel_loop3A_606 : vector<16xf32>
      %parallel_loop3A_612 = arith.maximumf %parallel_loop3A_607, %parallel_loop3A_606 : vector<16xf32>
      %parallel_loop3A_613 = arith.minimumf %parallel_loop3A_601, %parallel_loop3A_605 : vector<16xf32>
      %parallel_loop3A_614 = arith.maximumf %parallel_loop3A_601, %parallel_loop3A_605 : vector<16xf32>
      %parallel_loop3A_615 = arith.minimumf %parallel_loop3A_609, %parallel_loop3A_611 : vector<16xf32>
      %parallel_loop3A_616 = arith.maximumf %parallel_loop3A_609, %parallel_loop3A_611 : vector<16xf32>
      %parallel_loop3A_617 = arith.minimumf %parallel_loop3A_610, %parallel_loop3A_612 : vector<16xf32>
      %parallel_loop3A_618 = arith.maximumf %parallel_loop3A_610, %parallel_loop3A_612 : vector<16xf32>
      %parallel_loop3A_619 = arith.minimumf %parallel_loop3A_604, %parallel_loop3A_608 : vector<16xf32>
      %parallel_loop3A_620 = arith.maximumf %parallel_loop3A_604, %parallel_loop3A_608 : vector<16xf32>
      %parallel_loop3A_621 = arith.minimumf %parallel_loop3A_617, %parallel_loop3A_614 : vector<16xf32>
      %parallel_loop3A_622 = arith.maximumf %parallel_loop3A_617, %parallel_loop3A_614 : vector<16xf32>
      %parallel_loop3A_623 = arith.minimumf %parallel_loop3A_619, %parallel_loop3A_616 : vector<16xf32>
      %parallel_loop3A_624 = arith.maximumf %parallel_loop3A_619, %parallel_loop3A_616 : vector<16xf32>
      %parallel_loop3A_625 = arith.minimumf %parallel_loop3A_615, %parallel_loop3A_621 : vector<16xf32>
      %parallel_loop3A_626 = arith.maximumf %parallel_loop3A_615, %parallel_loop3A_621 : vector<16xf32>
      %parallel_loop3A_627 = arith.minimumf %parallel_loop3A_623, %parallel_loop3A_622 : vector<16xf32>
      %parallel_loop3A_628 = arith.maximumf %parallel_loop3A_623, %parallel_loop3A_622 : vector<16xf32>
      %parallel_loop3A_629 = arith.minimumf %parallel_loop3A_624, %parallel_loop3A_618 : vector<16xf32>
      %parallel_loop3A_630 = arith.maximumf %parallel_loop3A_624, %parallel_loop3A_618 : vector<16xf32>
      %parallel_loop3A_631 = arith.minimumf %parallel_loop3A_281, %parallel_loop3A_505 : vector<16xf32>
      %parallel_loop3A_632 = arith.maximumf %parallel_loop3A_281, %parallel_loop3A_505 : vector<16xf32>
      %parallel_loop3A_633 = arith.minimumf %parallel_loop3A_295, %parallel_loop3A_519 : vector<16xf32>
      %parallel_loop3A_634 = arith.maximumf %parallel_loop3A_295, %parallel_loop3A_519 : vector<16xf32>
      %parallel_loop3A_635 = arith.minimumf %parallel_loop3A_309, %parallel_loop3A_533 : vector<16xf32>
      %parallel_loop3A_636 = arith.maximumf %parallel_loop3A_309, %parallel_loop3A_533 : vector<16xf32>
      %parallel_loop3A_637 = arith.minimumf %parallel_loop3A_393, %parallel_loop3A_620 : vector<16xf32>
      %parallel_loop3A_638 = arith.maximumf %parallel_loop3A_393, %parallel_loop3A_620 : vector<16xf32>
      %parallel_loop3A_639 = arith.minimumf %parallel_loop3A_407, %parallel_loop3A_630 : vector<16xf32>
      %parallel_loop3A_640 = arith.maximumf %parallel_loop3A_407, %parallel_loop3A_630 : vector<16xf32>
      %parallel_loop3A_641 = arith.minimumf %parallel_loop3A_421, %parallel_loop3A_629 : vector<16xf32>
      %parallel_loop3A_642 = arith.maximumf %parallel_loop3A_421, %parallel_loop3A_629 : vector<16xf32>
      %parallel_loop3A_643 = arith.minimumf %parallel_loop3A_435, %parallel_loop3A_628 : vector<16xf32>
      %parallel_loop3A_644 = arith.maximumf %parallel_loop3A_435, %parallel_loop3A_628 : vector<16xf32>
      %parallel_loop3A_645 = arith.minimumf %parallel_loop3A_449, %parallel_loop3A_627 : vector<16xf32>
      %parallel_loop3A_646 = arith.maximumf %parallel_loop3A_449, %parallel_loop3A_627 : vector<16xf32>
      %parallel_loop3A_647 = arith.minimumf %parallel_loop3A_463, %parallel_loop3A_626 : vector<16xf32>
      %parallel_loop3A_648 = arith.maximumf %parallel_loop3A_463, %parallel_loop3A_626 : vector<16xf32>
      %parallel_loop3A_649 = arith.minimumf %parallel_loop3A_477, %parallel_loop3A_625 : vector<16xf32>
      %parallel_loop3A_650 = arith.maximumf %parallel_loop3A_477, %parallel_loop3A_625 : vector<16xf32>
      %parallel_loop3A_651 = arith.minimumf %parallel_loop3A_491, %parallel_loop3A_613 : vector<16xf32>
      %parallel_loop3A_652 = arith.maximumf %parallel_loop3A_491, %parallel_loop3A_613 : vector<16xf32>
      %parallel_loop3A_653 = arith.minimumf %parallel_loop3A_631, %parallel_loop3A_637 : vector<16xf32>
      %parallel_loop3A_654 = arith.maximumf %parallel_loop3A_631, %parallel_loop3A_637 : vector<16xf32>
      %parallel_loop3A_655 = arith.minimumf %parallel_loop3A_633, %parallel_loop3A_639 : vector<16xf32>
      %parallel_loop3A_656 = arith.maximumf %parallel_loop3A_633, %parallel_loop3A_639 : vector<16xf32>
      %parallel_loop3A_657 = arith.minimumf %parallel_loop3A_635, %parallel_loop3A_641 : vector<16xf32>
      %parallel_loop3A_658 = arith.maximumf %parallel_loop3A_635, %parallel_loop3A_641 : vector<16xf32>
      %parallel_loop3A_659 = arith.minimumf %parallel_loop3A_323, %parallel_loop3A_643 : vector<16xf32>
      %parallel_loop3A_660 = arith.maximumf %parallel_loop3A_323, %parallel_loop3A_643 : vector<16xf32>
      %parallel_loop3A_661 = arith.minimumf %parallel_loop3A_337, %parallel_loop3A_645 : vector<16xf32>
      %parallel_loop3A_662 = arith.maximumf %parallel_loop3A_337, %parallel_loop3A_645 : vector<16xf32>
      %parallel_loop3A_663 = arith.minimumf %parallel_loop3A_351, %parallel_loop3A_647 : vector<16xf32>
      %parallel_loop3A_664 = arith.maximumf %parallel_loop3A_351, %parallel_loop3A_647 : vector<16xf32>
      %parallel_loop3A_665 = arith.minimumf %parallel_loop3A_365, %parallel_loop3A_649 : vector<16xf32>
      %parallel_loop3A_666 = arith.maximumf %parallel_loop3A_365, %parallel_loop3A_649 : vector<16xf32>
      %parallel_loop3A_667 = arith.minimumf %parallel_loop3A_379, %parallel_loop3A_651 : vector<16xf32>
      %parallel_loop3A_668 = arith.maximumf %parallel_loop3A_379, %parallel_loop3A_651 : vector<16xf32>
      %parallel_loop3A_669 = arith.minimumf %parallel_loop3A_632, %parallel_loop3A_638 : vector<16xf32>
      %parallel_loop3A_670 = arith.maximumf %parallel_loop3A_632, %parallel_loop3A_638 : vector<16xf32>
      %parallel_loop3A_671 = arith.minimumf %parallel_loop3A_634, %parallel_loop3A_640 : vector<16xf32>
      %parallel_loop3A_672 = arith.maximumf %parallel_loop3A_634, %parallel_loop3A_640 : vector<16xf32>
      %parallel_loop3A_673 = arith.minimumf %parallel_loop3A_636, %parallel_loop3A_642 : vector<16xf32>
      %parallel_loop3A_674 = arith.maximumf %parallel_loop3A_636, %parallel_loop3A_642 : vector<16xf32>
      %parallel_loop3A_675 = arith.minimumf %parallel_loop3A_653, %parallel_loop3A_661 : vector<16xf32>
      %parallel_loop3A_676 = arith.maximumf %parallel_loop3A_653, %parallel_loop3A_661 : vector<16xf32>
      %parallel_loop3A_677 = arith.minimumf %parallel_loop3A_655, %parallel_loop3A_663 : vector<16xf32>
      %parallel_loop3A_678 = arith.maximumf %parallel_loop3A_655, %parallel_loop3A_663 : vector<16xf32>
      %parallel_loop3A_679 = arith.minimumf %parallel_loop3A_657, %parallel_loop3A_665 : vector<16xf32>
      %parallel_loop3A_680 = arith.maximumf %parallel_loop3A_657, %parallel_loop3A_665 : vector<16xf32>
      %parallel_loop3A_681 = arith.minimumf %parallel_loop3A_659, %parallel_loop3A_667 : vector<16xf32>
      %parallel_loop3A_682 = arith.maximumf %parallel_loop3A_659, %parallel_loop3A_667 : vector<16xf32>
      %parallel_loop3A_683 = arith.minimumf %parallel_loop3A_654, %parallel_loop3A_662 : vector<16xf32>
      %parallel_loop3A_684 = arith.maximumf %parallel_loop3A_654, %parallel_loop3A_662 : vector<16xf32>
      %parallel_loop3A_685 = arith.minimumf %parallel_loop3A_656, %parallel_loop3A_664 : vector<16xf32>
      %parallel_loop3A_686 = arith.maximumf %parallel_loop3A_656, %parallel_loop3A_664 : vector<16xf32>
      %parallel_loop3A_687 = arith.minimumf %parallel_loop3A_658, %parallel_loop3A_666 : vector<16xf32>
      %parallel_loop3A_688 = arith.maximumf %parallel_loop3A_658, %parallel_loop3A_666 : vector<16xf32>
      %parallel_loop3A_689 = arith.minimumf %parallel_loop3A_660, %parallel_loop3A_668 : vector<16xf32>
      %parallel_loop3A_690 = arith.maximumf %parallel_loop3A_660, %parallel_loop3A_668 : vector<16xf32>
      %parallel_loop3A_691 = arith.minimumf %parallel_loop3A_669, %parallel_loop3A_646 : vector<16xf32>
      %parallel_loop3A_692 = arith.maximumf %parallel_loop3A_669, %parallel_loop3A_646 : vector<16xf32>
      %parallel_loop3A_693 = arith.minimumf %parallel_loop3A_671, %parallel_loop3A_648 : vector<16xf32>
      %parallel_loop3A_694 = arith.maximumf %parallel_loop3A_671, %parallel_loop3A_648 : vector<16xf32>
      %parallel_loop3A_695 = arith.minimumf %parallel_loop3A_673, %parallel_loop3A_650 : vector<16xf32>
      %parallel_loop3A_696 = arith.maximumf %parallel_loop3A_673, %parallel_loop3A_650 : vector<16xf32>
      %parallel_loop3A_697 = arith.minimumf %parallel_loop3A_644, %parallel_loop3A_652 : vector<16xf32>
      %parallel_loop3A_698 = arith.maximumf %parallel_loop3A_644, %parallel_loop3A_652 : vector<16xf32>
      %parallel_loop3A_699 = arith.minimumf %parallel_loop3A_675, %parallel_loop3A_679 : vector<16xf32>
      %parallel_loop3A_700 = arith.maximumf %parallel_loop3A_675, %parallel_loop3A_679 : vector<16xf32>
      %parallel_loop3A_701 = arith.minimumf %parallel_loop3A_677, %parallel_loop3A_681 : vector<16xf32>
      %parallel_loop3A_702 = arith.maximumf %parallel_loop3A_677, %parallel_loop3A_681 : vector<16xf32>
      %parallel_loop3A_703 = arith.minimumf %parallel_loop3A_676, %parallel_loop3A_680 : vector<16xf32>
      %parallel_loop3A_704 = arith.maximumf %parallel_loop3A_676, %parallel_loop3A_680 : vector<16xf32>
      %parallel_loop3A_705 = arith.minimumf %parallel_loop3A_678, %parallel_loop3A_682 : vector<16xf32>
      %parallel_loop3A_706 = arith.maximumf %parallel_loop3A_678, %parallel_loop3A_682 : vector<16xf32>
      %parallel_loop3A_707 = arith.minimumf %parallel_loop3A_683, %parallel_loop3A_687 : vector<16xf32>
      %parallel_loop3A_708 = arith.maximumf %parallel_loop3A_683, %parallel_loop3A_687 : vector<16xf32>
      %parallel_loop3A_709 = arith.minimumf %parallel_loop3A_685, %parallel_loop3A_689 : vector<16xf32>
      %parallel_loop3A_710 = arith.maximumf %parallel_loop3A_685, %parallel_loop3A_689 : vector<16xf32>
      %parallel_loop3A_711 = arith.minimumf %parallel_loop3A_684, %parallel_loop3A_688 : vector<16xf32>
      %parallel_loop3A_712 = arith.maximumf %parallel_loop3A_684, %parallel_loop3A_688 : vector<16xf32>
      %parallel_loop3A_713 = arith.minimumf %parallel_loop3A_686, %parallel_loop3A_690 : vector<16xf32>
      %parallel_loop3A_714 = arith.maximumf %parallel_loop3A_686, %parallel_loop3A_690 : vector<16xf32>
      %parallel_loop3A_715 = arith.minimumf %parallel_loop3A_691, %parallel_loop3A_695 : vector<16xf32>
      %parallel_loop3A_716 = arith.maximumf %parallel_loop3A_691, %parallel_loop3A_695 : vector<16xf32>
      %parallel_loop3A_717 = arith.minimumf %parallel_loop3A_693, %parallel_loop3A_697 : vector<16xf32>
      %parallel_loop3A_718 = arith.maximumf %parallel_loop3A_693, %parallel_loop3A_697 : vector<16xf32>
      %parallel_loop3A_719 = arith.minimumf %parallel_loop3A_692, %parallel_loop3A_696 : vector<16xf32>
      %parallel_loop3A_720 = arith.maximumf %parallel_loop3A_692, %parallel_loop3A_696 : vector<16xf32>
      %parallel_loop3A_721 = arith.minimumf %parallel_loop3A_694, %parallel_loop3A_698 : vector<16xf32>
      %parallel_loop3A_722 = arith.maximumf %parallel_loop3A_694, %parallel_loop3A_698 : vector<16xf32>
      %parallel_loop3A_723 = arith.minimumf %parallel_loop3A_670, %parallel_loop3A_674 : vector<16xf32>
      %parallel_loop3A_724 = arith.maximumf %parallel_loop3A_670, %parallel_loop3A_674 : vector<16xf32>
      %parallel_loop3A_725 = arith.minimumf %parallel_loop3A_699, %parallel_loop3A_701 : vector<16xf32>
      %parallel_loop3A_726 = arith.maximumf %parallel_loop3A_699, %parallel_loop3A_701 : vector<16xf32>
      %parallel_loop3A_727 = arith.minimumf %parallel_loop3A_700, %parallel_loop3A_702 : vector<16xf32>
      %parallel_loop3A_728 = arith.maximumf %parallel_loop3A_700, %parallel_loop3A_702 : vector<16xf32>
      %parallel_loop3A_729 = arith.minimumf %parallel_loop3A_703, %parallel_loop3A_705 : vector<16xf32>
      %parallel_loop3A_730 = arith.maximumf %parallel_loop3A_703, %parallel_loop3A_705 : vector<16xf32>
      %parallel_loop3A_731 = arith.minimumf %parallel_loop3A_704, %parallel_loop3A_706 : vector<16xf32>
      %parallel_loop3A_732 = arith.maximumf %parallel_loop3A_704, %parallel_loop3A_706 : vector<16xf32>
      %parallel_loop3A_733 = arith.minimumf %parallel_loop3A_707, %parallel_loop3A_709 : vector<16xf32>
      %parallel_loop3A_734 = arith.maximumf %parallel_loop3A_707, %parallel_loop3A_709 : vector<16xf32>
      %parallel_loop3A_735 = arith.minimumf %parallel_loop3A_708, %parallel_loop3A_710 : vector<16xf32>
      %parallel_loop3A_736 = arith.maximumf %parallel_loop3A_708, %parallel_loop3A_710 : vector<16xf32>
      %parallel_loop3A_737 = arith.minimumf %parallel_loop3A_711, %parallel_loop3A_713 : vector<16xf32>
      %parallel_loop3A_738 = arith.maximumf %parallel_loop3A_711, %parallel_loop3A_713 : vector<16xf32>
      %parallel_loop3A_739 = arith.minimumf %parallel_loop3A_712, %parallel_loop3A_714 : vector<16xf32>
      %parallel_loop3A_740 = arith.maximumf %parallel_loop3A_712, %parallel_loop3A_714 : vector<16xf32>
      %parallel_loop3A_741 = arith.minimumf %parallel_loop3A_715, %parallel_loop3A_717 : vector<16xf32>
      %parallel_loop3A_742 = arith.maximumf %parallel_loop3A_715, %parallel_loop3A_717 : vector<16xf32>
      %parallel_loop3A_743 = arith.minimumf %parallel_loop3A_716, %parallel_loop3A_718 : vector<16xf32>
      %parallel_loop3A_744 = arith.maximumf %parallel_loop3A_716, %parallel_loop3A_718 : vector<16xf32>
      %parallel_loop3A_745 = arith.minimumf %parallel_loop3A_719, %parallel_loop3A_721 : vector<16xf32>
      %parallel_loop3A_746 = arith.maximumf %parallel_loop3A_719, %parallel_loop3A_721 : vector<16xf32>
      %parallel_loop3A_747 = arith.minimumf %parallel_loop3A_720, %parallel_loop3A_722 : vector<16xf32>
      %parallel_loop3A_748 = arith.maximumf %parallel_loop3A_720, %parallel_loop3A_722 : vector<16xf32>
      %parallel_loop3A_749 = arith.minimumf %parallel_loop3A_723, %parallel_loop3A_672 : vector<16xf32>
      %parallel_loop3A_750 = arith.maximumf %parallel_loop3A_723, %parallel_loop3A_672 : vector<16xf32>
      %parallel_loop3A_751 = arith.constant 0 : i32
      %parallel_loop3A_752 = arith.index_cast %parallel_loop3A_751 : i32 to index
      %parallel_loop3A_753 = arith.index_cast %parallel_loop3A_154 : i32 to index
      %parallel_loop3A_754 = tpu.vector_load %arg20[%parallel_loop3A_752, %parallel_loop3A_753] {strides = array<i32>} : memref<27x256xf32, #tpu.memory_space<vmem>>, vector<16xf32>,
      tpu.vector_store %arg20[%parallel_loop3A_752, %parallel_loop3A_753], %parallel_loop3A_725 {strides = array<i32>} : memref<27x256xf32, #tpu.memory_space<vmem>>, vector<16xf32>,
      %parallel_loop3A_755 = arith.mulf %parallel_loop3A_231, %parallel_loop3A_725 : vector<16xf32>
      %parallel_loop3A_756 = arith.addf %parallel_loop3A_195, %parallel_loop3A_755 : vector<16xf32>
      %parallel_loop3A_757 = arith.constant 0 : i32
      %parallel_loop3A_758 = arith.constant 0 : i32
      %parallel_loop3A_759 = arith.index_cast %parallel_loop3A_757 : i32 to index
      %parallel_loop3A_760 = arith.index_cast %parallel_loop3A_758 : i32 to index
      %parallel_loop3A_761 = arith.index_cast %parallel_loop3A_154 : i32 to index
      %parallel_loop3A_762 = tpu.vector_load %arg21[%parallel_loop3A_759, %parallel_loop3A_760, %parallel_loop3A_761] {strides = array<i32>} : memref<3x27x256xf32, #tpu.memory_space<vmem>>, vector<16xf32>,
      tpu.vector_store %arg21[%parallel_loop3A_759, %parallel_loop3A_760, %parallel_loop3A_761], %parallel_loop3A_756 {strides = array<i32>} : memref<3x27x256xf32, #tpu.memory_space<vmem>>, vector<16xf32>,
      %parallel_loop3A_763 = arith.mulf %parallel_loop3A_235, %parallel_loop3A_725 : vector<16xf32>
      %parallel_loop3A_764 = arith.addf %parallel_loop3A_211, %parallel_loop3A_763 : vector<16xf32>
      %parallel_loop3A_765 = arith.constant 1 : i32
      %parallel_loop3A_766 = arith.constant 0 : i32
      %parallel_loop3A_767 = arith.index_cast %parallel_loop3A_765 : i32 to index
      %parallel_loop3A_768 = arith.index_cast %parallel_loop3A_766 : i32 to index
      %parallel_loop3A_769 = arith.index_cast %parallel_loop3A_154 : i32 to index
      %parallel_loop3A_770 = tpu.vector_load %arg21[%parallel_loop3A_767, %parallel_loop3A_768, %parallel_loop3A_769] {strides = array<i32>} : memref<3x27x256xf32, #tpu.memory_space<vmem>>, vector<16xf32>,
      tpu.vector_store %arg21[%parallel_loop3A_767, %parallel_loop3A_768, %parallel_loop3A_769], %parallel_loop3A_764 {strides = array<i32>} : memref<3x27x256xf32, #tpu.memory_space<vmem>>, vector<16xf32>,
      %parallel_loop3A_771 = arith.mulf %parallel_loop3A_239, %parallel_loop3A_725 : vector<16xf32>
      %parallel_loop3A_772 = arith.addf %parallel_loop3A_227, %parallel_loop3A_771 : vector<16xf32>
      %parallel_loop3A_773 = arith.constant 2 : i32
      %parallel_loop3A_774 = arith.constant 0 : i32
      %parallel_loop3A_775 = arith.index_cast %parallel_loop3A_773 : i32 to index
      %parallel_loop3A_776 = arith.index_cast %parallel_loop3A_774 : i32 to index
      %parallel_loop3A_777 = arith.index_cast %parallel_loop3A_154 : i32 to index
      %parallel_loop3A_778 = tpu.vector_load %arg21[%parallel_loop3A_775, %parallel_loop3A_776, %parallel_loop3A_777] {strides = array<i32>} : memref<3x27x256xf32, #tpu.memory_space<vmem>>, vector<16xf32>,
      tpu.vector_store %arg21[%parallel_loop3A_775, %parallel_loop3A_776, %parallel_loop3A_777], %parallel_loop3A_772 {strides = array<i32>} : memref<3x27x256xf32, #tpu.memory_space<vmem>>, vector<16xf32>,
      %parallel_loop3A_779 = arith.constant 1 : i32
      %parallel_loop3A_780 = arith.index_cast %parallel_loop3A_779 : i32 to index
      %parallel_loop3A_781 = arith.index_cast %parallel_loop3A_154 : i32 to index
      %parallel_loop3A_782 = tpu.vector_load %arg20[%parallel_loop3A_780, %parallel_loop3A_781] {strides = array<i32>} : memref<27x256xf32, #tpu.memory_space<vmem>>, vector<16xf32>,
      tpu.vector_store %arg20[%parallel_loop3A_780, %parallel_loop3A_781], %parallel_loop3A_726 {strides = array<i32>} : memref<27x256xf32, #tpu.memory_space<vmem>>, vector<16xf32>,
      %parallel_loop3A_783 = arith.mulf %parallel_loop3A_231, %parallel_loop3A_726 : vector<16xf32>
      %parallel_loop3A_784 = arith.addf %parallel_loop3A_195, %parallel_loop3A_783 : vector<16xf32>
      %parallel_loop3A_785 = arith.constant 0 : i32
      %parallel_loop3A_786 = arith.constant 1 : i32
      %parallel_loop3A_787 = arith.index_cast %parallel_loop3A_785 : i32 to index
      %parallel_loop3A_788 = arith.index_cast %parallel_loop3A_786 : i32 to index
      %parallel_loop3A_789 = arith.index_cast %parallel_loop3A_154 : i32 to index
      %parallel_loop3A_790 = tpu.vector_load %arg21[%parallel_loop3A_787, %parallel_loop3A_788, %parallel_loop3A_789] {strides = array<i32>} : memref<3x27x256xf32, #tpu.memory_space<vmem>>, vector<16xf32>,
      tpu.vector_store %arg21[%parallel_loop3A_787, %parallel_loop3A_788, %parallel_loop3A_789], %parallel_loop3A_784 {strides = array<i32>} : memref<3x27x256xf32, #tpu.memory_space<vmem>>, vector<16xf32>,
      %parallel_loop3A_791 = arith.mulf %parallel_loop3A_235, %parallel_loop3A_726 : vector<16xf32>
      %parallel_loop3A_792 = arith.addf %parallel_loop3A_211, %parallel_loop3A_791 : vector<16xf32>
      %parallel_loop3A_793 = arith.constant 1 : i32
      %parallel_loop3A_794 = arith.constant 1 : i32
      %parallel_loop3A_795 = arith.index_cast %parallel_loop3A_793 : i32 to index
      %parallel_loop3A_796 = arith.index_cast %parallel_loop3A_794 : i32 to index
      %parallel_loop3A_797 = arith.index_cast %parallel_loop3A_154 : i32 to index
      %parallel_loop3A_798 = tpu.vector_load %arg21[%parallel_loop3A_795, %parallel_loop3A_796, %parallel_loop3A_797] {strides = array<i32>} : memref<3x27x256xf32, #tpu.memory_space<vmem>>, vector<16xf32>,
      tpu.vector_store %arg21[%parallel_loop3A_795, %parallel_loop3A_796, %parallel_loop3A_797], %parallel_loop3A_792 {strides = array<i32>} : memref<3x27x256xf32, #tpu.memory_space<vmem>>, vector<16xf32>,
      %parallel_loop3A_799 = arith.mulf %parallel_loop3A_239, %parallel_loop3A_726 : vector<16xf32>
      %parallel_loop3A_800 = arith.addf %parallel_loop3A_227, %parallel_loop3A_799 : vector<16xf32>
      %parallel_loop3A_801 = arith.constant 2 : i32
      %parallel_loop3A_802 = arith.constant 1 : i32
      %parallel_loop3A_803 = arith.index_cast %parallel_loop3A_801 : i32 to index
      %parallel_loop3A_804 = arith.index_cast %parallel_loop3A_802 : i32 to index
      %parallel_loop3A_805 = arith.index_cast %parallel_loop3A_154 : i32 to index
      %parallel_loop3A_806 = tpu.vector_load %arg21[%parallel_loop3A_803, %parallel_loop3A_804, %parallel_loop3A_805] {strides = array<i32>} : memref<3x27x256xf32, #tpu.memory_space<vmem>>, vector<16xf32>,
      tpu.vector_store %arg21[%parallel_loop3A_803, %parallel_loop3A_804, %parallel_loop3A_805], %parallel_loop3A_800 {strides = array<i32>} : memref<3x27x256xf32, #tpu.memory_space<vmem>>, vector<16xf32>,
      %parallel_loop3A_807 = arith.constant 2 : i32
      %parallel_loop3A_808 = arith.index_cast %parallel_loop3A_807 : i32 to index
      %parallel_loop3A_809 = arith.index_cast %parallel_loop3A_154 : i32 to index
      %parallel_loop3A_810 = tpu.vector_load %arg20[%parallel_loop3A_808, %parallel_loop3A_809] {strides = array<i32>} : memref<27x256xf32, #tpu.memory_space<vmem>>, vector<16xf32>,
      tpu.vector_store %arg20[%parallel_loop3A_808, %parallel_loop3A_809], %parallel_loop3A_727 {strides = array<i32>} : memref<27x256xf32, #tpu.memory_space<vmem>>, vector<16xf32>,
      %parallel_loop3A_811 = arith.mulf %parallel_loop3A_231, %parallel_loop3A_727 : vector<16xf32>
      %parallel_loop3A_812 = arith.addf %parallel_loop3A_195, %parallel_loop3A_811 : vector<16xf32>
      %parallel_loop3A_813 = arith.constant 0 : i32
      %parallel_loop3A_814 = arith.constant 2 : i32
      %parallel_loop3A_815 = arith.index_cast %parallel_loop3A_813 : i32 to index
      %parallel_loop3A_816 = arith.index_cast %parallel_loop3A_814 : i32 to index
      %parallel_loop3A_817 = arith.index_cast %parallel_loop3A_154 : i32 to index
      %parallel_loop3A_818 = tpu.vector_load %arg21[%parallel_loop3A_815, %parallel_loop3A_816, %parallel_loop3A_817] {strides = array<i32>} : memref<3x27x256xf32, #tpu.memory_space<vmem>>, vector<16xf32>,
      tpu.vector_store %arg21[%parallel_loop3A_815, %parallel_loop3A_816, %parallel_loop3A_817], %parallel_loop3A_812 {strides = array<i32>} : memref<3x27x256xf32, #tpu.memory_space<vmem>>, vector<16xf32>,
      %parallel_loop3A_819 = arith.mulf %parallel_loop3A_235, %parallel_loop3A_727 : vector<16xf32>
      %parallel_loop3A_820 = arith.addf %parallel_loop3A_211, %parallel_loop3A_819 : vector<16xf32>
      %parallel_loop3A_821 = arith.constant 1 : i32
      %parallel_loop3A_822 = arith.constant 2 : i32
      %parallel_loop3A_823 = arith.index_cast %parallel_loop3A_821 : i32 to index
      %parallel_loop3A_824 = arith.index_cast %parallel_loop3A_822 : i32 to index
      %parallel_loop3A_825 = arith.index_cast %parallel_loop3A_154 : i32 to index
      %parallel_loop3A_826 = tpu.vector_load %arg21[%parallel_loop3A_823, %parallel_loop3A_824, %parallel_loop3A_825] {strides = array<i32>} : memref<3x27x256xf32, #tpu.memory_space<vmem>>, vector<16xf32>,
      tpu.vector_store %arg21[%parallel_loop3A_823, %parallel_loop3A_824, %parallel_loop3A_825], %parallel_loop3A_820 {strides = array<i32>} : memref<3x27x256xf32, #tpu.memory_space<vmem>>, vector<16xf32>,
      %parallel_loop3A_827 = arith.mulf %parallel_loop3A_239, %parallel_loop3A_727 : vector<16xf32>
      %parallel_loop3A_828 = arith.addf %parallel_loop3A_227, %parallel_loop3A_827 : vector<16xf32>
      %parallel_loop3A_829 = arith.constant 2 : i32
      %parallel_loop3A_830 = arith.constant 2 : i32
      %parallel_loop3A_831 = arith.index_cast %parallel_loop3A_829 : i32 to index
      %parallel_loop3A_832 = arith.index_cast %parallel_loop3A_830 : i32 to index
      %parallel_loop3A_833 = arith.index_cast %parallel_loop3A_154 : i32 to index
      %parallel_loop3A_834 = tpu.vector_load %arg21[%parallel_loop3A_831, %parallel_loop3A_832, %parallel_loop3A_833] {strides = array<i32>} : memref<3x27x256xf32, #tpu.memory_space<vmem>>, vector<16xf32>,
      tpu.vector_store %arg21[%parallel_loop3A_831, %parallel_loop3A_832, %parallel_loop3A_833], %parallel_loop3A_828 {strides = array<i32>} : memref<3x27x256xf32, #tpu.memory_space<vmem>>, vector<16xf32>,
      %parallel_loop3A_835 = arith.constant 3 : i32
      %parallel_loop3A_836 = arith.index_cast %parallel_loop3A_835 : i32 to index
      %parallel_loop3A_837 = arith.index_cast %parallel_loop3A_154 : i32 to index
      %parallel_loop3A_838 = tpu.vector_load %arg20[%parallel_loop3A_836, %parallel_loop3A_837] {strides = array<i32>} : memref<27x256xf32, #tpu.memory_space<vmem>>, vector<16xf32>,
      tpu.vector_store %arg20[%parallel_loop3A_836, %parallel_loop3A_837], %parallel_loop3A_728 {strides = array<i32>} : memref<27x256xf32, #tpu.memory_space<vmem>>, vector<16xf32>,
      %parallel_loop3A_839 = arith.mulf %parallel_loop3A_231, %parallel_loop3A_728 : vector<16xf32>
      %parallel_loop3A_840 = arith.addf %parallel_loop3A_195, %parallel_loop3A_839 : vector<16xf32>
      %parallel_loop3A_841 = arith.constant 0 : i32
      %parallel_loop3A_842 = arith.constant 3 : i32
      %parallel_loop3A_843 = arith.index_cast %parallel_loop3A_841 : i32 to index
      %parallel_loop3A_844 = arith.index_cast %parallel_loop3A_842 : i32 to index
      %parallel_loop3A_845 = arith.index_cast %parallel_loop3A_154 : i32 to index
      %parallel_loop3A_846 = tpu.vector_load %arg21[%parallel_loop3A_843, %parallel_loop3A_844, %parallel_loop3A_845] {strides = array<i32>} : memref<3x27x256xf32, #tpu.memory_space<vmem>>, vector<16xf32>,
      tpu.vector_store %arg21[%parallel_loop3A_843, %parallel_loop3A_844, %parallel_loop3A_845], %parallel_loop3A_840 {strides = array<i32>} : memref<3x27x256xf32, #tpu.memory_space<vmem>>, vector<16xf32>,
      %parallel_loop3A_847 = arith.mulf %parallel_loop3A_235, %parallel_loop3A_728 : vector<16xf32>
      %parallel_loop3A_848 = arith.addf %parallel_loop3A_211, %parallel_loop3A_847 : vector<16xf32>
      %parallel_loop3A_849 = arith.constant 1 : i32
      %parallel_loop3A_850 = arith.constant 3 : i32
      %parallel_loop3A_851 = arith.index_cast %parallel_loop3A_849 : i32 to index
      %parallel_loop3A_852 = arith.index_cast %parallel_loop3A_850 : i32 to index
      %parallel_loop3A_853 = arith.index_cast %parallel_loop3A_154 : i32 to index
      %parallel_loop3A_854 = tpu.vector_load %arg21[%parallel_loop3A_851, %parallel_loop3A_852, %parallel_loop3A_853] {strides = array<i32>} : memref<3x27x256xf32, #tpu.memory_space<vmem>>, vector<16xf32>,
      tpu.vector_store %arg21[%parallel_loop3A_851, %parallel_loop3A_852, %parallel_loop3A_853], %parallel_loop3A_848 {strides = array<i32>} : memref<3x27x256xf32, #tpu.memory_space<vmem>>, vector<16xf32>,
      %parallel_loop3A_855 = arith.mulf %parallel_loop3A_239, %parallel_loop3A_728 : vector<16xf32>
      %parallel_loop3A_856 = arith.addf %parallel_loop3A_227, %parallel_loop3A_855 : vector<16xf32>
      %parallel_loop3A_857 = arith.constant 2 : i32
      %parallel_loop3A_858 = arith.constant 3 : i32
      %parallel_loop3A_859 = arith.index_cast %parallel_loop3A_857 : i32 to index
      %parallel_loop3A_860 = arith.index_cast %parallel_loop3A_858 : i32 to index
      %parallel_loop3A_861 = arith.index_cast %parallel_loop3A_154 : i32 to index
      %parallel_loop3A_862 = tpu.vector_load %arg21[%parallel_loop3A_859, %parallel_loop3A_860, %parallel_loop3A_861] {strides = array<i32>} : memref<3x27x256xf32, #tpu.memory_space<vmem>>, vector<16xf32>,
      tpu.vector_store %arg21[%parallel_loop3A_859, %parallel_loop3A_860, %parallel_loop3A_861], %parallel_loop3A_856 {strides = array<i32>} : memref<3x27x256xf32, #tpu.memory_space<vmem>>, vector<16xf32>,
      %parallel_loop3A_863 = arith.constant 4 : i32
      %parallel_loop3A_864 = arith.index_cast %parallel_loop3A_863 : i32 to index
      %parallel_loop3A_865 = arith.index_cast %parallel_loop3A_154 : i32 to index
      %parallel_loop3A_866 = tpu.vector_load %arg20[%parallel_loop3A_864, %parallel_loop3A_865] {strides = array<i32>} : memref<27x256xf32, #tpu.memory_space<vmem>>, vector<16xf32>,
      tpu.vector_store %arg20[%parallel_loop3A_864, %parallel_loop3A_865], %parallel_loop3A_729 {strides = array<i32>} : memref<27x256xf32, #tpu.memory_space<vmem>>, vector<16xf32>,
      %parallel_loop3A_867 = arith.mulf %parallel_loop3A_231, %parallel_loop3A_729 : vector<16xf32>
      %parallel_loop3A_868 = arith.addf %parallel_loop3A_195, %parallel_loop3A_867 : vector<16xf32>
      %parallel_loop3A_869 = arith.constant 0 : i32
      %parallel_loop3A_870 = arith.constant 4 : i32
      %parallel_loop3A_871 = arith.index_cast %parallel_loop3A_869 : i32 to index
      %parallel_loop3A_872 = arith.index_cast %parallel_loop3A_870 : i32 to index
      %parallel_loop3A_873 = arith.index_cast %parallel_loop3A_154 : i32 to index
      %parallel_loop3A_874 = tpu.vector_load %arg21[%parallel_loop3A_871, %parallel_loop3A_872, %parallel_loop3A_873] {strides = array<i32>} : memref<3x27x256xf32, #tpu.memory_space<vmem>>, vector<16xf32>,
      tpu.vector_store %arg21[%parallel_loop3A_871, %parallel_loop3A_872, %parallel_loop3A_873], %parallel_loop3A_868 {strides = array<i32>} : memref<3x27x256xf32, #tpu.memory_space<vmem>>, vector<16xf32>,
      %parallel_loop3A_875 = arith.mulf %parallel_loop3A_235, %parallel_loop3A_729 : vector<16xf32>
      %parallel_loop3A_876 = arith.addf %parallel_loop3A_211, %parallel_loop3A_875 : vector<16xf32>
      %parallel_loop3A_877 = arith.constant 1 : i32
      %parallel_loop3A_878 = arith.constant 4 : i32
      %parallel_loop3A_879 = arith.index_cast %parallel_loop3A_877 : i32 to index
      %parallel_loop3A_880 = arith.index_cast %parallel_loop3A_878 : i32 to index
      %parallel_loop3A_881 = arith.index_cast %parallel_loop3A_154 : i32 to index
      %parallel_loop3A_882 = tpu.vector_load %arg21[%parallel_loop3A_879, %parallel_loop3A_880, %parallel_loop3A_881] {strides = array<i32>} : memref<3x27x256xf32, #tpu.memory_space<vmem>>, vector<16xf32>,
      tpu.vector_store %arg21[%parallel_loop3A_879, %parallel_loop3A_880, %parallel_loop3A_881], %parallel_loop3A_876 {strides = array<i32>} : memref<3x27x256xf32, #tpu.memory_space<vmem>>, vector<16xf32>,
      %parallel_loop3A_883 = arith.mulf %parallel_loop3A_239, %parallel_loop3A_729 : vector<16xf32>
      %parallel_loop3A_884 = arith.addf %parallel_loop3A_227, %parallel_loop3A_883 : vector<16xf32>
      %parallel_loop3A_885 = arith.constant 2 : i32
      %parallel_loop3A_886 = arith.constant 4 : i32
      %parallel_loop3A_887 = arith.index_cast %parallel_loop3A_885 : i32 to index
      %parallel_loop3A_888 = arith.index_cast %parallel_loop3A_886 : i32 to index
      %parallel_loop3A_889 = arith.index_cast %parallel_loop3A_154 : i32 to index
      %parallel_loop3A_890 = tpu.vector_load %arg21[%parallel_loop3A_887, %parallel_loop3A_888, %parallel_loop3A_889] {strides = array<i32>} : memref<3x27x256xf32, #tpu.memory_space<vmem>>, vector<16xf32>,
      tpu.vector_store %arg21[%parallel_loop3A_887, %parallel_loop3A_888, %parallel_loop3A_889], %parallel_loop3A_884 {strides = array<i32>} : memref<3x27x256xf32, #tpu.memory_space<vmem>>, vector<16xf32>,
      %parallel_loop3A_891 = arith.constant 5 : i32
      %parallel_loop3A_892 = arith.index_cast %parallel_loop3A_891 : i32 to index
      %parallel_loop3A_893 = arith.index_cast %parallel_loop3A_154 : i32 to index
      %parallel_loop3A_894 = tpu.vector_load %arg20[%parallel_loop3A_892, %parallel_loop3A_893] {strides = array<i32>} : memref<27x256xf32, #tpu.memory_space<vmem>>, vector<16xf32>,
      tpu.vector_store %arg20[%parallel_loop3A_892, %parallel_loop3A_893], %parallel_loop3A_730 {strides = array<i32>} : memref<27x256xf32, #tpu.memory_space<vmem>>, vector<16xf32>,
      %parallel_loop3A_895 = arith.mulf %parallel_loop3A_231, %parallel_loop3A_730 : vector<16xf32>
      %parallel_loop3A_896 = arith.addf %parallel_loop3A_195, %parallel_loop3A_895 : vector<16xf32>
      %parallel_loop3A_897 = arith.constant 0 : i32
      %parallel_loop3A_898 = arith.constant 5 : i32
      %parallel_loop3A_899 = arith.index_cast %parallel_loop3A_897 : i32 to index
      %parallel_loop3A_900 = arith.index_cast %parallel_loop3A_898 : i32 to index
      %parallel_loop3A_901 = arith.index_cast %parallel_loop3A_154 : i32 to index
      %parallel_loop3A_902 = tpu.vector_load %arg21[%parallel_loop3A_899, %parallel_loop3A_900, %parallel_loop3A_901] {strides = array<i32>} : memref<3x27x256xf32, #tpu.memory_space<vmem>>, vector<16xf32>,
      tpu.vector_store %arg21[%parallel_loop3A_899, %parallel_loop3A_900, %parallel_loop3A_901], %parallel_loop3A_896 {strides = array<i32>} : memref<3x27x256xf32, #tpu.memory_space<vmem>>, vector<16xf32>,
      %parallel_loop3A_903 = arith.mulf %parallel_loop3A_235, %parallel_loop3A_730 : vector<16xf32>
      %parallel_loop3A_904 = arith.addf %parallel_loop3A_211, %parallel_loop3A_903 : vector<16xf32>
      %parallel_loop3A_905 = arith.constant 1 : i32
      %parallel_loop3A_906 = arith.constant 5 : i32
      %parallel_loop3A_907 = arith.index_cast %parallel_loop3A_905 : i32 to index
      %parallel_loop3A_908 = arith.index_cast %parallel_loop3A_906 : i32 to index
      %parallel_loop3A_909 = arith.index_cast %parallel_loop3A_154 : i32 to index
      %parallel_loop3A_910 = tpu.vector_load %arg21[%parallel_loop3A_907, %parallel_loop3A_908, %parallel_loop3A_909] {strides = array<i32>} : memref<3x27x256xf32, #tpu.memory_space<vmem>>, vector<16xf32>,
      tpu.vector_store %arg21[%parallel_loop3A_907, %parallel_loop3A_908, %parallel_loop3A_909], %parallel_loop3A_904 {strides = array<i32>} : memref<3x27x256xf32, #tpu.memory_space<vmem>>, vector<16xf32>,
      %parallel_loop3A_911 = arith.mulf %parallel_loop3A_239, %parallel_loop3A_730 : vector<16xf32>
      %parallel_loop3A_912 = arith.addf %parallel_loop3A_227, %parallel_loop3A_911 : vector<16xf32>
      %parallel_loop3A_913 = arith.constant 2 : i32
      %parallel_loop3A_914 = arith.constant 5 : i32
      %parallel_loop3A_915 = arith.index_cast %parallel_loop3A_913 : i32 to index
      %parallel_loop3A_916 = arith.index_cast %parallel_loop3A_914 : i32 to index
      %parallel_loop3A_917 = arith.index_cast %parallel_loop3A_154 : i32 to index
      %parallel_loop3A_918 = tpu.vector_load %arg21[%parallel_loop3A_915, %parallel_loop3A_916, %parallel_loop3A_917] {strides = array<i32>} : memref<3x27x256xf32, #tpu.memory_space<vmem>>, vector<16xf32>,
      tpu.vector_store %arg21[%parallel_loop3A_915, %parallel_loop3A_916, %parallel_loop3A_917], %parallel_loop3A_912 {strides = array<i32>} : memref<3x27x256xf32, #tpu.memory_space<vmem>>, vector<16xf32>,
      %parallel_loop3A_919 = arith.constant 6 : i32
      %parallel_loop3A_920 = arith.index_cast %parallel_loop3A_919 : i32 to index
      %parallel_loop3A_921 = arith.index_cast %parallel_loop3A_154 : i32 to index
      %parallel_loop3A_922 = tpu.vector_load %arg20[%parallel_loop3A_920, %parallel_loop3A_921] {strides = array<i32>} : memref<27x256xf32, #tpu.memory_space<vmem>>, vector<16xf32>,
      tpu.vector_store %arg20[%parallel_loop3A_920, %parallel_loop3A_921], %parallel_loop3A_731 {strides = array<i32>} : memref<27x256xf32, #tpu.memory_space<vmem>>, vector<16xf32>,
      %parallel_loop3A_923 = arith.mulf %parallel_loop3A_231, %parallel_loop3A_731 : vector<16xf32>
      %parallel_loop3A_924 = arith.addf %parallel_loop3A_195, %parallel_loop3A_923 : vector<16xf32>
      %parallel_loop3A_925 = arith.constant 0 : i32
      %parallel_loop3A_926 = arith.constant 6 : i32
      %parallel_loop3A_927 = arith.index_cast %parallel_loop3A_925 : i32 to index
      %parallel_loop3A_928 = arith.index_cast %parallel_loop3A_926 : i32 to index
      %parallel_loop3A_929 = arith.index_cast %parallel_loop3A_154 : i32 to index
      %parallel_loop3A_930 = tpu.vector_load %arg21[%parallel_loop3A_927, %parallel_loop3A_928, %parallel_loop3A_929] {strides = array<i32>} : memref<3x27x256xf32, #tpu.memory_space<vmem>>, vector<16xf32>,
      tpu.vector_store %arg21[%parallel_loop3A_927, %parallel_loop3A_928, %parallel_loop3A_929], %parallel_loop3A_924 {strides = array<i32>} : memref<3x27x256xf32, #tpu.memory_space<vmem>>, vector<16xf32>,
      %parallel_loop3A_931 = arith.mulf %parallel_loop3A_235, %parallel_loop3A_731 : vector<16xf32>
      %parallel_loop3A_932 = arith.addf %parallel_loop3A_211, %parallel_loop3A_931 : vector<16xf32>
      %parallel_loop3A_933 = arith.constant 1 : i32
      %parallel_loop3A_934 = arith.constant 6 : i32
      %parallel_loop3A_935 = arith.index_cast %parallel_loop3A_933 : i32 to index
      %parallel_loop3A_936 = arith.index_cast %parallel_loop3A_934 : i32 to index
      %parallel_loop3A_937 = arith.index_cast %parallel_loop3A_154 : i32 to index
      %parallel_loop3A_938 = tpu.vector_load %arg21[%parallel_loop3A_935, %parallel_loop3A_936, %parallel_loop3A_937] {strides = array<i32>} : memref<3x27x256xf32, #tpu.memory_space<vmem>>, vector<16xf32>,
      tpu.vector_store %arg21[%parallel_loop3A_935, %parallel_loop3A_936, %parallel_loop3A_937], %parallel_loop3A_932 {strides = array<i32>} : memref<3x27x256xf32, #tpu.memory_space<vmem>>, vector<16xf32>,
      %parallel_loop3A_939 = arith.mulf %parallel_loop3A_239, %parallel_loop3A_731 : vector<16xf32>
      %parallel_loop3A_940 = arith.addf %parallel_loop3A_227, %parallel_loop3A_939 : vector<16xf32>
      %parallel_loop3A_941 = arith.constant 2 : i32
      %parallel_loop3A_942 = arith.constant 6 : i32
      %parallel_loop3A_943 = arith.index_cast %parallel_loop3A_941 : i32 to index
      %parallel_loop3A_944 = arith.index_cast %parallel_loop3A_942 : i32 to index
      %parallel_loop3A_945 = arith.index_cast %parallel_loop3A_154 : i32 to index
      %parallel_loop3A_946 = tpu.vector_load %arg21[%parallel_loop3A_943, %parallel_loop3A_944, %parallel_loop3A_945] {strides = array<i32>} : memref<3x27x256xf32, #tpu.memory_space<vmem>>, vector<16xf32>,
      tpu.vector_store %arg21[%parallel_loop3A_943, %parallel_loop3A_944, %parallel_loop3A_945], %parallel_loop3A_940 {strides = array<i32>} : memref<3x27x256xf32, #tpu.memory_space<vmem>>, vector<16xf32>,
      %parallel_loop3A_947 = arith.constant 7 : i32
      %parallel_loop3A_948 = arith.index_cast %parallel_loop3A_947 : i32 to index
      %parallel_loop3A_949 = arith.index_cast %parallel_loop3A_154 : i32 to index
      %parallel_loop3A_950 = tpu.vector_load %arg20[%parallel_loop3A_948, %parallel_loop3A_949] {strides = array<i32>} : memref<27x256xf32, #tpu.memory_space<vmem>>, vector<16xf32>,
      tpu.vector_store %arg20[%parallel_loop3A_948, %parallel_loop3A_949], %parallel_loop3A_732 {strides = array<i32>} : memref<27x256xf32, #tpu.memory_space<vmem>>, vector<16xf32>,
      %parallel_loop3A_951 = arith.mulf %parallel_loop3A_231, %parallel_loop3A_732 : vector<16xf32>
      %parallel_loop3A_952 = arith.addf %parallel_loop3A_195, %parallel_loop3A_951 : vector<16xf32>
      %parallel_loop3A_953 = arith.constant 0 : i32
      %parallel_loop3A_954 = arith.constant 7 : i32
      %parallel_loop3A_955 = arith.index_cast %parallel_loop3A_953 : i32 to index
      %parallel_loop3A_956 = arith.index_cast %parallel_loop3A_954 : i32 to index
      %parallel_loop3A_957 = arith.index_cast %parallel_loop3A_154 : i32 to index
      %parallel_loop3A_958 = tpu.vector_load %arg21[%parallel_loop3A_955, %parallel_loop3A_956, %parallel_loop3A_957] {strides = array<i32>} : memref<3x27x256xf32, #tpu.memory_space<vmem>>, vector<16xf32>,
      tpu.vector_store %arg21[%parallel_loop3A_955, %parallel_loop3A_956, %parallel_loop3A_957], %parallel_loop3A_952 {strides = array<i32>} : memref<3x27x256xf32, #tpu.memory_space<vmem>>, vector<16xf32>,
      %parallel_loop3A_959 = arith.mulf %parallel_loop3A_235, %parallel_loop3A_732 : vector<16xf32>
      %parallel_loop3A_960 = arith.addf %parallel_loop3A_211, %parallel_loop3A_959 : vector<16xf32>
      %parallel_loop3A_961 = arith.constant 1 : i32
      %parallel_loop3A_962 = arith.constant 7 : i32
      %parallel_loop3A_963 = arith.index_cast %parallel_loop3A_961 : i32 to index
      %parallel_loop3A_964 = arith.index_cast %parallel_loop3A_962 : i32 to index
      %parallel_loop3A_965 = arith.index_cast %parallel_loop3A_154 : i32 to index
      %parallel_loop3A_966 = tpu.vector_load %arg21[%parallel_loop3A_963, %parallel_loop3A_964, %parallel_loop3A_965] {strides = array<i32>} : memref<3x27x256xf32, #tpu.memory_space<vmem>>, vector<16xf32>,
      tpu.vector_store %arg21[%parallel_loop3A_963, %parallel_loop3A_964, %parallel_loop3A_965], %parallel_loop3A_960 {strides = array<i32>} : memref<3x27x256xf32, #tpu.memory_space<vmem>>, vector<16xf32>,
      %parallel_loop3A_967 = arith.mulf %parallel_loop3A_239, %parallel_loop3A_732 : vector<16xf32>
      %parallel_loop3A_968 = arith.addf %parallel_loop3A_227, %parallel_loop3A_967 : vector<16xf32>
      %parallel_loop3A_969 = arith.constant 2 : i32
      %parallel_loop3A_970 = arith.constant 7 : i32
      %parallel_loop3A_971 = arith.index_cast %parallel_loop3A_969 : i32 to index
      %parallel_loop3A_972 = arith.index_cast %parallel_loop3A_970 : i32 to index
      %parallel_loop3A_973 = arith.index_cast %parallel_loop3A_154 : i32 to index
      %parallel_loop3A_974 = tpu.vector_load %arg21[%parallel_loop3A_971, %parallel_loop3A_972, %parallel_loop3A_973] {strides = array<i32>} : memref<3x27x256xf32, #tpu.memory_space<vmem>>, vector<16xf32>,
      tpu.vector_store %arg21[%parallel_loop3A_971, %parallel_loop3A_972, %parallel_loop3A_973], %parallel_loop3A_968 {strides = array<i32>} : memref<3x27x256xf32, #tpu.memory_space<vmem>>, vector<16xf32>,
      %parallel_loop3A_975 = arith.constant 8 : i32
      %parallel_loop3A_976 = arith.index_cast %parallel_loop3A_975 : i32 to index
      %parallel_loop3A_977 = arith.index_cast %parallel_loop3A_154 : i32 to index
      %parallel_loop3A_978 = tpu.vector_load %arg20[%parallel_loop3A_976, %parallel_loop3A_977] {strides = array<i32>} : memref<27x256xf32, #tpu.memory_space<vmem>>, vector<16xf32>,
      tpu.vector_store %arg20[%parallel_loop3A_976, %parallel_loop3A_977], %parallel_loop3A_733 {strides = array<i32>} : memref<27x256xf32, #tpu.memory_space<vmem>>, vector<16xf32>,
      %parallel_loop3A_979 = arith.mulf %parallel_loop3A_231, %parallel_loop3A_733 : vector<16xf32>
      %parallel_loop3A_980 = arith.addf %parallel_loop3A_195, %parallel_loop3A_979 : vector<16xf32>
      %parallel_loop3A_981 = arith.constant 0 : i32
      %parallel_loop3A_982 = arith.constant 8 : i32
      %parallel_loop3A_983 = arith.index_cast %parallel_loop3A_981 : i32 to index
      %parallel_loop3A_984 = arith.index_cast %parallel_loop3A_982 : i32 to index
      %parallel_loop3A_985 = arith.index_cast %parallel_loop3A_154 : i32 to index
      %parallel_loop3A_986 = tpu.vector_load %arg21[%parallel_loop3A_983, %parallel_loop3A_984, %parallel_loop3A_985] {strides = array<i32>} : memref<3x27x256xf32, #tpu.memory_space<vmem>>, vector<16xf32>,
      tpu.vector_store %arg21[%parallel_loop3A_983, %parallel_loop3A_984, %parallel_loop3A_985], %parallel_loop3A_980 {strides = array<i32>} : memref<3x27x256xf32, #tpu.memory_space<vmem>>, vector<16xf32>,
      %parallel_loop3A_987 = arith.mulf %parallel_loop3A_235, %parallel_loop3A_733 : vector<16xf32>
      %parallel_loop3A_988 = arith.addf %parallel_loop3A_211, %parallel_loop3A_987 : vector<16xf32>
      %parallel_loop3A_989 = arith.constant 1 : i32
      %parallel_loop3A_990 = arith.constant 8 : i32
      %parallel_loop3A_991 = arith.index_cast %parallel_loop3A_989 : i32 to index
      %parallel_loop3A_992 = arith.index_cast %parallel_loop3A_990 : i32 to index
      %parallel_loop3A_993 = arith.index_cast %parallel_loop3A_154 : i32 to index
      %parallel_loop3A_994 = tpu.vector_load %arg21[%parallel_loop3A_991, %parallel_loop3A_992, %parallel_loop3A_993] {strides = array<i32>} : memref<3x27x256xf32, #tpu.memory_space<vmem>>, vector<16xf32>,
      tpu.vector_store %arg21[%parallel_loop3A_991, %parallel_loop3A_992, %parallel_loop3A_993], %parallel_loop3A_988 {strides = array<i32>} : memref<3x27x256xf32, #tpu.memory_space<vmem>>, vector<16xf32>,
      %parallel_loop3A_995 = arith.mulf %parallel_loop3A_239, %parallel_loop3A_733 : vector<16xf32>
      %parallel_loop3A_996 = arith.addf %parallel_loop3A_227, %parallel_loop3A_995 : vector<16xf32>
      %parallel_loop3A_997 = arith.constant 2 : i32
      %parallel_loop3A_998 = arith.constant 8 : i32
      %parallel_loop3A_999 = arith.index_cast %parallel_loop3A_997 : i32 to index
      %parallel_loop3A_1000 = arith.index_cast %parallel_loop3A_998 : i32 to index
      %parallel_loop3A_1001 = arith.index_cast %parallel_loop3A_154 : i32 to index
      %parallel_loop3A_1002 = tpu.vector_load %arg21[%parallel_loop3A_999, %parallel_loop3A_1000, %parallel_loop3A_1001] {strides = array<i32>} : memref<3x27x256xf32, #tpu.memory_space<vmem>>, vector<16xf32>,
      tpu.vector_store %arg21[%parallel_loop3A_999, %parallel_loop3A_1000, %parallel_loop3A_1001], %parallel_loop3A_996 {strides = array<i32>} : memref<3x27x256xf32, #tpu.memory_space<vmem>>, vector<16xf32>,
      %parallel_loop3A_1003 = arith.constant 9 : i32
      %parallel_loop3A_1004 = arith.index_cast %parallel_loop3A_1003 : i32 to index
      %parallel_loop3A_1005 = arith.index_cast %parallel_loop3A_154 : i32 to index
      %parallel_loop3A_1006 = tpu.vector_load %arg20[%parallel_loop3A_1004, %parallel_loop3A_1005] {strides = array<i32>} : memref<27x256xf32, #tpu.memory_space<vmem>>, vector<16xf32>,
      tpu.vector_store %arg20[%parallel_loop3A_1004, %parallel_loop3A_1005], %parallel_loop3A_734 {strides = array<i32>} : memref<27x256xf32, #tpu.memory_space<vmem>>, vector<16xf32>,
      %parallel_loop3A_1007 = arith.mulf %parallel_loop3A_231, %parallel_loop3A_734 : vector<16xf32>
      %parallel_loop3A_1008 = arith.addf %parallel_loop3A_195, %parallel_loop3A_1007 : vector<16xf32>
      %parallel_loop3A_1009 = arith.constant 0 : i32
      %parallel_loop3A_1010 = arith.constant 9 : i32
      %parallel_loop3A_1011 = arith.index_cast %parallel_loop3A_1009 : i32 to index
      %parallel_loop3A_1012 = arith.index_cast %parallel_loop3A_1010 : i32 to index
      %parallel_loop3A_1013 = arith.index_cast %parallel_loop3A_154 : i32 to index
      %parallel_loop3A_1014 = tpu.vector_load %arg21[%parallel_loop3A_1011, %parallel_loop3A_1012, %parallel_loop3A_1013] {strides = array<i32>} : memref<3x27x256xf32, #tpu.memory_space<vmem>>, vector<16xf32>,
      tpu.vector_store %arg21[%parallel_loop3A_1011, %parallel_loop3A_1012, %parallel_loop3A_1013], %parallel_loop3A_1008 {strides = array<i32>} : memref<3x27x256xf32, #tpu.memory_space<vmem>>, vector<16xf32>,
      %parallel_loop3A_1015 = arith.mulf %parallel_loop3A_235, %parallel_loop3A_734 : vector<16xf32>
      %parallel_loop3A_1016 = arith.addf %parallel_loop3A_211, %parallel_loop3A_1015 : vector<16xf32>
      %parallel_loop3A_1017 = arith.constant 1 : i32
      %parallel_loop3A_1018 = arith.constant 9 : i32
      %parallel_loop3A_1019 = arith.index_cast %parallel_loop3A_1017 : i32 to index
      %parallel_loop3A_1020 = arith.index_cast %parallel_loop3A_1018 : i32 to index
      %parallel_loop3A_1021 = arith.index_cast %parallel_loop3A_154 : i32 to index
      %parallel_loop3A_1022 = tpu.vector_load %arg21[%parallel_loop3A_1019, %parallel_loop3A_1020, %parallel_loop3A_1021] {strides = array<i32>} : memref<3x27x256xf32, #tpu.memory_space<vmem>>, vector<16xf32>,
      tpu.vector_store %arg21[%parallel_loop3A_1019, %parallel_loop3A_1020, %parallel_loop3A_1021], %parallel_loop3A_1016 {strides = array<i32>} : memref<3x27x256xf32, #tpu.memory_space<vmem>>, vector<16xf32>,
      %parallel_loop3A_1023 = arith.mulf %parallel_loop3A_239, %parallel_loop3A_734 : vector<16xf32>
      %parallel_loop3A_1024 = arith.addf %parallel_loop3A_227, %parallel_loop3A_1023 : vector<16xf32>
      %parallel_loop3A_1025 = arith.constant 2 : i32
      %parallel_loop3A_1026 = arith.constant 9 : i32
      %parallel_loop3A_1027 = arith.index_cast %parallel_loop3A_1025 : i32 to index
      %parallel_loop3A_1028 = arith.index_cast %parallel_loop3A_1026 : i32 to index
      %parallel_loop3A_1029 = arith.index_cast %parallel_loop3A_154 : i32 to index
      %parallel_loop3A_1030 = tpu.vector_load %arg21[%parallel_loop3A_1027, %parallel_loop3A_1028, %parallel_loop3A_1029] {strides = array<i32>} : memref<3x27x256xf32, #tpu.memory_space<vmem>>, vector<16xf32>,
      tpu.vector_store %arg21[%parallel_loop3A_1027, %parallel_loop3A_1028, %parallel_loop3A_1029], %parallel_loop3A_1024 {strides = array<i32>} : memref<3x27x256xf32, #tpu.memory_space<vmem>>, vector<16xf32>,
      %parallel_loop3A_1031 = arith.constant 10 : i32
      %parallel_loop3A_1032 = arith.index_cast %parallel_loop3A_1031 : i32 to index
      %parallel_loop3A_1033 = arith.index_cast %parallel_loop3A_154 : i32 to index
      %parallel_loop3A_1034 = tpu.vector_load %arg20[%parallel_loop3A_1032, %parallel_loop3A_1033] {strides = array<i32>} : memref<27x256xf32, #tpu.memory_space<vmem>>, vector<16xf32>,
      tpu.vector_store %arg20[%parallel_loop3A_1032, %parallel_loop3A_1033], %parallel_loop3A_735 {strides = array<i32>} : memref<27x256xf32, #tpu.memory_space<vmem>>, vector<16xf32>,
      %parallel_loop3A_1035 = arith.mulf %parallel_loop3A_231, %parallel_loop3A_735 : vector<16xf32>
      %parallel_loop3A_1036 = arith.addf %parallel_loop3A_195, %parallel_loop3A_1035 : vector<16xf32>
      %parallel_loop3A_1037 = arith.constant 0 : i32
      %parallel_loop3A_1038 = arith.constant 10 : i32
      %parallel_loop3A_1039 = arith.index_cast %parallel_loop3A_1037 : i32 to index
      %parallel_loop3A_1040 = arith.index_cast %parallel_loop3A_1038 : i32 to index
      %parallel_loop3A_1041 = arith.index_cast %parallel_loop3A_154 : i32 to index
      %parallel_loop3A_1042 = tpu.vector_load %arg21[%parallel_loop3A_1039, %parallel_loop3A_1040, %parallel_loop3A_1041] {strides = array<i32>} : memref<3x27x256xf32, #tpu.memory_space<vmem>>, vector<16xf32>,
      tpu.vector_store %arg21[%parallel_loop3A_1039, %parallel_loop3A_1040, %parallel_loop3A_1041], %parallel_loop3A_1036 {strides = array<i32>} : memref<3x27x256xf32, #tpu.memory_space<vmem>>, vector<16xf32>,
      %parallel_loop3A_1043 = arith.mulf %parallel_loop3A_235, %parallel_loop3A_735 : vector<16xf32>
      %parallel_loop3A_1044 = arith.addf %parallel_loop3A_211, %parallel_loop3A_1043 : vector<16xf32>
      %parallel_loop3A_1045 = arith.constant 1 : i32
      %parallel_loop3A_1046 = arith.constant 10 : i32
      %parallel_loop3A_1047 = arith.index_cast %parallel_loop3A_1045 : i32 to index
      %parallel_loop3A_1048 = arith.index_cast %parallel_loop3A_1046 : i32 to index
      %parallel_loop3A_1049 = arith.index_cast %parallel_loop3A_154 : i32 to index
      %parallel_loop3A_1050 = tpu.vector_load %arg21[%parallel_loop3A_1047, %parallel_loop3A_1048, %parallel_loop3A_1049] {strides = array<i32>} : memref<3x27x256xf32, #tpu.memory_space<vmem>>, vector<16xf32>,
      tpu.vector_store %arg21[%parallel_loop3A_1047, %parallel_loop3A_1048, %parallel_loop3A_1049], %parallel_loop3A_1044 {strides = array<i32>} : memref<3x27x256xf32, #tpu.memory_space<vmem>>, vector<16xf32>,
      %parallel_loop3A_1051 = arith.mulf %parallel_loop3A_239, %parallel_loop3A_735 : vector<16xf32>
      %parallel_loop3A_1052 = arith.addf %parallel_loop3A_227, %parallel_loop3A_1051 : vector<16xf32>
      %parallel_loop3A_1053 = arith.constant 2 : i32
      %parallel_loop3A_1054 = arith.constant 10 : i32
      %parallel_loop3A_1055 = arith.index_cast %parallel_loop3A_1053 : i32 to index
      %parallel_loop3A_1056 = arith.index_cast %parallel_loop3A_1054 : i32 to index
      %parallel_loop3A_1057 = arith.index_cast %parallel_loop3A_154 : i32 to index
      %parallel_loop3A_1058 = tpu.vector_load %arg21[%parallel_loop3A_1055, %parallel_loop3A_1056, %parallel_loop3A_1057] {strides = array<i32>} : memref<3x27x256xf32, #tpu.memory_space<vmem>>, vector<16xf32>,
      tpu.vector_store %arg21[%parallel_loop3A_1055, %parallel_loop3A_1056, %parallel_loop3A_1057], %parallel_loop3A_1052 {strides = array<i32>} : memref<3x27x256xf32, #tpu.memory_space<vmem>>, vector<16xf32>,
      %parallel_loop3A_1059 = arith.constant 11 : i32
      %parallel_loop3A_1060 = arith.index_cast %parallel_loop3A_1059 : i32 to index
      %parallel_loop3A_1061 = arith.index_cast %parallel_loop3A_154 : i32 to index
      %parallel_loop3A_1062 = tpu.vector_load %arg20[%parallel_loop3A_1060, %parallel_loop3A_1061] {strides = array<i32>} : memref<27x256xf32, #tpu.memory_space<vmem>>, vector<16xf32>,
      tpu.vector_store %arg20[%parallel_loop3A_1060, %parallel_loop3A_1061], %parallel_loop3A_736 {strides = array<i32>} : memref<27x256xf32, #tpu.memory_space<vmem>>, vector<16xf32>,
      %parallel_loop3A_1063 = arith.mulf %parallel_loop3A_231, %parallel_loop3A_736 : vector<16xf32>
      %parallel_loop3A_1064 = arith.addf %parallel_loop3A_195, %parallel_loop3A_1063 : vector<16xf32>
      %parallel_loop3A_1065 = arith.constant 0 : i32
      %parallel_loop3A_1066 = arith.constant 11 : i32
      %parallel_loop3A_1067 = arith.index_cast %parallel_loop3A_1065 : i32 to index
      %parallel_loop3A_1068 = arith.index_cast %parallel_loop3A_1066 : i32 to index
      %parallel_loop3A_1069 = arith.index_cast %parallel_loop3A_154 : i32 to index
      %parallel_loop3A_1070 = tpu.vector_load %arg21[%parallel_loop3A_1067, %parallel_loop3A_1068, %parallel_loop3A_1069] {strides = array<i32>} : memref<3x27x256xf32, #tpu.memory_space<vmem>>, vector<16xf32>,
      tpu.vector_store %arg21[%parallel_loop3A_1067, %parallel_loop3A_1068, %parallel_loop3A_1069], %parallel_loop3A_1064 {strides = array<i32>} : memref<3x27x256xf32, #tpu.memory_space<vmem>>, vector<16xf32>,
      %parallel_loop3A_1071 = arith.mulf %parallel_loop3A_235, %parallel_loop3A_736 : vector<16xf32>
      %parallel_loop3A_1072 = arith.addf %parallel_loop3A_211, %parallel_loop3A_1071 : vector<16xf32>
      %parallel_loop3A_1073 = arith.constant 1 : i32
      %parallel_loop3A_1074 = arith.constant 11 : i32
      %parallel_loop3A_1075 = arith.index_cast %parallel_loop3A_1073 : i32 to index
      %parallel_loop3A_1076 = arith.index_cast %parallel_loop3A_1074 : i32 to index
      %parallel_loop3A_1077 = arith.index_cast %parallel_loop3A_154 : i32 to index
      %parallel_loop3A_1078 = tpu.vector_load %arg21[%parallel_loop3A_1075, %parallel_loop3A_1076, %parallel_loop3A_1077] {strides = array<i32>} : memref<3x27x256xf32, #tpu.memory_space<vmem>>, vector<16xf32>,
      tpu.vector_store %arg21[%parallel_loop3A_1075, %parallel_loop3A_1076, %parallel_loop3A_1077], %parallel_loop3A_1072 {strides = array<i32>} : memref<3x27x256xf32, #tpu.memory_space<vmem>>, vector<16xf32>,
      %parallel_loop3A_1079 = arith.mulf %parallel_loop3A_239, %parallel_loop3A_736 : vector<16xf32>
      %parallel_loop3A_1080 = arith.addf %parallel_loop3A_227, %parallel_loop3A_1079 : vector<16xf32>
      %parallel_loop3A_1081 = arith.constant 2 : i32
      %parallel_loop3A_1082 = arith.constant 11 : i32
      %parallel_loop3A_1083 = arith.index_cast %parallel_loop3A_1081 : i32 to index
      %parallel_loop3A_1084 = arith.index_cast %parallel_loop3A_1082 : i32 to index
      %parallel_loop3A_1085 = arith.index_cast %parallel_loop3A_154 : i32 to index
      %parallel_loop3A_1086 = tpu.vector_load %arg21[%parallel_loop3A_1083, %parallel_loop3A_1084, %parallel_loop3A_1085] {strides = array<i32>} : memref<3x27x256xf32, #tpu.memory_space<vmem>>, vector<16xf32>,
      tpu.vector_store %arg21[%parallel_loop3A_1083, %parallel_loop3A_1084, %parallel_loop3A_1085], %parallel_loop3A_1080 {strides = array<i32>} : memref<3x27x256xf32, #tpu.memory_space<vmem>>, vector<16xf32>,
      %parallel_loop3A_1087 = arith.constant 12 : i32
      %parallel_loop3A_1088 = arith.index_cast %parallel_loop3A_1087 : i32 to index
      %parallel_loop3A_1089 = arith.index_cast %parallel_loop3A_154 : i32 to index
      %parallel_loop3A_1090 = tpu.vector_load %arg20[%parallel_loop3A_1088, %parallel_loop3A_1089] {strides = array<i32>} : memref<27x256xf32, #tpu.memory_space<vmem>>, vector<16xf32>,
      tpu.vector_store %arg20[%parallel_loop3A_1088, %parallel_loop3A_1089], %parallel_loop3A_737 {strides = array<i32>} : memref<27x256xf32, #tpu.memory_space<vmem>>, vector<16xf32>,
      %parallel_loop3A_1091 = arith.mulf %parallel_loop3A_231, %parallel_loop3A_737 : vector<16xf32>
      %parallel_loop3A_1092 = arith.addf %parallel_loop3A_195, %parallel_loop3A_1091 : vector<16xf32>
      %parallel_loop3A_1093 = arith.constant 0 : i32
      %parallel_loop3A_1094 = arith.constant 12 : i32
      %parallel_loop3A_1095 = arith.index_cast %parallel_loop3A_1093 : i32 to index
      %parallel_loop3A_1096 = arith.index_cast %parallel_loop3A_1094 : i32 to index
      %parallel_loop3A_1097 = arith.index_cast %parallel_loop3A_154 : i32 to index
      %parallel_loop3A_1098 = tpu.vector_load %arg21[%parallel_loop3A_1095, %parallel_loop3A_1096, %parallel_loop3A_1097] {strides = array<i32>} : memref<3x27x256xf32, #tpu.memory_space<vmem>>, vector<16xf32>,
      tpu.vector_store %arg21[%parallel_loop3A_1095, %parallel_loop3A_1096, %parallel_loop3A_1097], %parallel_loop3A_1092 {strides = array<i32>} : memref<3x27x256xf32, #tpu.memory_space<vmem>>, vector<16xf32>,
      %parallel_loop3A_1099 = arith.mulf %parallel_loop3A_235, %parallel_loop3A_737 : vector<16xf32>
      %parallel_loop3A_1100 = arith.addf %parallel_loop3A_211, %parallel_loop3A_1099 : vector<16xf32>
      %parallel_loop3A_1101 = arith.constant 1 : i32
      %parallel_loop3A_1102 = arith.constant 12 : i32
      %parallel_loop3A_1103 = arith.index_cast %parallel_loop3A_1101 : i32 to index
      %parallel_loop3A_1104 = arith.index_cast %parallel_loop3A_1102 : i32 to index
      %parallel_loop3A_1105 = arith.index_cast %parallel_loop3A_154 : i32 to index
      %parallel_loop3A_1106 = tpu.vector_load %arg21[%parallel_loop3A_1103, %parallel_loop3A_1104, %parallel_loop3A_1105] {strides = array<i32>} : memref<3x27x256xf32, #tpu.memory_space<vmem>>, vector<16xf32>,
      tpu.vector_store %arg21[%parallel_loop3A_1103, %parallel_loop3A_1104, %parallel_loop3A_1105], %parallel_loop3A_1100 {strides = array<i32>} : memref<3x27x256xf32, #tpu.memory_space<vmem>>, vector<16xf32>,
      %parallel_loop3A_1107 = arith.mulf %parallel_loop3A_239, %parallel_loop3A_737 : vector<16xf32>
      %parallel_loop3A_1108 = arith.addf %parallel_loop3A_227, %parallel_loop3A_1107 : vector<16xf32>
      %parallel_loop3A_1109 = arith.constant 2 : i32
      %parallel_loop3A_1110 = arith.constant 12 : i32
      %parallel_loop3A_1111 = arith.index_cast %parallel_loop3A_1109 : i32 to index
      %parallel_loop3A_1112 = arith.index_cast %parallel_loop3A_1110 : i32 to index
      %parallel_loop3A_1113 = arith.index_cast %parallel_loop3A_154 : i32 to index
      %parallel_loop3A_1114 = tpu.vector_load %arg21[%parallel_loop3A_1111, %parallel_loop3A_1112, %parallel_loop3A_1113] {strides = array<i32>} : memref<3x27x256xf32, #tpu.memory_space<vmem>>, vector<16xf32>,
      tpu.vector_store %arg21[%parallel_loop3A_1111, %parallel_loop3A_1112, %parallel_loop3A_1113], %parallel_loop3A_1108 {strides = array<i32>} : memref<3x27x256xf32, #tpu.memory_space<vmem>>, vector<16xf32>,
      %parallel_loop3A_1115 = arith.constant 13 : i32
      %parallel_loop3A_1116 = arith.index_cast %parallel_loop3A_1115 : i32 to index
      %parallel_loop3A_1117 = arith.index_cast %parallel_loop3A_154 : i32 to index
      %parallel_loop3A_1118 = tpu.vector_load %arg20[%parallel_loop3A_1116, %parallel_loop3A_1117] {strides = array<i32>} : memref<27x256xf32, #tpu.memory_space<vmem>>, vector<16xf32>,
      tpu.vector_store %arg20[%parallel_loop3A_1116, %parallel_loop3A_1117], %parallel_loop3A_738 {strides = array<i32>} : memref<27x256xf32, #tpu.memory_space<vmem>>, vector<16xf32>,
      %parallel_loop3A_1119 = arith.mulf %parallel_loop3A_231, %parallel_loop3A_738 : vector<16xf32>
      %parallel_loop3A_1120 = arith.addf %parallel_loop3A_195, %parallel_loop3A_1119 : vector<16xf32>
      %parallel_loop3A_1121 = arith.constant 0 : i32
      %parallel_loop3A_1122 = arith.constant 13 : i32
      %parallel_loop3A_1123 = arith.index_cast %parallel_loop3A_1121 : i32 to index
      %parallel_loop3A_1124 = arith.index_cast %parallel_loop3A_1122 : i32 to index
      %parallel_loop3A_1125 = arith.index_cast %parallel_loop3A_154 : i32 to index
      %parallel_loop3A_1126 = tpu.vector_load %arg21[%parallel_loop3A_1123, %parallel_loop3A_1124, %parallel_loop3A_1125] {strides = array<i32>} : memref<3x27x256xf32, #tpu.memory_space<vmem>>, vector<16xf32>,
      tpu.vector_store %arg21[%parallel_loop3A_1123, %parallel_loop3A_1124, %parallel_loop3A_1125], %parallel_loop3A_1120 {strides = array<i32>} : memref<3x27x256xf32, #tpu.memory_space<vmem>>, vector<16xf32>,
      %parallel_loop3A_1127 = arith.mulf %parallel_loop3A_235, %parallel_loop3A_738 : vector<16xf32>
      %parallel_loop3A_1128 = arith.addf %parallel_loop3A_211, %parallel_loop3A_1127 : vector<16xf32>
      %parallel_loop3A_1129 = arith.constant 1 : i32
      %parallel_loop3A_1130 = arith.constant 13 : i32
      %parallel_loop3A_1131 = arith.index_cast %parallel_loop3A_1129 : i32 to index
      %parallel_loop3A_1132 = arith.index_cast %parallel_loop3A_1130 : i32 to index
      %parallel_loop3A_1133 = arith.index_cast %parallel_loop3A_154 : i32 to index
      %parallel_loop3A_1134 = tpu.vector_load %arg21[%parallel_loop3A_1131, %parallel_loop3A_1132, %parallel_loop3A_1133] {strides = array<i32>} : memref<3x27x256xf32, #tpu.memory_space<vmem>>, vector<16xf32>,
      tpu.vector_store %arg21[%parallel_loop3A_1131, %parallel_loop3A_1132, %parallel_loop3A_1133], %parallel_loop3A_1128 {strides = array<i32>} : memref<3x27x256xf32, #tpu.memory_space<vmem>>, vector<16xf32>,
      %parallel_loop3A_1135 = arith.mulf %parallel_loop3A_239, %parallel_loop3A_738 : vector<16xf32>
      %parallel_loop3A_1136 = arith.addf %parallel_loop3A_227, %parallel_loop3A_1135 : vector<16xf32>
      %parallel_loop3A_1137 = arith.constant 2 : i32
      %parallel_loop3A_1138 = arith.constant 13 : i32
      %parallel_loop3A_1139 = arith.index_cast %parallel_loop3A_1137 : i32 to index
      %parallel_loop3A_1140 = arith.index_cast %parallel_loop3A_1138 : i32 to index
      %parallel_loop3A_1141 = arith.index_cast %parallel_loop3A_154 : i32 to index
      %parallel_loop3A_1142 = tpu.vector_load %arg21[%parallel_loop3A_1139, %parallel_loop3A_1140, %parallel_loop3A_1141] {strides = array<i32>} : memref<3x27x256xf32, #tpu.memory_space<vmem>>, vector<16xf32>,
      tpu.vector_store %arg21[%parallel_loop3A_1139, %parallel_loop3A_1140, %parallel_loop3A_1141], %parallel_loop3A_1136 {strides = array<i32>} : memref<3x27x256xf32, #tpu.memory_space<vmem>>, vector<16xf32>,
      %parallel_loop3A_1143 = arith.constant 14 : i32
      %parallel_loop3A_1144 = arith.index_cast %parallel_loop3A_1143 : i32 to index
      %parallel_loop3A_1145 = arith.index_cast %parallel_loop3A_154 : i32 to index
      %parallel_loop3A_1146 = tpu.vector_load %arg20[%parallel_loop3A_1144, %parallel_loop3A_1145] {strides = array<i32>} : memref<27x256xf32, #tpu.memory_space<vmem>>, vector<16xf32>,
      tpu.vector_store %arg20[%parallel_loop3A_1144, %parallel_loop3A_1145], %parallel_loop3A_739 {strides = array<i32>} : memref<27x256xf32, #tpu.memory_space<vmem>>, vector<16xf32>,
      %parallel_loop3A_1147 = arith.mulf %parallel_loop3A_231, %parallel_loop3A_739 : vector<16xf32>
      %parallel_loop3A_1148 = arith.addf %parallel_loop3A_195, %parallel_loop3A_1147 : vector<16xf32>
      %parallel_loop3A_1149 = arith.constant 0 : i32
      %parallel_loop3A_1150 = arith.constant 14 : i32
      %parallel_loop3A_1151 = arith.index_cast %parallel_loop3A_1149 : i32 to index
      %parallel_loop3A_1152 = arith.index_cast %parallel_loop3A_1150 : i32 to index
      %parallel_loop3A_1153 = arith.index_cast %parallel_loop3A_154 : i32 to index
      %parallel_loop3A_1154 = tpu.vector_load %arg21[%parallel_loop3A_1151, %parallel_loop3A_1152, %parallel_loop3A_1153] {strides = array<i32>} : memref<3x27x256xf32, #tpu.memory_space<vmem>>, vector<16xf32>,
      tpu.vector_store %arg21[%parallel_loop3A_1151, %parallel_loop3A_1152, %parallel_loop3A_1153], %parallel_loop3A_1148 {strides = array<i32>} : memref<3x27x256xf32, #tpu.memory_space<vmem>>, vector<16xf32>,
      %parallel_loop3A_1155 = arith.mulf %parallel_loop3A_235, %parallel_loop3A_739 : vector<16xf32>
      %parallel_loop3A_1156 = arith.addf %parallel_loop3A_211, %parallel_loop3A_1155 : vector<16xf32>
      %parallel_loop3A_1157 = arith.constant 1 : i32
      %parallel_loop3A_1158 = arith.constant 14 : i32
      %parallel_loop3A_1159 = arith.index_cast %parallel_loop3A_1157 : i32 to index
      %parallel_loop3A_1160 = arith.index_cast %parallel_loop3A_1158 : i32 to index
      %parallel_loop3A_1161 = arith.index_cast %parallel_loop3A_154 : i32 to index
      %parallel_loop3A_1162 = tpu.vector_load %arg21[%parallel_loop3A_1159, %parallel_loop3A_1160, %parallel_loop3A_1161] {strides = array<i32>} : memref<3x27x256xf32, #tpu.memory_space<vmem>>, vector<16xf32>,
      tpu.vector_store %arg21[%parallel_loop3A_1159, %parallel_loop3A_1160, %parallel_loop3A_1161], %parallel_loop3A_1156 {strides = array<i32>} : memref<3x27x256xf32, #tpu.memory_space<vmem>>, vector<16xf32>,
      %parallel_loop3A_1163 = arith.mulf %parallel_loop3A_239, %parallel_loop3A_739 : vector<16xf32>
      %parallel_loop3A_1164 = arith.addf %parallel_loop3A_227, %parallel_loop3A_1163 : vector<16xf32>
      %parallel_loop3A_1165 = arith.constant 2 : i32
      %parallel_loop3A_1166 = arith.constant 14 : i32
      %parallel_loop3A_1167 = arith.index_cast %parallel_loop3A_1165 : i32 to index
      %parallel_loop3A_1168 = arith.index_cast %parallel_loop3A_1166 : i32 to index
      %parallel_loop3A_1169 = arith.index_cast %parallel_loop3A_154 : i32 to index
      %parallel_loop3A_1170 = tpu.vector_load %arg21[%parallel_loop3A_1167, %parallel_loop3A_1168, %parallel_loop3A_1169] {strides = array<i32>} : memref<3x27x256xf32, #tpu.memory_space<vmem>>, vector<16xf32>,
      tpu.vector_store %arg21[%parallel_loop3A_1167, %parallel_loop3A_1168, %parallel_loop3A_1169], %parallel_loop3A_1164 {strides = array<i32>} : memref<3x27x256xf32, #tpu.memory_space<vmem>>, vector<16xf32>,
      %parallel_loop3A_1171 = arith.constant 15 : i32
      %parallel_loop3A_1172 = arith.index_cast %parallel_loop3A_1171 : i32 to index
      %parallel_loop3A_1173 = arith.index_cast %parallel_loop3A_154 : i32 to index
      %parallel_loop3A_1174 = tpu.vector_load %arg20[%parallel_loop3A_1172, %parallel_loop3A_1173] {strides = array<i32>} : memref<27x256xf32, #tpu.memory_space<vmem>>, vector<16xf32>,
      tpu.vector_store %arg20[%parallel_loop3A_1172, %parallel_loop3A_1173], %parallel_loop3A_740 {strides = array<i32>} : memref<27x256xf32, #tpu.memory_space<vmem>>, vector<16xf32>,
      %parallel_loop3A_1175 = arith.mulf %parallel_loop3A_231, %parallel_loop3A_740 : vector<16xf32>
      %parallel_loop3A_1176 = arith.addf %parallel_loop3A_195, %parallel_loop3A_1175 : vector<16xf32>
      %parallel_loop3A_1177 = arith.constant 0 : i32
      %parallel_loop3A_1178 = arith.constant 15 : i32
      %parallel_loop3A_1179 = arith.index_cast %parallel_loop3A_1177 : i32 to index
      %parallel_loop3A_1180 = arith.index_cast %parallel_loop3A_1178 : i32 to index
      %parallel_loop3A_1181 = arith.index_cast %parallel_loop3A_154 : i32 to index
      %parallel_loop3A_1182 = tpu.vector_load %arg21[%parallel_loop3A_1179, %parallel_loop3A_1180, %parallel_loop3A_1181] {strides = array<i32>} : memref<3x27x256xf32, #tpu.memory_space<vmem>>, vector<16xf32>,
      tpu.vector_store %arg21[%parallel_loop3A_1179, %parallel_loop3A_1180, %parallel_loop3A_1181], %parallel_loop3A_1176 {strides = array<i32>} : memref<3x27x256xf32, #tpu.memory_space<vmem>>, vector<16xf32>,
      %parallel_loop3A_1183 = arith.mulf %parallel_loop3A_235, %parallel_loop3A_740 : vector<16xf32>
      %parallel_loop3A_1184 = arith.addf %parallel_loop3A_211, %parallel_loop3A_1183 : vector<16xf32>
      %parallel_loop3A_1185 = arith.constant 1 : i32
      %parallel_loop3A_1186 = arith.constant 15 : i32
      %parallel_loop3A_1187 = arith.index_cast %parallel_loop3A_1185 : i32 to index
      %parallel_loop3A_1188 = arith.index_cast %parallel_loop3A_1186 : i32 to index
      %parallel_loop3A_1189 = arith.index_cast %parallel_loop3A_154 : i32 to index
      %parallel_loop3A_1190 = tpu.vector_load %arg21[%parallel_loop3A_1187, %parallel_loop3A_1188, %parallel_loop3A_1189] {strides = array<i32>} : memref<3x27x256xf32, #tpu.memory_space<vmem>>, vector<16xf32>,
      tpu.vector_store %arg21[%parallel_loop3A_1187, %parallel_loop3A_1188, %parallel_loop3A_1189], %parallel_loop3A_1184 {strides = array<i32>} : memref<3x27x256xf32, #tpu.memory_space<vmem>>, vector<16xf32>,
      %parallel_loop3A_1191 = arith.mulf %parallel_loop3A_239, %parallel_loop3A_740 : vector<16xf32>
      %parallel_loop3A_1192 = arith.addf %parallel_loop3A_227, %parallel_loop3A_1191 : vector<16xf32>
      %parallel_loop3A_1193 = arith.constant 2 : i32
      %parallel_loop3A_1194 = arith.constant 15 : i32
      %parallel_loop3A_1195 = arith.index_cast %parallel_loop3A_1193 : i32 to index
      %parallel_loop3A_1196 = arith.index_cast %parallel_loop3A_1194 : i32 to index
      %parallel_loop3A_1197 = arith.index_cast %parallel_loop3A_154 : i32 to index
      %parallel_loop3A_1198 = tpu.vector_load %arg21[%parallel_loop3A_1195, %parallel_loop3A_1196, %parallel_loop3A_1197] {strides = array<i32>} : memref<3x27x256xf32, #tpu.memory_space<vmem>>, vector<16xf32>,
      tpu.vector_store %arg21[%parallel_loop3A_1195, %parallel_loop3A_1196, %parallel_loop3A_1197], %parallel_loop3A_1192 {strides = array<i32>} : memref<3x27x256xf32, #tpu.memory_space<vmem>>, vector<16xf32>,
      %parallel_loop3A_1199 = arith.constant 16 : i32
      %parallel_loop3A_1200 = arith.index_cast %parallel_loop3A_1199 : i32 to index
      %parallel_loop3A_1201 = arith.index_cast %parallel_loop3A_154 : i32 to index
      %parallel_loop3A_1202 = tpu.vector_load %arg20[%parallel_loop3A_1200, %parallel_loop3A_1201] {strides = array<i32>} : memref<27x256xf32, #tpu.memory_space<vmem>>, vector<16xf32>,
      tpu.vector_store %arg20[%parallel_loop3A_1200, %parallel_loop3A_1201], %parallel_loop3A_741 {strides = array<i32>} : memref<27x256xf32, #tpu.memory_space<vmem>>, vector<16xf32>,
      %parallel_loop3A_1203 = arith.mulf %parallel_loop3A_231, %parallel_loop3A_741 : vector<16xf32>
      %parallel_loop3A_1204 = arith.addf %parallel_loop3A_195, %parallel_loop3A_1203 : vector<16xf32>
      %parallel_loop3A_1205 = arith.constant 0 : i32
      %parallel_loop3A_1206 = arith.constant 16 : i32
      %parallel_loop3A_1207 = arith.index_cast %parallel_loop3A_1205 : i32 to index
      %parallel_loop3A_1208 = arith.index_cast %parallel_loop3A_1206 : i32 to index
      %parallel_loop3A_1209 = arith.index_cast %parallel_loop3A_154 : i32 to index
      %parallel_loop3A_1210 = tpu.vector_load %arg21[%parallel_loop3A_1207, %parallel_loop3A_1208, %parallel_loop3A_1209] {strides = array<i32>} : memref<3x27x256xf32, #tpu.memory_space<vmem>>, vector<16xf32>,
      tpu.vector_store %arg21[%parallel_loop3A_1207, %parallel_loop3A_1208, %parallel_loop3A_1209], %parallel_loop3A_1204 {strides = array<i32>} : memref<3x27x256xf32, #tpu.memory_space<vmem>>, vector<16xf32>,
      %parallel_loop3A_1211 = arith.mulf %parallel_loop3A_235, %parallel_loop3A_741 : vector<16xf32>
      %parallel_loop3A_1212 = arith.addf %parallel_loop3A_211, %parallel_loop3A_1211 : vector<16xf32>
      %parallel_loop3A_1213 = arith.constant 1 : i32
      %parallel_loop3A_1214 = arith.constant 16 : i32
      %parallel_loop3A_1215 = arith.index_cast %parallel_loop3A_1213 : i32 to index
      %parallel_loop3A_1216 = arith.index_cast %parallel_loop3A_1214 : i32 to index
      %parallel_loop3A_1217 = arith.index_cast %parallel_loop3A_154 : i32 to index
      %parallel_loop3A_1218 = tpu.vector_load %arg21[%parallel_loop3A_1215, %parallel_loop3A_1216, %parallel_loop3A_1217] {strides = array<i32>} : memref<3x27x256xf32, #tpu.memory_space<vmem>>, vector<16xf32>,
      tpu.vector_store %arg21[%parallel_loop3A_1215, %parallel_loop3A_1216, %parallel_loop3A_1217], %parallel_loop3A_1212 {strides = array<i32>} : memref<3x27x256xf32, #tpu.memory_space<vmem>>, vector<16xf32>,
      %parallel_loop3A_1219 = arith.mulf %parallel_loop3A_239, %parallel_loop3A_741 : vector<16xf32>
      %parallel_loop3A_1220 = arith.addf %parallel_loop3A_227, %parallel_loop3A_1219 : vector<16xf32>
      %parallel_loop3A_1221 = arith.constant 2 : i32
      %parallel_loop3A_1222 = arith.constant 16 : i32
      %parallel_loop3A_1223 = arith.index_cast %parallel_loop3A_1221 : i32 to index
      %parallel_loop3A_1224 = arith.index_cast %parallel_loop3A_1222 : i32 to index
      %parallel_loop3A_1225 = arith.index_cast %parallel_loop3A_154 : i32 to index
      %parallel_loop3A_1226 = tpu.vector_load %arg21[%parallel_loop3A_1223, %parallel_loop3A_1224, %parallel_loop3A_1225] {strides = array<i32>} : memref<3x27x256xf32, #tpu.memory_space<vmem>>, vector<16xf32>,
      tpu.vector_store %arg21[%parallel_loop3A_1223, %parallel_loop3A_1224, %parallel_loop3A_1225], %parallel_loop3A_1220 {strides = array<i32>} : memref<3x27x256xf32, #tpu.memory_space<vmem>>, vector<16xf32>,
      %parallel_loop3A_1227 = arith.constant 17 : i32
      %parallel_loop3A_1228 = arith.index_cast %parallel_loop3A_1227 : i32 to index
      %parallel_loop3A_1229 = arith.index_cast %parallel_loop3A_154 : i32 to index
      %parallel_loop3A_1230 = tpu.vector_load %arg20[%parallel_loop3A_1228, %parallel_loop3A_1229] {strides = array<i32>} : memref<27x256xf32, #tpu.memory_space<vmem>>, vector<16xf32>,
      tpu.vector_store %arg20[%parallel_loop3A_1228, %parallel_loop3A_1229], %parallel_loop3A_742 {strides = array<i32>} : memref<27x256xf32, #tpu.memory_space<vmem>>, vector<16xf32>,
      %parallel_loop3A_1231 = arith.mulf %parallel_loop3A_231, %parallel_loop3A_742 : vector<16xf32>
      %parallel_loop3A_1232 = arith.addf %parallel_loop3A_195, %parallel_loop3A_1231 : vector<16xf32>
      %parallel_loop3A_1233 = arith.constant 0 : i32
      %parallel_loop3A_1234 = arith.constant 17 : i32
      %parallel_loop3A_1235 = arith.index_cast %parallel_loop3A_1233 : i32 to index
      %parallel_loop3A_1236 = arith.index_cast %parallel_loop3A_1234 : i32 to index
      %parallel_loop3A_1237 = arith.index_cast %parallel_loop3A_154 : i32 to index
      %parallel_loop3A_1238 = tpu.vector_load %arg21[%parallel_loop3A_1235, %parallel_loop3A_1236, %parallel_loop3A_1237] {strides = array<i32>} : memref<3x27x256xf32, #tpu.memory_space<vmem>>, vector<16xf32>,
      tpu.vector_store %arg21[%parallel_loop3A_1235, %parallel_loop3A_1236, %parallel_loop3A_1237], %parallel_loop3A_1232 {strides = array<i32>} : memref<3x27x256xf32, #tpu.memory_space<vmem>>, vector<16xf32>,
      %parallel_loop3A_1239 = arith.mulf %parallel_loop3A_235, %parallel_loop3A_742 : vector<16xf32>
      %parallel_loop3A_1240 = arith.addf %parallel_loop3A_211, %parallel_loop3A_1239 : vector<16xf32>
      %parallel_loop3A_1241 = arith.constant 1 : i32
      %parallel_loop3A_1242 = arith.constant 17 : i32
      %parallel_loop3A_1243 = arith.index_cast %parallel_loop3A_1241 : i32 to index
      %parallel_loop3A_1244 = arith.index_cast %parallel_loop3A_1242 : i32 to index
      %parallel_loop3A_1245 = arith.index_cast %parallel_loop3A_154 : i32 to index
      %parallel_loop3A_1246 = tpu.vector_load %arg21[%parallel_loop3A_1243, %parallel_loop3A_1244, %parallel_loop3A_1245] {strides = array<i32>} : memref<3x27x256xf32, #tpu.memory_space<vmem>>, vector<16xf32>,
      tpu.vector_store %arg21[%parallel_loop3A_1243, %parallel_loop3A_1244, %parallel_loop3A_1245], %parallel_loop3A_1240 {strides = array<i32>} : memref<3x27x256xf32, #tpu.memory_space<vmem>>, vector<16xf32>,
      %parallel_loop3A_1247 = arith.mulf %parallel_loop3A_239, %parallel_loop3A_742 : vector<16xf32>
      %parallel_loop3A_1248 = arith.addf %parallel_loop3A_227, %parallel_loop3A_1247 : vector<16xf32>
      %parallel_loop3A_1249 = arith.constant 2 : i32
      %parallel_loop3A_1250 = arith.constant 17 : i32
      %parallel_loop3A_1251 = arith.index_cast %parallel_loop3A_1249 : i32 to index
      %parallel_loop3A_1252 = arith.index_cast %parallel_loop3A_1250 : i32 to index
      %parallel_loop3A_1253 = arith.index_cast %parallel_loop3A_154 : i32 to index
      %parallel_loop3A_1254 = tpu.vector_load %arg21[%parallel_loop3A_1251, %parallel_loop3A_1252, %parallel_loop3A_1253] {strides = array<i32>} : memref<3x27x256xf32, #tpu.memory_space<vmem>>, vector<16xf32>,
      tpu.vector_store %arg21[%parallel_loop3A_1251, %parallel_loop3A_1252, %parallel_loop3A_1253], %parallel_loop3A_1248 {strides = array<i32>} : memref<3x27x256xf32, #tpu.memory_space<vmem>>, vector<16xf32>,
      %parallel_loop3A_1255 = arith.constant 18 : i32
      %parallel_loop3A_1256 = arith.index_cast %parallel_loop3A_1255 : i32 to index
      %parallel_loop3A_1257 = arith.index_cast %parallel_loop3A_154 : i32 to index
      %parallel_loop3A_1258 = tpu.vector_load %arg20[%parallel_loop3A_1256, %parallel_loop3A_1257] {strides = array<i32>} : memref<27x256xf32, #tpu.memory_space<vmem>>, vector<16xf32>,
      tpu.vector_store %arg20[%parallel_loop3A_1256, %parallel_loop3A_1257], %parallel_loop3A_743 {strides = array<i32>} : memref<27x256xf32, #tpu.memory_space<vmem>>, vector<16xf32>,
      %parallel_loop3A_1259 = arith.mulf %parallel_loop3A_231, %parallel_loop3A_743 : vector<16xf32>
      %parallel_loop3A_1260 = arith.addf %parallel_loop3A_195, %parallel_loop3A_1259 : vector<16xf32>
      %parallel_loop3A_1261 = arith.constant 0 : i32
      %parallel_loop3A_1262 = arith.constant 18 : i32
      %parallel_loop3A_1263 = arith.index_cast %parallel_loop3A_1261 : i32 to index
      %parallel_loop3A_1264 = arith.index_cast %parallel_loop3A_1262 : i32 to index
      %parallel_loop3A_1265 = arith.index_cast %parallel_loop3A_154 : i32 to index
      %parallel_loop3A_1266 = tpu.vector_load %arg21[%parallel_loop3A_1263, %parallel_loop3A_1264, %parallel_loop3A_1265] {strides = array<i32>} : memref<3x27x256xf32, #tpu.memory_space<vmem>>, vector<16xf32>,
      tpu.vector_store %arg21[%parallel_loop3A_1263, %parallel_loop3A_1264, %parallel_loop3A_1265], %parallel_loop3A_1260 {strides = array<i32>} : memref<3x27x256xf32, #tpu.memory_space<vmem>>, vector<16xf32>,
      %parallel_loop3A_1267 = arith.mulf %parallel_loop3A_235, %parallel_loop3A_743 : vector<16xf32>
      %parallel_loop3A_1268 = arith.addf %parallel_loop3A_211, %parallel_loop3A_1267 : vector<16xf32>
      %parallel_loop3A_1269 = arith.constant 1 : i32
      %parallel_loop3A_1270 = arith.constant 18 : i32
      %parallel_loop3A_1271 = arith.index_cast %parallel_loop3A_1269 : i32 to index
      %parallel_loop3A_1272 = arith.index_cast %parallel_loop3A_1270 : i32 to index
      %parallel_loop3A_1273 = arith.index_cast %parallel_loop3A_154 : i32 to index
      %parallel_loop3A_1274 = tpu.vector_load %arg21[%parallel_loop3A_1271, %parallel_loop3A_1272, %parallel_loop3A_1273] {strides = array<i32>} : memref<3x27x256xf32, #tpu.memory_space<vmem>>, vector<16xf32>,
      tpu.vector_store %arg21[%parallel_loop3A_1271, %parallel_loop3A_1272, %parallel_loop3A_1273], %parallel_loop3A_1268 {strides = array<i32>} : memref<3x27x256xf32, #tpu.memory_space<vmem>>, vector<16xf32>,
      %parallel_loop3A_1275 = arith.mulf %parallel_loop3A_239, %parallel_loop3A_743 : vector<16xf32>
      %parallel_loop3A_1276 = arith.addf %parallel_loop3A_227, %parallel_loop3A_1275 : vector<16xf32>
      %parallel_loop3A_1277 = arith.constant 2 : i32
      %parallel_loop3A_1278 = arith.constant 18 : i32
      %parallel_loop3A_1279 = arith.index_cast %parallel_loop3A_1277 : i32 to index
      %parallel_loop3A_1280 = arith.index_cast %parallel_loop3A_1278 : i32 to index
      %parallel_loop3A_1281 = arith.index_cast %parallel_loop3A_154 : i32 to index
      %parallel_loop3A_1282 = tpu.vector_load %arg21[%parallel_loop3A_1279, %parallel_loop3A_1280, %parallel_loop3A_1281] {strides = array<i32>} : memref<3x27x256xf32, #tpu.memory_space<vmem>>, vector<16xf32>,
      tpu.vector_store %arg21[%parallel_loop3A_1279, %parallel_loop3A_1280, %parallel_loop3A_1281], %parallel_loop3A_1276 {strides = array<i32>} : memref<3x27x256xf32, #tpu.memory_space<vmem>>, vector<16xf32>,
      %parallel_loop3A_1283 = arith.constant 19 : i32
      %parallel_loop3A_1284 = arith.index_cast %parallel_loop3A_1283 : i32 to index
      %parallel_loop3A_1285 = arith.index_cast %parallel_loop3A_154 : i32 to index
      %parallel_loop3A_1286 = tpu.vector_load %arg20[%parallel_loop3A_1284, %parallel_loop3A_1285] {strides = array<i32>} : memref<27x256xf32, #tpu.memory_space<vmem>>, vector<16xf32>,
      tpu.vector_store %arg20[%parallel_loop3A_1284, %parallel_loop3A_1285], %parallel_loop3A_744 {strides = array<i32>} : memref<27x256xf32, #tpu.memory_space<vmem>>, vector<16xf32>,
      %parallel_loop3A_1287 = arith.mulf %parallel_loop3A_231, %parallel_loop3A_744 : vector<16xf32>
      %parallel_loop3A_1288 = arith.addf %parallel_loop3A_195, %parallel_loop3A_1287 : vector<16xf32>
      %parallel_loop3A_1289 = arith.constant 0 : i32
      %parallel_loop3A_1290 = arith.constant 19 : i32
      %parallel_loop3A_1291 = arith.index_cast %parallel_loop3A_1289 : i32 to index
      %parallel_loop3A_1292 = arith.index_cast %parallel_loop3A_1290 : i32 to index
      %parallel_loop3A_1293 = arith.index_cast %parallel_loop3A_154 : i32 to index
      %parallel_loop3A_1294 = tpu.vector_load %arg21[%parallel_loop3A_1291, %parallel_loop3A_1292, %parallel_loop3A_1293] {strides = array<i32>} : memref<3x27x256xf32, #tpu.memory_space<vmem>>, vector<16xf32>,
      tpu.vector_store %arg21[%parallel_loop3A_1291, %parallel_loop3A_1292, %parallel_loop3A_1293], %parallel_loop3A_1288 {strides = array<i32>} : memref<3x27x256xf32, #tpu.memory_space<vmem>>, vector<16xf32>,
      %parallel_loop3A_1295 = arith.mulf %parallel_loop3A_235, %parallel_loop3A_744 : vector<16xf32>
      %parallel_loop3A_1296 = arith.addf %parallel_loop3A_211, %parallel_loop3A_1295 : vector<16xf32>
      %parallel_loop3A_1297 = arith.constant 1 : i32
      %parallel_loop3A_1298 = arith.constant 19 : i32
      %parallel_loop3A_1299 = arith.index_cast %parallel_loop3A_1297 : i32 to index
      %parallel_loop3A_1300 = arith.index_cast %parallel_loop3A_1298 : i32 to index
      %parallel_loop3A_1301 = arith.index_cast %parallel_loop3A_154 : i32 to index
      %parallel_loop3A_1302 = tpu.vector_load %arg21[%parallel_loop3A_1299, %parallel_loop3A_1300, %parallel_loop3A_1301] {strides = array<i32>} : memref<3x27x256xf32, #tpu.memory_space<vmem>>, vector<16xf32>,
      tpu.vector_store %arg21[%parallel_loop3A_1299, %parallel_loop3A_1300, %parallel_loop3A_1301], %parallel_loop3A_1296 {strides = array<i32>} : memref<3x27x256xf32, #tpu.memory_space<vmem>>, vector<16xf32>,
      %parallel_loop3A_1303 = arith.mulf %parallel_loop3A_239, %parallel_loop3A_744 : vector<16xf32>
      %parallel_loop3A_1304 = arith.addf %parallel_loop3A_227, %parallel_loop3A_1303 : vector<16xf32>
      %parallel_loop3A_1305 = arith.constant 2 : i32
      %parallel_loop3A_1306 = arith.constant 19 : i32
      %parallel_loop3A_1307 = arith.index_cast %parallel_loop3A_1305 : i32 to index
      %parallel_loop3A_1308 = arith.index_cast %parallel_loop3A_1306 : i32 to index
      %parallel_loop3A_1309 = arith.index_cast %parallel_loop3A_154 : i32 to index
      %parallel_loop3A_1310 = tpu.vector_load %arg21[%parallel_loop3A_1307, %parallel_loop3A_1308, %parallel_loop3A_1309] {strides = array<i32>} : memref<3x27x256xf32, #tpu.memory_space<vmem>>, vector<16xf32>,
      tpu.vector_store %arg21[%parallel_loop3A_1307, %parallel_loop3A_1308, %parallel_loop3A_1309], %parallel_loop3A_1304 {strides = array<i32>} : memref<3x27x256xf32, #tpu.memory_space<vmem>>, vector<16xf32>,
      %parallel_loop3A_1311 = arith.constant 20 : i32
      %parallel_loop3A_1312 = arith.index_cast %parallel_loop3A_1311 : i32 to index
      %parallel_loop3A_1313 = arith.index_cast %parallel_loop3A_154 : i32 to index
      %parallel_loop3A_1314 = tpu.vector_load %arg20[%parallel_loop3A_1312, %parallel_loop3A_1313] {strides = array<i32>} : memref<27x256xf32, #tpu.memory_space<vmem>>, vector<16xf32>,
      tpu.vector_store %arg20[%parallel_loop3A_1312, %parallel_loop3A_1313], %parallel_loop3A_745 {strides = array<i32>} : memref<27x256xf32, #tpu.memory_space<vmem>>, vector<16xf32>,
      %parallel_loop3A_1315 = arith.mulf %parallel_loop3A_231, %parallel_loop3A_745 : vector<16xf32>
      %parallel_loop3A_1316 = arith.addf %parallel_loop3A_195, %parallel_loop3A_1315 : vector<16xf32>
      %parallel_loop3A_1317 = arith.constant 0 : i32
      %parallel_loop3A_1318 = arith.constant 20 : i32
      %parallel_loop3A_1319 = arith.index_cast %parallel_loop3A_1317 : i32 to index
      %parallel_loop3A_1320 = arith.index_cast %parallel_loop3A_1318 : i32 to index
      %parallel_loop3A_1321 = arith.index_cast %parallel_loop3A_154 : i32 to index
      %parallel_loop3A_1322 = tpu.vector_load %arg21[%parallel_loop3A_1319, %parallel_loop3A_1320, %parallel_loop3A_1321] {strides = array<i32>} : memref<3x27x256xf32, #tpu.memory_space<vmem>>, vector<16xf32>,
      tpu.vector_store %arg21[%parallel_loop3A_1319, %parallel_loop3A_1320, %parallel_loop3A_1321], %parallel_loop3A_1316 {strides = array<i32>} : memref<3x27x256xf32, #tpu.memory_space<vmem>>, vector<16xf32>,
      %parallel_loop3A_1323 = arith.mulf %parallel_loop3A_235, %parallel_loop3A_745 : vector<16xf32>
      %parallel_loop3A_1324 = arith.addf %parallel_loop3A_211, %parallel_loop3A_1323 : vector<16xf32>
      %parallel_loop3A_1325 = arith.constant 1 : i32
      %parallel_loop3A_1326 = arith.constant 20 : i32
      %parallel_loop3A_1327 = arith.index_cast %parallel_loop3A_1325 : i32 to index
      %parallel_loop3A_1328 = arith.index_cast %parallel_loop3A_1326 : i32 to index
      %parallel_loop3A_1329 = arith.index_cast %parallel_loop3A_154 : i32 to index
      %parallel_loop3A_1330 = tpu.vector_load %arg21[%parallel_loop3A_1327, %parallel_loop3A_1328, %parallel_loop3A_1329] {strides = array<i32>} : memref<3x27x256xf32, #tpu.memory_space<vmem>>, vector<16xf32>,
      tpu.vector_store %arg21[%parallel_loop3A_1327, %parallel_loop3A_1328, %parallel_loop3A_1329], %parallel_loop3A_1324 {strides = array<i32>} : memref<3x27x256xf32, #tpu.memory_space<vmem>>, vector<16xf32>,
      %parallel_loop3A_1331 = arith.mulf %parallel_loop3A_239, %parallel_loop3A_745 : vector<16xf32>
      %parallel_loop3A_1332 = arith.addf %parallel_loop3A_227, %parallel_loop3A_1331 : vector<16xf32>
      %parallel_loop3A_1333 = arith.constant 2 : i32
      %parallel_loop3A_1334 = arith.constant 20 : i32
      %parallel_loop3A_1335 = arith.index_cast %parallel_loop3A_1333 : i32 to index
      %parallel_loop3A_1336 = arith.index_cast %parallel_loop3A_1334 : i32 to index
      %parallel_loop3A_1337 = arith.index_cast %parallel_loop3A_154 : i32 to index
      %parallel_loop3A_1338 = tpu.vector_load %arg21[%parallel_loop3A_1335, %parallel_loop3A_1336, %parallel_loop3A_1337] {strides = array<i32>} : memref<3x27x256xf32, #tpu.memory_space<vmem>>, vector<16xf32>,
      tpu.vector_store %arg21[%parallel_loop3A_1335, %parallel_loop3A_1336, %parallel_loop3A_1337], %parallel_loop3A_1332 {strides = array<i32>} : memref<3x27x256xf32, #tpu.memory_space<vmem>>, vector<16xf32>,
      %parallel_loop3A_1339 = arith.constant 21 : i32
      %parallel_loop3A_1340 = arith.index_cast %parallel_loop3A_1339 : i32 to index
      %parallel_loop3A_1341 = arith.index_cast %parallel_loop3A_154 : i32 to index
      %parallel_loop3A_1342 = tpu.vector_load %arg20[%parallel_loop3A_1340, %parallel_loop3A_1341] {strides = array<i32>} : memref<27x256xf32, #tpu.memory_space<vmem>>, vector<16xf32>,
      tpu.vector_store %arg20[%parallel_loop3A_1340, %parallel_loop3A_1341], %parallel_loop3A_746 {strides = array<i32>} : memref<27x256xf32, #tpu.memory_space<vmem>>, vector<16xf32>,
      %parallel_loop3A_1343 = arith.mulf %parallel_loop3A_231, %parallel_loop3A_746 : vector<16xf32>
      %parallel_loop3A_1344 = arith.addf %parallel_loop3A_195, %parallel_loop3A_1343 : vector<16xf32>
      %parallel_loop3A_1345 = arith.constant 0 : i32
      %parallel_loop3A_1346 = arith.constant 21 : i32
      %parallel_loop3A_1347 = arith.index_cast %parallel_loop3A_1345 : i32 to index
      %parallel_loop3A_1348 = arith.index_cast %parallel_loop3A_1346 : i32 to index
      %parallel_loop3A_1349 = arith.index_cast %parallel_loop3A_154 : i32 to index
      %parallel_loop3A_1350 = tpu.vector_load %arg21[%parallel_loop3A_1347, %parallel_loop3A_1348, %parallel_loop3A_1349] {strides = array<i32>} : memref<3x27x256xf32, #tpu.memory_space<vmem>>, vector<16xf32>,
      tpu.vector_store %arg21[%parallel_loop3A_1347, %parallel_loop3A_1348, %parallel_loop3A_1349], %parallel_loop3A_1344 {strides = array<i32>} : memref<3x27x256xf32, #tpu.memory_space<vmem>>, vector<16xf32>,
      %parallel_loop3A_1351 = arith.mulf %parallel_loop3A_235, %parallel_loop3A_746 : vector<16xf32>
      %parallel_loop3A_1352 = arith.addf %parallel_loop3A_211, %parallel_loop3A_1351 : vector<16xf32>
      %parallel_loop3A_1353 = arith.constant 1 : i32
      %parallel_loop3A_1354 = arith.constant 21 : i32
      %parallel_loop3A_1355 = arith.index_cast %parallel_loop3A_1353 : i32 to index
      %parallel_loop3A_1356 = arith.index_cast %parallel_loop3A_1354 : i32 to index
      %parallel_loop3A_1357 = arith.index_cast %parallel_loop3A_154 : i32 to index
      %parallel_loop3A_1358 = tpu.vector_load %arg21[%parallel_loop3A_1355, %parallel_loop3A_1356, %parallel_loop3A_1357] {strides = array<i32>} : memref<3x27x256xf32, #tpu.memory_space<vmem>>, vector<16xf32>,
      tpu.vector_store %arg21[%parallel_loop3A_1355, %parallel_loop3A_1356, %parallel_loop3A_1357], %parallel_loop3A_1352 {strides = array<i32>} : memref<3x27x256xf32, #tpu.memory_space<vmem>>, vector<16xf32>,
      %parallel_loop3A_1359 = arith.mulf %parallel_loop3A_239, %parallel_loop3A_746 : vector<16xf32>
      %parallel_loop3A_1360 = arith.addf %parallel_loop3A_227, %parallel_loop3A_1359 : vector<16xf32>
      %parallel_loop3A_1361 = arith.constant 2 : i32
      %parallel_loop3A_1362 = arith.constant 21 : i32
      %parallel_loop3A_1363 = arith.index_cast %parallel_loop3A_1361 : i32 to index
      %parallel_loop3A_1364 = arith.index_cast %parallel_loop3A_1362 : i32 to index
      %parallel_loop3A_1365 = arith.index_cast %parallel_loop3A_154 : i32 to index
      %parallel_loop3A_1366 = tpu.vector_load %arg21[%parallel_loop3A_1363, %parallel_loop3A_1364, %parallel_loop3A_1365] {strides = array<i32>} : memref<3x27x256xf32, #tpu.memory_space<vmem>>, vector<16xf32>,
      tpu.vector_store %arg21[%parallel_loop3A_1363, %parallel_loop3A_1364, %parallel_loop3A_1365], %parallel_loop3A_1360 {strides = array<i32>} : memref<3x27x256xf32, #tpu.memory_space<vmem>>, vector<16xf32>,
      %parallel_loop3A_1367 = arith.constant 22 : i32
      %parallel_loop3A_1368 = arith.index_cast %parallel_loop3A_1367 : i32 to index
      %parallel_loop3A_1369 = arith.index_cast %parallel_loop3A_154 : i32 to index
      %parallel_loop3A_1370 = tpu.vector_load %arg20[%parallel_loop3A_1368, %parallel_loop3A_1369] {strides = array<i32>} : memref<27x256xf32, #tpu.memory_space<vmem>>, vector<16xf32>,
      tpu.vector_store %arg20[%parallel_loop3A_1368, %parallel_loop3A_1369], %parallel_loop3A_747 {strides = array<i32>} : memref<27x256xf32, #tpu.memory_space<vmem>>, vector<16xf32>,
      %parallel_loop3A_1371 = arith.mulf %parallel_loop3A_231, %parallel_loop3A_747 : vector<16xf32>
      %parallel_loop3A_1372 = arith.addf %parallel_loop3A_195, %parallel_loop3A_1371 : vector<16xf32>
      %parallel_loop3A_1373 = arith.constant 0 : i32
      %parallel_loop3A_1374 = arith.constant 22 : i32
      %parallel_loop3A_1375 = arith.index_cast %parallel_loop3A_1373 : i32 to index
      %parallel_loop3A_1376 = arith.index_cast %parallel_loop3A_1374 : i32 to index
      %parallel_loop3A_1377 = arith.index_cast %parallel_loop3A_154 : i32 to index
      %parallel_loop3A_1378 = tpu.vector_load %arg21[%parallel_loop3A_1375, %parallel_loop3A_1376, %parallel_loop3A_1377] {strides = array<i32>} : memref<3x27x256xf32, #tpu.memory_space<vmem>>, vector<16xf32>,
      tpu.vector_store %arg21[%parallel_loop3A_1375, %parallel_loop3A_1376, %parallel_loop3A_1377], %parallel_loop3A_1372 {strides = array<i32>} : memref<3x27x256xf32, #tpu.memory_space<vmem>>, vector<16xf32>,
      %parallel_loop3A_1379 = arith.mulf %parallel_loop3A_235, %parallel_loop3A_747 : vector<16xf32>
      %parallel_loop3A_1380 = arith.addf %parallel_loop3A_211, %parallel_loop3A_1379 : vector<16xf32>
      %parallel_loop3A_1381 = arith.constant 1 : i32
      %parallel_loop3A_1382 = arith.constant 22 : i32
      %parallel_loop3A_1383 = arith.index_cast %parallel_loop3A_1381 : i32 to index
      %parallel_loop3A_1384 = arith.index_cast %parallel_loop3A_1382 : i32 to index
      %parallel_loop3A_1385 = arith.index_cast %parallel_loop3A_154 : i32 to index
      %parallel_loop3A_1386 = tpu.vector_load %arg21[%parallel_loop3A_1383, %parallel_loop3A_1384, %parallel_loop3A_1385] {strides = array<i32>} : memref<3x27x256xf32, #tpu.memory_space<vmem>>, vector<16xf32>,
      tpu.vector_store %arg21[%parallel_loop3A_1383, %parallel_loop3A_1384, %parallel_loop3A_1385], %parallel_loop3A_1380 {strides = array<i32>} : memref<3x27x256xf32, #tpu.memory_space<vmem>>, vector<16xf32>,
      %parallel_loop3A_1387 = arith.mulf %parallel_loop3A_239, %parallel_loop3A_747 : vector<16xf32>
      %parallel_loop3A_1388 = arith.addf %parallel_loop3A_227, %parallel_loop3A_1387 : vector<16xf32>
      %parallel_loop3A_1389 = arith.constant 2 : i32
      %parallel_loop3A_1390 = arith.constant 22 : i32
      %parallel_loop3A_1391 = arith.index_cast %parallel_loop3A_1389 : i32 to index
      %parallel_loop3A_1392 = arith.index_cast %parallel_loop3A_1390 : i32 to index
      %parallel_loop3A_1393 = arith.index_cast %parallel_loop3A_154 : i32 to index
      %parallel_loop3A_1394 = tpu.vector_load %arg21[%parallel_loop3A_1391, %parallel_loop3A_1392, %parallel_loop3A_1393] {strides = array<i32>} : memref<3x27x256xf32, #tpu.memory_space<vmem>>, vector<16xf32>,
      tpu.vector_store %arg21[%parallel_loop3A_1391, %parallel_loop3A_1392, %parallel_loop3A_1393], %parallel_loop3A_1388 {strides = array<i32>} : memref<3x27x256xf32, #tpu.memory_space<vmem>>, vector<16xf32>,
      %parallel_loop3A_1395 = arith.constant 23 : i32
      %parallel_loop3A_1396 = arith.index_cast %parallel_loop3A_1395 : i32 to index
      %parallel_loop3A_1397 = arith.index_cast %parallel_loop3A_154 : i32 to index
      %parallel_loop3A_1398 = tpu.vector_load %arg20[%parallel_loop3A_1396, %parallel_loop3A_1397] {strides = array<i32>} : memref<27x256xf32, #tpu.memory_space<vmem>>, vector<16xf32>,
      tpu.vector_store %arg20[%parallel_loop3A_1396, %parallel_loop3A_1397], %parallel_loop3A_748 {strides = array<i32>} : memref<27x256xf32, #tpu.memory_space<vmem>>, vector<16xf32>,
      %parallel_loop3A_1399 = arith.mulf %parallel_loop3A_231, %parallel_loop3A_748 : vector<16xf32>
      %parallel_loop3A_1400 = arith.addf %parallel_loop3A_195, %parallel_loop3A_1399 : vector<16xf32>
      %parallel_loop3A_1401 = arith.constant 0 : i32
      %parallel_loop3A_1402 = arith.constant 23 : i32
      %parallel_loop3A_1403 = arith.index_cast %parallel_loop3A_1401 : i32 to index
      %parallel_loop3A_1404 = arith.index_cast %parallel_loop3A_1402 : i32 to index
      %parallel_loop3A_1405 = arith.index_cast %parallel_loop3A_154 : i32 to index
      %parallel_loop3A_1406 = tpu.vector_load %arg21[%parallel_loop3A_1403, %parallel_loop3A_1404, %parallel_loop3A_1405] {strides = array<i32>} : memref<3x27x256xf32, #tpu.memory_space<vmem>>, vector<16xf32>,
      tpu.vector_store %arg21[%parallel_loop3A_1403, %parallel_loop3A_1404, %parallel_loop3A_1405], %parallel_loop3A_1400 {strides = array<i32>} : memref<3x27x256xf32, #tpu.memory_space<vmem>>, vector<16xf32>,
      %parallel_loop3A_1407 = arith.mulf %parallel_loop3A_235, %parallel_loop3A_748 : vector<16xf32>
      %parallel_loop3A_1408 = arith.addf %parallel_loop3A_211, %parallel_loop3A_1407 : vector<16xf32>
      %parallel_loop3A_1409 = arith.constant 1 : i32
      %parallel_loop3A_1410 = arith.constant 23 : i32
      %parallel_loop3A_1411 = arith.index_cast %parallel_loop3A_1409 : i32 to index
      %parallel_loop3A_1412 = arith.index_cast %parallel_loop3A_1410 : i32 to index
      %parallel_loop3A_1413 = arith.index_cast %parallel_loop3A_154 : i32 to index
      %parallel_loop3A_1414 = tpu.vector_load %arg21[%parallel_loop3A_1411, %parallel_loop3A_1412, %parallel_loop3A_1413] {strides = array<i32>} : memref<3x27x256xf32, #tpu.memory_space<vmem>>, vector<16xf32>,
      tpu.vector_store %arg21[%parallel_loop3A_1411, %parallel_loop3A_1412, %parallel_loop3A_1413], %parallel_loop3A_1408 {strides = array<i32>} : memref<3x27x256xf32, #tpu.memory_space<vmem>>, vector<16xf32>,
      %parallel_loop3A_1415 = arith.mulf %parallel_loop3A_239, %parallel_loop3A_748 : vector<16xf32>
      %parallel_loop3A_1416 = arith.addf %parallel_loop3A_227, %parallel_loop3A_1415 : vector<16xf32>
      %parallel_loop3A_1417 = arith.constant 2 : i32
      %parallel_loop3A_1418 = arith.constant 23 : i32
      %parallel_loop3A_1419 = arith.index_cast %parallel_loop3A_1417 : i32 to index
      %parallel_loop3A_1420 = arith.index_cast %parallel_loop3A_1418 : i32 to index
      %parallel_loop3A_1421 = arith.index_cast %parallel_loop3A_154 : i32 to index
      %parallel_loop3A_1422 = tpu.vector_load %arg21[%parallel_loop3A_1419, %parallel_loop3A_1420, %parallel_loop3A_1421] {strides = array<i32>} : memref<3x27x256xf32, #tpu.memory_space<vmem>>, vector<16xf32>,
      tpu.vector_store %arg21[%parallel_loop3A_1419, %parallel_loop3A_1420, %parallel_loop3A_1421], %parallel_loop3A_1416 {strides = array<i32>} : memref<3x27x256xf32, #tpu.memory_space<vmem>>, vector<16xf32>,
      %parallel_loop3A_1423 = arith.constant 24 : i32
      %parallel_loop3A_1424 = arith.index_cast %parallel_loop3A_1423 : i32 to index
      %parallel_loop3A_1425 = arith.index_cast %parallel_loop3A_154 : i32 to index
      %parallel_loop3A_1426 = tpu.vector_load %arg20[%parallel_loop3A_1424, %parallel_loop3A_1425] {strides = array<i32>} : memref<27x256xf32, #tpu.memory_space<vmem>>, vector<16xf32>,
      tpu.vector_store %arg20[%parallel_loop3A_1424, %parallel_loop3A_1425], %parallel_loop3A_749 {strides = array<i32>} : memref<27x256xf32, #tpu.memory_space<vmem>>, vector<16xf32>,
      %parallel_loop3A_1427 = arith.mulf %parallel_loop3A_231, %parallel_loop3A_749 : vector<16xf32>
      %parallel_loop3A_1428 = arith.addf %parallel_loop3A_195, %parallel_loop3A_1427 : vector<16xf32>
      %parallel_loop3A_1429 = arith.constant 0 : i32
      %parallel_loop3A_1430 = arith.constant 24 : i32
      %parallel_loop3A_1431 = arith.index_cast %parallel_loop3A_1429 : i32 to index
      %parallel_loop3A_1432 = arith.index_cast %parallel_loop3A_1430 : i32 to index
      %parallel_loop3A_1433 = arith.index_cast %parallel_loop3A_154 : i32 to index
      %parallel_loop3A_1434 = tpu.vector_load %arg21[%parallel_loop3A_1431, %parallel_loop3A_1432, %parallel_loop3A_1433] {strides = array<i32>} : memref<3x27x256xf32, #tpu.memory_space<vmem>>, vector<16xf32>,
      tpu.vector_store %arg21[%parallel_loop3A_1431, %parallel_loop3A_1432, %parallel_loop3A_1433], %parallel_loop3A_1428 {strides = array<i32>} : memref<3x27x256xf32, #tpu.memory_space<vmem>>, vector<16xf32>,
      %parallel_loop3A_1435 = arith.mulf %parallel_loop3A_235, %parallel_loop3A_749 : vector<16xf32>
      %parallel_loop3A_1436 = arith.addf %parallel_loop3A_211, %parallel_loop3A_1435 : vector<16xf32>
      %parallel_loop3A_1437 = arith.constant 1 : i32
      %parallel_loop3A_1438 = arith.constant 24 : i32
      %parallel_loop3A_1439 = arith.index_cast %parallel_loop3A_1437 : i32 to index
      %parallel_loop3A_1440 = arith.index_cast %parallel_loop3A_1438 : i32 to index
      %parallel_loop3A_1441 = arith.index_cast %parallel_loop3A_154 : i32 to index
      %parallel_loop3A_1442 = tpu.vector_load %arg21[%parallel_loop3A_1439, %parallel_loop3A_1440, %parallel_loop3A_1441] {strides = array<i32>} : memref<3x27x256xf32, #tpu.memory_space<vmem>>, vector<16xf32>,
      tpu.vector_store %arg21[%parallel_loop3A_1439, %parallel_loop3A_1440, %parallel_loop3A_1441], %parallel_loop3A_1436 {strides = array<i32>} : memref<3x27x256xf32, #tpu.memory_space<vmem>>, vector<16xf32>,
      %parallel_loop3A_1443 = arith.mulf %parallel_loop3A_239, %parallel_loop3A_749 : vector<16xf32>
      %parallel_loop3A_1444 = arith.addf %parallel_loop3A_227, %parallel_loop3A_1443 : vector<16xf32>
      %parallel_loop3A_1445 = arith.constant 2 : i32
      %parallel_loop3A_1446 = arith.constant 24 : i32
      %parallel_loop3A_1447 = arith.index_cast %parallel_loop3A_1445 : i32 to index
      %parallel_loop3A_1448 = arith.index_cast %parallel_loop3A_1446 : i32 to index
      %parallel_loop3A_1449 = arith.index_cast %parallel_loop3A_154 : i32 to index
      %parallel_loop3A_1450 = tpu.vector_load %arg21[%parallel_loop3A_1447, %parallel_loop3A_1448, %parallel_loop3A_1449] {strides = array<i32>} : memref<3x27x256xf32, #tpu.memory_space<vmem>>, vector<16xf32>,
      tpu.vector_store %arg21[%parallel_loop3A_1447, %parallel_loop3A_1448, %parallel_loop3A_1449], %parallel_loop3A_1444 {strides = array<i32>} : memref<3x27x256xf32, #tpu.memory_space<vmem>>, vector<16xf32>,
      %parallel_loop3A_1451 = arith.constant 25 : i32
      %parallel_loop3A_1452 = arith.index_cast %parallel_loop3A_1451 : i32 to index
      %parallel_loop3A_1453 = arith.index_cast %parallel_loop3A_154 : i32 to index
      %parallel_loop3A_1454 = tpu.vector_load %arg20[%parallel_loop3A_1452, %parallel_loop3A_1453] {strides = array<i32>} : memref<27x256xf32, #tpu.memory_space<vmem>>, vector<16xf32>,
      tpu.vector_store %arg20[%parallel_loop3A_1452, %parallel_loop3A_1453], %parallel_loop3A_750 {strides = array<i32>} : memref<27x256xf32, #tpu.memory_space<vmem>>, vector<16xf32>,
      %parallel_loop3A_1455 = arith.mulf %parallel_loop3A_231, %parallel_loop3A_750 : vector<16xf32>
      %parallel_loop3A_1456 = arith.addf %parallel_loop3A_195, %parallel_loop3A_1455 : vector<16xf32>
      %parallel_loop3A_1457 = arith.constant 0 : i32
      %parallel_loop3A_1458 = arith.constant 25 : i32
      %parallel_loop3A_1459 = arith.index_cast %parallel_loop3A_1457 : i32 to index
      %parallel_loop3A_1460 = arith.index_cast %parallel_loop3A_1458 : i32 to index
      %parallel_loop3A_1461 = arith.index_cast %parallel_loop3A_154 : i32 to index
      %parallel_loop3A_1462 = tpu.vector_load %arg21[%parallel_loop3A_1459, %parallel_loop3A_1460, %parallel_loop3A_1461] {strides = array<i32>} : memref<3x27x256xf32, #tpu.memory_space<vmem>>, vector<16xf32>,
      tpu.vector_store %arg21[%parallel_loop3A_1459, %parallel_loop3A_1460, %parallel_loop3A_1461], %parallel_loop3A_1456 {strides = array<i32>} : memref<3x27x256xf32, #tpu.memory_space<vmem>>, vector<16xf32>,
      %parallel_loop3A_1463 = arith.mulf %parallel_loop3A_235, %parallel_loop3A_750 : vector<16xf32>
      %parallel_loop3A_1464 = arith.addf %parallel_loop3A_211, %parallel_loop3A_1463 : vector<16xf32>
      %parallel_loop3A_1465 = arith.constant 1 : i32
      %parallel_loop3A_1466 = arith.constant 25 : i32
      %parallel_loop3A_1467 = arith.index_cast %parallel_loop3A_1465 : i32 to index
      %parallel_loop3A_1468 = arith.index_cast %parallel_loop3A_1466 : i32 to index
      %parallel_loop3A_1469 = arith.index_cast %parallel_loop3A_154 : i32 to index
      %parallel_loop3A_1470 = tpu.vector_load %arg21[%parallel_loop3A_1467, %parallel_loop3A_1468, %parallel_loop3A_1469] {strides = array<i32>} : memref<3x27x256xf32, #tpu.memory_space<vmem>>, vector<16xf32>,
      tpu.vector_store %arg21[%parallel_loop3A_1467, %parallel_loop3A_1468, %parallel_loop3A_1469], %parallel_loop3A_1464 {strides = array<i32>} : memref<3x27x256xf32, #tpu.memory_space<vmem>>, vector<16xf32>,
      %parallel_loop3A_1471 = arith.mulf %parallel_loop3A_239, %parallel_loop3A_750 : vector<16xf32>
      %parallel_loop3A_1472 = arith.addf %parallel_loop3A_227, %parallel_loop3A_1471 : vector<16xf32>
      %parallel_loop3A_1473 = arith.constant 2 : i32
      %parallel_loop3A_1474 = arith.constant 25 : i32
      %parallel_loop3A_1475 = arith.index_cast %parallel_loop3A_1473 : i32 to index
      %parallel_loop3A_1476 = arith.index_cast %parallel_loop3A_1474 : i32 to index
      %parallel_loop3A_1477 = arith.index_cast %parallel_loop3A_154 : i32 to index
      %parallel_loop3A_1478 = tpu.vector_load %arg21[%parallel_loop3A_1475, %parallel_loop3A_1476, %parallel_loop3A_1477] {strides = array<i32>} : memref<3x27x256xf32, #tpu.memory_space<vmem>>, vector<16xf32>,
      tpu.vector_store %arg21[%parallel_loop3A_1475, %parallel_loop3A_1476, %parallel_loop3A_1477], %parallel_loop3A_1472 {strides = array<i32>} : memref<3x27x256xf32, #tpu.memory_space<vmem>>, vector<16xf32>,
      %parallel_loop3A_1479 = arith.constant 26 : i32
      %parallel_loop3A_1480 = arith.index_cast %parallel_loop3A_1479 : i32 to index
      %parallel_loop3A_1481 = arith.index_cast %parallel_loop3A_154 : i32 to index
      %parallel_loop3A_1482 = tpu.vector_load %arg20[%parallel_loop3A_1480, %parallel_loop3A_1481] {strides = array<i32>} : memref<27x256xf32, #tpu.memory_space<vmem>>, vector<16xf32>,
      tpu.vector_store %arg20[%parallel_loop3A_1480, %parallel_loop3A_1481], %parallel_loop3A_724 {strides = array<i32>} : memref<27x256xf32, #tpu.memory_space<vmem>>, vector<16xf32>,
      %parallel_loop3A_1483 = arith.mulf %parallel_loop3A_231, %parallel_loop3A_724 : vector<16xf32>
      %parallel_loop3A_1484 = arith.addf %parallel_loop3A_195, %parallel_loop3A_1483 : vector<16xf32>
      %parallel_loop3A_1485 = arith.constant 0 : i32
      %parallel_loop3A_1486 = arith.constant 26 : i32
      %parallel_loop3A_1487 = arith.index_cast %parallel_loop3A_1485 : i32 to index
      %parallel_loop3A_1488 = arith.index_cast %parallel_loop3A_1486 : i32 to index
      %parallel_loop3A_1489 = arith.index_cast %parallel_loop3A_154 : i32 to index
      %parallel_loop3A_1490 = tpu.vector_load %arg21[%parallel_loop3A_1487, %parallel_loop3A_1488, %parallel_loop3A_1489] {strides = array<i32>} : memref<3x27x256xf32, #tpu.memory_space<vmem>>, vector<16xf32>,
      tpu.vector_store %arg21[%parallel_loop3A_1487, %parallel_loop3A_1488, %parallel_loop3A_1489], %parallel_loop3A_1484 {strides = array<i32>} : memref<3x27x256xf32, #tpu.memory_space<vmem>>, vector<16xf32>,
      %parallel_loop3A_1491 = arith.mulf %parallel_loop3A_235, %parallel_loop3A_724 : vector<16xf32>
      %parallel_loop3A_1492 = arith.addf %parallel_loop3A_211, %parallel_loop3A_1491 : vector<16xf32>
      %parallel_loop3A_1493 = arith.constant 1 : i32
      %parallel_loop3A_1494 = arith.constant 26 : i32
      %parallel_loop3A_1495 = arith.index_cast %parallel_loop3A_1493 : i32 to index
      %parallel_loop3A_1496 = arith.index_cast %parallel_loop3A_1494 : i32 to index
      %parallel_loop3A_1497 = arith.index_cast %parallel_loop3A_154 : i32 to index
      %parallel_loop3A_1498 = tpu.vector_load %arg21[%parallel_loop3A_1495, %parallel_loop3A_1496, %parallel_loop3A_1497] {strides = array<i32>} : memref<3x27x256xf32, #tpu.memory_space<vmem>>, vector<16xf32>,
      tpu.vector_store %arg21[%parallel_loop3A_1495, %parallel_loop3A_1496, %parallel_loop3A_1497], %parallel_loop3A_1492 {strides = array<i32>} : memref<3x27x256xf32, #tpu.memory_space<vmem>>, vector<16xf32>,
      %parallel_loop3A_1499 = arith.mulf %parallel_loop3A_239, %parallel_loop3A_724 : vector<16xf32>
      %parallel_loop3A_1500 = arith.addf %parallel_loop3A_227, %parallel_loop3A_1499 : vector<16xf32>
      %parallel_loop3A_1501 = arith.constant 2 : i32
      %parallel_loop3A_1502 = arith.constant 26 : i32
      %parallel_loop3A_1503 = arith.index_cast %parallel_loop3A_1501 : i32 to index
      %parallel_loop3A_1504 = arith.index_cast %parallel_loop3A_1502 : i32 to index
      %parallel_loop3A_1505 = arith.index_cast %parallel_loop3A_154 : i32 to index
      %parallel_loop3A_1506 = tpu.vector_load %arg21[%parallel_loop3A_1503, %parallel_loop3A_1504, %parallel_loop3A_1505] {strides = array<i32>} : memref<3x27x256xf32, #tpu.memory_space<vmem>>, vector<16xf32>,
      tpu.vector_store %arg21[%parallel_loop3A_1503, %parallel_loop3A_1504, %parallel_loop3A_1505], %parallel_loop3A_1500 {strides = array<i32>} : memref<3x27x256xf32, #tpu.memory_space<vmem>>, vector<16xf32>,
    } {sc.loop_unroll_factor = 2 : i64, sc.parallel_access}
    %add3A_76 = arith.constant 128 : i32
    %add3A_77 = arith.addi %mul3A_2, %add3A_76 : i32
    %dma_start3A_78 = arith.constant 0 : i32
    %dma_start3A_79 = arith.constant 128 : i32
    %dma_start3A_80 = tpu.memref_slice %arg20[%dma_start3A_78, %dma_start3A_79] : memref<27x256xf32, #tpu.memory_space<vmem>> -> memref<27x128xf32, #tpu.memory_space<vmem>>
    %dma_start3A_81 = arith.constant 0 : i32
    %dma_start3A_82 = tpu.memref_slice %arg9[%dma_start3A_81, %add3A_77] : memref<27x8192xf32, #tpu.memory_space<hbm>> -> memref<27x128xf32, #tpu.memory_space<hbm>>
    %dma_start3A_83 = arith.constant 0 : i32
    %dma_start3A_84 = tpu.memref_slice %arg9[%dma_start3A_83, %add3A_77] : memref<27x8192xf32, #tpu.memory_space<hbm>> -> memref<27x128xf32, #tpu.memory_space<hbm>>
    %dma_start3A_85 = arith.constant 0 : i32
    %dma_start3A_86 = arith.constant 128 : i32
    %dma_start3A_87 = tpu.memref_slice %arg20[%dma_start3A_85, %dma_start3A_86] : memref<27x256xf32, #tpu.memory_space<vmem>> -> memref<27x128xf32, #tpu.memory_space<vmem>>
    tpu.enqueue_dma source(%dma_start3A_87 : memref<27x128xf32, #tpu.memory_space<vmem>>) target(%dma_start3A_84 : memref<27x128xf32, #tpu.memory_space<hbm>>) target_semaphore(%arg22 : memref<!tpu.dma_semaphore, #tpu.memory_space<semaphore_mem>>)
    %add3A_88 = arith.constant 128 : i32
    %add3A_89 = arith.addi %mul3A_2, %add3A_88 : i32
    %dma_start3A_90 = arith.constant 0 : i32
    %dma_start3A_91 = arith.constant 0 : i32
    %dma_start3A_92 = arith.constant 128 : i32
    %dma_start3A_93 = tpu.memref_slice %arg21[%dma_start3A_90, %dma_start3A_91, %dma_start3A_92] : memref<3x27x256xf32, #tpu.memory_space<vmem>> -> memref<3x27x128xf32, #tpu.memory_space<vmem>>
    %dma_start3A_94 = arith.constant 0 : i32
    %dma_start3A_95 = arith.constant 0 : i32
    %dma_start3A_96 = tpu.memref_slice %arg10[%dma_start3A_94, %dma_start3A_95, %add3A_89] : memref<3x27x8192xf32, #tpu.memory_space<hbm>> -> memref<3x27x128xf32, #tpu.memory_space<hbm>>
    %dma_start3A_97 = arith.constant 0 : i32
    %dma_start3A_98 = arith.constant 0 : i32
    %dma_start3A_99 = tpu.memref_slice %arg10[%dma_start3A_97, %dma_start3A_98, %add3A_89] : memref<3x27x8192xf32, #tpu.memory_space<hbm>> -> memref<3x27x128xf32, #tpu.memory_space<hbm>>
    %dma_start3A_100 = arith.constant 0 : i32
    %dma_start3A_101 = arith.constant 0 : i32
    %dma_start3A_102 = arith.constant 128 : i32
    %dma_start3A_103 = tpu.memref_slice %arg21[%dma_start3A_100, %dma_start3A_101, %dma_start3A_102] : memref<3x27x256xf32, #tpu.memory_space<vmem>> -> memref<3x27x128xf32, #tpu.memory_space<vmem>>
    tpu.enqueue_dma source(%dma_start3A_103 : memref<3x27x128xf32, #tpu.memory_space<vmem>>) target(%dma_start3A_99 : memref<3x27x128xf32, #tpu.memory_space<hbm>>) target_semaphore(%arg22 : memref<!tpu.dma_semaphore, #tpu.memory_space<semaphore_mem>>)
    %dma_wait3A_104 = arith.constant 0 : i32
    %dma_wait3A_105 = arith.constant 0 : i32
    %dma_wait3A_106 = tpu.memref_slice %arg20[%dma_wait3A_104, %dma_wait3A_105] : memref<27x256xf32, #tpu.memory_space<vmem>> -> memref<27x128xf32, #tpu.memory_space<vmem>>
    %dma_wait3A_107 = arith.constant 0 : i32
    %dma_wait3A_108 = tpu.memref_slice %arg9[%dma_wait3A_107, %mul3A_2] : memref<27x8192xf32, #tpu.memory_space<hbm>> -> memref<27x128xf32, #tpu.memory_space<hbm>>
    %dma_wait3A_109 = arith.constant 0 : i32
    %dma_wait3A_110 = tpu.memref_slice %arg9[%dma_wait3A_109, %mul3A_2] : memref<27x8192xf32, #tpu.memory_space<hbm>> -> memref<27x128xf32, #tpu.memory_space<hbm>>
    %dma_wait3A_111 = arith.constant 0 : i32
    %dma_wait3A_112 = arith.constant 0 : i32
    %dma_wait3A_113 = tpu.memref_slice %arg20[%dma_wait3A_111, %dma_wait3A_112] : memref<27x256xf32, #tpu.memory_space<vmem>> -> memref<27x128xf32, #tpu.memory_space<vmem>>
    tpu.wait_dma2 semaphore(%arg22 : memref<!tpu.dma_semaphore, #tpu.memory_space<semaphore_mem>>) src(%dma_wait3A_113 : memref<27x128xf32, #tpu.memory_space<vmem>>) dst(%dma_wait3A_110 : memref<27x128xf32, #tpu.memory_space<hbm>>)
    %dma_wait3A_114 = arith.constant 0 : i32
    %dma_wait3A_115 = arith.constant 0 : i32
    %dma_wait3A_116 = arith.constant 0 : i32
    %dma_wait3A_117 = tpu.memref_slice %arg21[%dma_wait3A_114, %dma_wait3A_115, %dma_wait3A_116] : memref<3x27x256xf32, #tpu.memory_space<vmem>> -> memref<3x27x128xf32, #tpu.memory_space<vmem>>
    %dma_wait3A_118 = arith.constant 0 : i32
    %dma_wait3A_119 = arith.constant 0 : i32
    %dma_wait3A_120 = tpu.memref_slice %arg10[%dma_wait3A_118, %dma_wait3A_119, %mul3A_2] : memref<3x27x8192xf32, #tpu.memory_space<hbm>> -> memref<3x27x128xf32, #tpu.memory_space<hbm>>
    %dma_wait3A_121 = arith.constant 0 : i32
    %dma_wait3A_122 = arith.constant 0 : i32
    %dma_wait3A_123 = tpu.memref_slice %arg10[%dma_wait3A_121, %dma_wait3A_122, %mul3A_2] : memref<3x27x8192xf32, #tpu.memory_space<hbm>> -> memref<3x27x128xf32, #tpu.memory_space<hbm>>
    %dma_wait3A_124 = arith.constant 0 : i32
    %dma_wait3A_125 = arith.constant 0 : i32
    %dma_wait3A_126 = arith.constant 0 : i32
    %dma_wait3A_127 = tpu.memref_slice %arg21[%dma_wait3A_124, %dma_wait3A_125, %dma_wait3A_126] : memref<3x27x256xf32, #tpu.memory_space<vmem>> -> memref<3x27x128xf32, #tpu.memory_space<vmem>>
    tpu.wait_dma2 semaphore(%arg22 : memref<!tpu.dma_semaphore, #tpu.memory_space<semaphore_mem>>) src(%dma_wait3A_127 : memref<3x27x128xf32, #tpu.memory_space<vmem>>) dst(%dma_wait3A_123 : memref<3x27x128xf32, #tpu.memory_space<hbm>>)
    %dma_wait3A_128 = arith.constant 0 : i32
    %dma_wait3A_129 = arith.constant 128 : i32
    %dma_wait3A_130 = tpu.memref_slice %arg20[%dma_wait3A_128, %dma_wait3A_129] : memref<27x256xf32, #tpu.memory_space<vmem>> -> memref<27x128xf32, #tpu.memory_space<vmem>>
    %dma_wait3A_131 = arith.constant 0 : i32
    %dma_wait3A_132 = tpu.memref_slice %arg9[%dma_wait3A_131, %add3A_77] : memref<27x8192xf32, #tpu.memory_space<hbm>> -> memref<27x128xf32, #tpu.memory_space<hbm>>
    %dma_wait3A_133 = arith.constant 0 : i32
    %dma_wait3A_134 = tpu.memref_slice %arg9[%dma_wait3A_133, %add3A_77] : memref<27x8192xf32, #tpu.memory_space<hbm>> -> memref<27x128xf32, #tpu.memory_space<hbm>>
    %dma_wait3A_135 = arith.constant 0 : i32
    %dma_wait3A_136 = arith.constant 128 : i32
    %dma_wait3A_137 = tpu.memref_slice %arg20[%dma_wait3A_135, %dma_wait3A_136] : memref<27x256xf32, #tpu.memory_space<vmem>> -> memref<27x128xf32, #tpu.memory_space<vmem>>
    tpu.wait_dma2 semaphore(%arg22 : memref<!tpu.dma_semaphore, #tpu.memory_space<semaphore_mem>>) src(%dma_wait3A_137 : memref<27x128xf32, #tpu.memory_space<vmem>>) dst(%dma_wait3A_134 : memref<27x128xf32, #tpu.memory_space<hbm>>)
    %dma_wait3A_138 = arith.constant 0 : i32
    %dma_wait3A_139 = arith.constant 0 : i32
    %dma_wait3A_140 = arith.constant 128 : i32
    %dma_wait3A_141 = tpu.memref_slice %arg21[%dma_wait3A_138, %dma_wait3A_139, %dma_wait3A_140] : memref<3x27x256xf32, #tpu.memory_space<vmem>> -> memref<3x27x128xf32, #tpu.memory_space<vmem>>
    %dma_wait3A_142 = arith.constant 0 : i32
    %dma_wait3A_143 = arith.constant 0 : i32
    %dma_wait3A_144 = tpu.memref_slice %arg10[%dma_wait3A_142, %dma_wait3A_143, %add3A_89] : memref<3x27x8192xf32, #tpu.memory_space<hbm>> -> memref<3x27x128xf32, #tpu.memory_space<hbm>>
    %dma_wait3A_145 = arith.constant 0 : i32
    %dma_wait3A_146 = arith.constant 0 : i32
    %dma_wait3A_147 = tpu.memref_slice %arg10[%dma_wait3A_145, %dma_wait3A_146, %add3A_89] : memref<3x27x8192xf32, #tpu.memory_space<hbm>> -> memref<3x27x128xf32, #tpu.memory_space<hbm>>
    %dma_wait3A_148 = arith.constant 0 : i32
    %dma_wait3A_149 = arith.constant 0 : i32
    %dma_wait3A_150 = arith.constant 128 : i32
    %dma_wait3A_151 = tpu.memref_slice %arg21[%dma_wait3A_148, %dma_wait3A_149, %dma_wait3A_150] : memref<3x27x256xf32, #tpu.memory_space<vmem>> -> memref<3x27x128xf32, #tpu.memory_space<vmem>>
    tpu.wait_dma2 semaphore(%arg22 : memref<!tpu.dma_semaphore, #tpu.memory_space<semaphore_mem>>) src(%dma_wait3A_151 : memref<3x27x128xf32, #tpu.memory_space<vmem>>) dst(%dma_wait3A_147 : memref<3x27x128xf32, #tpu.memory_space<hbm>>)
    return
  }
}

</mosaic_0001>

<sc_bundles>
// kernel: kernel.3.cloned.1.call-start
scs
__scs_entry_jumppad:
0x0: {  	(pc) =	sbr.rel $0x88, $3  }
0x1: {  	(tag) =	ssettag $0x0;
	lr =	simm.s32 $0x1  }
0x2: {  	[smem:$0x3F9A] =	sst lr;
	_ =	strace $0xD0000000  }
0x3: {  	_ = 	snop  }
0x4: {  	_ = 	snop  }
0x5: {  	_ = 	snop  }
0x6: {  	_ = 	snop  }
0x7: {  	_ = 	snop  }
__scs_overlays_trampoline_lowered:
0x8: {  	[smem:$0x3FA9] =	sst s0  }
0x9: {  	[smem:$0x3FAA] =	sst s1  }
0xa: {  	[smem:$0x3FAB] =	sst s2  }
0xb: {  	[smem:$0x3FAC] =	sst s3  }
0xc: {  	[smem:$0x3FAD] =	sst s4  }
0xd: {  	[smem:$0x3FAE] =	sst s5  }
0xe: {  	[smem:$0x3FAF] =	sst s6  }
0xf: {  	[smem:$0x3FB0] =	sst s7  }
0x10: {  	[smem:$0x3FB1] =	sst s8  }
0x11: {  	[smem:$0x3FB2] =	sst s9;
	s0 =	simm.s32 @!p0 $0x0  }
0x12: {  	s1 =	sld [smem:$0x3F98];
	s0 =	simm.s32 @p0 $0x1  }
0x13: {  	[smem:$0x3FB3] =	sst s0;
	s0 =	simm.s32 @!p1 $0x0  }
0x14: {  	s2 =	sld [smem:$0x3F97];
	s0 =	simm.s32 @p1 $0x1  }
0x15: {  	[smem:$0x3FB4] =	sst s0;
	s0 =	simm.s32 @!p2 $0x0  }
0x16: {  	s3 =	sld [smem:$0x3FDB];
	s0 =	simm.s32 @p2 $0x1  }
0x17: {  	s4 =	simm.s32 $0x1BF5;
	[smem:$0x3FB6] =	sst s0  }
0x18: {  	s0 =	sld [smem:$0x3F99];
	_ =	swait.ge [sflag:s4], $0x0  }
0x19: {  	s7 =	sld [smem:$0x3F9A]  }
0x1a: {  	s8 =	sadd.s32 $0xFFFFE003, lr  }
0x1b: {  	s9 =	sadd.s32 $0xFFFFFEF7, lr;
	s5 =	simm.s32 $0xFFFFFFFF;
	p2 =	slt.u32 s8, $0xFFFFF086  }
0x1c: {  	p1 =	slt.u32 s9, $0xF7A;
	s5 =	simm.s32 @!p2 $0x0  }
0x1d: {  	s5 =	simm.s32 @p1 $0x1;
	p0 =	seq.s32 s7, s2  }
0x1e: {  	s7 =	smul.u32 @!p0 $0xF7A, s2;
	p2 =	seq.s32 @!p0 s5, $0x0  }
0x1f: {  	s9 =	smul.u32 $0xF7A, s1;
	s8 =	simm.s32 @!p0 $0x1BF5;
	p2 =	por !p2, p0  }
0x20: {  	[sflag:s8] =	ssyncset.s32 @!p0 $0xFFFFF086;
	s6 =	sadd.s32 @!p0 s3, s7;
	s7 =	simm.s32 @!p0 $0x108  }
0x21: {  	s3 =	sadd.s32 s3, s9;
	s6 =	sadd.s32 @!p0 $0x88, s6;
	s7 =	simm.s32 @p2 $0x1082  }
0x22: {  	[simem:s7], [sflag:s8] =	dma.local @!p0 [hbm:s6], $0xF7A  }
0x23: {  	s9 =	sor.u32 $0xD0000000, s2;
	s6 =	simm.s32 $0x108;
	_ =	swait.ge @!p0 [sflag:s8], $0x0  }
0x24: {  	s3 =	sadd.s32 $0x88, s3;
	s6 =	simm.s32 @!p1 $0x1082;
	[sflag:s4] =	ssyncset.s32 $0xFFFFF086  }
0x25: {  	[simem:s6], [sflag:s4] =	dma.local [hbm:s3], $0xF7A  }
0x26: {  	[smem:$0x3F9A] =	sst s1;
	(tag) =	ssettag s2;
	_ =	strace s9  }
0x27: {  	s1 =	sld [smem:$0x3FAA]  }
0x28: {  	s2 =	sld [smem:$0x3FAB]  }
0x29: {  	s4 =	sld [smem:$0x3FAD]  }
0x2a: {  	p0 =	seq.s32 s5, $0x0;
	s5 =	sld [smem:$0x3FAE]  }
0x2b: {  	s6 =	sld [smem:$0x3FAF]  }
0x2c: {  	s7 =	sld [smem:$0x3FB0]  }
0x2d: {  	s3 =	simm.s32 $0x108;
	s8 =	sld [smem:$0x3FB1]  }
0x2e: {  	s3 =	simm.s32 @!p0 $0x1082;
	s9 =	sld [smem:$0x3FB2]  }
0x2f: {  	lr =	sadd.s32 s0, s3;
	s0 =	sld [smem:$0x3FA9]  }
0x30: {  	s3 =	sld [smem:$0x3FAC]  }
0x31: {  	[smem:$0x3FB5] =	sst s10  }
0x32: {  	s10 =	sld [smem:$0x3FB3];
	_ =	sdelay $0x3  }
0x33: {  	p0 =	seq.s32 s10, $0x1;
	s10 =	sld [smem:$0x3FB5];
	_ =	sdelay $0x3  }
0x34: {  	[smem:$0x3FB5] =	sst s10  }
0x35: {  	s10 =	sld [smem:$0x3FB4];
	_ =	sdelay $0x3  }
0x36: {  	p1 =	seq.s32 s10, $0x1;
	s10 =	sld [smem:$0x3FB5];
	_ =	sdelay $0x3  }
0x37: {  	[smem:$0x3FB5] =	sst s10  }
0x38: {  	s10 =	sld [smem:$0x3FB6]  }
0x39: {  	_ = 	snop;
	(pc) =	sbr.ind lr, $3  }
0x3a: {  	_ = 	snop  }
0x3b: {  	_ = 	snop  }
0x3c: {  	p2 =	seq.s32 s10, $0x1;
	s10 =	sld [smem:$0x3FB5]  }
0x3d: {  	_ =	shalt  }
0x3e: {  	_ =	shalt  }
0x3f: {  	_ =	shalt  }
0x40: {  	_ =	shalt  }
0x41: {  	_ =	shalt  }
0x42: {  	_ =	shalt  }
0x43: {  	_ =	shalt  }
0x44: {  	_ =	shalt  }
0x45: {  	_ =	shalt  }
0x46: {  	_ =	shalt  }
0x47: {  	_ =	shalt  }
0x48: {  	_ =	shalt  }
0x49: {  	_ =	shalt  }
0x4a: {  	_ =	shalt  }
0x4b: {  	_ =	shalt  }
0x4c: {  	_ =	shalt  }
0x4d: {  	_ =	shalt  }
0x4e: {  	_ =	shalt  }
0x4f: {  	_ =	shalt  }
0x50: {  	_ =	shalt  }
0x51: {  	_ =	shalt  }
0x52: {  	_ =	shalt  }
0x53: {  	_ =	shalt  }
0x54: {  	_ =	shalt  }
0x55: {  	_ =	shalt  }
0x56: {  	_ =	shalt  }
0x57: {  	_ =	shalt  }
0x58: {  	_ =	shalt  }
0x59: {  	_ =	shalt  }
0x5a: {  	_ =	shalt  }
0x5b: {  	_ =	shalt  }
0x5c: {  	_ =	shalt  }
0x5d: {  	_ =	shalt  }
0x5e: {  	_ =	shalt  }
0x5f: {  	_ =	shalt  }
0x60: {  	_ =	shalt  }
0x61: {  	_ =	shalt  }
0x62: {  	_ =	shalt  }
0x63: {  	_ =	shalt  }
0x64: {  	_ =	shalt  }
0x65: {  	_ =	shalt  }
0x66: {  	_ =	shalt  }
0x67: {  	_ =	shalt  }
0x68: {  	_ =	shalt  }
0x69: {  	_ =	shalt  }
0x6a: {  	_ =	shalt  }
0x6b: {  	_ =	shalt  }
0x6c: {  	_ =	shalt  }
0x6d: {  	_ =	shalt  }
0x6e: {  	_ =	shalt  }
0x6f: {  	_ =	shalt  }
0x70: {  	_ =	shalt  }
0x71: {  	_ =	shalt  }
0x72: {  	_ =	shalt  }
0x73: {  	_ =	shalt  }
0x74: {  	_ =	shalt  }
0x75: {  	_ =	shalt  }
0x76: {  	_ =	shalt  }
0x77: {  	_ =	shalt  }
0x78: {  	_ =	shalt  }
0x79: {  	_ =	shalt  }
0x7a: {  	_ =	shalt  }
0x7b: {  	_ =	shalt  }
0x7c: {  	_ =	shalt  }
0x7d: {  	_ =	shalt  }
0x7e: {  	_ =	shalt  }
0x7f: {  	_ =	shalt  }
0x80: {  	_ =	shalt  }
0x81: {  	_ =	shalt  }
0x82: {  	_ =	shalt  }
0x83: {  	_ =	shalt  }
0x84: {  	_ =	shalt  }
0x85: {  	_ =	shalt  }
0x86: {  	_ =	shalt  }
0x87: {  	_ =	shalt  }
.Lfunc_end0:
.L_simem_size_0:
called_computation_lowered:
.L_overlay_start_0:
0x88: {  	s2 =	sld [smem:$0x3FD9]  }
0x89: {  	s3 =	sld [smem:$0x3FFE];
	_ =	sdelay $0x1  }
0x8a: {  	s1 =	srdreg.scid  }
0x8b: {  	s0 =	sand.u32 $0x1, s1  }
0x8c: {  	s14 =	sshll.u32 s0, $0xA;
	s2 =	sadd.s32 s3, s2  }
0x8d: {  	s2 =	sadd.s32 s2, s14  }
0x8e: {  	[smem:$0x3FC1] =	sst s2  }
0x8f: {  	_ = 	snop  }
0x90: {  	s2 =	sld [smem:$0x3FD0]  }
0x91: {  	s15 =	sld [smem:$0x3FC7]  }
0x92: {  	s4 =	sld [smem:$0x3FC6]  }
0x93: {  	s6 =	simm.s32 $0xA;
	s7 =	simm.s32 $0x10;
	s5 =	sld [smem:$0x3FC5]  }
0x94: {  	[smem:s7], [sflag:s6] =	dma.local [hbm:s2], $0x1  }
0x95: {  	_ =	swait.eq [sflag:s6], $0x1  }
0x96: {  	[sflag:s6] =	ssyncset.done $0x0  }
0x97: {  	s16 =	sld [smem:$0x10];
	[sflag:s6] =	ssyncadd.s32 $0xFFFFFFFF  }
0x98: {  	s17 =	sld [smem:$0x11];
	(tm) =	ssettm $0x1  }
0x99: {  	s18 =	sld [smem:$0x3FFB];
	_ =	sdelay $0x3  }
0x9a: {  	_ =	strace s18  }
0x9b: {  	s7 =	sld [smem:$0x3FFC];
	_ =	sdelay $0x3  }
0x9c: {  	_ =	strace s7  }
0x9d: {  	s7 =	sld [smem:$0x3FFD];
	_ =	sdelay $0x3  }
0x9e: {  	_ =	strace s7  }
0x9f: {  	_ =	strace $0x8FFFFFFF  }
0xa0: {  	s19 =	sld [smem:$0x3FDB];
	_ =	sdelay $0x1  }
0xa1: {  	s8 =	simm.s32 $_scs_section_size  }
0xa2: {  	s9 =	simm.s32 $_size__tile_overlayer_lowered;
	s10 =	simm.s32 $_tile_overlayer_lowered  }
0xa3: {  	s22 =	simm.s32 $0x1BFF;
	s21 =	sshll.u32 s10, $0x1;
	s7 =	sadd.s32 s8, s19  }
0xa4: {  	s11 =	simm.s32 $0x0;
	s20 =	sshll.u32 s9, $0x1;
	s9 =	sadd.s32 s21, s7  }
0xa5: {  	[timem:s11], [sflag:s22] =	dma.local [hbm:s9], s20  }
0xa6: {  	_ =	swait.ge [sflag:s22], s20  }
0xa7: {  	s8 =	ssub.s32 $0x0, s20;
	[sflag:s22] =	ssyncset.done $0x0  }
0xa8: {  	[sflag:s22] =	ssyncadd.s32 s8;
	_ =	sdelay $0x1  }
0xa9: {  	s23 =	simm.s32 $0x1B8B  }
0xaa: {  	_ =	swait.ge [sflag:s23], $0x1  }
0xab: {  	[sflag:s23] =	ssyncset.done $0x0  }
0xac: {  	s25 =	simm.s32 $0x1B8E;
	s24 =	sld [smem:$0x3FFE];
	[sflag:s23] =	ssyncadd.s32 $0xFFFFFFFF  }
0xad: {  	s26 =	simm.s32 $execute0_lowered;
	[smem:$0x3FD2] =	sst s25  }
0xae: {  	s9 =	sshll.u32 s26, $0x1;
	_ =	strace $0x80000046;
	[dreg:$0x1] =	wrdreg $0xFFFFFFFF  }
0xaf: {  	s28 =	simm.s32 $_size_execute0_lowered;
	s7 =	sadd.s32 s7, s9;
	[dreg:$0x0] =	wrdreg $0x0  }
0xb0: {  	s9 =	sshll.u32 s28, $0x1;
	[dreg:$0x2] =	wrdreg s7  }
0xb1: {  	[dreg:$0x3] =	wrdreg s9  }
0xb2: {  	[dreg:$0x4] =	wrdreg $0xC0  }
0xb3: {  	_ =	task [dreg:s11], $0x5FFFF  }
0xb4: {  	[dreg:$0x1] =	wrdreg $0xFFFFFFFF  }
0xb5: {  	[dreg:$0x0] =	wrdreg $0x60  }
0xb6: {  	[dreg:$0x2] =	wrdreg s24  }
0xb7: {  	[dreg:$0x3] =	wrdreg s15  }
0xb8: {  	[dreg:$0x4] =	wrdreg s4  }
0xb9: {  	[dreg:$0x5] =	wrdreg s5  }
0xba: {  	[dreg:$0x6] =	wrdreg s17  }
0xbb: {  	[dreg:$0x7] =	wrdreg s16  }
0xbc: {  	[dreg:$0x8] =	wrdreg $0x9  }
0xbd: {  	_ =	task.clear_ibuf [dreg:s11], $0x9FFFF;
	_ =	strace $0x90000046  }
0xbe: {  	s29 =	simm.s32 $0x9;
	_ =	strace $0x80000048  }
0xbf: {  	_ =	swait.ge [sflag:s29], $0x1  }
0xc0: {  	[sflag:s29] =	ssyncadd.s32 $0xFFFFFFFF  }
0xc1: {  	_ =	strace $0x90000048  }
0xc2: {  	_ =	sfence  }
0xc3: {  	s30 =	sld [smem:$0x0];
	_ =	sdelay $0x2  }
0xc4: {  	s31 =	sshll.u32 s1, $0xD;
	s1 =	sshrl.u32 s1, $0x2  }
0xc5: {  	s3 =	sand.u32 $0x4000, s31;
	s1 =	sadd.s32 s1, s30  }
0xc6: {  	s0 =	sor.u32 s3, s0;
	s1 =	sshll.u32 s1, $0x11  }
0xc7: {  	s0 =	sor.u32 s1, s0  }
0xc8: {  	s0 =	sadd.s32 $0x8F2B, s0  }
0xc9: {  	[sflag:s0] =	ssyncadd.remote.s32 $0x1  }
0xca: {  	_ =	sfence.sel $0xFFFF  }
0xcb: {  	[dreg:$0x0] =	wrdreg $0xFFFFFFFF;
	(pc) =	sbr.abs _section_cstart, $3  }
0xcc: {  	[dreg:$0x1] =	wrdreg $0xFFFFFFFF  }
0xcd: {  	_ =	task.clear_ibuf [dreg:s11], $0x2FFFF;
	_ =	strace $0x9FFFFFFF  }
0xce: {  	(tm) =	ssettm $0x7FFFFFFF  }
0xcf: {  	_ =	shalt  }
tec
execute0_lowered:
.L_overlay_start_1:
0x0: {  	(tag) =	ssettag $0x1  }
0x1: {  	s0 =	rddreg [dreg:$0x0]  }
0x2: {  	s1 =	rddreg [dreg:$0x1]  }
0x3: {  	s4 =	rddreg [dreg:$0x2]  }
0x4: {  	s5 =	rddreg [dreg:$0x3]  }
0x5: {  	s6 =	rddreg [dreg:$0x4];
	s2 =	srdreg.scid  }
0x6: {  	s3 =	stileid.u32;
	s7 =	rddreg [dreg:$0x5]  }
0x7: {  	s17 =	simm.s32 $0x580;
	s18 =	simm.s32 $0x1880;
	s19 =	simm.s32 $0x500  }
0x8: {  	s20 =	simm.s32 $0x1;
	s22 =	simm.s32 $0x0;
	s8 =	sand.u32 $0x1, s2  }
0x9: {  	s3 =	sshll.u32 s3, $0x1;
	s2 =	simm.s32 $0x0;
	s11 =	sadd.s32 $0xC00, s0  }
0xa: {  	s9 =	sor.u32 s8, s3;
	[smem:$0x7FF] =	sst s2;
	s3 =	sadd.s32 $0x7A00, s0  }
0xb: {  	s8 =	ssub.s32 $0x2, s8;
	s10 =	smul.u32 $0x260, s9;
	_ =	strace $0x80000047  }
0xc: {  	s12 =	sshll.u32 s9, $0x8;
	s26 =	sshrl.u32 s8, $0x1;
	s9 =	sshll.u32 s9, $0x5  }
0xd: {  	[dreg:$0x7] =	wrdreg s11;
	s14 =	ssub.s32 s8, s26;
	s1 =	sadd.s32 s1, s9  }
0xe: {  	s28 =	sadd.s32 s4, s9;
	s29 =	sadd.s32 s5, s9;
	s11 =	sadd.s32 s7, s12  }
0xf: {  	s31 =	sor.u32 $0x80, s12;
	s26 =	simm.s32 $0x2;
	[dreg:$0x8] =	wrdreg s1  }
0x10: {  	s10 =	sadd.s32 s10, s0;
	s0 =	sadd.s32 s12, s0;
	[dreg:$0x9] =	wrdreg s28  }
0x11: {  	v0 =	vimm.f32 $1.000000000e+00;
	[dreg:$0xa] =	wrdreg s29;
	s13 =	sadd.s32 s7, s31;
	s30 =	sadd.s32 $0xE00, s10  }
0x12: {  	v1 =	vand.u32 $0x7FFFFFFF, v0;
	s14 =	smax.u32 s14, $0x1;
	s0 =	sadd.s32 $0x5A00, s0;
	[dreg:$0xb] =	wrdreg s30  }
0x13: {  	[tilespmem:$0x1FFF0] =	vst v1;
	s10 =	sadd.s32 s6, s12;
	s12 =	sadd.s32 s6, s31;
	[dreg:$0xc] =	wrdreg s0  }
.LBB2_1:
0x14: {  	s0 =	rddreg [dreg:$0x8]  }
0x15: {  	[tilespmem:s2], [sflag:$0x1] =	stream.linear.gather [hbm4b:s0+s2], $0x100, $0x38;
	[tilespmem:$0xA080] =	vst v63  }
0x16: {  	s15 =	rddreg [dreg:$0x9];
	s1 =	simm.s32 $0x100  }
0x17: {  	[tilespmem:s1], [sflag:$0x1] =	stream.linear.gather [hbm4b:s15+s2], $0x100, $0x38;
	[tilespmem:$0xA080] =	vst v63  }
0x18: {  	s16 =	rddreg [dreg:$0xa];
	s21 =	simm.s32 $0x200  }
0x19: {  	[tilespmem:s21], [sflag:$0x1] =	stream.linear.gather [hbm4b:s16+s2], $0x100, $0x38;
	[tilespmem:$0xA080] =	vst v63  }
0x1a: {  	s23 =	rddreg [dreg:$0xb]  }
0x1b: {  	[tilespmem:s17], [sflag:$0x2] =	stream.linear.gather [hbm4b:s23+s2], $0x1300, $0x38;
	[tilespmem:$0xA080] =	vst v63  }
0x1c: {  	s24 =	rddreg [dreg:$0xc]  }
0x1d: {  	[tilespmem:s18], [sflag:$0x2] =	stream.linear.gather [hbm4b:s24+s2], $0x800, $0x38;
	[tilespmem:$0xA080] =	vst v63  }
0x1e: {  	s25 =	rddreg [dreg:$0x7]  }
0x1f: {  	[tilespmem:s19], [sflag:$0x2] =	stream.linear.gather [hbm4b:s25+s2], $0x80, $0x38;
	[tilespmem:$0xA080] =	vst v63  }
0x20: {  	_ =	swait.ge [sflag:s20], $0x100  }
0x21: {  	[sflag:s20] =	ssyncset.done $0x0  }
0x22: {  	[sflag:s20] =	ssyncadd.s32 $0xFFFFFF00  }
0x23: {  	_ =	swait.ge [sflag:s20], $0x100  }
0x24: {  	[sflag:s20] =	ssyncset.done $0x0  }
0x25: {  	[sflag:s20] =	ssyncadd.s32 $0xFFFFFF00  }
0x26: {  	_ =	swait.ge [sflag:s20], $0x100  }
0x27: {  	[sflag:s20] =	ssyncset.done $0x0  }
0x28: {  	s28 =	simm.s32 $0x10;
	[sflag:s20] =	ssyncadd.s32 $0xFFFFFF00  }
0x29: {  	v0 =	vld [tilespmem:s28+$0xFFFFFFF0]  }
0x2a: {  	s29 =	simm.s32 $0x110;
	v2 =	vld [tilespmem:s28+$0x0]  }
0x2b: {  	v4 =	vld [tilespmem:s29+$0x0]  }
0x2c: {  	s30 =	simm.s32 $0x210;
	v5 =	vld [tilespmem:s29+$0xFFFFFFF0]  }
0x2d: {  	v7 =	vld [tilespmem:s30+$0xFFFFFFF0]  }
0x2e: {  	s31 =	simm.s32 $0x30;
	v9 =	vld [tilespmem:s30+$0x0]  }
0x2f: {  	v8 =	vld [tilespmem:s31+$0xFFFFFFF0];
	v6 =	vmul.u32 $0x1E0, v0;
	v2 =	vmul.u32 $0x1E0, v2  }
0x30: {  	s1 =	simm.s32 $0x130;
	v3 =	vld [tilespmem:s31+$0x0]  }
0x31: {  	v0 =	vld [tilespmem:s1+$0x0];
	v6 =	vadd.s32 v5, v6;
	v2 =	vadd.s32 v4, v2  }
0x32: {  	s5 =	simm.s32 $0x230;
	v5 =	vld [tilespmem:s1+$0xFFFFFFF0];
	v10 =	vmul.u32 $0x280, v6;
	v11 =	vmul.u32 $0x280, v2  }
0x33: {  	s4 =	simm.s32 $0x310;
	v4 =	vld [tilespmem:s5+$0x0]  }
0x34: {  	s7 =	simm.s32 $0x2;
	s6 =	simm.s32 $0x310;
	s15 =	simm.s32 $0x50;
	v2 =	vld [tilespmem:s5+$0xFFFFFFF0];
	v6 =	vmul.u32 $0x1E0, v8;
	v8 =	vadd.s32 v7, v10;
	v7 =	vadd.s32 v9, v11  }
.LBB2_2:
0x35: {  	s7 =	sadd.s32 $0x2, s7  }
0x36: {  	v9 =	vld [tilespmem:s15+$0xFFFFFFF0];
	v11 =	vmul.u32 $0x1E0, v3;
	[tilespmem:s4+$0xFFFFFFF0] =	vst v8;
	s6 =	sadd.s32 $0x20, s6;
	s0 =	simm.s32 $0x390;
	p0 =	slt.u32 s7, $0x6  }
.Ltmp0:
0x37: {  	s1 =	sadd.s32 $0x20, s1;
	v3 =	vld [tilespmem:s15+$0x0];
	[tilespmem:s4+$0x0] =	vst v7;
	(pc) =	sbr.rel @p0 .LBB2_2-.Ltmp0, $4  }
0x38: {  	s4 =	smov.u32 s6;
	v6 =	vadd.s32 v5, v6;
	v7 =	vadd.s32 v0, v11;
	v0 =	vld [tilespmem:s1+$0x0]  }
0x39: {  	s5 =	sadd.s32 $0x20, s5;
	v5 =	vld [tilespmem:s1+$0xFFFFFFF0];
	v8 =	vmul.u32 $0x280, v6;
	v7 =	vmul.u32 $0x280, v7;
	v10 =	vmov v2  }
0x3a: {  	v2 =	vld [tilespmem:s5+$0xFFFFFFF0]  }
0x3b: {  	s15 =	sadd.s32 $0x20, s15;
	v6 =	vmul.u32 $0x1E0, v9;
	v8 =	vadd.s32 v10, v8;
	v7 =	vadd.s32 v4, v7;
	v4 =	vld [tilespmem:s5+$0x0]  }
0x3c: {  	_ = 	snop  }
0x3d: {  	v3 =	vmul.u32 $0x1E0, v3  }
0x3e: {  	v5 =	vadd.s32 v5, v6  }
0x3f: {  	v0 =	vadd.s32 v0, v3;
	v3 =	vmul.u32 $0x280, v5  }
0x40: {  	[tilespmem:s4+$0xFFFFFFF0] =	vst v8;
	v0 =	vmul.u32 $0x280, v0  }
0x41: {  	s1 =	sadd.s32 $0x20, s6;
	[tilespmem:s4+$0x0] =	vst v7;
	v2 =	vadd.s32 v2, v3  }
0x42: {  	v0 =	vadd.s32 v4, v0;
	[tilespmem:s1+$0xFFFFFFF0] =	vst v2  }
0x43: {  	s28 =	simm.s32 $0x90;
	[tilespmem:s1+$0x0] =	vst v0  }
0x44: {  	v0 =	vld [tilespmem:s28+$0xFFFFFFF0]  }
0x45: {  	s29 =	simm.s32 $0x190;
	v2 =	vld [tilespmem:s28+$0x0]  }
0x46: {  	v4 =	vld [tilespmem:s29+$0x0]  }
0x47: {  	s30 =	simm.s32 $0x290;
	v5 =	vld [tilespmem:s29+$0xFFFFFFF0]  }
0x48: {  	v7 =	vld [tilespmem:s30+$0xFFFFFFF0]  }
0x49: {  	s31 =	simm.s32 $0xB0;
	v8 =	vld [tilespmem:s30+$0x0]  }
0x4a: {  	v9 =	vld [tilespmem:s31+$0xFFFFFFF0];
	v6 =	vmul.u32 $0x1E0, v0;
	v2 =	vmul.u32 $0x1E0, v2  }
0x4b: {  	s1 =	simm.s32 $0x1B0;
	v3 =	vld [tilespmem:s31+$0x0]  }
0x4c: {  	v0 =	vld [tilespmem:s1+$0x0];
	v6 =	vadd.s32 v5, v6;
	v2 =	vadd.s32 v4, v2  }
0x4d: {  	s4 =	simm.s32 $0x2B0;
	v5 =	vld [tilespmem:s1+$0xFFFFFFF0];
	v10 =	vmul.u32 $0x280, v6;
	v11 =	vmul.u32 $0x280, v2  }
0x4e: {  	v4 =	vld [tilespmem:s4+$0x0]  }
0x4f: {  	s6 =	simm.s32 $0x2;
	s7 =	simm.s32 $0xD0;
	s5 =	simm.s32 $0x390;
	v2 =	vld [tilespmem:s4+$0xFFFFFFF0];
	v6 =	vmul.u32 $0x1E0, v9;
	v7 =	vadd.s32 v7, v10;
	v8 =	vadd.s32 v8, v11  }
.LBB2_4:
0x50: {  	s6 =	sadd.s32 $0x2, s6  }
0x51: {  	v9 =	vld [tilespmem:s7+$0xFFFFFFF0];
	v10 =	vmul.u32 $0x1E0, v3;
	[tilespmem:s0+$0x0] =	vst v8;
	s5 =	sadd.s32 $0x20, s5;
	p0 =	slt.u32 s6, $0x6  }
.Ltmp1:
0x52: {  	s1 =	sadd.s32 $0x20, s1;
	v3 =	vld [tilespmem:s7+$0x0];
	[tilespmem:s0+$0xFFFFFFF0] =	vst v7;
	(pc) =	sbr.rel @p0 .LBB2_4-.Ltmp1, $4  }
0x53: {  	s0 =	smov.u32 s5;
	v6 =	vadd.s32 v5, v6;
	v11 =	vadd.s32 v0, v10;
	v0 =	vld [tilespmem:s1+$0x0]  }
0x54: {  	s4 =	sadd.s32 $0x20, s4;
	v5 =	vld [tilespmem:s1+$0xFFFFFFF0];
	v8 =	vmul.u32 $0x280, v6;
	v10 =	vmul.u32 $0x280, v11;
	v7 =	vmov v2  }
0x55: {  	v2 =	vld [tilespmem:s4+$0xFFFFFFF0]  }
0x56: {  	s7 =	sadd.s32 $0x20, s7;
	v6 =	vmul.u32 $0x1E0, v9;
	v7 =	vadd.s32 v7, v8;
	v8 =	vadd.s32 v4, v10;
	v4 =	vld [tilespmem:s4+$0x0]  }
0x57: {  	v3 =	vmul.u32 $0x1E0, v3;
	_ =	sdelay $0x1  }
0x58: {  	v0 =	vadd.s32 v0, v3  }
0x59: {  	v63 =	vadd.s32 v5, v6;
	v0 =	vmul.u32 $0x280, v0  }
0x5a: {  	[tilespmem:s0+$0x0] =	vst v8;
	v3 =	vmul.u32 $0x280, v63  }
0x5b: {  	s1 =	sadd.s32 $0x20, s5;
	[tilespmem:s0+$0xFFFFFFF0] =	vst v7;
	v0 =	vadd.s32 v4, v0  }
0x5c: {  	v2 =	vadd.s32 v2, v3;
	[tilespmem:s1+$0x0] =	vst v0  }
0x5d: {  	s28 =	simm.s32 $0x80;
	s29 =	simm.s32 $0x300;
	s4 =	simm.s32 $0x400;
	[tilespmem:s1+$0xFFFFFFF0] =	vst v2  }
0x5e: {  	[tilespmem:s4], [sflag:$0x1] =	stream.indirect.gather [hbm4b:s3+s28], $0x1, s29, s28, $0xb8;
	[tilespmem:$0xA080] =	vst v63  }
0x5f: {  	s30 =	simm.s32 $0x380;
	s31 =	simm.s32 $0x480  }
0x60: {  	[tilespmem:s31], [sflag:$0x1] =	stream.indirect.gather [hbm4b:s3+s28], $0x1, s30, s28, $0xb8;
	[tilespmem:$0xA080] =	vst v63  }
0x61: {  	_ =	swait.ge [sflag:s20], $0x80  }
0x62: {  	[sflag:s20] =	ssyncset.done $0x0  }
0x63: {  	[sflag:s20] =	ssyncadd.s32 $0xFFFFFF80  }
0x64: {  	_ =	swait.ge [sflag:s20], $0x80  }
0x65: {  	[sflag:s20] =	ssyncset.done $0x0  }
0x66: {  	[sflag:s20] =	ssyncadd.s32 $0xFFFFFF80  }
0x67: {  	_ =	swait.ge [sflag:s26], $0x1300  }
0x68: {  	[sflag:s26] =	ssyncset.done $0x0  }
0x69: {  	[sflag:s26] =	ssyncadd.s32 $0xFFFFED00  }
0x6a: {  	_ =	swait.ge [sflag:s26], $0x800  }
0x6b: {  	[sflag:s26] =	ssyncset.done $0x0  }
0x6c: {  	[sflag:s26] =	ssyncadd.s32 $0xFFFFF800  }
0x6d: {  	_ =	swait.ge [sflag:s26], $0x80  }
0x6e: {  	[sflag:s26] =	ssyncset.done $0x0  }
0x6f: {  	s23 =	simm.s32 $0x0;
	v9 =	vlaneseq.u32;
	v20 =	vmov v1;
	[sflag:s26] =	ssyncadd.s32 $0xFFFFFF80  }
.LBB2_6:
0x70: {  	s24 =	sshll.u32 s23, $0x4  }
0x71: {  	v7 =	vld [tilespmem:s24+$0x400];
	v16 =	vor.u32 s24, v9  }
0x72: {  	v17 =	vmul.u32 $0x13, v16;
	v16 =	vshll.u32 v16, $0x3  }
0x73: {  	v31 =	vor.u32 $0x4, v16;
	_ =	sdelay $0x1  }
0x74: {  	v0 =	vld [tilespmem:s24+$0x0];
	v12 =	vadd.s32 $0x1, v17  }
0x75: {  	v2 =	vld [tilespmem:s24+$0x200];
	v15 =	vadd.s32 $0x2, v17;
	v14 =	vadd.f32 $9.999999930e-09, v7  }
0x76: {  	v32 =	vld [tilespmem:s24+$0x100];
	v21 =	vadd.s32 $0x4, v17  }
0x77: {  	v23 =	vadd.s32 $0xC, v17;
	v19 =	vand.u32 $0x80000000, v14;
	v31 =	vld.idx.msk [tilespmem:v31+s18+$0x0], $0xffff  }
0x78: {  	v25 =	vadd.s32 $0xE, v17;
	v19 =	vor.u32 v19, v20;
	v20 =	vld.idx.msk [tilespmem:v17+s17+$0x0], $0xffff  }
0x79: {  	v28 =	vor.u32 $0x1, v16;
	v29 =	vor.u32 $0x2, v16;
	v26 =	vadd.s32 $0xF, v17;
	v12 =	vld.idx.msk [tilespmem:v12+s17+$0x0], $0xffff  }
0x7a: {  	v30 =	vor.u32 $0x3, v16;
	v27 =	vadd.s32 $0x11, v17;
	v5 =	vshll.u32 v0, $0x4;
	v15 =	vld.idx.msk [tilespmem:v15+s17+$0x0], $0xffff  }
0x7b: {  	v35 =	vadd.s32 $0x6, v17;
	v22 =	vadd.s32 $0x8, v17;
	v3 =	vor.u32 $0x1, v5;
	v21 =	vld.idx.msk [tilespmem:v21+s17+$0x0], $0xffff  }
0x7c: {  	v49 =	vadd.s32 $0xA, v17;
	v2 =	vcvt.s32.f32 v2;
	v8 =	vor.u32 $0x5, v5;
	v23 =	vld.idx.msk [tilespmem:v23+s17+$0x0], $0xffff  }
0x7d: {  	v0 =	vcvt.s32.f32 v32;
	v32 =	vor.u32 $0x5, v16;
	v10 =	vor.u32 $0x9, v5;
	v25 =	vld.idx.msk [tilespmem:v25+s17+$0x0], $0xffff  }
0x7e: {  	v2 =	vadd.f32 $-3.195000000e+02, v2;
	vm0 =	vlt.f32 v14, $0.0e+00;
	vm1 =	vgt.f32 v14, $0.0e+00;
	v26 =	vld.idx.msk [tilespmem:v26+s17+$0x0], $0xffff  }
0x7f: {  	v4 =	vor.u32 $0x4, v5;
	v0 =	vadd.f32 $-2.395000000e+02, v0;
	vm0 =	vmor vm1, vm0;
	v27 =	vld.idx.msk [tilespmem:v27+s17+$0x0], $0xffff  }
0x80: {  	v9 =	vor.u32 $0x8, v5;
	v2 =	vmul.f32 $1.666666710e-03, v2;
	v14 =	vsel vm0, v19, v14;
	v3 =	vld.idx.msk [tilespmem:v3+s19+$0x0], $0xffff  }
0x81: {  	v11 =	vor.u32 $0x2, v5;
	v0 =	vmul.f32 $1.666666710e-03, v0;
	v14 =	vmul.f32 $1.000000010e-01, v14;
	v8 =	vld.idx.msk [tilespmem:v8+s19+$0x0], $0xffff  }
0x82: {  	v13 =	vor.u32 $0x6, v5;
	v10 =	vld.idx.msk [tilespmem:v10+s19+$0x0], $0xffff;
	v57 =	vmul.f32 $5.000000070e-02, v31;
	v12 =	vmul.f32 $5.263157930e-02, v12  }
0x83: {  	v18 =	vor.u32 $0xA, v5;
	v6 =	vld.idx.msk [tilespmem:v5+s19+$0x0], $0xffff;
	v15 =	vmul.f32 $5.263157190e-02, v15;
	v48 =	vmul.f32 $5.263158680e-02, v21  }
0x84: {  	v19 =	vadd.s32 $0x3, v17;
	v32 =	vld.idx.msk [tilespmem:v32+s18+$0x0], $0xffff;
	v23 =	vmul.f32 $5.263161660e-02, v23;
	v25 =	vmul.f32 $5.263161660e-02, v25  }
0x85: {  	v4 =	vld.idx.msk [tilespmem:v4+s19+$0x0], $0xffff;
	v33 =	vadd.f32 v14, v7;
	v26 =	vmul.f32 $5.263155700e-02, v26;
	v27 =	vmul.f32 $5.263161660e-02, v27  }
0x86: {  	v9 =	vld.idx.msk [tilespmem:v9+s19+$0x0], $0xffff;
	v21 =	vadd.s32 $0xB, v17;
	v3 =	vmul.f32 v0, v3;
	v8 =	vmul.f32 v8, v0  }
0x87: {  	v0 =	vmul.f32 v10, v0;
	v10 =	vmul.f32 $5.263157930e-02, v20;
	v20 =	vadd.s32 $0x7, v17  }
0x88: {  	v34 =	vld.idx.msk [tilespmem:v18+s19+$0x0], $0xffff;
	v18 =	vadd.f32 $-7.000000030e-02, v33;
	v33 =	vor.u32 $0x6, v16;
	v16 =	vor.u32 $0x7, v16  }
0x89: {  	v6 =	vmul.f32 v2, v6;
	v12 =	vadd.f32 $5.263157930e-02, v12;
	v23 =	vadd.f32 $6.315789220e-01, v23  }
0x8a: {  	v11 =	vld.idx.msk [tilespmem:v11+s19+$0x0], $0xffff;
	v25 =	vadd.f32 $7.368420950e-01, v25;
	v26 =	vadd.f32 $7.894737120e-01, v26;
	v58 =	vmul.f32 $5.000000070e-02, v32  }
0x8b: {  	v19 =	vld.idx.msk [tilespmem:v19+s17+$0x0], $0xffff;
	v4 =	vmul.f32 v4, v2;
	v2 =	vmul.f32 v9, v2;
	v9 =	vadd.s32 $0x5, v17  }
0x8c: {  	v27 =	vadd.f32 $8.947368260e-01, v27;
	v45 =	vmul.f32 v18, v12;
	v47 =	vld.idx.msk [tilespmem:v20+s17+$0x0], $0xffff;
	v20 =	vadd.s32 $0x9, v17  }
0x8d: {  	v23 =	vmul.f32 v23, v18;
	v31 =	vadd.f32 v58, v7;
	v4 =	vadd.f32 v8, v4;
	v8 =	vld.idx.msk [tilespmem:v13+s19+$0x0], $0xffff  }
0x8e: {  	v25 =	vmul.f32 v25, v18;
	v3 =	vadd.f32 v6, v3;
	v10 =	vadd.f32 $0.0e+00, v10  }
0x8f: {  	v26 =	vmul.f32 v26, v18;
	v0 =	vadd.f32 v0, v2;
	v21 =	vld.idx.msk [tilespmem:v21+s17+$0x0], $0xffff;
	v12 =	vadd.f32 $7.000000030e-02, v45  }
0x90: {  	v27 =	vmul.f32 v27, v18;
	v23 =	vadd.f32 $7.000000030e-02, v23;
	v25 =	vadd.f32 $7.000000030e-02, v25;
	v9 =	vld.idx.msk [tilespmem:v9+s17+$0x0], $0xffff  }
0x91: {  	v46 =	vmul.f32 $5.263158680e-02, v19;
	v2 =	vadd.f32 v3, v11;
	v11 =	vadd.f32 $1.052631590e-01, v15;
	v20 =	vld.idx.msk [tilespmem:v20+s17+$0x0], $0xffff  }
0x92: {  	v26 =	vadd.f32 $7.000000030e-02, v26;
	v10 =	vmul.f32 v18, v10;
	v38 =	vadd.f32 v4, v8;
	v8 =	vld.idx.msk [tilespmem:v35+s17+$0x0], $0xffff  }
0x93: {  	v19 =	vld.idx.msk [tilespmem:v22+s17+$0x0], $0xffff;
	v27 =	vadd.f32 $7.000000030e-02, v27;
	v42 =	vadd.f32 v0, v34;
	v11 =	vmul.f32 v18, v11  }
0x94: {  	v52 =	vadd.s32 $0xD, v17;
	v33 =	vld.idx.msk [tilespmem:v33+s18+$0x0], $0xffff;
	v0 =	vadd.f32 $2.105263170e-01, v48;
	v10 =	vadd.f32 $7.000000030e-02, v10  }
0x95: {  	v21 =	vmul.f32 $5.263155700e-02, v21;
	v15 =	vadd.f32 $7.000000030e-02, v11;
	v11 =	vadd.f32 $1.578947310e-01, v46  }
0x96: {  	v16 =	vld.idx.msk [tilespmem:v16+s18+$0x0], $0xffff;
	v9 =	vmul.f32 $5.263155700e-02, v9;
	v54 =	vmul.f32 $5.263158680e-02, v20;
	v20 =	vadd.s32 $0x10, v17  }
0x97: {  	v11 =	vmul.f32 v18, v11;
	v22 =	vmul.f32 $5.263158680e-02, v8;
	v17 =	vadd.s32 $0x12, v17  }
0x98: {  	v19 =	vmul.f32 $5.263158680e-02, v19;
	v21 =	vadd.f32 $5.789473650e-01, v21;
	v24 =	vadd.f32 $2.631579040e-01, v9  }
0x99: {  	v33 =	vmul.f32 $5.000000070e-02, v33;
	v8 =	vadd.f32 $7.000000030e-02, v11;
	v11 =	vadd.f32 $3.157894610e-01, v22;
	v22 =	vld.idx.msk [tilespmem:v49+s17+$0x0], $0xffff  }
0x9a: {  	v14 =	vmul.f32 $5.263158680e-02, v47;
	v19 =	vadd.f32 $4.210526350e-01, v19;
	v50 =	vmul.f32 v24, v18;
	v24 =	vld.idx.msk [tilespmem:v52+s17+$0x0], $0xffff  }
0x9b: {  	v0 =	vmul.f32 v0, v18;
	v34 =	vmul.f32 $5.000000070e-02, v16;
	v60 =	vadd.f32 v33, v7;
	v20 =	vld.idx.msk [tilespmem:v20+s17+$0x0], $0xffff  }
0x9c: {  	v21 =	vmul.f32 v21, v18;
	v14 =	vadd.f32 $3.684210480e-01, v14;
	v19 =	vmul.f32 v19, v18;
	v17 =	vld.idx.msk [tilespmem:v17+s17+$0x0], $0xffff  }
0x9d: {  	v29 =	vld.idx.msk [tilespmem:v29+s18+$0x0], $0xffff;
	v61 =	vadd.f32 v34, v7;
	v9 =	vadd.f32 $7.000000030e-02, v0  }
0x9e: {  	v21 =	vadd.f32 $7.000000030e-02, v21;
	v53 =	vmul.f32 v14, v18;
	v19 =	vadd.f32 $7.000000030e-02, v19  }
0x9f: {  	v51 =	vmul.f32 v11, v18;
	v11 =	vadd.f32 $7.000000030e-02, v50;
	v22 =	vmul.f32 $5.263155700e-02, v22  }
0xa0: {  	v28 =	vld.idx.msk [tilespmem:v28+s18+$0x0], $0xffff;
	v14 =	vadd.f32 $7.000000030e-02, v53;
	v24 =	vmul.f32 $5.263155700e-02, v24;
	v20 =	vmul.f32 $5.263155700e-02, v20  }
0xa1: {  	v0 =	vadd.f32 $4.736842220e-01, v54;
	v22 =	vadd.f32 $5.263158080e-01, v22;
	v17 =	vmul.f32 $5.263155700e-02, v17  }
0xa2: {  	v30 =	vld.idx.msk [tilespmem:v30+s18+$0x0], $0xffff;
	v55 =	vmul.f32 $5.000000070e-02, v29;
	v24 =	vadd.f32 $6.842105390e-01, v24;
	v20 =	vadd.f32 $8.421052690e-01, v20  }
0xa3: {  	v0 =	vmul.f32 v0, v18;
	v22 =	vmul.f32 v22, v18;
	v17 =	vadd.f32 $9.473684430e-01, v17  }
0xa4: {  	v13 =	vadd.f32 $7.000000030e-02, v51;
	v24 =	vmul.f32 v24, v18;
	v20 =	vmul.f32 v20, v18  }
0xa5: {  	v0 =	vadd.f32 $7.000000030e-02, v0;
	v17 =	vmul.f32 v17, v18;
	v18 =	vmul.f32 $5.000000070e-02, v28  }
0xa6: {  	v6 =	vor.u32 $0x3, v5;
	v22 =	vadd.f32 $7.000000030e-02, v22;
	v24 =	vadd.f32 $7.000000030e-02, v24  }
0xa7: {  	v28 =	vadd.f32 v55, v7;
	v56 =	vadd.f32 v18, v7;
	v18 =	vmul.f32 $5.000000070e-02, v30  }
0xa8: {  	v16 =	vor.u32 $0xB, v5;
	v20 =	vadd.f32 $7.000000030e-02, v20;
	v17 =	vadd.f32 $7.000000030e-02, v17  }
0xa9: {  	v36 =	vmin.f32 v60, v61;
	v30 =	vadd.f32 v57, v7;
	v59 =	vadd.f32 v18, v7  }
0xaa: {  	v18 =	vor.u32 $0x7, v5;
	v62 =	vmin.f32 v7, v56;
	v7 =	vmax.f32 v7, v56  }
0xab: {  	v1 =	vmin.f32 v30, v31;
	v30 =	vmax.f32 v30, v31;
	v5 =	vmax.f32 v60, v61  }
0xac: {  	v54 =	vmin.f32 v10, v20;
	v10 =	vmax.f32 v10, v20;
	v20 =	vmin.f32 v12, v27  }
0xad: {  	v12 =	vmax.f32 v12, v27;
	v55 =	vmin.f32 v15, v17;
	v15 =	vmax.f32 v15, v17  }
0xae: {  	v40 =	vmin.f32 v1, v36;
	v31 =	vmax.f32 v1, v36;
	v41 =	vmin.f32 v30, v5  }
0xaf: {  	v5 =	vmax.f32 v30, v5;
	v63 =	vmin.f32 v28, v59;
	v28 =	vmax.f32 v28, v59  }
0xb0: {  	v44 =	vmin.f32 v41, v31;
	v31 =	vmax.f32 v41, v31;
	v37 =	vmin.f32 v62, v63  }
0xb1: {  	v29 =	vmax.f32 v62, v63;
	v39 =	vmin.f32 v7, v28;
	v7 =	vmax.f32 v7, v28  }
0xb2: {  	v43 =	vmin.f32 v39, v29;
	v29 =	vmax.f32 v39, v29;
	v45 =	vmin.f32 v37, v40  }
0xb3: {  	v28 =	vmax.f32 v37, v40;
	v48 =	vmin.f32 v7, v5;
	v5 =	vmax.f32 v7, v5  }
0xb4: {  	v46 =	vmin.f32 v43, v44;
	v30 =	vmax.f32 v43, v44;
	v47 =	vmin.f32 v29, v31  }
0xb5: {  	v29 =	vmax.f32 v29, v31;
	v56 =	vmin.f32 v19, v5;
	v5 =	vmax.f32 v19, v5  }
0xb6: {  	v62 =	vmin.f32 v26, v45;
	v26 =	vmax.f32 v26, v45;
	v49 =	vmin.f32 v47, v28  }
0xb7: {  	v28 =	vmax.f32 v47, v28;
	v50 =	vmin.f32 v48, v30;
	v30 =	vmax.f32 v48, v30  }
0xb8: {  	v63 =	vmin.f32 v54, v56;
	v17 =	vmax.f32 v54, v56;
	v35 =	vmin.f32 v14, v62  }
0xb9: {  	v14 =	vmax.f32 v14, v62;
	v43 =	vmin.f32 v10, v5;
	v5 =	vmax.f32 v10, v5  }
0xba: {  	v51 =	vmin.f32 v46, v49;
	v7 =	vmax.f32 v46, v49;
	v52 =	vmin.f32 v50, v28  }
0xbb: {  	v28 =	vmax.f32 v50, v28;
	v53 =	vmin.f32 v30, v29;
	v29 =	vmax.f32 v30, v29  }
0xbc: {  	v19 =	vmin.f32 v0, v29;
	v0 =	vmax.f32 v0, v29;
	v57 =	vmin.f32 v22, v53  }
0xbd: {  	v22 =	vmax.f32 v22, v53;
	v58 =	vmin.f32 v21, v28;
	v21 =	vmax.f32 v21, v28  }
0xbe: {  	v59 =	vmin.f32 v23, v52;
	v23 =	vmax.f32 v23, v52;
	v60 =	vmin.f32 v24, v7  }
0xbf: {  	v7 =	vmax.f32 v24, v7;
	v61 =	vmin.f32 v25, v51;
	v25 =	vmax.f32 v25, v51  }
0xc0: {  	v36 =	vmin.f32 v20, v19;
	v19 =	vmax.f32 v20, v19;
	v20 =	vmin.f32 v55, v57  }
0xc1: {  	v27 =	vmax.f32 v55, v57;
	v37 =	vmin.f32 v8, v58;
	v8 =	vmax.f32 v8, v58  }
0xc2: {  	v39 =	vmin.f32 v9, v59;
	v9 =	vmax.f32 v9, v59;
	v40 =	vmin.f32 v11, v60  }
0xc3: {  	v11 =	vmax.f32 v11, v60;
	v41 =	vmin.f32 v13, v61;
	v24 =	vmax.f32 v13, v61  }
0xc4: {  	v10 =	vmin.f32 v12, v0;
	v3 =	vmax.f32 v12, v0;
	v44 =	vmin.f32 v15, v22  }
0xc5: {  	v45 =	vmax.f32 v15, v22;
	v53 =	vmin.f32 v43, v23;
	v23 =	vmax.f32 v43, v23  }
0xc6: {  	v55 =	vmin.f32 v21, v26;
	v21 =	vmax.f32 v21, v26;
	v46 =	vmin.f32 v63, v39  }
0xc7: {  	v22 =	vmax.f32 v63, v39;
	v47 =	vmin.f32 v36, v40;
	v28 =	vmax.f32 v36, v40  }
0xc8: {  	v48 =	vmin.f32 v20, v41;
	v20 =	vmax.f32 v20, v41;
	v49 =	vmin.f32 v37, v35  }
0xc9: {  	v29 =	vmax.f32 v37, v35;
	v50 =	vmin.f32 v17, v9;
	v9 =	vmax.f32 v17, v9  }
0xca: {  	v51 =	vmin.f32 v19, v11;
	v11 =	vmax.f32 v19, v11;
	v19 =	vmin.f32 v27, v24  }
0xcb: {  	v24 =	vmax.f32 v27, v24;
	v52 =	vmin.f32 v8, v14;
	v8 =	vmax.f32 v8, v14  }
0xcc: {  	v54 =	vmin.f32 v10, v7;
	v7 =	vmax.f32 v10, v7;
	v10 =	vmin.f32 v44, v25  }
0xcd: {  	v0 =	vmax.f32 v44, v25;
	v1 =	vmax.f32 v5, v45;
	v56 =	vmin.f32 v46, v48  }
0xce: {  	v15 =	vmax.f32 v46, v48;
	v57 =	vmin.f32 v47, v49;
	v32 =	vmax.f32 v47, v49  }
0xcf: {  	v58 =	vmin.f32 v22, v20;
	v20 =	vmax.f32 v22, v20;
	v22 =	vmin.f32 v28, v29  }
0xd0: {  	v28 =	vmax.f32 v28, v29;
	v59 =	vmin.f32 v50, v19;
	v34 =	vmax.f32 v50, v19  }
0xd1: {  	v60 =	vmin.f32 v51, v52;
	v27 =	vmax.f32 v51, v52;
	v36 =	vmin.f32 v9, v24  }
0xd2: {  	v9 =	vmax.f32 v9, v24;
	v61 =	vmin.f32 v11, v8;
	v8 =	vmax.f32 v11, v8  }
0xd3: {  	v11 =	vmin.f32 v53, v10;
	v10 =	vmax.f32 v53, v10;
	v62 =	vmin.f32 v54, v55  }
0xd4: {  	v39 =	vmin.f32 v7, v21;
	v41 =	vmax.f32 v7, v21;
	[tilespmem:$0x1FE80] =	vst v1;
	v7 =	vld.idx.msk [tilespmem:v18+s19+$0x0], $0xffff  }
0xd5: {  	v63 =	vmin.f32 v56, v57;
	v44 =	vmin.f32 v15, v32;
	v48 =	vmax.f32 v15, v32;
	v15 =	vld.idx.msk [tilespmem:v6+s19+$0x0], $0xffff  }
0xd6: {  	v25 =	vmax.f32 v54, v55;
	v26 =	vmax.f32 v56, v57;
	v6 =	vld.idx.msk [tilespmem:v16+s19+$0x0], $0xffff;
	[tilespmem:s24+$0x2080] =	vst v63  }
0xd7: {  	v37 =	vmin.f32 v23, v0;
	v23 =	vmax.f32 v23, v0;
	v0 =	vmin.f32 v5, v45;
	[tilespmem:s24+$0x2100] =	vst v26  }
0xd8: {  	v1 =	vmin.f32 v58, v22;
	v19 =	vmax.f32 v58, v22;
	v17 =	vmin.f32 v20, v28;
	[tilespmem:s24+$0x2180] =	vst v44  }
0xd9: {  	v20 =	vmax.f32 v20, v28;
	v43 =	vmin.f32 v59, v60;
	v40 =	vmax.f32 v59, v60;
	[tilespmem:s24+$0x2200] =	vst v48  }
0xda: {  	v5 =	vmin.f32 v34, v27;
	v32 =	vmax.f32 v34, v27;
	v31 =	vmin.f32 v36, v61;
	[tilespmem:s24+$0x2280] =	vst v1  }
0xdb: {  	v30 =	vmax.f32 v36, v61;
	v28 =	vmin.f32 v9, v8;
	v24 =	vmax.f32 v9, v8;
	[tilespmem:s24+$0x2300] =	vst v19  }
0xdc: {  	v21 =	vmin.f32 v11, v62;
	v18 =	vmax.f32 v11, v62;
	v51 =	vmin.f32 v10, v25;
	[tilespmem:s24+$0x2380] =	vst v17  }
0xdd: {  	v4 =	vmax.f32 v10, v25;
	v14 =	vmin.f32 v37, v39;
	v16 =	vmin.f32 v23, v41;
	[tilespmem:s24+$0x2400] =	vst v20  }
0xde: {  	v11 =	vmax.f32 v23, v41;
	v22 =	vmul.f32 v63, v2;
	v23 =	vmul.f32 v63, v38;
	[tilespmem:s24+$0x2880] =	vst v43  }
0xdf: {  	v52 =	vmax.f32 v37, v39;
	v35 =	vmul.f32 v63, v42;
	v36 =	vmul.f32 v26, v2;
	[tilespmem:s24+$0x2900] =	vst v40  }
0xe0: {  	v13 =	vmin.f32 v0, v3;
	v37 =	vmul.f32 v26, v38;
	v39 =	vmul.f32 v26, v42;
	[tilespmem:s24+$0x2980] =	vst v5  }
0xe1: {  	v41 =	vmul.f32 v44, v2;
	v45 =	vmul.f32 v44, v38;
	[tilespmem:s24+$0x2A00] =	vst v32;
	v23 =	vadd.f32 v23, v7  }
0xe2: {  	v46 =	vmul.f32 v44, v42;
	v47 =	vmul.f32 v48, v2;
	[tilespmem:s24+$0x2A80] =	vst v31;
	v29 =	vadd.f32 v37, v7  }
0xe3: {  	v49 =	vmul.f32 v48, v38;
	v50 =	vmul.f32 v48, v42;
	v22 =	vadd.f32 v22, v15;
	[tilespmem:s24+$0x6080] =	vst v23  }
0xe4: {  	v53 =	vmul.f32 v19, v2;
	v54 =	vmul.f32 v19, v42;
	v25 =	vadd.f32 v35, v6;
	[tilespmem:s24+$0x6100] =	vst v29  }
0xe5: {  	v55 =	vmul.f32 v17, v2;
	v27 =	vadd.f32 v36, v15;
	v33 =	vadd.f32 v39, v6;
	[tilespmem:s24+$0x4080] =	vst v22  }
0xe6: {  	v26 =	vmul.f32 v31, v2;
	v34 =	vadd.f32 v41, v15;
	v35 =	vadd.f32 v45, v7;
	[tilespmem:s24+$0x8080] =	vst v25  }
0xe7: {  	v12 =	vmul.f32 v30, v2;
	v36 =	vadd.f32 v46, v6;
	v37 =	vadd.f32 v47, v15;
	[tilespmem:s24+$0x4100] =	vst v27  }
0xe8: {  	v39 =	vadd.f32 v49, v7;
	v45 =	vmul.f32 v1, v2;
	v46 =	vmul.f32 v1, v38;
	[tilespmem:s24+$0x8100] =	vst v33  }
0xe9: {  	v41 =	vadd.f32 v50, v6;
	v47 =	vmul.f32 v1, v42;
	v50 =	vmul.f32 v19, v38;
	[tilespmem:s24+$0x4180] =	vst v34  }
0xea: {  	v58 =	vadd.f32 v53, v15;
	v60 =	vadd.f32 v54, v6;
	v53 =	vmul.f32 v17, v42;
	[tilespmem:s24+$0x6180] =	vst v35  }
0xeb: {  	v61 =	vadd.f32 v55, v15;
	v54 =	vmul.f32 v20, v38;
	v48 =	vadd.f32 v26, v15;
	[tilespmem:s24+$0x8180] =	vst v36  }
0xec: {  	v55 =	vmul.f32 v20, v42;
	v49 =	vadd.f32 v45, v15;
	v56 =	vadd.f32 v46, v7;
	[tilespmem:s24+$0x4200] =	vst v37  }
0xed: {  	v23 =	vmul.f32 v43, v2;
	v57 =	vadd.f32 v47, v6;
	v59 =	vadd.f32 v50, v7;
	[tilespmem:s24+$0x6200] =	vst v39  }
0xee: {  	v50 =	vmul.f32 v17, v38;
	v22 =	vmul.f32 v20, v2;
	v63 =	vadd.f32 v53, v6;
	[tilespmem:s24+$0x8200] =	vst v41  }
0xef: {  	v10 =	vadd.f32 v55, v6;
	v46 =	vmul.f32 v43, v38;
	v47 =	vmul.f32 v43, v42;
	[tilespmem:s24+$0x4300] =	vst v58  }
0xf0: {  	v45 =	vmul.f32 v40, v42;
	v33 =	vmul.f32 v32, v2;
	v35 =	vadd.f32 v12, v15;
	[tilespmem:s24+$0x8300] =	vst v60  }
0xf1: {  	v39 =	vmul.f32 v24, v2;
	v41 =	vmul.f32 v4, v2;
	[tilespmem:s24+$0x4380] =	vst v61;
	v62 =	vadd.f32 v50, v7  }
0xf2: {  	v17 =	vmul.f32 v28, v42;
	[tilespmem:s24+$0x4A80] =	vst v48;
	v9 =	vadd.f32 v22, v15;
	v22 =	vadd.f32 v54, v7  }
0xf3: {  	v29 =	vld [tilespmem:s24+$0x210];
	[tilespmem:s24+$0x2B00] =	vst v30;
	v54 =	vadd.f32 v23, v15;
	v23 =	vmul.f32 v40, v2;
	v55 =	vadd.f32 v46, v7  }
0xf4: {  	s0 =	sor.u32 $0x10, s24;
	[tilespmem:s24+$0x2B80] =	vst v28;
	v50 =	vmul.f32 v40, v38;
	v53 =	vadd.f32 v47, v6;
	v47 =	vadd.f32 v45, v6  }
0xf5: {  	v25 =	vld [tilespmem:s0+$0x0];
	v46 =	vmul.f32 v5, v2;
	v36 =	vadd.f32 v33, v15;
	v33 =	vmul.f32 v28, v2;
	[tilespmem:$0x1FE90] =	vst v35  }
0xf6: {  	v27 =	vld [tilespmem:s24+$0x110];
	v45 =	vmax.f32 v0, v3;
	v39 =	vadd.f32 v39, v15;
	[tilespmem:s24+$0x6280] =	vst v56;
	v56 =	vmul.f32 v14, v2  }
0xf7: {  	[tilespmem:s24+$0x6300] =	vst v59;
	v59 =	vadd.f32 v17, v6;
	v19 =	vmul.f32 v45, v2;
	v8 =	vadd.f32 v23, v15  }
0xf8: {  	[tilespmem:s24+$0x4280] =	vst v49;
	v50 =	vadd.f32 v50, v7;
	v44 =	vadd.f32 v46, v15;
	v12 =	vcvt.s32.f32 v29  }
0xf9: {  	v37 =	vadd.f32 v33, v15;
	v33 =	vmul.f32 v21, v2;
	v29 =	vmul.f32 v51, v2;
	[tilespmem:s24+$0x4400] =	vst v9  }
0xfa: {  	[tilespmem:s24+$0x6400] =	vst v22;
	v9 =	vmul.f32 v24, v42;
	v22 =	vmul.f32 v21, v38;
	v23 =	vshll.u32 v25, $0x4  }
0xfb: {  	v25 =	vmul.f32 v5, v38;
	v34 =	vor.u32 $0x1, v23;
	[tilespmem:$0x1FEA0] =	vst v37;
	v37 =	vcvt.s32.f32 v27  }
0xfc: {  	[tilespmem:s24+$0x8280] =	vst v57;
	v35 =	vor.u32 $0x4, v23;
	v3 =	vor.u32 $0x5, v23;
	v58 =	vadd.f32 v9, v6  }
0xfd: {  	[tilespmem:s24+$0x4880] =	vst v54;
	v46 =	vadd.f32 v25, v7;
	v25 =	vadd.f32 $-3.195000000e+02, v12;
	v12 =	vmul.f32 v18, v2  }
0xfe: {  	v9 =	vmul.f32 v18, v38;
	[tilespmem:s24+$0x6900] =	vst v50;
	v26 =	vadd.f32 $-2.395000000e+02, v37;
	v37 =	vadd.f32 v33, v15  }
0xff: {  	[tilespmem:s24+$0x4980] =	vst v44;
	v49 =	vmul.f32 $1.666666710e-03, v25;
	v25 =	vor.u32 $0x2, v23;
	v12 =	vadd.f32 v12, v15;
	v27 =	vld.idx.msk [tilespmem:v23+s19+$0x0], $0xffff  }
0x100: {  	v44 =	vmul.f32 v52, v38;
	[tilespmem:$0x1FEB0] =	vst v37;
	v37 =	vadd.f32 v41, v15;
	v34 =	vld.idx.msk [tilespmem:v34+s19+$0x0], $0xffff  }
0x101: {  	v41 =	vmul.f32 v52, v2;
	[tilespmem:$0x1FEC0] =	vst v12;
	v1 =	vld.idx.msk [tilespmem:v35+s19+$0x0], $0xffff;
	v35 =	vadd.f32 v29, v15  }
0x102: {  	v54 =	vadd.f32 v9, v7;
	v26 =	vmul.f32 $1.666666710e-03, v26;
	v3 =	vld.idx.msk [tilespmem:v3+s19+$0x0], $0xffff;
	[tilespmem:$0x1FEE0] =	vst v37;
	v37 =	vmul.f32 v16, v2  }
0x103: {  	v12 =	vmul.f32 v11, v2;
	v29 =	vmul.f32 v13, v2;
	[tilespmem:$0x1FED0] =	vst v35;
	v35 =	vadd.f32 v56, v15  }
0x104: {  	[tilespmem:$0x1FF20] =	vst v26;
	v57 =	vadd.f32 v41, v15;
	v56 =	vld.idx.msk [tilespmem:v25+s19+$0x0], $0xffff;
	v0 =	vadd.f32 v37, v15  }
0x105: {  	v41 =	vmovc v11;
	v37 =	vor.u32 $0x8, v23;
	v11 =	vadd.f32 v12, v15;
	v25 =	vmul.f32 v5, v42;
	[tilespmem:$0x1FEF0] =	vst v35  }
0x106: {  	v50 =	vadd.f32 v44, v7;
	v27 =	vmul.f32 v49, v27;
	v34 =	vmul.f32 v26, v34;
	[tilespmem:$0x1FF30] =	vst v0  }
0x107: {  	[tilespmem:$0x1FF40] =	vst v11;
	v11 =	vadd.f32 v29, v15;
	v1 =	vmul.f32 v1, v49;
	v3 =	vmul.f32 v3, v26  }
0x108: {  	v26 =	vmul.f32 v32, v38;
	v0 =	vmul.f32 v14, v38;
	v35 =	vmovc v13;
	v13 =	vld [tilespmem:$0x1FE80];
	v33 =	vadd.f32 v27, v34  }
0x109: {  	[tilespmem:$0x1FF50] =	vst v11;
	v11 =	vadd.f32 v19, v15;
	v27 =	vmul.f32 v32, v42;
	v1 =	vadd.f32 v3, v1  }
0x10a: {  	v61 =	vadd.f32 v26, v7;
	v3 =	vmul.f32 v30, v42;
	v0 =	vadd.f32 v0, v7;
	v29 =	vld.idx.msk [tilespmem:v37+s19+$0x0], $0xffff  }
0x10b: {  	v37 =	vmul.f32 v31, v38;
	v34 =	vmov v16;
	[tilespmem:$0x1FF60] =	vst v11;
	v16 =	vadd.f32 v33, v56  }
0x10c: {  	[tilespmem:$0x1FF80] =	vst v1;
	v33 =	vld [tilespmem:s24+$0x410];
	v11 =	vadd.f32 v25, v6;
	v1 =	vmul.f32 v31, v42;
	v56 =	vadd.f32 v27, v6  }
0x10d: {  	[tilespmem:$0x1FF10] =	vst v57;
	v57 =	vadd.f32 v3, v6;
	v25 =	vmul.f32 v24, v38;
	v2 =	vmul.f32 v13, v2  }
0x10e: {  	[tilespmem:s24+$0x6380] =	vst v62;
	v12 =	vadd.f32 v37, v7;
	v37 =	vmul.f32 v21, v42;
	v62 =	vadd.f32 v1, v6  }
0x10f: {  	[tilespmem:s24+$0x2C00] =	vst v24;
	v17 =	vld [tilespmem:$0x1FFF0];
	v2 =	vadd.f32 v2, v15;
	v27 =	vmul.f32 v29, v49;
	v29 =	vlaneseq.u32  }
0x110: {  	[tilespmem:s24+$0x8400] =	vst v10;
	v20 =	vadd.f32 v25, v7;
	v15 =	vmul.f32 v28, v38;
	v49 =	vor.u32 s0, v29  }
0x111: {  	v26 =	vadd.f32 $9.999999930e-09, v33;
	[tilespmem:$0x1FF90] =	vst v2;
	v2 =	vmul.f32 v30, v38;
	v10 =	vmul.u32 $0x13, v49  }
0x112: {  	[tilespmem:s24+$0x6880] =	vst v55;
	v55 =	vadd.f32 v37, v6;
	v29 =	vmul.f32 v4, v38;
	v60 =	vadd.f32 v15, v7  }
0x113: {  	[tilespmem:s24+$0x8380] =	vst v63;
	v15 =	vand.u32 $0x80000000, v26;
	v63 =	vadd.f32 v2, v7;
	v25 =	vadd.s32 $0x1, v10  }
0x114: {  	[tilespmem:s24+$0x3100] =	vst v18;
	v1 =	vor.u32 v15, v17;
	v17 =	vadd.f32 v22, v7;
	v2 =	vadd.s32 $0x3, v10  }
0x115: {  	[tilespmem:s24+$0x8880] =	vst v53;
	v19 =	vmovc v4;
	v22 =	vmul.f32 v18, v42;
	v15 =	vmul.f32 v4, v42;
	v4 =	vadd.s32 $0x5, v10  }
0x116: {  	[tilespmem:$0x1FF70] =	vst v27;
	v27 =	vmul.f32 v51, v42;
	vm14 =	vlt.f32 v26, $0.0e+00;
	v5 =	vadd.s32 $0x6, v10  }
0x117: {  	[tilespmem:s24+$0x4A00] =	vst v36;
	vm15 =	vgt.f32 v26, $0.0e+00;
	v36 =	vadd.s32 $0xB, v10;
	v9 =	vadd.f32 v22, v6;
	v22 =	vld.idx.msk [tilespmem:v10+s17+$0x0], $0xffff  }
0x118: {  	[tilespmem:s24+$0x8900] =	vst v47;
	vm0 =	vmor vm15, vm14;
	v40 =	vadd.f32 v27, v6;
	v31 =	vadd.s32 $0xD, v10;
	v43 =	vld.idx.msk [tilespmem:v25+s17+$0x0], $0xffff  }
0x119: {  	[tilespmem:s24+$0x4900] =	vst v8;
	v53 =	vadd.s32 $0x4, v10;
	v3 =	vsel vm0, v1, v26;
	v1 =	vadd.s32 $0x2, v10;
	v2 =	vld.idx.msk [tilespmem:v2+s17+$0x0], $0xffff  }
0x11a: {  	v8 =	vmovc v52;
	v27 =	vadd.f32 v29, v7;
	v26 =	vmul.f32 v51, v38;
	v3 =	vmul.f32 $1.000000010e-01, v3;
	v4 =	vld.idx.msk [tilespmem:v4+s17+$0x0], $0xffff  }
0x11b: {  	[tilespmem:s24+$0x6980] =	vst v46;
	v52 =	vadd.s32 $0xA, v10;
	v47 =	vadd.f32 v15, v6;
	v15 =	vmul.f32 v14, v42;
	v5 =	vld.idx.msk [tilespmem:v5+s17+$0x0], $0xffff  }
0x11c: {  	v29 =	vmovc v14;
	v14 =	vadd.s32 $0x7, v10;
	v37 =	vadd.f32 v26, v7;
	v25 =	vadd.f32 v3, v33;
	v48 =	vld.idx.msk [tilespmem:v36+s17+$0x0], $0xffff  }
0x11d: {  	[tilespmem:s24+$0x8980] =	vst v11;
	v46 =	vadd.f32 v15, v6;
	v15 =	vadd.s32 $0x8, v10;
	v31 =	vld.idx.msk [tilespmem:v31+s17+$0x0], $0xffff;
	v26 =	vmul.f32 $5.263157930e-02, v22  }
0x11e: {  	[tilespmem:s24+$0x6B80] =	vst v60;
	v60 =	vmul.f32 v8, v42;
	v18 =	vmul.f32 v35, v42;
	v1 =	vld.idx.msk [tilespmem:v1+s17+$0x0], $0xffff;
	v11 =	vadd.f32 $-7.000000030e-02, v25  }
0x11f: {  	[tilespmem:s24+$0x6A00] =	vst v61;
	v22 =	vld.idx.msk [tilespmem:v53+s17+$0x0], $0xffff;
	v25 =	vmul.f32 $5.263157930e-02, v43;
	v3 =	vadd.f32 $0.0e+00, v26;
	v26 =	vadd.s32 $0x9, v10  }
0x120: {  	v61 =	vld [tilespmem:$0x1FE90];
	v44 =	vadd.s32 $0x10, v10;
	v2 =	vmul.f32 $5.263158680e-02, v2;
	v4 =	vmul.f32 $5.263155700e-02, v4  }
0x121: {  	[tilespmem:s24+$0x6B00] =	vst v63;
	v36 =	vadd.s32 $0xE, v10;
	v53 =	vld.idx.msk [tilespmem:v14+s17+$0x0], $0xffff;
	v5 =	vmul.f32 $5.263158680e-02, v5;
	v63 =	vmul.f32 $5.263155700e-02, v48  }
0x122: {  	[tilespmem:$0x1FF00] =	vst v0;
	v0 =	vld.idx.msk [tilespmem:v15+s17+$0x0], $0xffff;
	v31 =	vmul.f32 $5.263155700e-02, v31;
	v32 =	vadd.f32 $5.263157930e-02, v25;
	v25 =	vadd.s32 $0xC, v10  }
0x123: {  	v1 =	vmul.f32 $5.263157190e-02, v1;
	v2 =	vadd.f32 $1.578947310e-01, v2;
	v5 =	vadd.f32 $3.157894610e-01, v5  }
0x124: {  	[tilespmem:s24+$0x3080] =	vst v21;
	v3 =	vmul.f32 v11, v3;
	v22 =	vmul.f32 $5.263158680e-02, v22;
	v43 =	vld.idx.msk [tilespmem:v26+s17+$0x0], $0xffff;
	v26 =	vadd.f32 $2.631579040e-01, v4  }
0x125: {  	[tilespmem:s24+$0x6A80] =	vst v12;
	v1 =	vadd.f32 $1.052631590e-01, v1;
	v32 =	vmul.f32 v11, v32;
	v12 =	vmul.f32 v11, v2;
	v4 =	vld.idx.msk [tilespmem:v52+s17+$0x0], $0xffff  }
0x126: {  	[tilespmem:s24+$0x3180] =	vst v51;
	v15 =	vmul.f32 $5.263158680e-02, v53;
	v30 =	vmul.f32 v26, v11;
	v26 =	vadd.s32 $0xF, v10  }
0x127: {  	[tilespmem:s24+$0x4B00] =	vst v61;
	v61 =	vadd.s32 $0x11, v10;
	v5 =	vmul.f32 v5, v11;
	v0 =	vmul.f32 $5.263158680e-02, v0;
	v25 =	vld.idx.msk [tilespmem:v25+s17+$0x0], $0xffff  }
0x128: {  	[tilespmem:s24+$0x8B80] =	vst v59;
	v14 =	vmul.f32 v11, v1;
	v22 =	vadd.f32 $2.105263170e-01, v22;
	v2 =	vadd.f32 $3.684210480e-01, v15  }
0x129: {  	[tilespmem:s24+$0x4C00] =	vst v39;
	v48 =	vld.idx.msk [tilespmem:v36+s17+$0x0], $0xffff;
	v0 =	vadd.f32 $4.210526350e-01, v0;
	v10 =	vadd.s32 $0x12, v10;
	v43 =	vmul.f32 $5.263158680e-02, v43  }
0x12a: {  	[tilespmem:s24+$0x8A00] =	vst v56;
	v15 =	vld [tilespmem:$0x1FEA0];
	v22 =	vmul.f32 v22, v11;
	v4 =	vmul.f32 $5.263155700e-02, v4  }
0x12b: {  	[tilespmem:s24+$0x8A80] =	vst v62;
	v28 =	vmul.f32 v2, v11;
	v0 =	vmul.f32 v0, v11;
	v62 =	vadd.f32 $4.736842220e-01, v43;
	v52 =	vld.idx.msk [tilespmem:v26+s17+$0x0], $0xffff  }
0x12c: {  	v25 =	vmul.f32 $5.263161660e-02, v25;
	v4 =	vadd.f32 $5.263158080e-01, v4;
	v26 =	vadd.f32 $5.789473650e-01, v63;
	v43 =	vld.idx.msk [tilespmem:v44+s17+$0x0], $0xffff  }
0x12d: {  	[tilespmem:s24+$0x8B00] =	vst v57;
	v44 =	vld.idx.msk [tilespmem:v61+s17+$0x0], $0xffff;
	v61 =	vadd.f32 $6.842105390e-01, v31;
	v63 =	vmul.f32 v34, v42;
	v53 =	vmul.f32 v62, v11  }
0x12e: {  	v56 =	vadd.f32 v60, v6;
	v10 =	vld.idx.msk [tilespmem:v10+s17+$0x0], $0xffff;
	v1 =	vmul.f32 v4, v11;
	v57 =	vmul.f32 v26, v11  }
0x12f: {  	[tilespmem:s24+$0x8C00] =	vst v58;
	v36 =	vadd.f32 $6.315789220e-01, v25;
	v62 =	vmul.f32 v34, v38;
	v59 =	vmul.f32 v61, v11  }
0x130: {  	v32 =	vadd.f32 $7.000000030e-02, v32;
	[tilespmem:s24+$0x4B80] =	vst v15;
	v15 =	vmovc v34;
	v34 =	vmul.f32 $5.263161660e-02, v48;
	v61 =	vmul.f32 v41, v42  }
0x131: {  	[tilespmem:s24+$0x3300] =	vst v8;
	v60 =	vld [tilespmem:$0x1FEB0];
	v14 =	vadd.f32 $7.000000030e-02, v14;
	v36 =	vmul.f32 v36, v11;
	v39 =	vmul.f32 $5.263155700e-02, v52  }
0x132: {  	[tilespmem:s24+$0x7100] =	vst v54;
	v26 =	vadd.f32 v62, v7;
	v48 =	vmul.f32 $5.263155700e-02, v43;
	v21 =	vmul.f32 $5.263161660e-02, v44  }
0x133: {  	v24 =	vadd.f32 $7.368420950e-01, v34;
	v10 =	vmul.f32 $5.263155700e-02, v10;
	v31 =	vadd.f32 $7.894737120e-01, v39  }
0x134: {  	[tilespmem:s24+$0x9080] =	vst v55;
	v62 =	vmul.f32 v35, v38;
	v2 =	vadd.f32 $8.421052690e-01, v48;
	v21 =	vadd.f32 $8.947368260e-01, v21  }
0x135: {  	[tilespmem:s24+$0x7080] =	vst v17;
	v17 =	vmul.f32 v24, v11;
	v10 =	vadd.f32 $9.473684430e-01, v10;
	v43 =	vmul.f32 v31, v11  }
0x136: {  	[tilespmem:s24+$0x5080] =	vst v60;
	v55 =	vadd.f32 v61, v6;
	v60 =	vmul.f32 v2, v11;
	v61 =	vmul.f32 v21, v11  }
0x137: {  	[tilespmem:s24+$0x7300] =	vst v50;
	v10 =	vmul.f32 v10, v11;
	v11 =	vshll.u32 v49, $0x3;
	v21 =	vmul.f32 v45, v38  }
0x138: {  	[tilespmem:s24+$0x6C00] =	vst v20;
	v20 =	vmovc v35;
	v35 =	vmul.f32 v13, v38;
	v54 =	vadd.f32 v62, v7;
	v24 =	vor.u32 $0x1, v11  }
0x139: {  	[tilespmem:s24+$0x9100] =	vst v9;
	v62 =	vadd.f32 v18, v6;
	v25 =	vor.u32 $0x2, v11;
	v9 =	vor.u32 $0x3, v11  }
0x13a: {  	[tilespmem:s24+$0x3400] =	vst v41;
	v8 =	vld [tilespmem:$0x1FF10];
	v18 =	vor.u32 $0x4, v11;
	v51 =	vor.u32 $0x6, v11;
	v49 =	vadd.f32 v21, v7  }
0x13b: {  	[tilespmem:s24+$0x9180] =	vst v40;
	v44 =	vld [tilespmem:$0x1FED0];
	v21 =	vmovc v13;
	v13 =	vadd.f32 $7.000000030e-02, v3;
	v3 =	vor.u32 $0x5, v11;
	v11 =	vor.u32 $0x7, v11  }
0x13c: {  	[tilespmem:s24+$0x7180] =	vst v37;
	v40 =	vadd.f32 $7.000000030e-02, v22;
	v37 =	vadd.f32 $7.000000030e-02, v30;
	v4 =	vmul.f32 v41, v38;
	v38 =	vld [tilespmem:$0x1FEE0]  }
0x13d: {  	[tilespmem:s24+$0x3200] =	vst v19;
	v58 =	vadd.f32 v63, v6;
	v31 =	vadd.f32 $7.000000030e-02, v12;
	v12 =	vld.idx.msk [tilespmem:v24+s18+$0x0], $0xffff  }
0x13e: {  	[tilespmem:s24+$0x3900] =	vst v45;
	v59 =	vadd.f32 $7.000000030e-02, v59;
	v52 =	vadd.f32 v4, v7;
	v4 =	vmul.f32 v45, v42;
	v22 =	vld.idx.msk [tilespmem:v25+s18+$0x0], $0xffff  }
0x13f: {  	[tilespmem:s24+$0x3880] =	vst v20;
	v30 =	vadd.f32 $7.000000030e-02, v36;
	v24 =	vadd.f32 $7.000000030e-02, v5;
	v5 =	vld.idx.msk [tilespmem:v9+s18+$0x0], $0xffff  }
0x140: {  	[tilespmem:s24+$0x7200] =	vst v27;
	v48 =	vadd.f32 v4, v6;
	v4 =	vadd.f32 $7.000000030e-02, v53;
	v53 =	vld.idx.msk [tilespmem:v11+s18+$0x0], $0xffff  }
0x141: {  	[tilespmem:s24+$0x3280] =	vst v29;
	v35 =	vadd.f32 v35, v7;
	v39 =	vadd.f32 $7.000000030e-02, v28;
	v11 =	vld [tilespmem:$0x1FEF0]  }
0x142: {  	[tilespmem:s24+$0x9200] =	vst v47;
	v28 =	vadd.f32 $7.000000030e-02, v17;
	v9 =	vor.u32 $0x9, v23;
	v25 =	vadd.f32 $7.000000030e-02, v0;
	v0 =	vld.idx.msk [tilespmem:v18+s18+$0x0], $0xffff  }
0x143: {  	[tilespmem:s24+$0x5300] =	vst v8;
	v2 =	vadd.f32 $7.000000030e-02, v1;
	v1 =	vadd.f32 $7.000000030e-02, v57;
	v3 =	vld.idx.msk [tilespmem:v3+s18+$0x0], $0xffff  }
0x144: {  	v47 =	vor.u32 $0xA, v23;
	v8 =	vld [tilespmem:$0x1FF20];
	[tilespmem:s24+$0x5180] =	vst v44;
	v57 =	vadd.f32 $7.000000030e-02, v43;
	v36 =	vadd.f32 $7.000000030e-02, v61  }
0x145: {  	v34 =	vadd.f32 $7.000000030e-02, v10;
	[tilespmem:s24+$0x5200] =	vst v38;
	v44 =	vmul.f32 v21, v42;
	v38 =	vor.u32 $0x6, v23;
	v19 =	vld.idx.msk [tilespmem:v51+s18+$0x0], $0xffff  }
0x146: {  	v42 =	vor.u32 $0x7, v23;
	v43 =	vmul.f32 $5.000000070e-02, v22;
	v5 =	vmul.f32 $5.000000070e-02, v5;
	[tilespmem:s24+$0x5280] =	vst v11;
	v11 =	vld [tilespmem:$0x1FF00]  }
0x147: {  	[tilespmem:s24+$0x9300] =	vst v56;
	v18 =	vor.u32 $0x3, v23;
	v9 =	vld.idx.msk [tilespmem:v9+s19+$0x0], $0xffff;
	v12 =	vmul.f32 $5.000000070e-02, v12;
	v0 =	vmul.f32 $5.000000070e-02, v0  }
0x148: {  	[tilespmem:s24+$0x9280] =	vst v46;
	v46 =	vadd.f32 v43, v33;
	v5 =	vadd.f32 v5, v33;
	v3 =	vmul.f32 $5.000000070e-02, v3  }
0x149: {  	[tilespmem:s24+$0x3380] =	vst v15;
	v51 =	vor.u32 $0xB, v23;
	v44 =	vadd.f32 v44, v6;
	v10 =	vadd.f32 v12, v33  }
0x14a: {  	v63 =	vld [tilespmem:$0x1FEC0];
	[tilespmem:s24+$0x9380] =	vst v58;
	v0 =	vadd.f32 v0, v33;
	v22 =	vmin.f32 v46, v5;
	v3 =	vadd.f32 v3, v33  }
0x14b: {  	v47 =	vld.idx.msk [tilespmem:v47+s19+$0x0], $0xffff;
	[tilespmem:s24+$0x7280] =	vst v11;
	v11 =	vadd.f32 $7.000000030e-02, v60;
	v60 =	vmul.f32 $5.000000070e-02, v19;
	v19 =	vmul.f32 $5.000000070e-02, v53  }
0x14c: {  	[tilespmem:$0x1FFD0] =	vst v59;
	v5 =	vmax.f32 v46, v5;
	v29 =	vmul.f32 v9, v8;
	v27 =	vmin.f32 v0, v3  }
0x14d: {  	[tilespmem:s24+$0x7380] =	vst v26;
	v0 =	vmax.f32 v0, v3;
	v61 =	vadd.f32 v19, v33;
	v19 =	vmin.f32 v33, v10  }
0x14e: {  	[tilespmem:s24+$0x9400] =	vst v55;
	v9 =	vadd.f32 v60, v33;
	v10 =	vmax.f32 v33, v10;
	v43 =	vmin.f32 v19, v22  }
0x14f: {  	[tilespmem:s24+$0x5100] =	vst v63;
	v46 =	vmax.f32 v19, v22;
	v19 =	vmin.f32 v10, v5;
	v5 =	vmax.f32 v10, v5  }
0x150: {  	[tilespmem:s24+$0x7400] =	vst v52;
	v33 =	vmin.f32 v9, v61;
	v9 =	vmax.f32 v9, v61;
	v22 =	vmin.f32 v19, v46  }
0x151: {  	[tilespmem:s24+$0x7880] =	vst v54;
	v17 =	vmax.f32 v19, v46;
	v3 =	vmax.f32 v27, v33;
	v50 =	vmin.f32 v0, v9  }
0x152: {  	[tilespmem:s24+$0x9880] =	vst v62;
	v10 =	vmin.f32 v27, v33;
	v9 =	vmax.f32 v0, v9;
	v19 =	vmin.f32 v50, v3  }
0x153: {  	v62 =	vld [tilespmem:$0x1FF60];
	[tilespmem:s24+$0x7980] =	vst v35;
	v3 =	vmax.f32 v50, v3;
	v23 =	vmin.f32 v43, v10;
	v10 =	vmax.f32 v43, v10  }
0x154: {  	[tilespmem:$0x1FFA0] =	vst v4;
	v58 =	vmin.f32 v5, v9;
	v0 =	vmax.f32 v5, v9;
	v55 =	vmin.f32 v22, v19  }
0x155: {  	[tilespmem:s24+$0x9900] =	vst v48;
	v56 =	vmax.f32 v22, v19;
	v19 =	vmin.f32 v17, v3;
	v3 =	vmax.f32 v17, v3  }
0x156: {  	[tilespmem:$0x1FFB0] =	vst v2;
	v17 =	vmin.f32 v32, v36;
	v27 =	vmin.f32 v25, v0;
	v50 =	vmin.f32 v57, v23  }
0x157: {  	[tilespmem:$0x1FFE0] =	vst v57;
	v61 =	vmin.f32 v19, v10;
	v19 =	vmax.f32 v19, v10;
	v22 =	vmin.f32 v58, v56  }
0x158: {  	[tilespmem:s24+$0x5900] =	vst v62;
	v53 =	vld [tilespmem:$0x1FF40];
	v15 =	vmax.f32 v58, v56;
	v9 =	vmin.f32 v55, v61;
	v10 =	vmax.f32 v55, v61  }
0x159: {  	[tilespmem:s24+$0x7900] =	vst v49;
	v8 =	vld [tilespmem:$0x1FF30];
	v12 =	vmin.f32 v22, v19;
	v22 =	vmax.f32 v22, v19;
	v26 =	vmin.f32 v15, v3  }
0x15a: {  	v63 =	vmovc v21;
	v60 =	vld [tilespmem:$0x1FF50];
	v21 =	vmax.f32 v15, v3;
	v15 =	vmin.f32 v13, v11;
	v19 =	vmin.f32 v14, v34  }
0x15b: {  	v38 =	vld.idx.msk [tilespmem:v38+s19+$0x0], $0xffff;
	v33 =	vmin.f32 v4, v21;
	v43 =	vmin.f32 v2, v26;
	v45 =	vmin.f32 v1, v22  }
0x15c: {  	[tilespmem:s24+$0x3980] =	vst v63;
	v46 =	vmin.f32 v30, v12;
	v48 =	vmin.f32 v59, v10;
	v49 =	vmin.f32 v28, v9;
	v2 =	vld [tilespmem:$0x1FF70]  }
0x15d: {  	v41 =	vld [tilespmem:$0x1FF80];
	[tilespmem:s24+$0x5400] =	vst v53;
	v52 =	vmin.f32 v15, v27;
	v59 =	vmin.f32 v39, v50;
	v53 =	vmin.f32 v17, v33  }
0x15e: {  	[tilespmem:s24+$0x5380] =	vst v8;
	v54 =	vmin.f32 v19, v43;
	v55 =	vmin.f32 v31, v45;
	v56 =	vmin.f32 v40, v46  }
0x15f: {  	v8 =	vld [tilespmem:$0x1FF90];
	[tilespmem:s24+$0x5880] =	vst v60;
	v57 =	vmin.f32 v37, v48;
	v58 =	vmin.f32 v24, v49;
	v60 =	vmin.f32 v52, v56  }
0x160: {  	v3 =	vld.idx.msk [tilespmem:v18+s19+$0x0], $0xffff;
	v61 =	vmin.f32 v53, v57;
	v62 =	vmin.f32 v54, v58;
	v63 =	vmin.f32 v55, v59  }
0x161: {  	v4 =	vld.idx.msk [tilespmem:v42+s19+$0x0], $0xffff;
	v42 =	vmin.f32 v61, v63;
	v20 =	vadd.f32 v29, v2;
	v29 =	vmin.f32 v60, v62  }
0x162: {  	[tilespmem:$0x1FFC0] =	vst v1;
	v7 =	vadd.f32 v41, v38;
	v5 =	vld.idx.msk [tilespmem:v51+s19+$0x0], $0xffff;
	v51 =	vmin.f32 v29, v42  }
0x163: {  	[tilespmem:s24+$0x9980] =	vst v44;
	v6 =	vadd.f32 v20, v47;
	v20 =	vmul.f32 v51, v16  }
0x164: {  	[tilespmem:s24+$0x5980] =	vst v8;
	v35 =	vmul.f32 v51, v7  }
0x165: {  	v29 =	vmax.f32 v29, v42;
	[tilespmem:s24+$0x2090] =	vst v51;
	v20 =	vadd.f32 v20, v3;
	v41 =	vmul.f32 v51, v6  }
0x166: {  	[tilespmem:s24+$0x2110] =	vst v29;
	v2 =	vadd.f32 v35, v4;
	v35 =	vmul.f32 v29, v7  }
0x167: {  	[tilespmem:s24+$0x4090] =	vst v20;
	v20 =	vadd.f32 v41, v5  }
0x168: {  	v44 =	vmax.f32 v55, v59;
	v42 =	vmax.f32 v60, v62;
	[tilespmem:s24+$0x6090] =	vst v2;
	v2 =	vadd.f32 v35, v4  }
0x169: {  	v47 =	vmax.f32 v52, v56;
	v51 =	vmul.f32 v29, v16;
	v41 =	vmax.f32 v61, v63;
	[tilespmem:s24+$0x8090] =	vst v20  }
0x16a: {  	v60 =	vmul.f32 v29, v6;
	v29 =	vmax.f32 v54, v58;
	v61 =	vmin.f32 v42, v41;
	[tilespmem:s24+$0x6110] =	vst v2  }
0x16b: {  	v42 =	vmax.f32 v42, v41;
	v20 =	vadd.f32 v51, v3;
	v51 =	vmax.f32 v53, v57;
	[tilespmem:s24+$0x2190] =	vst v61  }
0x16c: {  	v52 =	vmin.f32 v47, v29;
	v63 =	vmul.f32 v61, v7;
	[tilespmem:s24+$0x2210] =	vst v42;
	v53 =	vmin.f32 v51, v44  }
0x16d: {  	[tilespmem:s24+$0x4110] =	vst v20;
	v20 =	vadd.f32 v60, v5;
	v58 =	vmin.f32 v52, v53  }
0x16e: {  	v62 =	vmul.f32 v61, v16;
	v2 =	vadd.f32 v63, v4;
	[tilespmem:s24+$0x2290] =	vst v58  }
0x16f: {  	v56 =	vmul.f32 v42, v7;
	[tilespmem:s24+$0x8110] =	vst v20  }
0x170: {  	v59 =	vmul.f32 v58, v16;
	v20 =	vadd.f32 v62, v3;
	[tilespmem:s24+$0x6190] =	vst v2;
	v62 =	vmax.f32 v52, v53  }
0x171: {  	v35 =	vmul.f32 v61, v6;
	v2 =	vadd.f32 v56, v4;
	[tilespmem:s24+$0x2310] =	vst v62  }
0x172: {  	v60 =	vmul.f32 v58, v7;
	v61 =	vadd.f32 v59, v3;
	[tilespmem:s24+$0x4190] =	vst v20  }
0x173: {  	v20 =	vadd.f32 v35, v5;
	[tilespmem:s24+$0x6210] =	vst v2  }
0x174: {  	v38 =	vmax.f32 v31, v45;
	v2 =	vadd.f32 v60, v4;
	[tilespmem:s24+$0x4290] =	vst v61  }
0x175: {  	v29 =	vmax.f32 v47, v29;
	v41 =	vmul.f32 v42, v16;
	v35 =	vmax.f32 v51, v44;
	[tilespmem:s24+$0x8190] =	vst v20  }
0x176: {  	v40 =	vmax.f32 v40, v46;
	v31 =	vmul.f32 v62, v7;
	v46 =	vmin.f32 v29, v35;
	[tilespmem:s24+$0x6290] =	vst v2  }
0x177: {  	v57 =	vmul.f32 v42, v6;
	v29 =	vmax.f32 v29, v35;
	v20 =	vadd.f32 v41, v3;
	[tilespmem:s24+$0x2390] =	vst v46  }
0x178: {  	v1 =	vmax.f32 v24, v49;
	v2 =	vadd.f32 v31, v4;
	v49 =	vmul.f32 v46, v7;
	[tilespmem:s24+$0x2410] =	vst v29  }
0x179: {  	v51 =	vmul.f32 v46, v6;
	[tilespmem:s24+$0x4210] =	vst v20;
	v20 =	vadd.f32 v57, v5  }
0x17a: {  	v54 =	vmul.f32 v29, v16;
	[tilespmem:s24+$0x6310] =	vst v2;
	v2 =	vadd.f32 v49, v4  }
0x17b: {  	v53 =	vadd.f32 v51, v5;
	v57 =	vmul.f32 v29, v7;
	[tilespmem:s24+$0x8210] =	vst v20;
	v20 =	vmul.f32 v58, v6  }
0x17c: {  	v27 =	vmax.f32 v15, v27;
	v59 =	vadd.f32 v54, v3;
	[tilespmem:s24+$0x6390] =	vst v2  }
0x17d: {  	[tilespmem:s24+$0x8390] =	vst v53;
	v2 =	vadd.f32 v57, v4;
	v63 =	vadd.f32 v20, v5;
	v20 =	vmul.f32 v62, v16  }
0x17e: {  	v33 =	vmax.f32 v17, v33;
	v19 =	vmax.f32 v19, v43;
	v60 =	vmul.f32 v29, v6;
	[tilespmem:s24+$0x4410] =	vst v59  }
0x17f: {  	v37 =	vmax.f32 v37, v48;
	[tilespmem:s24+$0x6410] =	vst v2;
	v45 =	vadd.f32 v20, v3;
	v20 =	vmul.f32 v62, v6  }
0x180: {  	v43 =	vmin.f32 v33, v37;
	v48 =	vmul.f32 v46, v16;
	[tilespmem:s24+$0x8290] =	vst v63;
	v62 =	vadd.f32 v60, v5  }
0x181: {  	v52 =	vmin.f32 v19, v1;
	[tilespmem:s24+$0x4310] =	vst v45;
	v47 =	vadd.f32 v20, v5;
	v20 =	vmax.f32 v39, v50  }
0x182: {  	v39 =	vmin.f32 v27, v40;
	v50 =	vadd.f32 v48, v3;
	[tilespmem:s24+$0x8410] =	vst v62;
	v55 =	vmin.f32 v38, v20  }
0x183: {  	v56 =	vmin.f32 v39, v52;
	[tilespmem:s24+$0x8310] =	vst v47;
	v58 =	vmin.f32 v43, v55  }
0x184: {  	[tilespmem:s24+$0x4390] =	vst v50;
	v50 =	vmax.f32 v39, v52;
	v61 =	vmin.f32 v56, v58  }
0x185: {  	v52 =	vmax.f32 v43, v55;
	v44 =	vmax.f32 v56, v58;
	v63 =	vmul.f32 v61, v16;
	[tilespmem:s24+$0x2890] =	vst v61  }
0x186: {  	v41 =	vmin.f32 v50, v52;
	v24 =	vmul.f32 v61, v7;
	[tilespmem:s24+$0x2910] =	vst v44  }
0x187: {  	v29 =	vmax.f32 v50, v52;
	v35 =	vmul.f32 v61, v6;
	[tilespmem:s24+$0x2990] =	vst v41;
	v31 =	vadd.f32 v63, v3  }
0x188: {  	v49 =	vmul.f32 v44, v16;
	[tilespmem:s24+$0x2A10] =	vst v29;
	v2 =	vadd.f32 v24, v4  }
0x189: {  	v54 =	vmul.f32 v44, v6;
	v48 =	vadd.f32 v35, v5;
	[tilespmem:s24+$0x4890] =	vst v31  }
0x18a: {  	v56 =	vmul.f32 v41, v16;
	v53 =	vadd.f32 v49, v3;
	[tilespmem:s24+$0x6890] =	vst v2  }
0x18b: {  	v59 =	vmul.f32 v41, v6;
	v55 =	vadd.f32 v54, v5;
	[tilespmem:s24+$0x8890] =	vst v48  }
0x18c: {  	v33 =	vmax.f32 v33, v37;
	v1 =	vmax.f32 v19, v1;
	v58 =	vadd.f32 v56, v3;
	[tilespmem:s24+$0x4910] =	vst v53  }
0x18d: {  	v27 =	vmax.f32 v27, v40;
	v20 =	vmax.f32 v38, v20;
	v19 =	vadd.f32 v59, v5;
	[tilespmem:s24+$0x8910] =	vst v55  }
0x18e: {  	v61 =	vmin.f32 v27, v1;
	v63 =	vmin.f32 v33, v20;
	[tilespmem:s24+$0x4990] =	vst v58  }
0x18f: {  	v8 =	vmax.f32 v14, v34;
	v51 =	vmul.f32 v44, v7;
	v34 =	vmin.f32 v61, v63;
	[tilespmem:s24+$0x8990] =	vst v19  }
0x190: {  	v42 =	vld [tilespmem:$0x1FFC0];
	v1 =	vmax.f32 v27, v1;
	v20 =	vmax.f32 v33, v20;
	v43 =	vmax.f32 v61, v63;
	[tilespmem:s24+$0x2A90] =	vst v34  }
0x191: {  	v17 =	vmax.f32 v13, v11;
	v39 =	vld [tilespmem:$0x1FFA0];
	v60 =	vmul.f32 v29, v16;
	v11 =	vmin.f32 v1, v20;
	[tilespmem:s24+$0x2B10] =	vst v43  }
0x192: {  	v24 =	vmul.f32 v29, v6;
	v1 =	vmax.f32 v1, v20;
	v2 =	vadd.f32 v51, v4;
	[tilespmem:s24+$0x2B90] =	vst v11  }
0x193: {  	v15 =	vmax.f32 v32, v36;
	v40 =	vld [tilespmem:$0x1FFB0];
	v57 =	vmul.f32 v41, v7;
	v31 =	vadd.f32 v60, v3;
	[tilespmem:s24+$0x2C10] =	vst v1  }
0x194: {  	v12 =	vmax.f32 v30, v12;
	v37 =	vadd.f32 v24, v5;
	v38 =	vmul.f32 v34, v16;
	[tilespmem:s24+$0x6910] =	vst v2  }
0x195: {  	v18 =	vmax.f32 v42, v22;
	v53 =	vmul.f32 v1, v7;
	v2 =	vadd.f32 v57, v4;
	[tilespmem:s24+$0x4A10] =	vst v31  }
0x196: {  	v46 =	vld [tilespmem:$0x1FFE0];
	v13 =	vmax.f32 v39, v21;
	v22 =	vmul.f32 v34, v6;
	[tilespmem:s24+$0x8A10] =	vst v37;
	v21 =	vadd.f32 v38, v3  }
0x197: {  	v9 =	vmax.f32 v28, v9;
	v62 =	vmul.f32 v29, v7;
	v56 =	vadd.f32 v53, v4;
	[tilespmem:s24+$0x6990] =	vst v2  }
0x198: {  	v44 =	vld [tilespmem:$0x1FFD0];
	v14 =	vmax.f32 v40, v26;
	[tilespmem:s24+$0x4A90] =	vst v21;
	v21 =	vadd.f32 v22, v5;
	v22 =	vmul.f32 v43, v16  }
0x199: {  	v19 =	vmax.f32 v25, v0;
	v41 =	vmul.f32 v34, v7;
	v2 =	vadd.f32 v62, v4;
	[tilespmem:s24+$0x6C10] =	vst v56  }
0x19a: {  	v45 =	vmul.f32 v43, v7;
	[tilespmem:s24+$0x8A90] =	vst v21;
	v21 =	vadd.f32 v22, v3;
	v22 =	vmul.f32 v43, v6  }
0x19b: {  	v0 =	vmax.f32 v46, v23;
	v47 =	vmin.f32 v15, v13;
	[tilespmem:s24+$0x6A10] =	vst v2;
	v2 =	vadd.f32 v41, v4  }
0x19c: {  	v48 =	vmin.f32 v8, v14;
	[tilespmem:s24+$0x4B10] =	vst v21;
	v21 =	vadd.f32 v22, v5;
	v22 =	vmul.f32 v11, v16  }
0x19d: {  	v49 =	vmul.f32 v11, v7;
	v10 =	vmax.f32 v44, v10;
	[tilespmem:s24+$0x6A90] =	vst v2;
	v2 =	vadd.f32 v45, v4  }
0x19e: {  	v23 =	vmin.f32 v17, v19;
	[tilespmem:s24+$0x8B10] =	vst v21;
	v21 =	vadd.f32 v22, v3;
	v22 =	vmul.f32 v11, v6  }
0x19f: {  	v50 =	vmin.f32 v23, v12;
	v51 =	vmin.f32 v47, v10;
	[tilespmem:s24+$0x6B10] =	vst v2;
	v2 =	vadd.f32 v49, v4  }
0x1a0: {  	v11 =	vmin.f32 v48, v9;
	[tilespmem:s24+$0x4B90] =	vst v21;
	v20 =	vadd.f32 v22, v5;
	v22 =	vmin.f32 v18, v0  }
0x1a1: {  	v52 =	vmin.f32 v50, v11;
	v11 =	vmax.f32 v50, v11;
	[tilespmem:s24+$0x6B90] =	vst v2;
	v54 =	vmin.f32 v51, v22  }
0x1a2: {  	v21 =	vmul.f32 v1, v16;
	v22 =	vmax.f32 v51, v22;
	[tilespmem:s24+$0x8B90] =	vst v20;
	v55 =	vmin.f32 v52, v54  }
0x1a3: {  	v26 =	vmin.f32 v11, v22;
	[tilespmem:s24+$0x3090] =	vst v55  }
0x1a4: {  	v20 =	vadd.f32 v21, v3;
	v21 =	vmul.f32 v1, v6;
	v11 =	vmax.f32 v11, v22;
	[tilespmem:s24+$0x3190] =	vst v26  }
0x1a5: {  	v58 =	vmul.f32 v55, v7;
	[tilespmem:s24+$0x3210] =	vst v11  }
0x1a6: {  	[tilespmem:s24+$0x4C10] =	vst v20;
	v57 =	vadd.f32 v21, v5;
	v20 =	vmul.f32 v55, v16;
	v21 =	vmax.f32 v52, v54  }
0x1a7: {  	v1 =	vadd.f32 v58, v4;
	v61 =	vmul.f32 v21, v7;
	[tilespmem:s24+$0x3110] =	vst v21  }
0x1a8: {  	[tilespmem:s24+$0x8C10] =	vst v57;
	v59 =	vadd.f32 v20, v3;
	v20 =	vmul.f32 v55, v6  }
0x1a9: {  	v27 =	vmul.f32 v26, v7;
	[tilespmem:s24+$0x7090] =	vst v1;
	v1 =	vadd.f32 v61, v4  }
0x1aa: {  	v12 =	vmax.f32 v23, v12;
	[tilespmem:s24+$0x5090] =	vst v59;
	v60 =	vadd.f32 v20, v5;
	v20 =	vmul.f32 v21, v16  }
0x1ab: {  	v10 =	vmax.f32 v47, v10;
	v9 =	vmax.f32 v48, v9;
	[tilespmem:s24+$0x7110] =	vst v1;
	v1 =	vadd.f32 v27, v4  }
0x1ac: {  	v0 =	vmax.f32 v18, v0;
	v30 =	vmul.f32 v11, v7;
	[tilespmem:s24+$0x9090] =	vst v60;
	v62 =	vadd.f32 v20, v3  }
0x1ad: {  	v18 =	vmin.f32 v12, v9;
	v20 =	vmul.f32 v21, v6;
	v21 =	vmin.f32 v10, v0;
	[tilespmem:s24+$0x7190] =	vst v1  }
0x1ae: {  	v22 =	vmin.f32 v18, v21;
	v1 =	vadd.f32 v30, v4;
	[tilespmem:s24+$0x5110] =	vst v62  }
0x1af: {  	v18 =	vmax.f32 v18, v21;
	v63 =	vadd.f32 v20, v5;
	v20 =	vmul.f32 v26, v16;
	[tilespmem:s24+$0x3290] =	vst v22  }
0x1b0: {  	v0 =	vmax.f32 v10, v0;
	v33 =	vmul.f32 v22, v7;
	[tilespmem:s24+$0x3310] =	vst v18  }
0x1b1: {  	v10 =	vmul.f32 v18, v6;
	[tilespmem:s24+$0x7210] =	vst v1;
	v28 =	vadd.f32 v20, v3;
	v20 =	vmul.f32 v26, v6  }
0x1b2: {  	v36 =	vmul.f32 v18, v7;
	[tilespmem:s24+$0x9110] =	vst v63;
	v1 =	vadd.f32 v33, v4  }
0x1b3: {  	v38 =	vadd.f32 v10, v5;
	[tilespmem:s24+$0x5190] =	vst v28;
	v29 =	vadd.f32 v20, v5;
	v20 =	vmul.f32 v11, v16  }
0x1b4: {  	[tilespmem:s24+$0x7290] =	vst v1;
	v1 =	vadd.f32 v36, v4  }
0x1b5: {  	[tilespmem:s24+$0x9310] =	vst v38;
	v31 =	vadd.f32 v20, v3;
	v20 =	vmul.f32 v11, v6;
	v11 =	vmul.f32 v22, v16  }
0x1b6: {  	[tilespmem:s24+$0x9190] =	vst v29  }
0x1b7: {  	[tilespmem:s24+$0x7310] =	vst v1;
	v32 =	vadd.f32 v20, v5;
	v34 =	vadd.f32 v11, v3;
	v11 =	vmul.f32 v22, v6  }
0x1b8: {  	[tilespmem:s24+$0x5210] =	vst v31  }
0x1b9: {  	[tilespmem:s24+$0x9210] =	vst v32;
	v35 =	vadd.f32 v11, v5;
	v11 =	vmul.f32 v18, v16  }
0x1ba: {  	v9 =	vmax.f32 v12, v9;
	[tilespmem:s24+$0x5290] =	vst v34  }
0x1bb: {  	[tilespmem:s24+$0x9290] =	vst v35;
	v37 =	vadd.f32 v11, v3;
	v11 =	vmin.f32 v9, v0  }
0x1bc: {  	v42 =	vmax.f32 v8, v14;
	v0 =	vmax.f32 v9, v0;
	v10 =	vmul.f32 v11, v16;
	[tilespmem:s24+$0x3390] =	vst v11  }
0x1bd: {  	v9 =	vmax.f32 v17, v19;
	v39 =	vmul.f32 v11, v7;
	v43 =	vmul.f32 v0, v7;
	[tilespmem:s24+$0x3410] =	vst v0  }
0x1be: {  	v44 =	vmin.f32 v9, v42;
	v9 =	vmax.f32 v9, v42;
	[tilespmem:s24+$0x5310] =	vst v37;
	v40 =	vadd.f32 v10, v3  }
0x1bf: {  	[tilespmem:s24+$0x3990] =	vst v9;
	v1 =	vadd.f32 v39, v4  }
0x1c0: {  	v59 =	vmul.f32 v9, v16;
	v47 =	vadd.f32 v43, v4;
	[tilespmem:s24+$0x5390] =	vst v40  }
0x1c1: {  	v62 =	vmul.f32 v9, v6;
	v10 =	vmul.f32 v11, v6;
	v11 =	vmax.f32 v15, v13;
	[tilespmem:s24+$0x7390] =	vst v1  }
0x1c2: {  	v46 =	vmin.f32 v44, v11;
	v61 =	vadd.f32 v59, v3;
	[tilespmem:s24+$0x7410] =	vst v47  }
0x1c3: {  	v63 =	vadd.f32 v62, v5;
	v41 =	vadd.f32 v10, v5;
	v10 =	vmul.f32 v0, v16;
	[tilespmem:s24+$0x3890] =	vst v46  }
0x1c4: {  	v49 =	vmul.f32 v46, v16;
	[tilespmem:s24+$0x5990] =	vst v61  }
0x1c5: {  	v50 =	vmul.f32 v46, v7;
	[tilespmem:s24+$0x9990] =	vst v63;
	v45 =	vadd.f32 v10, v3  }
0x1c6: {  	v52 =	vmul.f32 v46, v6;
	[tilespmem:s24+$0x9390] =	vst v41;
	v10 =	vmul.f32 v0, v6;
	v51 =	vadd.f32 v49, v3  }
0x1c7: {  	v0 =	vadd.f32 v50, v4;
	[tilespmem:s24+$0x5410] =	vst v45  }
0x1c8: {  	v53 =	vadd.f32 v52, v5;
	v48 =	vadd.f32 v10, v5;
	v10 =	vmax.f32 v44, v11;
	[tilespmem:s24+$0x5890] =	vst v51  }
0x1c9: {  	[tilespmem:s24+$0x7890] =	vst v0;
	v54 =	vmul.f32 v10, v16  }
0x1ca: {  	[tilespmem:s24+$0x9890] =	vst v53;
	v55 =	vmul.f32 v10, v7  }
0x1cb: {  	p0 =	slt.u32 s23, $0x6;
	v57 =	vmul.f32 v10, v6;
	[tilespmem:s24+$0x3910] =	vst v10;
	v56 =	vadd.f32 v54, v3  }
.Ltmp2:
0x1cc: {  	v60 =	vmul.f32 v9, v7;
	[tilespmem:s24+$0x9410] =	vst v48;
	v0 =	vadd.f32 v55, v4;
	(pc) =	sbr.rel @p0 .LBB2_6-.Ltmp2, $4  }
0x1cd: {  	v58 =	vadd.f32 v57, v5;
	[tilespmem:s24+$0x5910] =	vst v56  }
0x1ce: {  	[tilespmem:s24+$0x7910] =	vst v0;
	v0 =	vadd.f32 v60, v4  }
0x1cf: {  	s31 =	sadd.s32 $0x2, s23;
	[tilespmem:s24+$0x9910] =	vst v58  }
0x1d0: {  	s23 =	smov.u32 s31;
	v20 =	vld [tilespmem:$0x1FFF0];
	v9 =	vlaneseq.u32;
	[tilespmem:s24+$0x7990] =	vst v0  }
0x1d1: {  	s23 =	simm.s32 $0x0;
	s0 =	simm.s32 $0x2080  }
0x1d2: {  	[hbm4b:s10+s23] =	stream.linear.scatter [tilespmem:s0], [sflag:$0x1], $0x400, $0x38;
	[tilespmem:$0xA080] =	vst v63  }
0x1d3: {  	s31 =	sadd.s32 $0x2000, s10;
	s1 =	simm.s32 $0x2880  }
0x1d4: {  	[hbm4b:s31+s23] =	stream.linear.scatter [tilespmem:s1], [sflag:$0x1], $0x400, $0x38;
	[tilespmem:$0xA080] =	vst v63  }
0x1d5: {  	s4 =	sadd.s32 $0x4000, s10;
	s5 =	simm.s32 $0x3080  }
0x1d6: {  	[hbm4b:s4+s23] =	stream.linear.scatter [tilespmem:s5], [sflag:$0x1], $0x400, $0x38;
	[tilespmem:$0xA080] =	vst v63  }
0x1d7: {  	s6 =	sadd.s32 $0x6000, s10;
	s7 =	simm.s32 $0x3880  }
0x1d8: {  	[hbm4b:s6+s23] =	stream.linear.scatter [tilespmem:s7], [sflag:$0x1], $0x400, $0x38;
	[tilespmem:$0xA080] =	vst v63  }
0x1d9: {  	s8 =	simm.s32 $0x4080  }
0x1da: {  	[hbm4b:s11+s23] =	stream.linear.scatter [tilespmem:s8], [sflag:$0x1], $0x400, $0x38;
	[tilespmem:$0xA080] =	vst v63  }
0x1db: {  	s9 =	sadd.s32 $0x2000, s11;
	s15 =	simm.s32 $0x4880  }
0x1dc: {  	[hbm4b:s9+s23] =	stream.linear.scatter [tilespmem:s15], [sflag:$0x1], $0x400, $0x38;
	[tilespmem:$0xA080] =	vst v63  }
0x1dd: {  	s16 =	sadd.s32 $0x4000, s11;
	s21 =	simm.s32 $0x5080  }
0x1de: {  	[hbm4b:s16+s23] =	stream.linear.scatter [tilespmem:s21], [sflag:$0x1], $0x400, $0x38;
	[tilespmem:$0xA080] =	vst v63  }
0x1df: {  	s24 =	sadd.s32 $0x6000, s11;
	s25 =	simm.s32 $0x5880  }
0x1e0: {  	[hbm4b:s24+s23] =	stream.linear.scatter [tilespmem:s25], [sflag:$0x1], $0x400, $0x38;
	[tilespmem:$0xA080] =	vst v63  }
0x1e1: {  	s30 =	sadd.s32 $0x8000, s11;
	s31 =	simm.s32 $0x6080  }
0x1e2: {  	[hbm4b:s30+s23] =	stream.linear.scatter [tilespmem:s31], [sflag:$0x1], $0x400, $0x38;
	[tilespmem:$0xA080] =	vst v63  }
0x1e3: {  	s1 =	sadd.s32 $0xA000, s11;
	s4 =	simm.s32 $0x6880  }
0x1e4: {  	[hbm4b:s1+s23] =	stream.linear.scatter [tilespmem:s4], [sflag:$0x1], $0x400, $0x38;
	[tilespmem:$0xA080] =	vst v63  }
0x1e5: {  	s5 =	sadd.s32 $0xC000, s11;
	s6 =	simm.s32 $0x7080  }
0x1e6: {  	[hbm4b:s5+s23] =	stream.linear.scatter [tilespmem:s6], [sflag:$0x1], $0x400, $0x38;
	[tilespmem:$0xA080] =	vst v63  }
0x1e7: {  	s7 =	sadd.s32 $0xE000, s11;
	s8 =	simm.s32 $0x7880  }
0x1e8: {  	[hbm4b:s7+s23] =	stream.linear.scatter [tilespmem:s8], [sflag:$0x1], $0x400, $0x38;
	[tilespmem:$0xA080] =	vst v63  }
0x1e9: {  	s28 =	simm.s32 $0x400;
	s9 =	sadd.s32 $0x10000, s11;
	s15 =	simm.s32 $0x8080  }
0x1ea: {  	[hbm4b:s9+s23] =	stream.linear.scatter [tilespmem:s15], [sflag:$0x1], $0x400, $0x38;
	[tilespmem:$0xA080] =	vst v63  }
0x1eb: {  	s29 =	simm.s32 $0x90;
	s16 =	sadd.s32 $0x12000, s11;
	s21 =	simm.s32 $0x8880  }
0x1ec: {  	[hbm4b:s16+s23] =	stream.linear.scatter [tilespmem:s21], [sflag:$0x1], $0x400, $0x38;
	[tilespmem:$0xA080] =	vst v63  }
0x1ed: {  	s24 =	sadd.s32 $0x14000, s11;
	s25 =	simm.s32 $0x9080;
	s30 =	sadd.s32 $0x16000, s11  }
0x1ee: {  	[hbm4b:s24+s23] =	stream.linear.scatter [tilespmem:s25], [sflag:$0x1], $0x400, $0x38;
	[tilespmem:$0xA080] =	vst v63  }
0x1ef: {  	s31 =	simm.s32 $0x9880;
	s24 =	simm.s32 $0x6;
	s25 =	simm.s32 $0x490  }
0x1f0: {  	[hbm4b:s30+s23] =	stream.linear.scatter [tilespmem:s31], [sflag:$0x1], $0x400, $0x38;
	[tilespmem:$0xA080] =	vst v63  }
.LBB2_8:
0x1f1: {  	s4 =	sshra.s32 s23, $0x2  }
0x1f2: {  	v0 =	vld [tilespmem:s4+$0x80];
	_ =	sdelay $0x4  }
0x1f3: {  	v17 =	vld [tilespmem:s4+$0x180];
	v5 =	vshll.u32 v0, $0x4  }
0x1f4: {  	v2 =	vor.u32 $0x1, v5  }
0x1f5: {  	v1 =	vld [tilespmem:s4+$0x280];
	v3 =	vor.u32 $0x4, v5  }
0x1f6: {  	s0 =	sadd.s32 $0xFFFFFFF0, s29;
	v7 =	vld [tilespmem:s4+$0x480];
	v6 =	vor.u32 $0x5, v5  }
0x1f7: {  	v16 =	vor.u32 s0, v9;
	v8 =	vor.u32 $0x8, v5  }
0x1f8: {  	v0 =	vcvt.s32.f32 v17;
	v17 =	vmul.u32 $0x13, v16;
	v9 =	vor.u32 $0x9, v5;
	v4 =	vld.idx.msk [tilespmem:v5+s19+$0x0], $0xffff  }
0x1f9: {  	v2 =	vld.idx.msk [tilespmem:v2+s19+$0x0], $0xffff  }
0x1fa: {  	v11 =	vadd.s32 $0x1, v17;
	v3 =	vld.idx.msk [tilespmem:v3+s19+$0x0], $0xffff  }
0x1fb: {  	v1 =	vcvt.s32.f32 v1;
	v13 =	vadd.f32 $9.999999930e-09, v7;
	v14 =	vadd.s32 $0x2, v17;
	v6 =	vld.idx.msk [tilespmem:v6+s19+$0x0], $0xffff  }
0x1fc: {  	v27 =	vadd.s32 $0x6, v17;
	v8 =	vld.idx.msk [tilespmem:v8+s19+$0x0], $0xffff  }
0x1fd: {  	v1 =	vadd.f32 $-3.195000000e+02, v1;
	v18 =	vand.u32 $0x80000000, v13;
	v21 =	vadd.s32 $0x8, v17;
	v9 =	vld.idx.msk [tilespmem:v9+s19+$0x0], $0xffff  }
0x1fe: {  	vm0 =	vlt.f32 v13, $0.0e+00;
	vm1 =	vgt.f32 v13, $0.0e+00;
	v23 =	vadd.s32 $0xD, v17;
	v19 =	vld.idx.msk [tilespmem:v17+s17+$0x0], $0xffff  }
0x1ff: {  	v18 =	vor.u32 v18, v20;
	vm0 =	vmor vm1, vm0;
	v20 =	vadd.s32 $0x4, v17;
	v11 =	vld.idx.msk [tilespmem:v11+s17+$0x0], $0xffff  }
0x200: {  	v0 =	vadd.f32 $-2.395000000e+02, v0;
	v13 =	vsel vm0, v18, v13;
	v18 =	vadd.s32 $0x3, v17;
	v14 =	vld.idx.msk [tilespmem:v14+s17+$0x0], $0xffff  }
0x201: {  	v16 =	vshll.u32 v16, $0x3;
	v10 =	vor.u32 $0x2, v5;
	v13 =	vmul.f32 $1.000000010e-01, v13;
	v31 =	vld.idx.msk [tilespmem:v27+s17+$0x0], $0xffff  }
0x202: {  	v12 =	vor.u32 $0x6, v5;
	v1 =	vmul.f32 $1.666666710e-03, v1;
	v0 =	vmul.f32 $1.666666710e-03, v0;
	v34 =	vld.idx.msk [tilespmem:v21+s17+$0x0], $0xffff  }
0x203: {  	v15 =	vor.u32 $0xA, v5;
	v25 =	vadd.f32 v13, v7;
	v21 =	vadd.s32 $0xC, v17;
	v23 =	vld.idx.msk [tilespmem:v23+s17+$0x0], $0xffff  }
0x204: {  	v27 =	vor.u32 $0x1, v16;
	v20 =	vld.idx.msk [tilespmem:v20+s17+$0x0], $0xffff;
	v4 =	vmul.f32 v1, v4;
	v2 =	vmul.f32 v0, v2  }
0x205: {  	v28 =	vld.idx.msk [tilespmem:v18+s17+$0x0], $0xffff;
	v18 =	vadd.s32 $0x7, v17;
	v3 =	vmul.f32 v3, v1;
	v6 =	vmul.f32 v6, v0  }
0x206: {  	v1 =	vmul.f32 v8, v1;
	v8 =	vadd.s32 $0x5, v17;
	v0 =	vmul.f32 v9, v0  }
0x207: {  	v10 =	vld.idx.msk [tilespmem:v10+s19+$0x0], $0xffff;
	v9 =	vmul.f32 $5.263157930e-02, v19;
	v19 =	vadd.f32 $-7.000000030e-02, v25;
	v25 =	vadd.s32 $0xF, v17  }
0x208: {  	v24 =	vld.idx.msk [tilespmem:v12+s19+$0x0], $0xffff;
	v11 =	vmul.f32 $5.263157930e-02, v11;
	v14 =	vmul.f32 $5.263157190e-02, v14;
	v2 =	vadd.f32 v4, v2  }
0x209: {  	v26 =	vld.idx.msk [tilespmem:v15+s19+$0x0], $0xffff;
	v23 =	vmul.f32 $5.263155700e-02, v23;
	v3 =	vadd.f32 v6, v3;
	v9 =	vadd.f32 $0.0e+00, v9  }
0x20a: {  	v6 =	vor.u32 $0x3, v5;
	v0 =	vadd.f32 v0, v1;
	v33 =	vmul.f32 $5.263158680e-02, v20  }
0x20b: {  	v20 =	vadd.s32 $0xB, v17;
	v1 =	vmul.f32 $5.263158680e-02, v31;
	v31 =	vor.u32 $0x5, v16  }
0x20c: {  	v29 =	vadd.f32 $5.263157930e-02, v11;
	v11 =	vadd.f32 $1.052631590e-01, v14;
	v32 =	vld.idx.msk [tilespmem:v18+s17+$0x0], $0xffff;
	v18 =	vadd.s32 $0x9, v17  }
0x20d: {  	v14 =	vmul.f32 $5.263158680e-02, v34;
	v23 =	vadd.f32 $6.842105390e-01, v23;
	v2 =	vadd.f32 v2, v10  }
0x20e: {  	v21 =	vld.idx.msk [tilespmem:v21+s17+$0x0], $0xffff;
	v9 =	vmul.f32 v19, v9;
	v4 =	vadd.f32 v3, v24;
	v35 =	vadd.f32 v0, v26  }
0x20f: {  	v0 =	vadd.f32 $2.105263170e-01, v33;
	v1 =	vadd.f32 $3.157894610e-01, v1;
	v24 =	vadd.s32 $0xE, v17  }
0x210: {  	v26 =	vadd.s32 $0x11, v17;
	v30 =	vmul.f32 v19, v29;
	v14 =	vadd.f32 $4.210526350e-01, v14  }
0x211: {  	v23 =	vmul.f32 v23, v19;
	v10 =	vadd.f32 $7.000000030e-02, v9;
	v9 =	vmul.f32 v19, v11  }
0x212: {  	v8 =	vld.idx.msk [tilespmem:v8+s17+$0x0], $0xffff;
	v29 =	vor.u32 $0x3, v16;
	v11 =	vmul.f32 $5.263158680e-02, v28;
	v0 =	vmul.f32 v0, v19  }
0x213: {  	v1 =	vmul.f32 v1, v19;
	v21 =	vmul.f32 $5.263161660e-02, v21;
	v28 =	vor.u32 $0x2, v16  }
0x214: {  	v25 =	vld.idx.msk [tilespmem:v25+s17+$0x0], $0xffff;
	v12 =	vadd.f32 $7.000000030e-02, v30;
	v38 =	vmul.f32 v14, v19;
	v23 =	vadd.f32 $7.000000030e-02, v23  }
0x215: {  	v30 =	vor.u32 $0x4, v16;
	v15 =	vadd.f32 $7.000000030e-02, v9;
	v9 =	vadd.f32 $1.578947310e-01, v11  }
0x216: {  	v20 =	vld.idx.msk [tilespmem:v20+s17+$0x0], $0xffff;
	v11 =	vadd.s32 $0xA, v17;
	v13 =	vmul.f32 $5.263158680e-02, v32;
	v21 =	vadd.f32 $6.315789220e-01, v21  }
0x217: {  	v18 =	vld.idx.msk [tilespmem:v18+s17+$0x0], $0xffff;
	v32 =	vor.u32 $0x6, v16;
	v8 =	vmul.f32 $5.263155700e-02, v8;
	v9 =	vmul.f32 v19, v9  }
0x218: {  	v31 =	vld.idx.msk [tilespmem:v31+s18+$0x0], $0xffff;
	v16 =	vor.u32 $0x7, v16;
	v13 =	vadd.f32 $3.684210480e-01, v13;
	v21 =	vmul.f32 v21, v19  }
0x219: {  	v24 =	vld.idx.msk [tilespmem:v24+s17+$0x0], $0xffff;
	v25 =	vmul.f32 $5.263155700e-02, v25;
	v22 =	vadd.f32 $2.631579040e-01, v8;
	v8 =	vadd.f32 $7.000000030e-02, v9  }
0x21a: {  	v26 =	vld.idx.msk [tilespmem:v26+s17+$0x0], $0xffff;
	v9 =	vadd.f32 $7.000000030e-02, v0;
	v37 =	vmul.f32 v13, v19;
	v13 =	vadd.f32 $7.000000030e-02, v1  }
0x21b: {  	v29 =	vld.idx.msk [tilespmem:v29+s18+$0x0], $0xffff;
	v1 =	vadd.f32 $7.000000030e-02, v38;
	v20 =	vmul.f32 $5.263155700e-02, v20;
	v21 =	vadd.f32 $7.000000030e-02, v21  }
0x21c: {  	v25 =	vadd.f32 $7.894737120e-01, v25;
	v39 =	vmul.f32 $5.263158680e-02, v18;
	v18 =	vadd.s32 $0x10, v17  }
0x21d: {  	v30 =	vld.idx.msk [tilespmem:v30+s18+$0x0], $0xffff;
	v31 =	vmul.f32 $5.000000070e-02, v31;
	v17 =	vadd.s32 $0x12, v17;
	v36 =	vmul.f32 v22, v19  }
0x21e: {  	v32 =	vld.idx.msk [tilespmem:v32+s18+$0x0], $0xffff;
	v14 =	vadd.f32 $7.000000030e-02, v37;
	v20 =	vadd.f32 $5.789473650e-01, v20;
	v24 =	vmul.f32 $5.263161660e-02, v24  }
0x21f: {  	v16 =	vld.idx.msk [tilespmem:v16+s18+$0x0], $0xffff;
	v26 =	vmul.f32 $5.263161660e-02, v26;
	v25 =	vmul.f32 v25, v19;
	v31 =	vadd.f32 v31, v7  }
0x220: {  	v22 =	vld.idx.msk [tilespmem:v11+s17+$0x0], $0xffff;
	v0 =	vadd.f32 $4.736842220e-01, v39;
	v41 =	vmul.f32 $5.000000070e-02, v29;
	v11 =	vadd.f32 $7.000000030e-02, v36  }
0x221: {  	v20 =	vmul.f32 v20, v19;
	v24 =	vadd.f32 $7.368420950e-01, v24;
	v26 =	vadd.f32 $8.947368260e-01, v26;
	v18 =	vld.idx.msk [tilespmem:v18+s17+$0x0], $0xffff  }
0x222: {  	v25 =	vadd.f32 $7.000000030e-02, v25;
	v0 =	vmul.f32 v0, v19;
	v30 =	vmul.f32 $5.000000070e-02, v30;
	v17 =	vld.idx.msk [tilespmem:v17+s17+$0x0], $0xffff  }
0x223: {  	v20 =	vadd.f32 $7.000000030e-02, v20;
	v24 =	vmul.f32 v24, v19;
	v26 =	vmul.f32 v26, v19  }
0x224: {  	v32 =	vmul.f32 $5.000000070e-02, v32;
	v33 =	vmul.f32 $5.000000070e-02, v16;
	v16 =	vor.u32 $0xB, v5  }
0x225: {  	v22 =	vmul.f32 $5.263155700e-02, v22;
	v0 =	vadd.f32 $7.000000030e-02, v0;
	v30 =	vadd.f32 v30, v7  }
0x226: {  	v27 =	vld.idx.msk [tilespmem:v27+s18+$0x0], $0xffff;
	v24 =	vadd.f32 $7.000000030e-02, v24;
	v26 =	vadd.f32 $7.000000030e-02, v26;
	v18 =	vmul.f32 $5.263155700e-02, v18  }
0x227: {  	v28 =	vld.idx.msk [tilespmem:v28+s18+$0x0], $0xffff;
	v43 =	vadd.f32 v32, v7;
	v44 =	vadd.f32 v33, v7;
	v17 =	vmul.f32 $5.263155700e-02, v17  }
0x228: {  	v22 =	vadd.f32 $5.263158080e-01, v22;
	v46 =	vmin.f32 v30, v31;
	v18 =	vadd.f32 $8.421052690e-01, v18  }
0x229: {  	v30 =	vmax.f32 v30, v31;
	v47 =	vmin.f32 v43, v44;
	v17 =	vadd.f32 $9.473684430e-01, v17  }
0x22a: {  	v36 =	vmin.f32 v12, v26;
	v22 =	vmul.f32 v22, v19;
	v18 =	vmul.f32 v18, v19  }
0x22b: {  	v12 =	vmax.f32 v12, v26;
	v17 =	vmul.f32 v17, v19;
	v19 =	vmul.f32 $5.000000070e-02, v27  }
0x22c: {  	v22 =	vadd.f32 $7.000000030e-02, v22;
	v40 =	vadd.f32 $7.000000030e-02, v18;
	v18 =	vmul.f32 $5.000000070e-02, v28  }
0x22d: {  	v50 =	vmin.f32 v46, v47;
	v17 =	vadd.f32 $7.000000030e-02, v17;
	v19 =	vadd.f32 v19, v7  }
0x22e: {  	v29 =	vmax.f32 v46, v47;
	v28 =	vadd.f32 v41, v7;
	v42 =	vadd.f32 v18, v7  }
0x22f: {  	v18 =	vor.u32 $0x7, v5;
	v45 =	vmin.f32 v7, v19;
	v7 =	vmax.f32 v7, v19  }
0x230: {  	v5 =	vmax.f32 v43, v44;
	v63 =	vmin.f32 v10, v40;
	v10 =	vmax.f32 v10, v40  }
0x231: {  	v37 =	vmin.f32 v15, v17;
	v15 =	vmax.f32 v15, v17;
	v51 =	vmin.f32 v30, v5  }
0x232: {  	v5 =	vmax.f32 v30, v5;
	v19 =	vmin.f32 v42, v28;
	v28 =	vmax.f32 v42, v28  }
0x233: {  	v53 =	vmin.f32 v51, v29;
	v29 =	vmax.f32 v51, v29;
	v48 =	vmin.f32 v45, v19  }
0x234: {  	v19 =	vmax.f32 v45, v19;
	v49 =	vmin.f32 v7, v28;
	v7 =	vmax.f32 v7, v28  }
0x235: {  	v52 =	vmin.f32 v49, v19;
	v19 =	vmax.f32 v49, v19;
	v54 =	vmin.f32 v48, v50  }
0x236: {  	v28 =	vmax.f32 v48, v50;
	v57 =	vmin.f32 v7, v5;
	v5 =	vmax.f32 v7, v5  }
0x237: {  	v55 =	vmin.f32 v52, v53;
	v30 =	vmax.f32 v52, v53;
	v56 =	vmin.f32 v19, v29  }
0x238: {  	v19 =	vmax.f32 v19, v29;
	v38 =	vmin.f32 v1, v5;
	v1 =	vmax.f32 v1, v5  }
0x239: {  	v43 =	vmin.f32 v25, v54;
	v25 =	vmax.f32 v25, v54;
	v58 =	vmin.f32 v56, v28  }
0x23a: {  	v28 =	vmax.f32 v56, v28;
	v59 =	vmin.f32 v57, v30;
	v29 =	vmax.f32 v57, v30  }
0x23b: {  	v44 =	vmin.f32 v63, v38;
	v17 =	vmax.f32 v63, v38;
	v51 =	vmin.f32 v10, v1  }
0x23c: {  	v1 =	vmax.f32 v10, v1;
	v60 =	vmin.f32 v55, v58;
	v7 =	vmax.f32 v55, v58  }
0x23d: {  	v61 =	vmin.f32 v59, v28;
	v62 =	vmin.f32 v29, v19;
	v19 =	vmax.f32 v29, v19  }
0x23e: {  	v28 =	vmax.f32 v59, v28;
	v39 =	vmin.f32 v0, v19;
	v0 =	vmax.f32 v0, v19  }
0x23f: {  	v19 =	vmin.f32 v22, v62;
	v22 =	vmax.f32 v22, v62;
	v40 =	vmin.f32 v20, v28  }
0x240: {  	v20 =	vmax.f32 v20, v28;
	v41 =	vmin.f32 v21, v61;
	v21 =	vmax.f32 v21, v61  }
0x241: {  	v42 =	vmin.f32 v23, v7;
	v7 =	vmax.f32 v23, v7;
	v23 =	vmin.f32 v24, v60  }
0x242: {  	v24 =	vmax.f32 v24, v60;
	v45 =	vmin.f32 v36, v39;
	v5 =	vmax.f32 v36, v39  }
0x243: {  	v46 =	vmin.f32 v37, v19;
	v19 =	vmax.f32 v37, v19;
	v47 =	vmin.f32 v8, v40  }
0x244: {  	v8 =	vmax.f32 v8, v40;
	v48 =	vmin.f32 v9, v41;
	v9 =	vmax.f32 v9, v41  }
0x245: {  	v49 =	vmin.f32 v11, v42;
	v11 =	vmax.f32 v11, v42;
	v50 =	vmin.f32 v13, v23  }
0x246: {  	v13 =	vmax.f32 v13, v23;
	v23 =	vmin.f32 v14, v43;
	v14 =	vmax.f32 v14, v43  }
0x247: {  	v10 =	vmin.f32 v12, v0;
	v12 =	vmax.f32 v12, v0;
	v52 =	vmin.f32 v15, v22  }
0x248: {  	v15 =	vmax.f32 v15, v22;
	v58 =	vmin.f32 v51, v21;
	v21 =	vmax.f32 v51, v21  }
0x249: {  	v60 =	vmin.f32 v20, v25;
	v20 =	vmax.f32 v20, v25;
	v22 =	vmin.f32 v44, v48  }
0x24a: {  	v31 =	vmax.f32 v44, v48;
	v53 =	vmin.f32 v45, v49;
	v28 =	vmax.f32 v45, v49  }
0x24b: {  	v54 =	vmin.f32 v46, v50;
	v27 =	vmax.f32 v46, v50;
	v55 =	vmin.f32 v47, v23  }
0x24c: {  	v23 =	vmax.f32 v47, v23;
	v56 =	vmin.f32 v17, v9;
	v9 =	vmax.f32 v17, v9  }
0x24d: {  	v57 =	vmin.f32 v5, v11;
	v5 =	vmax.f32 v5, v11;
	v11 =	vmin.f32 v19, v13  }
0x24e: {  	v13 =	vmax.f32 v19, v13;
	v19 =	vmin.f32 v8, v14;
	v8 =	vmax.f32 v8, v14  }
0x24f: {  	v59 =	vmin.f32 v10, v7;
	v7 =	vmax.f32 v10, v7;
	v10 =	vmin.f32 v52, v24  }
0x250: {  	v0 =	vmax.f32 v52, v24;
	v61 =	vmin.f32 v22, v54;
	v22 =	vmax.f32 v22, v54  }
0x251: {  	v62 =	vmin.f32 v53, v55;
	v32 =	vmax.f32 v53, v55;
	v63 =	vmin.f32 v31, v27  }
0x252: {  	v27 =	vmax.f32 v31, v27;
	v48 =	vmin.f32 v28, v23;
	v23 =	vmax.f32 v28, v23  }
0x253: {  	v49 =	vmin.f32 v56, v11;
	v11 =	vmax.f32 v56, v11;
	v50 =	vmin.f32 v57, v19  }
0x254: {  	v19 =	vmax.f32 v57, v19;
	v34 =	vmin.f32 v9, v13;
	v9 =	vmax.f32 v9, v13  }
0x255: {  	v51 =	vmin.f32 v5, v8;
	v8 =	vmax.f32 v5, v8;
	v36 =	vmin.f32 v58, v10  }
0x256: {  	v10 =	vmax.f32 v58, v10;
	v38 =	vmin.f32 v59, v60;
	v30 =	vmax.f32 v59, v60  }
0x257: {  	v39 =	vmin.f32 v21, v0;
	v0 =	vmax.f32 v21, v0;
	v41 =	vmin.f32 v7, v20  }
0x258: {  	v43 =	vmax.f32 v7, v20;
	v54 =	vmin.f32 v1, v15;
	v5 =	vmax.f32 v1, v15  }
0x259: {  	v1 =	vmin.f32 v61, v62;
	v45 =	vmax.f32 v61, v62;
	v55 =	vmin.f32 v22, v32  }
0x25a: {  	s7 =	sshll.u32 s28, $0x2;
	v22 =	vmax.f32 v22, v32;
	v20 =	vmin.f32 v63, v48;
	v17 =	vmax.f32 v63, v48  }
0x25b: {  	s1 =	sand.u32 $0xFFFFF000, s7;
	v14 =	vld.idx.msk [tilespmem:v6+s19+$0x0], $0xffff;
	v47 =	vmin.f32 v27, v23;
	v24 =	vmax.f32 v27, v23;
	v44 =	vmin.f32 v49, v50  }
0x25c: {  	s30 =	sadd.s32 $0x6440, s1;
	v42 =	vmax.f32 v49, v50;
	v40 =	vmin.f32 v11, v19;
	v37 =	vmax.f32 v11, v19  }
0x25d: {  	s5 =	sadd.s32 s30, s23;
	v7 =	vld.idx.msk [tilespmem:v18+s19+$0x0], $0xffff;
	v15 =	vmin.f32 v34, v51;
	v31 =	vmax.f32 v34, v51;
	v29 =	vmin.f32 v9, v8  }
0x25e: {  	s31 =	sshra.s32 s5, $0x2;
	v6 =	vld.idx.msk [tilespmem:v16+s19+$0x0], $0xffff;
	v25 =	vmax.f32 v9, v8;
	v18 =	vmul.f32 v1, v2;
	v56 =	vmul.f32 v1, v4  }
0x25f: {  	s0 =	sadd.s32 s23, s1;
	v21 =	vmin.f32 v36, v38;
	v23 =	vmul.f32 v1, v35;
	[tilespmem:s31+$0x770] =	vst v1;
	v1 =	vmul.f32 v25, v2  }
0x260: {  	s0 =	sadd.s32 $0xC000, s0;
	[tilespmem:$0x1FDB0] =	vst v5;
	v19 =	vmax.f32 v36, v38;
	v3 =	vmin.f32 v54, v12;
	v18 =	vadd.f32 v18, v14  }
0x261: {  	s6 =	sshra.s32 s0, $0x2;
	v9 =	vmin.f32 v0, v43;
	v8 =	vmax.f32 v0, v43;
	[tilespmem:$0x1FD90] =	vst v3;
	v1 =	vadd.f32 v1, v14  }
0x262: {  	s7 =	sand.u32 $0xFFFFFC00, s28;
	s16 =	sshrl.u32 s1, $0x2;
	s0 =	sadd.s32 $0x4080, s4;
	v57 =	vmul.f32 v45, v2;
	v58 =	vmul.f32 v45, v4;
	v0 =	vadd.f32 v56, v7;
	[tilespmem:s6+$0x1080] =	vst v18  }
0x263: {  	s15 =	sadd.s32 s29, s7;
	s1 =	sadd.s32 s0, s16;
	v59 =	vmul.f32 v45, v35;
	v62 =	vmul.f32 v55, v35;
	v23 =	vadd.f32 v23, v6;
	[tilespmem:$0x1FD70] =	vst v1  }
0x264: {  	s5 =	sadd.s32 $0xFFFFFFF0, s15;
	v16 =	vmul.f32 v22, v35;
	v52 =	vmul.f32 v17, v2;
	v26 =	vadd.f32 v57, v14;
	[tilespmem:s1+$0x2000] =	vst v0  }
0x265: {  	s8 =	sor.u32 $0x80, s5;
	v33 =	vmul.f32 v31, v2;
	v28 =	vadd.f32 v59, v6;
	v27 =	vadd.f32 v58, v7;
	[tilespmem:s1+$0x4000] =	vst v23  }
0x266: {  	v56 =	vadd.f32 v62, v6;
	v58 =	vadd.f32 v16, v6;
	v16 =	vmul.f32 v47, v2;
	[tilespmem:s8+$0x2080] =	vst v45  }
0x267: {  	v49 =	vmin.f32 v10, v30;
	v62 =	vadd.f32 v52, v14;
	v0 =	vadd.f32 v33, v14;
	[tilespmem:s8+$0x4080] =	vst v26  }
0x268: {  	v52 =	vadd.f32 v16, v14;
	v16 =	vmul.f32 v40, v2;
	v23 =	vmul.f32 v29, v2;
	[tilespmem:s1+$0x2080] =	vst v27  }
0x269: {  	s21 =	sadd.s32 $0x2080, s4;
	s9 =	sor.u32 $0x100, s16;
	v46 =	vmax.f32 v10, v30;
	v60 =	vmul.f32 v55, v2;
	v13 =	vmul.f32 v22, v4;
	[tilespmem:$0x1FD50] =	vst v0  }
0x26a: {  	v61 =	vmul.f32 v55, v4;
	s8 =	sadd.s32 s9, s21;
	v38 =	vadd.f32 v16, v14;
	v16 =	vadd.f32 v23, v14;
	[tilespmem:s1+$0x4080] =	vst v28  }
0x26b: {  	v30 =	vadd.f32 v60, v14;
	v57 =	vadd.f32 v13, v7;
	v13 =	vmul.f32 v17, v35;
	[tilespmem:s8+$0x0] =	vst v55  }
0x26c: {  	s7 =	sadd.s32 s9, s0;
	v48 =	vmin.f32 v39, v41;
	v32 =	vadd.f32 v61, v7;
	v27 =	vmul.f32 v19, v2;
	[tilespmem:$0x1FD60] =	vst v16  }
0x26d: {  	v51 =	vmul.f32 v20, v35;
	v36 =	vadd.f32 v13, v6;
	v13 =	vmul.f32 v44, v2;
	[tilespmem:s7+$0x0] =	vst v30  }
0x26e: {  	v63 =	vmul.f32 v22, v2;
	v18 =	vmul.f32 v42, v2;
	v0 =	vadd.f32 v27, v14;
	[tilespmem:s1+$0x2100] =	vst v32  }
0x26f: {  	v61 =	vadd.f32 v51, v6;
	v51 =	vadd.f32 v13, v14;
	v13 =	vmul.f32 v15, v2;
	[tilespmem:s1+$0x4100] =	vst v56  }
0x270: {  	v41 =	vmax.f32 v39, v41;
	v34 =	vadd.f32 v63, v14;
	v39 =	vadd.f32 v18, v14;
	v18 =	vld [tilespmem:s4+$0x90];
	s8 =	sor.u32 $0x180, s5;
	[tilespmem:$0x1FDA0] =	vst v0  }
0x271: {  	v45 =	vadd.f32 v13, v14;
	v13 =	vmul.f32 v21, v2;
	[tilespmem:s8+$0x2080] =	vst v22  }
0x272: {  	v33 =	vmax.f32 v54, v12;
	v12 =	vmul.f32 v49, v2;
	[tilespmem:s8+$0x4080] =	vst v34  }
0x273: {  	v54 =	vadd.f32 v13, v14;
	[tilespmem:s1+$0x2180] =	vst v57  }
0x274: {  	v43 =	vmul.f32 v20, v2;
	v0 =	vadd.f32 v12, v14;
	[tilespmem:s1+$0x4180] =	vst v58  }
0x275: {  	s7 =	sor.u32 $0x200, s16;
	v27 =	vshll.u32 v18, $0x4;
	v18 =	vmul.f32 v46, v2;
	[tilespmem:$0x1FD80] =	vst v54  }
0x276: {  	v59 =	vadd.f32 v43, v14;
	s9 =	sadd.s32 s7, s21;
	v13 =	vmul.f32 v48, v2;
	[tilespmem:$0x1FDC0] =	vst v0  }
0x277: {  	v16 =	vmul.f32 v41, v2;
	s7 =	sadd.s32 s7, s0;
	v12 =	vadd.f32 v18, v14;
	[tilespmem:s9+$0x0] =	vst v20  }
0x278: {  	v28 =	vmul.f32 v9, v2;
	v13 =	vadd.f32 v13, v14;
	[tilespmem:s7+$0x0] =	vst v59  }
0x279: {  	v50 =	vmul.f32 v20, v4;
	v0 =	vadd.f32 v16, v14;
	[tilespmem:$0x1FDD0] =	vst v12  }
0x27a: {  	v16 =	vadd.f32 v28, v14;
	[tilespmem:$0x1FDE0] =	vst v13  }
0x27b: {  	v60 =	vadd.f32 v50, v7;
	v23 =	vld [tilespmem:s4+$0x190];
	[tilespmem:$0x1FE00] =	vst v0  }
0x27c: {  	v53 =	vmul.f32 v17, v4;
	v43 =	vmul.f32 v47, v4;
	v54 =	vld [tilespmem:s4+$0x290];
	[tilespmem:$0x1FE10] =	vst v16  }
0x27d: {  	v50 =	vmul.f32 v24, v2;
	v26 =	vmul.f32 v8, v2;
	v30 =	vor.u32 $0x1, v27;
	[tilespmem:s1+$0x2200] =	vst v60  }
0x27e: {  	v63 =	vadd.f32 v53, v7;
	v53 =	vadd.f32 v43, v7;
	v43 =	vmul.f32 v37, v2;
	s9 =	sor.u32 $0x280, s5;
	[tilespmem:s1+$0x4200] =	vst v61  }
0x27f: {  	v50 =	vadd.f32 v50, v14;
	v0 =	vadd.f32 v26, v14;
	[tilespmem:s9+$0x2080] =	vst v17  }
0x280: {  	v43 =	vadd.f32 v43, v14;
	v56 =	vmul.f32 v47, v35;
	v23 =	vcvt.s32.f32 v23;
	[tilespmem:s9+$0x4080] =	vst v62  }
0x281: {  	v57 =	vmul.f32 v33, v2;
	v1 =	vor.u32 $0x5, v27;
	v34 =	vld.idx.msk [tilespmem:v27+s19+$0x0], $0xffff;
	[tilespmem:$0x1FE20] =	vst v0;
	v18 =	vcvt.s32.f32 v54  }
0x282: {  	v58 =	vor.u32 $0x2, v27;
	v56 =	vadd.f32 v56, v6;
	s7 =	sadd.s32 $0xFFFFFF70, s25;
	v12 =	vmul.f32 v3, v2;
	v3 =	vld.idx.msk [tilespmem:v30+s19+$0x0], $0xffff;
	[tilespmem:s1+$0x2280] =	vst v63  }
0x283: {  	v13 =	vadd.f32 $-2.395000000e+02, v23;
	s8 =	sor.u32 $0x300, s7;
	[tilespmem:s1+$0x4280] =	vst v36;
	v54 =	vor.u32 $0x4, v27;
	v18 =	vadd.f32 $-3.195000000e+02, v18  }
0x284: {  	v16 =	vmul.f32 v5, v2;
	v26 =	vmul.f32 v24, v4;
	v12 =	vadd.f32 v12, v14;
	[tilespmem:s8+$0x2080] =	vst v47  }
0x285: {  	v30 =	vmul.f32 $1.666666710e-03, v13;
	v13 =	vadd.f32 v57, v14;
	[tilespmem:s8+$0x4080] =	vst v52;
	v55 =	vmul.f32 $1.666666710e-03, v18  }
0x286: {  	v2 =	vmul.f32 v19, v35;
	v17 =	vmul.f32 v15, v35;
	v0 =	vadd.f32 v16, v14;
	[tilespmem:$0x1FE30] =	vst v12  }
0x287: {  	v1 =	vld.idx.msk [tilespmem:v1+s19+$0x0], $0xffff;
	[tilespmem:$0x1FE40] =	vst v13;
	v3 =	vmul.f32 v30, v3;
	v34 =	vmul.f32 v55, v34  }
0x288: {  	v16 =	vmul.f32 v24, v35;
	v59 =	vadd.f32 v26, v7;
	[tilespmem:$0x1FE70] =	vst v0;
	v54 =	vld.idx.msk [tilespmem:v54+s19+$0x0], $0xffff  }
0x289: {  	v26 =	vmul.f32 v44, v4;
	v14 =	vmul.f32 v42, v35;
	[tilespmem:s1+$0x2300] =	vst v53;
	v3 =	vadd.f32 v34, v3;
	v34 =	vld [tilespmem:s4+$0x490];
	s4 =	sadd.s32 $0xFFFFFFF0, s25  }
0x28a: {  	v52 =	vmul.f32 v25, v35;
	v57 =	vadd.f32 v16, v6;
	v12 =	vmul.f32 v44, v35;
	[tilespmem:s1+$0x4300] =	vst v56;
	s9 =	sor.u32 $0x380, s4  }
0x28b: {  	v0 =	vld.idx.msk [tilespmem:v58+s19+$0x0], $0xffff;
	v13 =	vmul.f32 v42, v4;
	v60 =	vadd.f32 v26, v7;
	v26 =	vor.u32 $0x8, v27;
	[tilespmem:s9+$0x2080] =	vst v24  }
0x28c: {  	v58 =	vmul.f32 v40, v4;
	v10 =	vadd.f32 v14, v6;
	v14 =	vmul.f32 v37, v35;
	[tilespmem:s9+$0x4080] =	vst v50  }
0x28d: {  	v28 =	vmov v8;
	s8 =	sadd.s32 $0x800, s16;
	v1 =	vmul.f32 v1, v30;
	v62 =	vmul.f32 v54, v55;
	[tilespmem:s1+$0x2380] =	vst v59  }
0x28e: {  	v16 =	vmul.f32 v15, v4;
	v5 =	vadd.f32 v12, v6;
	v12 =	vmul.f32 v40, v35;
	s9 =	sadd.s32 s8, s21;
	[tilespmem:s1+$0x4380] =	vst v57  }
0x28f: {  	v8 =	vadd.f32 v13, v7;
	v13 =	vmul.f32 v37, v4;
	s8 =	sadd.s32 s8, s0;
	v1 =	vadd.f32 v1, v62;
	[tilespmem:s9+$0x0] =	vst v44  }
0x290: {  	v11 =	vadd.f32 v58, v7;
	v58 =	vmul.f32 v29, v4;
	v36 =	vadd.f32 v12, v6;
	[tilespmem:s8+$0x0] =	vst v51  }
0x291: {  	v47 =	vadd.f32 v13, v7;
	v12 =	vadd.f32 v14, v6;
	v54 =	vld.idx.msk [tilespmem:v26+s19+$0x0], $0xffff;
	[tilespmem:$0x1FE60] =	vst v1  }
0x292: {  	v14 =	vadd.f32 v16, v7;
	v16 =	vadd.f32 v17, v6;
	v13 =	vmul.f32 v31, v35;
	[tilespmem:s1+$0x2800] =	vst v60  }
0x293: {  	v61 =	vadd.f32 v58, v7;
	v58 =	vlaneseq.u32;
	v26 =	vmul.f32 v31, v4;
	s9 =	sor.u32 $0x880, s5;
	[tilespmem:s1+$0x4800] =	vst v5  }
0x294: {  	v32 =	vmovc v9;
	v17 =	vmul.f32 v29, v35;
	v9 =	vadd.f32 v3, v0;
	v50 =	vor.u32 s29, v58;
	v57 =	vld [tilespmem:$0x1FFF0];
	[tilespmem:s9+$0x2080] =	vst v42  }
0x295: {  	v0 =	vmul.u32 $0x13, v50;
	v62 =	vadd.f32 v26, v7;
	v26 =	vmul.f32 v25, v4;
	[tilespmem:s9+$0x4080] =	vst v39  }
0x296: {  	v63 =	vadd.f32 v13, v6;
	v53 =	vadd.f32 $9.999999930e-09, v34;
	v56 =	vmul.f32 v54, v55;
	[tilespmem:s1+$0x2880] =	vst v8  }
0x297: {  	v24 =	vmul.f32 v21, v35;
	v51 =	vadd.s32 $0x3, v0;
	s8 =	sadd.s32 $0x900, s16;
	v13 =	vadd.f32 v26, v7;
	[tilespmem:s1+$0x4880] =	vst v10  }
0x298: {  	vm14 =	vlt.f32 v53, $0.0e+00;
	vm15 =	vgt.f32 v53, $0.0e+00;
	v26 =	vand.u32 $0x80000000, v53;
	s9 =	sadd.s32 s8, s21;
	[tilespmem:$0x1FE50] =	vst v56  }
0x299: {  	v54 =	vmul.f32 v21, v4;
	s8 =	sadd.s32 s8, s0;
	v58 =	vor.u32 v26, v57;
	vm0 =	vmor vm15, vm14;
	[tilespmem:s9+$0x0] =	vst v40  }
0x29a: {  	v3 =	vadd.s32 $0x5, v0;
	v60 =	vadd.s32 $0x4, v0;
	v44 =	vsel vm0, v58, v53;
	[tilespmem:s8+$0x0] =	vst v38  }
0x29b: {  	v58 =	vadd.f32 v54, v7;
	v54 =	vadd.f32 v2, v6;
	v2 =	vmul.f32 v48, v4;
	[tilespmem:s1+$0x2900] =	vst v11  }
0x29c: {  	v20 =	vld [tilespmem:$0x1FD50];
	v1 =	vmul.f32 v19, v4;
	v57 =	vadd.s32 $0x1, v0;
	v56 =	vadd.f32 v24, v6;
	s8 =	sor.u32 $0x980, s5;
	[tilespmem:s1+$0x4900] =	vst v36  }
0x29d: {  	v10 =	vadd.s32 $0x6, v0;
	v24 =	vmul.f32 v49, v4;
	v42 =	vld.idx.msk [tilespmem:v0+s17+$0x0], $0xffff;
	v2 =	vadd.f32 v2, v7;
	[tilespmem:s8+$0x2080] =	vst v37  }
0x29e: {  	v59 =	vadd.f32 v52, v6;
	v5 =	vmul.f32 v46, v4;
	v53 =	vadd.s32 $0x2, v0;
	v51 =	vld.idx.msk [tilespmem:v51+s17+$0x0], $0xffff;
	[tilespmem:s8+$0x4080] =	vst v43  }
0x29f: {  	v26 =	vmul.f32 v49, v35;
	v55 =	vadd.f32 v1, v7;
	v44 =	vmul.f32 $1.000000010e-01, v44;
	v3 =	vld.idx.msk [tilespmem:v3+s17+$0x0], $0xffff;
	[tilespmem:$0x1FDF0] =	vst v2  }
0x2a0: {  	v8 =	vmul.f32 v46, v35;
	s9 =	sadd.s32 $0xA00, s16;
	v39 =	vadd.f32 v24, v7;
	v1 =	vld.idx.msk [tilespmem:v60+s17+$0x0], $0xffff;
	v60 =	vadd.s32 $0x7, v0;
	[tilespmem:s1+$0x2980] =	vst v47  }
0x2a1: {  	v40 =	vadd.f32 v44, v34;
	s8 =	sadd.s32 s9, s21;
	v24 =	vmov v46;
	v57 =	vld.idx.msk [tilespmem:v57+s17+$0x0], $0xffff;
	v46 =	vmul.f32 v48, v35;
	[tilespmem:s1+$0x4980] =	vst v12  }
0x2a2: {  	v52 =	vadd.f32 v26, v6;
	s9 =	sadd.s32 s9, s0;
	v2 =	vadd.s32 $0x8, v0;
	v10 =	vld.idx.msk [tilespmem:v10+s17+$0x0], $0xffff;
	v42 =	vmul.f32 $5.263157930e-02, v42;
	[tilespmem:s8+$0x0] =	vst v15  }
0x2a3: {  	v53 =	vld.idx.msk [tilespmem:v53+s17+$0x0], $0xffff;
	v40 =	vadd.f32 $-7.000000030e-02, v40;
	v44 =	vadd.f32 v46, v6;
	v46 =	vmul.f32 v41, v4;
	[tilespmem:s9+$0x0] =	vst v45  }
0x2a4: {  	v38 =	vmul.f32 $5.263158680e-02, v51;
	v51 =	vadd.s32 $0xB, v0;
	v3 =	vmul.f32 $5.263155700e-02, v3;
	[tilespmem:s1+$0x2A00] =	vst v14  }
0x2a5: {  	v26 =	vmovc v48;
	v48 =	vadd.s32 $0x9, v0;
	s9 =	sor.u32 $0xA80, s5;
	v11 =	vadd.f32 $0.0e+00, v42;
	v1 =	vmul.f32 $5.263158680e-02, v1;
	v43 =	vld.idx.msk [tilespmem:v60+s17+$0x0], $0xffff;
	[tilespmem:s1+$0x4A00] =	vst v16  }
0x2a6: {  	v42 =	vadd.f32 v46, v7;
	v60 =	vadd.f32 $1.578947310e-01, v38;
	[tilespmem:s9+$0x4080] =	vst v20;
	v20 =	vld [tilespmem:$0x1FD60];
	v57 =	vmul.f32 $5.263157930e-02, v57  }
0x2a7: {  	v46 =	vadd.s32 $0xD, v0;
	v37 =	vmul.f32 v40, v11;
	v2 =	vld.idx.msk [tilespmem:v2+s17+$0x0], $0xffff;
	v10 =	vmul.f32 $5.263158680e-02, v10  }
0x2a8: {  	[tilespmem:s9+$0x2080] =	vst v31;
	v11 =	vmul.f32 $5.263157190e-02, v53;
	v53 =	vadd.s32 $0xA, v0;
	v36 =	vadd.f32 $5.263157930e-02, v57  }
0x2a9: {  	v3 =	vadd.f32 $2.631579040e-01, v3;
	[tilespmem:s1+$0x2A80] =	vst v62;
	v57 =	vadd.s32 $0xC, v0;
	v38 =	vadd.f32 $3.157894610e-01, v10;
	v10 =	vld.idx.msk [tilespmem:v51+s17+$0x0], $0xffff  }
0x2aa: {  	s9 =	sor.u32 $0xB00, s7;
	[tilespmem:s1+$0x4A80] =	vst v63;
	v51 =	vadd.s32 $0xF, v0;
	v43 =	vmul.f32 $5.263158680e-02, v43;
	v15 =	vmul.f32 v40, v36;
	v36 =	vld.idx.msk [tilespmem:v48+s17+$0x0], $0xffff  }
0x2ab: {  	v1 =	vadd.f32 $2.105263170e-01, v1;
	v12 =	vmul.f32 v40, v60;
	v11 =	vadd.f32 $1.052631590e-01, v11;
	[tilespmem:s9+$0x4080] =	vst v20;
	v20 =	vld [tilespmem:$0x1FD70]  }
0x2ac: {  	v60 =	vmul.f32 $5.263158680e-02, v2;
	v2 =	vld.idx.msk [tilespmem:v46+s17+$0x0], $0xffff;
	v16 =	vadd.f32 $3.684210480e-01, v43;
	v43 =	vadd.s32 $0x11, v0  }
0x2ad: {  	v17 =	vadd.f32 v17, v6;
	v3 =	vmul.f32 v3, v40;
	[tilespmem:s9+$0x2080] =	vst v29;
	v48 =	vadd.s32 $0xE, v0;
	v45 =	vld.idx.msk [tilespmem:v53+s17+$0x0], $0xffff  }
0x2ae: {  	v14 =	vmul.f32 v1, v40;
	s9 =	sor.u32 $0xB80, s4;
	v11 =	vmul.f32 v40, v11;
	[tilespmem:s1+$0x2B00] =	vst v61;
	v47 =	vld.idx.msk [tilespmem:v57+s17+$0x0], $0xffff;
	v57 =	vadd.s32 $0x10, v0  }
0x2af: {  	[tilespmem:s1+$0x4B00] =	vst v17;
	v1 =	vadd.f32 $4.210526350e-01, v60;
	v0 =	vadd.s32 $0x12, v0;
	v10 =	vmul.f32 $5.263155700e-02, v10;
	v46 =	vld.idx.msk [tilespmem:v51+s17+$0x0], $0xffff  }
0x2b0: {  	v53 =	vmul.f32 v38, v40;
	[tilespmem:s9+$0x2080] =	vst v25;
	v36 =	vmul.f32 $5.263158680e-02, v36  }
0x2b1: {  	v62 =	vmul.f32 v16, v40;
	v29 =	vmul.f32 v1, v40;
	v10 =	vadd.f32 $5.789473650e-01, v10;
	[tilespmem:s9+$0x4080] =	vst v20;
	v31 =	vld.idx.msk [tilespmem:v43+s17+$0x0], $0xffff  }
0x2b2: {  	v2 =	vmul.f32 $5.263155700e-02, v2;
	v43 =	vmul.f32 v32, v35;
	[tilespmem:s1+$0x2B80] =	vst v13;
	v60 =	vadd.f32 $4.736842220e-01, v36;
	v36 =	vld.idx.msk [tilespmem:v48+s17+$0x0], $0xffff  }
0x2b3: {  	s8 =	sadd.s32 $0x1000, s16;
	[tilespmem:s1+$0x4B80] =	vst v59;
	v45 =	vmul.f32 $5.263155700e-02, v45;
	v10 =	vmul.f32 v10, v40;
	v16 =	vld.idx.msk [tilespmem:v57+s17+$0x0], $0xffff  }
0x2b4: {  	s9 =	sadd.s32 s8, s21;
	v38 =	vmul.f32 $5.263161660e-02, v47;
	v2 =	vadd.f32 $6.842105390e-01, v2;
	v0 =	vld.idx.msk [tilespmem:v0+s17+$0x0], $0xffff;
	v25 =	vmul.f32 $5.263155700e-02, v46  }
0x2b5: {  	[tilespmem:s9+$0x0] =	vst v21;
	v21 =	vld [tilespmem:$0x1FD80];
	v63 =	vadd.f32 $5.263158080e-01, v45;
	v47 =	vmul.f32 v60, v40;
	v45 =	vmul.f32 v28, v4  }
0x2b6: {  	v57 =	vadd.f32 $6.315789220e-01, v38;
	v38 =	vmul.f32 v32, v4;
	v2 =	vmul.f32 v2, v40  }
0x2b7: {  	v51 =	vmul.f32 v63, v40;
	v31 =	vmul.f32 $5.263161660e-02, v31  }
0x2b8: {  	v63 =	vmul.f32 v57, v40;
	v48 =	vmul.f32 $5.263161660e-02, v36  }
0x2b9: {  	s8 =	sadd.s32 s8, s0;
	v13 =	vadd.f32 $7.894737120e-01, v25;
	v16 =	vmul.f32 $5.263155700e-02, v16;
	v0 =	vmul.f32 $5.263155700e-02, v0  }
0x2ba: {  	[tilespmem:s8+$0x0] =	vst v21;
	v21 =	vmul.f32 v28, v35;
	v17 =	vadd.f32 $8.947368260e-01, v31;
	v1 =	vadd.f32 $7.368420950e-01, v48  }
0x2bb: {  	v18 =	vmovc v32;
	v13 =	vmul.f32 v13, v40;
	v16 =	vadd.f32 $8.421052690e-01, v16;
	v32 =	vadd.f32 $9.473684430e-01, v0  }
0x2bc: {  	v20 =	vmov v28;
	[tilespmem:s6+$0x4080] =	vst v58;
	v17 =	vmul.f32 v17, v40;
	v28 =	vmul.f32 v1, v40  }
0x2bd: {  	[tilespmem:s1+$0x5000] =	vst v56;
	v36 =	vmul.f32 v16, v40;
	v56 =	vmul.f32 v32, v40;
	v40 =	vld [tilespmem:$0x1FDA0];
	_ =	sdelay $0x2  }
0x2be: {  	s8 =	sor.u32 $0x1080, s5  }
0x2bf: {  	[tilespmem:s8+$0x2080] =	vst v19  }
0x2c0: {  	[tilespmem:s8+$0x4080] =	vst v40  }
0x2c1: {  	v22 =	vmov v41;
	v23 =	vld [tilespmem:$0x1FD90];
	v41 =	vmul.f32 v41, v35;
	s6 =	sadd.s32 $0x1100, s16;
	[tilespmem:s1+$0x3080] =	vst v55  }
0x2c2: {  	v5 =	vadd.f32 v5, v7;
	v58 =	vld [tilespmem:$0x1FDB0];
	s9 =	sadd.s32 s6, s21;
	v19 =	vshll.u32 v50, $0x3;
	[tilespmem:s1+$0x5080] =	vst v54  }
0x2c3: {  	v8 =	vadd.f32 v8, v6;
	v61 =	vadd.f32 v41, v6;
	v25 =	vor.u32 $0x1, v19;
	[tilespmem:s9+$0x0] =	vst v49;
	v49 =	vld [tilespmem:$0x1FDC0]  }
0x2c4: {  	v46 =	vadd.f32 v45, v7;
	v60 =	vadd.f32 v38, v7  }
0x2c5: {  	v57 =	vadd.f32 v43, v6;
	v43 =	vmul.f32 v33, v35;
	v45 =	vor.u32 $0x2, v19  }
0x2c6: {  	v38 =	vmul.f32 v23, v4;
	v0 =	vadd.f32 v21, v6;
	v21 =	vmul.f32 v33, v4  }
0x2c7: {  	s6 =	sadd.s32 s6, s0;
	v50 =	vadd.f32 v43, v6;
	v43 =	vmul.f32 v58, v4;
	v4 =	vor.u32 $0x4, v19  }
0x2c8: {  	v48 =	vadd.f32 v21, v7;
	v21 =	vor.u32 $0x3, v19;
	v16 =	vadd.f32 $7.000000030e-02, v11;
	v11 =	vld.idx.msk [tilespmem:v25+s18+$0x0], $0xffff;
	[tilespmem:s6+$0x0] =	vst v49  }
0x2c9: {  	v40 =	vadd.f32 $7.000000030e-02, v14;
	v14 =	vor.u32 $0x7, v19;
	[tilespmem:s1+$0x3100] =	vst v39;
	v39 =	vadd.f32 $7.000000030e-02, v62;
	v62 =	vld [tilespmem:$0x1FDD0]  }
0x2ca: {  	v31 =	vadd.f32 $7.000000030e-02, v37;
	v37 =	vadd.f32 $7.000000030e-02, v3;
	v3 =	vld.idx.msk [tilespmem:v45+s18+$0x0], $0xffff  }
0x2cb: {  	v59 =	vor.u32 $0x6, v19;
	v32 =	vor.u32 $0x5, v19;
	v19 =	vadd.f32 $7.000000030e-02, v10;
	v10 =	vld [tilespmem:$0x1FDE0]  }
0x2cc: {  	v41 =	vmul.f32 v23, v35;
	v1 =	vadd.f32 $7.000000030e-02, v15;
	v15 =	vadd.f32 $7.000000030e-02, v47;
	s8 =	sor.u32 $0x1180, s5;
	v4 =	vld.idx.msk [tilespmem:v4+s18+$0x0], $0xffff;
	[tilespmem:s1+$0x5100] =	vst v52  }
0x2cd: {  	v47 =	vor.u32 $0x3, v27;
	v43 =	vadd.f32 v43, v7;
	v49 =	vld.idx.msk [tilespmem:v21+s18+$0x0], $0xffff;
	v52 =	vor.u32 $0x9, v27;
	[tilespmem:s8+$0x2080] =	vst v24  }
0x2ce: {  	v45 =	vmul.f32 v58, v35;
	v21 =	vadd.f32 $7.000000030e-02, v29;
	v29 =	vadd.f32 $7.000000030e-02, v63;
	v63 =	vld.idx.msk [tilespmem:v14+s18+$0x0], $0xffff;
	[tilespmem:s8+$0x4080] =	vst v62  }
0x2cf: {  	v25 =	vadd.f32 $7.000000030e-02, v51;
	v51 =	vor.u32 $0x6, v27;
	v35 =	vadd.f32 $7.000000030e-02, v36;
	s6 =	sadd.s32 $0x1200, s16;
	v24 =	vld [tilespmem:$0x1FDF0];
	[tilespmem:s1+$0x3180] =	vst v5  }
0x2d0: {  	v55 =	vadd.f32 v38, v7;
	v54 =	vadd.f32 v41, v6;
	v3 =	vmul.f32 $5.000000070e-02, v3;
	s9 =	sadd.s32 s6, s21;
	v5 =	vld.idx.msk [tilespmem:v32+s18+$0x0], $0xffff;
	[tilespmem:s1+$0x5180] =	vst v8  }
0x2d1: {  	v41 =	vadd.f32 $7.000000030e-02, v12;
	v38 =	vadd.f32 $7.000000030e-02, v53;
	v53 =	vor.u32 $0x7, v27;
	s6 =	sadd.s32 s6, s0;
	v8 =	vld.idx.msk [tilespmem:v59+s18+$0x0], $0xffff;
	[tilespmem:s9+$0x0] =	vst v26  }
0x2d2: {  	v11 =	vmul.f32 $5.000000070e-02, v11;
	v3 =	vadd.f32 v3, v34;
	v26 =	vmul.f32 $5.000000070e-02, v49;
	[tilespmem:s6+$0x0] =	vst v10;
	v10 =	vld.idx.msk [tilespmem:v52+s19+$0x0], $0xffff  }
0x2d3: {  	v4 =	vmul.f32 $5.000000070e-02, v4;
	v62 =	vmovc v58;
	v58 =	vor.u32 $0xA, v27;
	v59 =	vor.u32 $0xB, v27;
	[tilespmem:s1+$0x5200] =	vst v44;
	v44 =	vld [tilespmem:$0x1FE00]  }
0x2d4: {  	v27 =	vadd.f32 $7.000000030e-02, v2;
	v2 =	vmul.f32 $5.000000070e-02, v63;
	v12 =	vadd.f32 v26, v34  }
0x2d5: {  	v11 =	vadd.f32 v11, v34;
	v4 =	vadd.f32 v4, v34;
	v5 =	vmul.f32 $5.000000070e-02, v5  }
0x2d6: {  	s9 =	sor.u32 $0x1280, s5;
	v2 =	vadd.f32 v2, v34;
	[tilespmem:s1+$0x3200] =	vst v24;
	v8 =	vmul.f32 $5.000000070e-02, v8;
	v49 =	vmin.f32 v3, v12  }
0x2d7: {  	v52 =	vld [tilespmem:$0x1FE10];
	[tilespmem:s9+$0x2080] =	vst v22;
	v3 =	vmax.f32 v3, v12;
	v14 =	vmul.f32 v10, v30;
	v5 =	vadd.f32 v5, v34  }
0x2d8: {  	v8 =	vadd.f32 v8, v34;
	v10 =	vmin.f32 v34, v11;
	v11 =	vmax.f32 v34, v11;
	[tilespmem:s9+$0x4080] =	vst v44  }
0x2d9: {  	v32 =	vadd.f32 $7.000000030e-02, v56;
	v63 =	vmin.f32 v11, v3;
	v3 =	vmax.f32 v11, v3;
	[tilespmem:s1+$0x3280] =	vst v42  }
0x2da: {  	s7 =	sor.u32 $0x1300, s7;
	[tilespmem:s1+$0x5280] =	vst v61;
	v56 =	vmin.f32 v4, v5;
	v4 =	vmax.f32 v4, v5;
	v61 =	vmin.f32 v8, v2  }
0x2db: {  	v26 =	vld [tilespmem:$0x1FE20];
	v2 =	vmax.f32 v8, v2;
	v8 =	vmin.f32 v10, v49;
	v10 =	vmax.f32 v10, v49;
	[tilespmem:s7+$0x2080] =	vst v18  }
0x2dc: {  	[tilespmem:s7+$0x4080] =	vst v52;
	v11 =	vmin.f32 v56, v61;
	v5 =	vmax.f32 v56, v61;
	v24 =	vmin.f32 v4, v2  }
0x2dd: {  	v4 =	vmax.f32 v4, v2;
	v18 =	vmin.f32 v63, v10;
	v10 =	vmax.f32 v63, v10;
	[tilespmem:s1+$0x3300] =	vst v60  }
0x2de: {  	s4 =	sor.u32 $0x1380, s4;
	[tilespmem:s1+$0x5300] =	vst v57;
	v30 =	vmin.f32 v24, v5;
	v5 =	vmax.f32 v24, v5;
	v2 =	vmin.f32 v8, v11  }
0x2df: {  	v8 =	vmax.f32 v8, v11;
	v22 =	vmax.f32 v3, v4;
	[tilespmem:s4+$0x2080] =	vst v20;
	v34 =	vmin.f32 v18, v30  }
0x2e0: {  	v42 =	vld [tilespmem:$0x1FE30];
	[tilespmem:s4+$0x4080] =	vst v26;
	v11 =	vmax.f32 v18, v30;
	v12 =	vmin.f32 v10, v5;
	v5 =	vmax.f32 v10, v5  }
0x2e1: {  	v10 =	vmin.f32 v3, v4;
	v18 =	vmin.f32 v16, v32;
	v26 =	vmin.f32 v21, v22;
	v4 =	vld.idx.msk [tilespmem:v47+s19+$0x0], $0xffff  }
0x2e2: {  	v36 =	vadd.f32 $7.000000030e-02, v17;
	s8 =	sadd.s32 $0x1800, s16;
	v3 =	vld.idx.msk [tilespmem:v53+s19+$0x0], $0xffff;
	[tilespmem:s1+$0x3380] =	vst v46;
	v44 =	vmin.f32 v12, v8;
	v46 =	vmax.f32 v12, v8  }
0x2e3: {  	s9 =	sadd.s32 s8, s21;
	[tilespmem:s1+$0x5380] =	vst v0;
	v49 =	vmin.f32 v10, v11;
	v17 =	vmax.f32 v10, v11;
	v0 =	vmin.f32 v31, v35  }
0x2e4: {  	v52 =	vld [tilespmem:$0x1FE40];
	s4 =	sadd.s32 s8, s0;
	[tilespmem:s9+$0x0] =	vst v23;
	v8 =	vmin.f32 v34, v44;
	v10 =	vmax.f32 v34, v44;
	v11 =	vmin.f32 v49, v46  }
0x2e5: {  	v20 =	vmax.f32 v49, v46;
	v23 =	vmin.f32 v17, v5;
	v49 =	vld.idx.msk [tilespmem:v51+s19+$0x0], $0xffff;
	[tilespmem:s4+$0x0] =	vst v42  }
0x2e6: {  	v28 =	vadd.f32 $7.000000030e-02, v28;
	v12 =	vmax.f32 v17, v5;
	v17 =	vmin.f32 v1, v36;
	v5 =	vld.idx.msk [tilespmem:v59+s19+$0x0], $0xffff;
	[tilespmem:s1+$0x3800] =	vst v55  }
0x2e7: {  	s7 =	sor.u32 $0x1880, s5;
	v59 =	vld [tilespmem:$0x1FE60];
	v30 =	vmin.f32 v15, v12;
	v34 =	vmin.f32 v19, v20;
	v42 =	vmin.f32 v29, v11;
	[tilespmem:s1+$0x5800] =	vst v54  }
0x2e8: {  	v53 =	vld [tilespmem:$0x1FE50];
	v44 =	vmin.f32 v27, v10;
	v46 =	vmin.f32 v28, v8;
	v51 =	vmin.f32 v17, v30;
	[tilespmem:s7+$0x2080] =	vst v33  }
0x2e9: {  	v13 =	vadd.f32 $7.000000030e-02, v13;
	v54 =	vld.idx.msk [tilespmem:v58+s19+$0x0], $0xffff;
	v55 =	vmin.f32 v41, v34;
	v56 =	vmin.f32 v40, v42;
	[tilespmem:s7+$0x4080] =	vst v52  }
0x2ea: {  	v57 =	vmin.f32 v37, v44;
	v58 =	vmin.f32 v38, v46;
	v33 =	vmin.f32 v25, v23;
	[tilespmem:s1+$0x3880] =	vst v48  }
0x2eb: {  	s8 =	sadd.s32 $0x1900, s16;
	v47 =	vmin.f32 v51, v57;
	[tilespmem:s1+$0x5880] =	vst v50;
	v48 =	vmin.f32 v13, v2;
	v50 =	vmin.f32 v0, v26  }
0x2ec: {  	s9 =	sadd.s32 s8, s21;
	v52 =	vmin.f32 v18, v33;
	v60 =	vmin.f32 v39, v48;
	v7 =	vadd.f32 v59, v49;
	v59 =	vld [tilespmem:$0x1FE70]  }
0x2ed: {  	[tilespmem:s9+$0x0] =	vst v62;
	v61 =	vmin.f32 v50, v56;
	v62 =	vmin.f32 v52, v58;
	v63 =	vmin.f32 v55, v60  }
0x2ee: {  	s6 =	sor.u32 $0x10, s16;
	v14 =	vadd.f32 v14, v53;
	v24 =	vmin.f32 v61, v62;
	v53 =	vmin.f32 v47, v63  }
0x2ef: {  	s7 =	sadd.s32 s6, s21;
	v49 =	vmin.f32 v24, v53  }
0x2f0: {  	v45 =	vadd.f32 v45, v6;
	s4 =	sadd.s32 s8, s0;
	v6 =	vadd.f32 v14, v54;
	v54 =	vmul.f32 v49, v9;
	[tilespmem:s7+$0x0] =	vst v49  }
0x2f1: {  	[tilespmem:s4+$0x0] =	vst v59;
	v59 =	vmul.f32 v49, v7  }
0x2f2: {  	[tilespmem:s1+$0x3900] =	vst v43;
	v14 =	vadd.f32 v54, v4;
	v54 =	vmul.f32 v49, v6  }
0x2f3: {  	v24 =	vmax.f32 v24, v53;
	s4 =	sadd.s32 s6, s0;
	[tilespmem:s1+$0x5900] =	vst v45;
	v43 =	vadd.f32 v59, v3  }
0x2f4: {  	v53 =	vmul.f32 v24, v9;
	[tilespmem:s4+$0x0] =	vst v14;
	v59 =	vadd.f32 v54, v5  }
0x2f5: {  	v47 =	vmax.f32 v47, v63;
	v54 =	vmul.f32 v24, v7;
	[tilespmem:s1+$0x2010] =	vst v43  }
0x2f6: {  	s8 =	sor.u32 $0x80, s15;
	v49 =	vmax.f32 v61, v62;
	v61 =	vmul.f32 v24, v6;
	[tilespmem:s1+$0x4010] =	vst v59;
	v59 =	vadd.f32 v53, v4  }
0x2f7: {  	v62 =	vmin.f32 v49, v47;
	v43 =	vadd.f32 v54, v3;
	[tilespmem:s8+$0x2080] =	vst v24  }
0x2f8: {  	v63 =	vadd.f32 v61, v5;
	v53 =	vmul.f32 v62, v9;
	[tilespmem:s8+$0x4080] =	vst v59  }
0x2f9: {  	s9 =	sor.u32 $0x110, s16;
	v54 =	vmul.f32 v62, v7;
	[tilespmem:s1+$0x2090] =	vst v43  }
0x2fa: {  	v50 =	vmax.f32 v50, v56;
	s6 =	sadd.s32 s9, s21;
	v56 =	vadd.f32 v53, v4;
	v59 =	vmul.f32 v62, v6;
	[tilespmem:s1+$0x4090] =	vst v63  }
0x2fb: {  	v51 =	vmax.f32 v51, v57;
	v47 =	vmax.f32 v49, v47;
	s4 =	sadd.s32 s9, s0;
	v61 =	vadd.f32 v54, v3;
	[tilespmem:s6+$0x0] =	vst v62  }
0x2fc: {  	v49 =	vmax.f32 v55, v60;
	v63 =	vmul.f32 v47, v9;
	v62 =	vadd.f32 v59, v5;
	[tilespmem:s4+$0x0] =	vst v56  }
0x2fd: {  	v57 =	vmin.f32 v51, v49;
	v43 =	vmax.f32 v52, v58;
	v59 =	vmul.f32 v47, v6;
	[tilespmem:s1+$0x2110] =	vst v61  }
0x2fe: {  	s7 =	sor.u32 $0x180, s15;
	v52 =	vmin.f32 v50, v43;
	v56 =	vmul.f32 v47, v7;
	v58 =	vadd.f32 v63, v4;
	[tilespmem:s1+$0x4110] =	vst v62  }
0x2ff: {  	v60 =	vmin.f32 v52, v57;
	v61 =	vadd.f32 v59, v5;
	[tilespmem:s7+$0x2080] =	vst v47  }
0x300: {  	v62 =	vmul.f32 v60, v9;
	v24 =	vadd.f32 v56, v3;
	[tilespmem:s7+$0x4080] =	vst v58  }
0x301: {  	s8 =	sor.u32 $0x210, s16;
	v63 =	vmul.f32 v60, v7;
	[tilespmem:s1+$0x4190] =	vst v61  }
0x302: {  	v30 =	vmax.f32 v17, v30;
	s9 =	sadd.s32 s8, s21;
	v54 =	vmul.f32 v60, v6;
	v45 =	vadd.f32 v62, v4;
	[tilespmem:s1+$0x2190] =	vst v24  }
0x303: {  	v40 =	vmax.f32 v40, v42;
	v55 =	vmax.f32 v52, v57;
	s4 =	sadd.s32 s8, s0;
	v24 =	vadd.f32 v63, v3;
	[tilespmem:s9+$0x0] =	vst v60  }
0x304: {  	v0 =	vmax.f32 v0, v26;
	v57 =	vmul.f32 v55, v9;
	v56 =	vadd.f32 v54, v5;
	[tilespmem:s4+$0x0] =	vst v45  }
0x305: {  	v18 =	vmax.f32 v18, v33;
	v59 =	vmul.f32 v55, v7;
	v58 =	vmax.f32 v50, v43;
	[tilespmem:s1+$0x2210] =	vst v24  }
0x306: {  	s5 =	sor.u32 $0x280, s15;
	v61 =	vadd.f32 v57, v4;
	v62 =	vmul.f32 v55, v6;
	v60 =	vmax.f32 v51, v49;
	[tilespmem:s1+$0x4210] =	vst v56  }
0x307: {  	v33 =	vmax.f32 v41, v34;
	v43 =	vadd.f32 v59, v3;
	v63 =	vmin.f32 v58, v60;
	[tilespmem:s5+$0x2080] =	vst v55  }
0x308: {  	v24 =	vmax.f32 v37, v44;
	v44 =	vadd.f32 v62, v5;
	v45 =	vmul.f32 v63, v9;
	[tilespmem:s5+$0x4080] =	vst v61  }
0x309: {  	s4 =	sadd.s32 $0xFFFFFF80, s25;
	v34 =	vmax.f32 v58, v60;
	v37 =	vmax.f32 v38, v46;
	v46 =	vmul.f32 v63, v7;
	[tilespmem:s1+$0x2290] =	vst v43  }
0x30a: {  	v38 =	vmax.f32 v39, v48;
	s6 =	sor.u32 $0x300, s4;
	v48 =	vmul.f32 v63, v6;
	[tilespmem:s1+$0x4290] =	vst v44;
	v47 =	vadd.f32 v45, v4  }
0x30b: {  	v39 =	vmin.f32 v0, v40;
	v51 =	vmul.f32 v34, v9;
	v17 =	vadd.f32 v46, v3;
	[tilespmem:s6+$0x2080] =	vst v63  }
0x30c: {  	v54 =	vmul.f32 v34, v7;
	v57 =	vmul.f32 v34, v6;
	v50 =	vadd.f32 v48, v5;
	[tilespmem:s6+$0x4080] =	vst v47  }
0x30d: {  	v49 =	vmin.f32 v18, v37;
	v52 =	vmin.f32 v33, v38;
	v43 =	vmin.f32 v30, v24;
	[tilespmem:s1+$0x2310] =	vst v17  }
0x30e: {  	s7 =	sor.u32 $0x380, s25;
	v53 =	vmin.f32 v39, v49;
	v56 =	vadd.f32 v51, v4;
	v55 =	vmin.f32 v43, v52;
	[tilespmem:s1+$0x4310] =	vst v50  }
0x30f: {  	v58 =	vmin.f32 v53, v55;
	v17 =	vadd.f32 v54, v3;
	[tilespmem:s7+$0x2080] =	vst v34  }
0x310: {  	v59 =	vadd.f32 v57, v5;
	v60 =	vmul.f32 v58, v9;
	[tilespmem:s7+$0x4080] =	vst v56  }
0x311: {  	s8 =	sadd.s32 $0x810, s16;
	v61 =	vmul.f32 v58, v7;
	[tilespmem:s1+$0x2390] =	vst v17  }
0x312: {  	s9 =	sadd.s32 s8, s21;
	v63 =	vmul.f32 v58, v6;
	[tilespmem:s1+$0x4390] =	vst v59;
	v62 =	vadd.f32 v60, v4  }
0x313: {  	s5 =	sadd.s32 s8, s0;
	v44 =	vmax.f32 v53, v55;
	v17 =	vadd.f32 v61, v3;
	[tilespmem:s9+$0x0] =	vst v58  }
0x314: {  	v48 =	vmul.f32 v44, v9;
	v47 =	vadd.f32 v63, v5;
	[tilespmem:s5+$0x0] =	vst v62  }
0x315: {  	v49 =	vmax.f32 v39, v49;
	v50 =	vmul.f32 v44, v7;
	[tilespmem:s1+$0x2810] =	vst v17  }
0x316: {  	v51 =	vmax.f32 v43, v52;
	v53 =	vmul.f32 v44, v6;
	s7 =	sor.u32 $0x880, s15;
	v52 =	vadd.f32 v48, v4;
	[tilespmem:s1+$0x4810] =	vst v47  }
0x317: {  	v41 =	vmin.f32 v49, v51;
	v54 =	vadd.f32 v50, v3;
	[tilespmem:s7+$0x2080] =	vst v44  }
0x318: {  	v55 =	vmul.f32 v41, v9;
	v26 =	vadd.f32 v53, v5;
	[tilespmem:s7+$0x4080] =	vst v52  }
0x319: {  	v16 =	vmax.f32 v16, v32;
	v14 =	vmax.f32 v1, v36;
	s8 =	sadd.s32 $0x910, s16;
	v56 =	vmul.f32 v41, v7;
	[tilespmem:s1+$0x2890] =	vst v54  }
0x31a: {  	v0 =	vmax.f32 v0, v40;
	v57 =	vadd.f32 v55, v4;
	s9 =	sadd.s32 s8, s21;
	v58 =	vmul.f32 v41, v6;
	[tilespmem:s1+$0x4890] =	vst v26  }
0x31b: {  	v24 =	vmax.f32 v30, v24;
	v59 =	vmax.f32 v49, v51;
	v1 =	vadd.f32 v56, v3;
	s5 =	sadd.s32 s8, s0;
	[tilespmem:s9+$0x0] =	vst v41  }
0x31c: {  	v60 =	vmax.f32 v18, v37;
	v61 =	vmul.f32 v59, v9;
	v18 =	vadd.f32 v58, v5;
	[tilespmem:s5+$0x0] =	vst v57  }
0x31d: {  	v63 =	vmin.f32 v0, v60;
	v40 =	vmul.f32 v59, v7;
	v62 =	vmax.f32 v33, v38;
	[tilespmem:s1+$0x2910] =	vst v1  }
0x31e: {  	s6 =	sor.u32 $0x980, s15;
	v42 =	vmul.f32 v59, v6;
	v26 =	vadd.f32 v61, v4;
	v41 =	vmin.f32 v24, v62;
	[tilespmem:s1+$0x4910] =	vst v18  }
0x31f: {  	v12 =	vmax.f32 v15, v12;
	v43 =	vmin.f32 v63, v41;
	v1 =	vadd.f32 v40, v3;
	[tilespmem:s6+$0x2080] =	vst v59  }
0x320: {  	v18 =	vmax.f32 v21, v22;
	v21 =	vadd.f32 v42, v5;
	v22 =	vmul.f32 v43, v9;
	[tilespmem:s6+$0x4080] =	vst v26  }
0x321: {  	v15 =	vmax.f32 v25, v23;
	v19 =	vmax.f32 v19, v20;
	s7 =	sadd.s32 $0xA10, s16;
	v44 =	vmul.f32 v43, v7;
	[tilespmem:s1+$0x2990] =	vst v1  }
0x322: {  	v11 =	vmax.f32 v29, v11;
	s8 =	sadd.s32 s7, s21;
	[tilespmem:s1+$0x4990] =	vst v21;
	v20 =	vadd.f32 v22, v4;
	v21 =	vmul.f32 v43, v6  }
0x323: {  	v10 =	vmax.f32 v27, v10;
	s5 =	sadd.s32 s7, s0;
	v22 =	vmax.f32 v63, v41;
	v1 =	vadd.f32 v44, v3;
	[tilespmem:s8+$0x0] =	vst v43  }
0x324: {  	v8 =	vmax.f32 v28, v8;
	[tilespmem:s5+$0x0] =	vst v20;
	v20 =	vadd.f32 v21, v5;
	v21 =	vmul.f32 v22, v9  }
0x325: {  	v25 =	vmin.f32 v16, v15;
	v0 =	vmax.f32 v0, v60;
	v45 =	vmul.f32 v22, v7;
	[tilespmem:s1+$0x2A10] =	vst v1  }
0x326: {  	v23 =	vmax.f32 v24, v62;
	s9 =	sor.u32 $0xA80, s15;
	[tilespmem:s1+$0x4A10] =	vst v20;
	v20 =	vadd.f32 v21, v4;
	v21 =	vmul.f32 v22, v6  }
0x327: {  	v2 =	vmax.f32 v13, v2;
	v46 =	vmin.f32 v0, v23;
	v1 =	vadd.f32 v45, v3;
	[tilespmem:s9+$0x2080] =	vst v22  }
0x328: {  	v50 =	vmin.f32 v25, v8;
	[tilespmem:s9+$0x4080] =	vst v20;
	v20 =	vadd.f32 v21, v5;
	v21 =	vmul.f32 v46, v9  }
0x329: {  	v17 =	vmax.f32 v31, v35;
	v47 =	vmin.f32 v14, v12;
	v48 =	vmul.f32 v46, v7;
	[tilespmem:s1+$0x2A90] =	vst v1  }
0x32a: {  	v27 =	vmin.f32 v47, v10;
	s6 =	sor.u32 $0xB00, s4;
	[tilespmem:s1+$0x4A90] =	vst v20;
	v20 =	vadd.f32 v21, v4;
	v21 =	vmul.f32 v46, v6  }
0x32b: {  	v0 =	vmax.f32 v0, v23;
	v23 =	vmin.f32 v19, v2;
	v1 =	vadd.f32 v48, v3;
	[tilespmem:s6+$0x2080] =	vst v46  }
0x32c: {  	v22 =	vmin.f32 v17, v18;
	[tilespmem:s6+$0x4080] =	vst v20;
	v20 =	vadd.f32 v21, v5;
	v21 =	vmul.f32 v0, v9  }
0x32d: {  	v52 =	vmul.f32 v0, v7;
	v53 =	vmin.f32 v27, v23;
	v49 =	vmin.f32 v22, v11;
	[tilespmem:s1+$0x2B10] =	vst v1  }
0x32e: {  	s7 =	sor.u32 $0xB80, s25;
	v51 =	vmin.f32 v49, v50;
	[tilespmem:s1+$0x4B10] =	vst v20;
	v20 =	vadd.f32 v21, v4;
	v21 =	vmul.f32 v0, v6  }
0x32f: {  	v55 =	vadd.f32 v52, v3;
	v54 =	vmin.f32 v51, v53;
	[tilespmem:s7+$0x2080] =	vst v0  }
0x330: {  	[tilespmem:s7+$0x4080] =	vst v20;
	v56 =	vadd.f32 v21, v5;
	v20 =	vmul.f32 v54, v9  }
0x331: {  	s8 =	sadd.s32 $0x1010, s16;
	v57 =	vmul.f32 v54, v7;
	[tilespmem:s1+$0x2B90] =	vst v55  }
0x332: {  	s9 =	sadd.s32 s8, s21;
	[tilespmem:s1+$0x4B90] =	vst v56;
	v58 =	vadd.f32 v20, v4;
	v20 =	vmul.f32 v54, v6  }
0x333: {  	s5 =	sadd.s32 s8, s0;
	v0 =	vadd.f32 v57, v3;
	v21 =	vmax.f32 v51, v53;
	[tilespmem:s9+$0x0] =	vst v54  }
0x334: {  	[tilespmem:s5+$0x0] =	vst v58;
	v59 =	vadd.f32 v20, v5;
	v20 =	vmul.f32 v21, v9  }
0x335: {  	v23 =	vmax.f32 v27, v23;
	v60 =	vmul.f32 v21, v7;
	[tilespmem:s1+$0x3010] =	vst v0  }
0x336: {  	v13 =	vmax.f32 v49, v50;
	s7 =	sor.u32 $0x1080, s15;
	[tilespmem:s1+$0x5010] =	vst v59;
	v61 =	vadd.f32 v20, v4;
	v20 =	vmul.f32 v21, v6  }
0x337: {  	v26 =	vmin.f32 v13, v23;
	v0 =	vadd.f32 v60, v3;
	[tilespmem:s7+$0x2080] =	vst v21  }
0x338: {  	[tilespmem:s7+$0x4080] =	vst v61;
	v62 =	vadd.f32 v20, v5;
	v20 =	vmul.f32 v26, v9  }
0x339: {  	s8 =	sadd.s32 $0x1110, s16;
	v63 =	vmul.f32 v26, v7;
	[tilespmem:s1+$0x3090] =	vst v0  }
0x33a: {  	v8 =	vmax.f32 v25, v8;
	s9 =	sadd.s32 s8, s21;
	[tilespmem:s1+$0x5090] =	vst v62;
	v27 =	vadd.f32 v20, v4;
	v20 =	vmul.f32 v26, v6  }
0x33b: {  	v10 =	vmax.f32 v47, v10;
	v13 =	vmax.f32 v13, v23;
	s5 =	sadd.s32 s8, s0;
	v0 =	vadd.f32 v63, v3;
	[tilespmem:s9+$0x0] =	vst v26  }
0x33c: {  	v11 =	vmax.f32 v22, v11;
	[tilespmem:s5+$0x0] =	vst v27;
	v28 =	vadd.f32 v20, v5;
	v20 =	vmul.f32 v13, v9  }
0x33d: {  	v2 =	vmax.f32 v19, v2;
	v19 =	vmin.f32 v11, v8;
	v29 =	vmul.f32 v13, v7;
	[tilespmem:s1+$0x3110] =	vst v0  }
0x33e: {  	v21 =	vmin.f32 v10, v2;
	s7 =	sor.u32 $0x1180, s15;
	[tilespmem:s1+$0x5110] =	vst v28;
	v30 =	vadd.f32 v20, v4;
	v20 =	vmul.f32 v13, v6  }
0x33f: {  	v22 =	vmin.f32 v19, v21;
	v0 =	vadd.f32 v29, v3;
	[tilespmem:s7+$0x2080] =	vst v13  }
0x340: {  	v32 =	vmul.f32 v22, v9;
	[tilespmem:s7+$0x4080] =	vst v30;
	v31 =	vadd.f32 v20, v5  }
0x341: {  	s8 =	sadd.s32 $0x1210, s16;
	v33 =	vmul.f32 v22, v7;
	[tilespmem:s1+$0x3190] =	vst v0  }
0x342: {  	v35 =	vmul.f32 v22, v6;
	s9 =	sadd.s32 s8, s21;
	v34 =	vadd.f32 v32, v4;
	[tilespmem:s1+$0x5190] =	vst v31  }
0x343: {  	v19 =	vmax.f32 v19, v21;
	s5 =	sadd.s32 s8, s0;
	v0 =	vadd.f32 v33, v3;
	[tilespmem:s9+$0x0] =	vst v22  }
0x344: {  	v37 =	vmul.f32 v19, v9;
	v36 =	vadd.f32 v35, v5;
	[tilespmem:s5+$0x0] =	vst v34  }
0x345: {  	v8 =	vmax.f32 v11, v8;
	v38 =	vmul.f32 v19, v7;
	[tilespmem:s1+$0x3210] =	vst v0  }
0x346: {  	v2 =	vmax.f32 v10, v2;
	v10 =	vmul.f32 v19, v6;
	v39 =	vadd.f32 v37, v4;
	s7 =	sor.u32 $0x1280, s15;
	[tilespmem:s1+$0x5210] =	vst v36  }
0x347: {  	v11 =	vmin.f32 v8, v2;
	v0 =	vadd.f32 v38, v3;
	[tilespmem:s7+$0x2080] =	vst v19  }
0x348: {  	v40 =	vadd.f32 v10, v5;
	v10 =	vmul.f32 v11, v9;
	[tilespmem:s7+$0x4080] =	vst v39  }
0x349: {  	v41 =	vmul.f32 v11, v7;
	[tilespmem:s1+$0x3290] =	vst v0  }
0x34a: {  	s4 =	sor.u32 $0x1300, s4;
	v42 =	vadd.f32 v10, v4;
	v10 =	vmul.f32 v11, v6;
	[tilespmem:s1+$0x5290] =	vst v40  }
0x34b: {  	v44 =	vmax.f32 v16, v15;
	v2 =	vmax.f32 v8, v2;
	v0 =	vadd.f32 v41, v3;
	[tilespmem:s4+$0x2080] =	vst v11  }
0x34c: {  	v8 =	vmax.f32 v17, v18;
	v43 =	vadd.f32 v10, v5;
	v10 =	vmul.f32 v2, v9;
	[tilespmem:s4+$0x4080] =	vst v42  }
0x34d: {  	v45 =	vmul.f32 v2, v7;
	v46 =	vmin.f32 v8, v44;
	[tilespmem:s1+$0x3310] =	vst v0  }
0x34e: {  	s8 =	sor.u32 $0x1380, s25;
	v47 =	vadd.f32 v10, v4;
	v10 =	vmul.f32 v2, v6;
	v11 =	vmax.f32 v14, v12;
	[tilespmem:s1+$0x5310] =	vst v43  }
0x34f: {  	v14 =	vmin.f32 v46, v11;
	v0 =	vadd.f32 v45, v3;
	[tilespmem:s8+$0x2080] =	vst v2  }
0x350: {  	v48 =	vadd.f32 v10, v5;
	[tilespmem:s8+$0x4080] =	vst v47;
	v49 =	vmul.f32 v14, v9  }
0x351: {  	s9 =	sadd.s32 $0x1810, s16;
	v50 =	vmul.f32 v14, v7;
	[tilespmem:s1+$0x3390] =	vst v0  }
0x352: {  	s16 =	sadd.s32 s9, s21;
	v52 =	vmul.f32 v14, v6;
	[tilespmem:s1+$0x5390] =	vst v48;
	v51 =	vadd.f32 v49, v4  }
0x353: {  	s4 =	sadd.s32 s9, s0;
	v10 =	vmax.f32 v46, v11;
	[tilespmem:s16+$0x0] =	vst v14;
	v0 =	vadd.f32 v50, v3  }
0x354: {  	v54 =	vmul.f32 v10, v9;
	v53 =	vadd.f32 v52, v5;
	[tilespmem:s4+$0x0] =	vst v51  }
0x355: {  	v55 =	vmul.f32 v10, v7;
	[tilespmem:s1+$0x3810] =	vst v0  }
0x356: {  	s21 =	sor.u32 $0x1880, s15;
	v57 =	vmul.f32 v10, v6;
	v56 =	vadd.f32 v54, v4;
	[tilespmem:s1+$0x5810] =	vst v53  }
0x357: {  	v8 =	vmax.f32 v8, v44;
	v0 =	vadd.f32 v55, v3;
	[tilespmem:s21+$0x2080] =	vst v10  }
0x358: {  	s24 =	sadd.s32 $0x2, s24;
	v59 =	vmul.f32 v8, v9;
	v58 =	vadd.f32 v57, v5;
	[tilespmem:s21+$0x4080] =	vst v56  }
0x359: {  	p0 =	slt.u32 s24, $0xE;
	v60 =	vmul.f32 v8, v7;
	[tilespmem:s1+$0x3890] =	vst v0  }
.Ltmp3:
0x35a: {  	s30 =	sshrl.u32 s30, $0x2;
	v62 =	vmul.f32 v8, v6;
	v61 =	vadd.f32 v59, v4;
	[tilespmem:s1+$0x5890] =	vst v58;
	(pc) =	sbr.rel @p0 .LBB2_8-.Ltmp3, $4  }
0x35b: {  	s0 =	sadd.s32 s30, s0;
	v0 =	vadd.f32 v60, v3;
	[tilespmem:s31+$0x2080] =	vst v8  }
0x35c: {  	v63 =	vadd.f32 v62, v5;
	[tilespmem:s0+$0x0] =	vst v61  }
0x35d: {  	s28 =	sadd.s32 $0x100, s28;
	[tilespmem:s1+$0x3910] =	vst v0  }
0x35e: {  	s23 =	sadd.s32 $0x80, s23;
	s29 =	sadd.s32 $0x20, s29;
	s25 =	sadd.s32 $0x120, s25;
	v20 =	vld [tilespmem:$0x1FFF0];
	v9 =	vlaneseq.u32;
	[tilespmem:s1+$0x5910] =	vst v63  }
0x35f: {  	s0 =	simm.s32 $0x2480  }
0x360: {  	[hbm4b:s12+s2] =	stream.linear.scatter [tilespmem:s0], [sflag:$0x1], $0x400, $0x38;
	[tilespmem:$0xA080] =	vst v63  }
0x361: {  	s8 =	sadd.s32 $0x2000, s12;
	s1 =	simm.s32 $0x2C80  }
0x362: {  	[hbm4b:s8+s2] =	stream.linear.scatter [tilespmem:s1], [sflag:$0x1], $0x400, $0x38;
	[tilespmem:$0xA080] =	vst v63  }
0x363: {  	s9 =	sadd.s32 $0x4000, s12;
	s15 =	simm.s32 $0x3480  }
0x364: {  	[hbm4b:s9+s2] =	stream.linear.scatter [tilespmem:s15], [sflag:$0x1], $0x400, $0x38;
	[tilespmem:$0xA080] =	vst v63  }
0x365: {  	s16 =	sadd.s32 $0x6000, s12;
	s21 =	simm.s32 $0x3C80  }
0x366: {  	[hbm4b:s16+s2] =	stream.linear.scatter [tilespmem:s21], [sflag:$0x1], $0x400, $0x38;
	[tilespmem:$0xA080] =	vst v63  }
0x367: {  	s23 =	simm.s32 $0x4480  }
0x368: {  	[hbm4b:s13+s2] =	stream.linear.scatter [tilespmem:s23], [sflag:$0x1], $0x400, $0x38;
	[tilespmem:$0xA080] =	vst v63  }
0x369: {  	s24 =	sadd.s32 $0x2000, s13;
	s25 =	simm.s32 $0x4C80  }
0x36a: {  	[hbm4b:s24+s2] =	stream.linear.scatter [tilespmem:s25], [sflag:$0x1], $0x400, $0x38;
	[tilespmem:$0xA080] =	vst v63  }
0x36b: {  	s28 =	sadd.s32 $0x4000, s13;
	s29 =	simm.s32 $0x5480  }
0x36c: {  	[hbm4b:s28+s2] =	stream.linear.scatter [tilespmem:s29], [sflag:$0x1], $0x400, $0x38;
	[tilespmem:$0xA080] =	vst v63  }
0x36d: {  	s30 =	sadd.s32 $0x6000, s13;
	s31 =	simm.s32 $0x5C80  }
0x36e: {  	[hbm4b:s30+s2] =	stream.linear.scatter [tilespmem:s31], [sflag:$0x1], $0x400, $0x38;
	[tilespmem:$0xA080] =	vst v63  }
0x36f: {  	s4 =	sadd.s32 $0x8000, s13;
	s5 =	simm.s32 $0x6480  }
0x370: {  	[hbm4b:s4+s2] =	stream.linear.scatter [tilespmem:s5], [sflag:$0x1], $0x400, $0x38;
	[tilespmem:$0xA080] =	vst v63  }
0x371: {  	s6 =	sadd.s32 $0xA000, s13;
	s7 =	simm.s32 $0x6C80  }
0x372: {  	[hbm4b:s6+s2] =	stream.linear.scatter [tilespmem:s7], [sflag:$0x1], $0x400, $0x38;
	[tilespmem:$0xA080] =	vst v63  }
0x373: {  	s8 =	sadd.s32 $0xC000, s13;
	s9 =	simm.s32 $0x7480  }
0x374: {  	[hbm4b:s8+s2] =	stream.linear.scatter [tilespmem:s9], [sflag:$0x1], $0x400, $0x38;
	[tilespmem:$0xA080] =	vst v63  }
0x375: {  	s15 =	sadd.s32 $0xE000, s13;
	s16 =	simm.s32 $0x7C80  }
0x376: {  	[hbm4b:s15+s2] =	stream.linear.scatter [tilespmem:s16], [sflag:$0x1], $0x400, $0x38;
	[tilespmem:$0xA080] =	vst v63  }
0x377: {  	s21 =	sadd.s32 $0x10000, s13;
	s23 =	simm.s32 $0x8480  }
0x378: {  	[hbm4b:s21+s2] =	stream.linear.scatter [tilespmem:s23], [sflag:$0x1], $0x400, $0x38;
	[tilespmem:$0xA080] =	vst v63  }
0x379: {  	s24 =	sadd.s32 $0x12000, s13;
	s25 =	simm.s32 $0x8C80  }
0x37a: {  	[hbm4b:s24+s2] =	stream.linear.scatter [tilespmem:s25], [sflag:$0x1], $0x400, $0x38;
	[tilespmem:$0xA080] =	vst v63  }
0x37b: {  	s28 =	sadd.s32 $0x14000, s13;
	s29 =	simm.s32 $0x9480  }
0x37c: {  	[hbm4b:s28+s2] =	stream.linear.scatter [tilespmem:s29], [sflag:$0x1], $0x400, $0x38;
	[tilespmem:$0xA080] =	vst v63  }
0x37d: {  	s30 =	sadd.s32 $0x16000, s13;
	s31 =	simm.s32 $0x9C80  }
0x37e: {  	[hbm4b:s30+s2] =	stream.linear.scatter [tilespmem:s31], [sflag:$0x1], $0x400, $0x38;
	[tilespmem:$0xA080] =	vst v63  }
0x37f: {  	_ =	swait.ge [sflag:s20], $0x1000  }
0x380: {  	[sflag:s20] =	ssyncset.done $0x0  }
0x381: {  	[sflag:s20] =	ssyncadd.s32 $0xFFFFF000  }
0x382: {  	_ =	swait.ge [sflag:s20], $0x3000  }
0x383: {  	[sflag:s20] =	ssyncset.done $0x0  }
0x384: {  	s22 =	sadd.s32 $0x1, s22;
	[sflag:s20] =	ssyncadd.s32 $0xFFFFD000  }
0x385: {  	p0 =	sne.s32 s22, s14;
	_ =	swait.ge [sflag:s20], $0x1000  }
.Ltmp4:
0x386: {  	[sflag:s20] =	ssyncset.done $0x0;
	(pc) =	sbr.rel @p0 .LBB2_1-.Ltmp4, $4  }
0x387: {  	[sflag:s20] =	ssyncadd.s32 $0xFFFFF000  }
0x388: {  	_ =	swait.ge [sflag:s20], $0x3000  }
0x389: {  	[sflag:s20] =	ssyncset.done $0x0  }
0x38a: {  	v1 =	vmov v20;
	[sflag:s20] =	ssyncadd.s32 $0xFFFFD000  }
0x38b: {  	_ =	sfence.sel $0x180000  }
0x38c: {  	[bflag:$0x0] =	sbarrier.arrive $0xFFFF  }
0x38d: {  	_ =	strace $0x90000047  }
0x38e: {  	s0 =	stileid.u32;
	[bflag:$0x2] =	sbarrier.arrive $0xFFFF  }
0x38f: {  	p0 =	sne.s32 s0, $0x0;
	s0 =	rddreg [dreg:$0x6]  }
0x390: {  	s0 =	sadd.s32 @!p0 $0x100000, s0  }
0x391: {  	[sflag:s0] =	ssyncadd.tile.s32 @!p0 $0x1;
	_ =	shalt  }
.Lfunc_end2:
_tile_overlayer_lowered:
.L_overlay_start_2:
0x392: {  	(tag) =	ssettag $0x2  }
0x393: {  	s0 =	rddreg [dreg:$0x0];
	s2 =	stileid.u32  }
0x394: {  	s1 =	rddreg [dreg:$0x1];
	p0 =	sne.s32 s2, $0x0  }
0x395: {  	s3 =	rddreg [dreg:$0x2];
	[bflag:$0x3] =	sbarrier.arrive $0xFFFF;
	s2 =	simm.s32 @!p0 $0x1C03  }
0x396: {  	[timem:s3], [sflag:s2] =	dma.local @!p0 [hbm:s0], s1  }
0x397: {  	s0 =	simm.s32 @!p0 $0x3  }
0x398: {  	_ =	swait.ge @!p0 [sflag:s0], s1  }
0x399: {  	s1 =	ssub.s32 @!p0 $0x0, s1;
	[sflag:s0] =	ssyncset.done @!p0 $0x0  }
0x39a: {  	[sflag:s0] =	ssyncadd.s32 @!p0 s1  }
0x39b: {  	[bflag:$0x3] =	sbarrier.arrive $0xFFFF  }
0x39c: {  	_ =	shalt  }

</sc_bundles>
